<compile_context>
chip_gen: v7x
topology: tpu7x:2x2x1
jax: 0.10.2.dev20260603
libtpu: 0.0.44.dev20260713+nightly
codegen_flags: <defaults>
</compile_context>

<pallas_src>
import functools

import jax
import jax.numpy as jnp
from jax import lax
from jax.experimental import pallas as pl
from jax.experimental.pallas import tpu as pltpu
from jax.experimental.pallas import tpu_sc as plsc

N = 10000
E = 320000
D = 128

NC = 2
NS = 16
NW = NC * NS
EPW = E // NW
KB = 100
NB = EPW // KB
NP = 10240
RPT = NP // NS
FC = 64
BLK = 2000
GRID = N // BLK


def _make_degree():
    mesh = plsc.VectorSubcoreMesh(core_axis_name="c", subcore_axis_name="s")

    @functools.partial(
        pl.kernel,
        out_type=(
            jax.ShapeDtypeStruct((NP,), jnp.float32),
            jax.ShapeDtypeStruct((NP,), jnp.float32),
        ),
        mesh=mesh,
        scratch_types=[
            pltpu.VMEM((NB, KB), jnp.int32),
            pltpu.VMEM((128,), jnp.float32),
            pltpu.VMEM((2048,), jnp.float32),
            pltpu.VMEM_SHARED((NP,), jnp.float32),
        ],
    )
    def deg_kernel(row_hbm, out0, out1, row_v, ones_v, zbuf, acc):
        c = lax.axis_index("c")
        s = lax.axis_index("s")
        w = c * NS + s

        def zfill(j, carry):
            zbuf[pl.ds(j * 16, 16)] = jnp.zeros((16,), jnp.float32)
            return carry

        lax.fori_loop(0, 128, zfill, 0)

        @pl.when(s < 5)
        def _():
            pltpu.sync_copy(zbuf, acc.at[pl.ds(s * 2048, 2048)])

        for k in range(8):
            ones_v[pl.ds(k * 16, 16)] = jnp.ones((16,), jnp.float32)
        pltpu.sync_copy(row_hbm.at[w], row_v)
        plsc.subcore_barrier()

        def body(j, carry):
            pltpu.sync_copy(ones_v.at[pl.ds(0, KB)], acc.at[row_v.at[j]],
                            add=True)
            return carry

        lax.fori_loop(0, NB, body, 0)
        plsc.subcore_barrier()

        @pl.when(s < 5)
        def _():
            sl = pl.ds(s * 2048, 2048)
            pltpu.sync_copy(acc.at[sl], zbuf)

            @pl.when(c == 0)
            def _():
                pltpu.sync_copy(zbuf, out0.at[sl])

            @pl.when(c == 1)
            def _():
                pltpu.sync_copy(zbuf, out1.at[sl])

    return deg_kernel


_degree = _make_degree()


def _make_spmm():
    mesh = plsc.VectorSubcoreMesh(core_axis_name="c", subcore_axis_name="s")

    @functools.partial(
        pl.kernel,
        out_type=(
            jax.ShapeDtypeStruct((NC, NP, D), jnp.float32),
            jax.ShapeDtypeStruct((NC, NP, D), jnp.float32),
        ),
        mesh=mesh,
        compiler_params=pltpu.CompilerParams(use_tc_tiling_on_sc=False),
        scratch_types=[
            pltpu.VMEM((NB, KB), jnp.int32),
            pltpu.VMEM((NB, KB), jnp.int32),
            pltpu.VMEM((KB, D), jnp.float32),
            pltpu.VMEM((KB, D), jnp.float32),
            pltpu.VMEM_SHARED((NP, D), jnp.float32),
            pltpu.SemaphoreType.DMA,
            pltpu.SemaphoreType.DMA,
        ],
    )
    def spmm_kernel(row_hbm, col_hbm, mp_hbm, wp_hbm,
                    outm, outv, row_v, col_v, g0, g1,
                    acc, sem0, sem1):
        c = lax.axis_index("c")
        s = lax.axis_index("s")
        w = c * NS + s

        pltpu.sync_copy(row_hbm.at[w], row_v)
        pltpu.sync_copy(col_hbm.at[w], col_v)

        def one_pass(tbl_hbm, out_hbm):
            def zfill(j, carry):
                for k in range(D // 16):
                    g0[j, pl.ds(k * 16, 16)] = jnp.zeros((16,), jnp.float32)
                return carry

            lax.fori_loop(0, FC, zfill, 0)
            zsrc = g0.at[pl.ds(0, FC)]
            for k in range(RPT // FC):
                pltpu.sync_copy(zsrc, acc.at[pl.ds(s * RPT + k * FC, FC)])
            plsc.subcore_barrier()
            pltpu.async_copy(tbl_hbm.at[col_v.at[0]], g0, sem0)

            def body(i, carry):
                j0 = 2 * i
                j1 = j0 + 1
                pltpu.make_async_copy(tbl_hbm.at[col_v.at[j0]], g0, sem0).wait()
                pltpu.async_copy(tbl_hbm.at[col_v.at[j1]], g1, sem1)
                pltpu.sync_copy(g0, acc.at[row_v.at[j0]], add=True)
                pltpu.make_async_copy(tbl_hbm.at[col_v.at[j1]], g1, sem1).wait()

                @pl.when(j1 + 1 < NB)
                def _():
                    pltpu.async_copy(tbl_hbm.at[col_v.at[j1 + 1]], g0, sem0)

                pltpu.sync_copy(g1, acc.at[row_v.at[j1]], add=True)
                return carry

            lax.fori_loop(0, NB // 2, body, 0)
            plsc.subcore_barrier()
            fb = g1.at[pl.ds(0, FC)]
            for k in range(RPT // FC):
                sl = pl.ds(s * RPT + k * FC, FC)
                pltpu.sync_copy(acc.at[sl], fb)
                pltpu.sync_copy(fb, out_hbm.at[c, sl])
            plsc.subcore_barrier()

        one_pass(mp_hbm, outm)
        one_pass(wp_hbm, outv)

    return spmm_kernel


_spmm = _make_spmm()


def _tc1_body(x_ref, wm0_ref, bm0_ref, wv0_ref, bv0_ref, wm1_ref, bm1_ref,
              wv1_ref, bv1_ref, c0_ref, c1_ref,
              mp_ref, wp_ref, d0_ref, d1_ref):
    x = x_ref[...]
    m = jnp.dot(x, wm0_ref[...], preferred_element_type=jnp.float32) + bm0_ref[...]
    m = jnp.where(m > 0, m, (jnp.exp(m) - 1.0))
    m = jnp.dot(m, wm1_ref[...], preferred_element_type=jnp.float32) + bm1_ref[...]
    m = jnp.where(m > 0, m, (jnp.exp(m) - 1.0))
    v = jnp.maximum(jnp.dot(x, wv0_ref[...], preferred_element_type=jnp.float32) + bv0_ref[...], 0.0)
    v = jnp.maximum(jnp.dot(v, wv1_ref[...], preferred_element_type=jnp.float32) + bv1_ref[...], 0.0) + 1e-6
    att = jnp.exp(-v)
    m = m * att
    v = v * (att * att)
    deg = 1.0 + c0_ref[...] + c1_ref[...]
    d0 = lax.rsqrt(deg)
    d1 = 1.0 / deg
    mp_ref[...] = d0 * m
    wp_ref[...] = d1 * v
    d0_ref[...] = d0
    d1_ref[...] = d1


_tc1 = pl.pallas_call(
    _tc1_body,
    grid=(GRID,),
    in_specs=[
        pl.BlockSpec((BLK, D), lambda i: (i, 0)),
        pl.BlockSpec((D, D), lambda i: (0, 0)),
        pl.BlockSpec((1, D), lambda i: (0, 0)),
        pl.BlockSpec((D, D), lambda i: (0, 0)),
        pl.BlockSpec((1, D), lambda i: (0, 0)),
        pl.BlockSpec((D, D), lambda i: (0, 0)),
        pl.BlockSpec((1, D), lambda i: (0, 0)),
        pl.BlockSpec((D, D), lambda i: (0, 0)),
        pl.BlockSpec((1, D), lambda i: (0, 0)),
        pl.BlockSpec((BLK, 1), lambda i: (i, 0)),
        pl.BlockSpec((BLK, 1), lambda i: (i, 0)),
    ],
    out_specs=[
        pl.BlockSpec((BLK, D), lambda i: (i, 0)),
        pl.BlockSpec((BLK, D), lambda i: (i, 0)),
        pl.BlockSpec((BLK, 1), lambda i: (i, 0)),
        pl.BlockSpec((BLK, 1), lambda i: (i, 0)),
    ],
    out_shape=[
        jax.ShapeDtypeStruct((N, D), jnp.float32),
        jax.ShapeDtypeStruct((N, D), jnp.float32),
        jax.ShapeDtypeStruct((N, 1), jnp.float32),
        jax.ShapeDtypeStruct((N, 1), jnp.float32),
    ],
)


def _tc2_body(sm0_ref, sm1_ref, sv0_ref, sv1_ref, mp_ref, wp_ref,
              d0_ref, d1_ref, smp_ref, o_ref):
    mean = d0_ref[...] * (sm0_ref[...] + sm1_ref[...] + mp_ref[...])
    var = d1_ref[...] * (sv0_ref[...] + sv1_ref[...] + wp_ref[...])
    out = mean + smp_ref[...] * jnp.sqrt(var)
    mx = jnp.max(out, axis=1, keepdims=True)
    out = out - mx
    lse = jnp.log(jnp.sum(jnp.exp(out), axis=1, keepdims=True))
    o_ref[...] = out - lse


_tc2 = pl.pallas_call(
    _tc2_body,
    grid=(GRID,),
    in_specs=(
        [pl.BlockSpec((BLK, D), lambda i: (i, 0)) for _ in range(6)]
        + [pl.BlockSpec((BLK, 1), lambda i: (i, 0)) for _ in range(2)]
        + [pl.BlockSpec((BLK, D), lambda i: (i, 0))]
    ),
    out_specs=pl.BlockSpec((BLK, D), lambda i: (i, 0)),
    out_shape=jax.ShapeDtypeStruct((N, D), jnp.float32),
)


def kernel(x, edge_index, W_m0, b_m0, W_v0, b_v0, W_m1, b_m1, W_v1, b_v1):
    row = edge_index[0].astype(jnp.int32).reshape(NW, NB, KB)
    col = edge_index[1].astype(jnp.int32).reshape(NW, NB, KB)

    c0, c1 = _degree(row)
    mp, wp, d0, d1 = _tc1(
        x, W_m0, b_m0.reshape(1, D), W_v0, b_v0.reshape(1, D),
        W_m1, b_m1.reshape(1, D), W_v1, b_v1.reshape(1, D),
        c0[:N].reshape(N, 1), c1[:N].reshape(N, 1),
    )
    sm, sv = _spmm(row, col, mp, wp)
    sample = jax.random.normal(jax.random.key(42), (N, D), jnp.float32)
    return _tc2(sm[0, :N], sm[1, :N], sv[0, :N], sv[1, :N],
                mp, wp, d0, d1, sample)

# --- scband reference (transcript-rebuilt; emitter-appended) ---
"""Pipeline reference for scband-robust-gcn-18047452578190 (READ-ONLY COPY).

The authoritative reference and input builder live on the scoring server;
editing this copy changes nothing except your own understanding.
"""

import jax, jax.numpy as jnp
import numpy as np

N = 10000
E = 320000
D_IN = 128
D_HID = 128
D_OUT = 128


def gcn_norm(row, col, n, order):
    # add self loops
    sl = jnp.arange(n, dtype=row.dtype)
    row2 = jnp.concatenate([row, sl])
    col2 = jnp.concatenate([col, sl])
    val = jnp.ones(row2.shape[0], dtype=jnp.float32)
    deg = jax.ops.segment_sum(val, row2, num_segments=n)
    dp = jnp.power(deg, order)
    dp = jnp.where(jnp.isinf(dp), 0.0, dp)
    v = dp[row2] * val * dp[col2]
    return row2, col2, v


def spmm(row, col, v, x, n):
    return jax.ops.segment_sum(v[:, None] * x[col], row, num_segments=n)


def setup_inputs(seed: int = 0) -> dict:
    key = jax.random.key(seed)
    ks = jax.random.split(key, 12)
    x = jax.random.normal(ks[0], (N, D_IN), dtype=jnp.float32)
    edge_index = jax.random.randint(ks[1], (2, E), 0, N, dtype=jnp.int64)
    s0 = 1.0 / np.sqrt(D_IN)
    s1 = 1.0 / np.sqrt(D_HID)
    W_m0 = jax.random.uniform(ks[2], (D_IN, D_HID), jnp.float32, -s0, s0)
    b_m0 = jax.random.uniform(ks[3], (D_HID,), jnp.float32, -s0, s0)
    W_v0 = jax.random.uniform(ks[4], (D_IN, D_HID), jnp.float32, -s0, s0)
    b_v0 = jax.random.uniform(ks[5], (D_HID,), jnp.float32, -s0, s0)
    W_m1 = jax.random.uniform(ks[6], (D_HID, D_OUT), jnp.float32, -s1, s1)
    b_m1 = jax.random.uniform(ks[7], (D_OUT,), jnp.float32, -s1, s1)
    W_v1 = jax.random.uniform(ks[8], (D_HID, D_OUT), jnp.float32, -s1, s1)
    b_v1 = jax.random.uniform(ks[9], (D_OUT,), jnp.float32, -s1, s1)
    return {"x": x, "edge_index": edge_index, "W_m0": W_m0, "b_m0": b_m0,
            "W_v0": W_v0, "b_v0": b_v0, "W_m1": W_m1, "b_m1": b_m1,
            "W_v1": W_v1, "b_v1": b_v1}


def reference(x, edge_index, W_m0, b_m0, W_v0, b_v0, W_m1, b_m1, W_v1, b_v1):
    row, col = edge_index[0], edge_index[1]
    r0, c0, v0 = gcn_norm(row, col, N, -0.5)
    r1, c1, v1 = gcn_norm(row, col, N, -1.0)
    # layer 0 (initial=True): no adjacency, dropout inactive in eval
    mean = jax.nn.elu(x @ W_m0 + b_m0)
    var = jax.nn.relu(x @ W_v0 + b_v0)
    # layer 1 (final)
    mean = jax.nn.elu(mean @ W_m1 + b_m1)
    var = jax.nn.relu(var @ W_v1 + b_v1) + 1e-06
    att = jnp.exp(-var)
    mean = mean * att
    var = var * att * att
    mean = spmm(r0, c0, v0, mean, N)
    var = spmm(r1, c1, v1, var, N)
    sample = jax.random.normal(jax.random.key(42), var.shape, dtype=var.dtype)
    out = mean + sample * jnp.power(var, 0.5)
    return jax.nn.log_softmax(out, axis=-1)

if __name__ == "__main__":
    import jax
    _d = setup_inputs()
    print(jax.jit(kernel)(*tuple(_d.values())))

</pallas_src>

<mosaic_0001>
#map = affine_map<(d0, d1) -> (0, 0, 0)>
#map1 = affine_map<(d0, d1) -> (0, 0)>
module attributes {stable_mosaic.version = 14 : i64} {
  func.func @spmm_kernel(%arg0: i32, %arg1: i32, %arg2: memref<32x100x100xi32, #tpu.memory_space<hbm>>, %arg3: memref<32x100x100xi32, #tpu.memory_space<hbm>>, %arg4: memref<10000x128xf32, #tpu.memory_space<hbm>>, %arg5: memref<10000x128xf32, #tpu.memory_space<hbm>>, %arg6: memref<2x10240x128xf32, #tpu.memory_space<hbm>>, %arg7: memref<2x10240x128xf32, #tpu.memory_space<hbm>>, %arg8: memref<100x100xi32, #tpu.memory_space<vmem>>, %arg9: memref<100x100xi32, #tpu.memory_space<vmem>>, %arg10: memref<100x128xf32, #tpu.memory_space<vmem>>, %arg11: memref<100x128xf32, #tpu.memory_space<vmem>>, %arg12: memref<10240x128xf32, #tpu.memory_space<vmem_shared>>, %arg13: memref<!tpu.dma_semaphore, #tpu.memory_space<semaphore_mem>>, %arg14: memref<!tpu.dma_semaphore, #tpu.memory_space<semaphore_mem>>) attributes {dimension_semantics = [#tpu.dimension_semantics<core_parallel>, #tpu.dimension_semantics<subcore_parallel>], iteration_bounds = array<i64: 2, 16>, scalar_prefetch = 0 : i64, scratch_operands = 7 : i64, tpu.core_type = #tpu.core_type<sc_vector_subcore>, window_params = [{transform_indices = #map}, {transform_indices = #map}, {transform_indices = #map1}, {transform_indices = #map1}, {transform_indices = #map}, {transform_indices = #map}]} {
    %mul3A = arith.constant 16 : i32
    %mul3A_0 = arith.muli %arg0, %mul3A : i32
    %add3A = arith.addi %mul3A_0, %arg1 : i32
    "tpu.region"() ({
      %run_scoped3A = tpu.sem_alloc : memref<!tpu.dma_semaphore, #tpu.memory_space<semaphore_mem>>
      %dma_start3A_202 = arith.constant 0 : i32
      %dma_start3A_203 = arith.constant 0 : i32
      %dma_start3A_204 = tpu.memref_slice %arg2[%add3A, %dma_start3A_202, %dma_start3A_203] : memref<32x100x100xi32, #tpu.memory_space<hbm>> -> memref<1x100x100xi32, #tpu.memory_space<hbm>>
      %dma_start3A_205 = tpu.memref_squeeze %dma_start3A_204 : memref<1x100x100xi32, #tpu.memory_space<hbm>> -> memref<100x100xi32, #tpu.memory_space<hbm>>
      %dma_start3A_206 = arith.constant 0 : i32
      %dma_start3A_207 = arith.constant 0 : i32
      %dma_start3A_208 = tpu.memref_slice %arg2[%add3A, %dma_start3A_206, %dma_start3A_207] : memref<32x100x100xi32, #tpu.memory_space<hbm>> -> memref<1x100x100xi32, #tpu.memory_space<hbm>>
      %dma_start3A_209 = tpu.memref_squeeze %dma_start3A_208 : memref<1x100x100xi32, #tpu.memory_space<hbm>> -> memref<100x100xi32, #tpu.memory_space<hbm>>
      tpu.enqueue_dma source(%dma_start3A_209 : memref<100x100xi32, #tpu.memory_space<hbm>>) target(%arg8 : memref<100x100xi32, #tpu.memory_space<vmem>>) target_semaphore(%run_scoped3A : memref<!tpu.dma_semaphore, #tpu.memory_space<semaphore_mem>>)
      %dma_wait3A = arith.constant 0 : i32
      %dma_wait3A_210 = arith.constant 0 : i32
      %dma_wait3A_211 = tpu.memref_slice %arg2[%add3A, %dma_wait3A, %dma_wait3A_210] : memref<32x100x100xi32, #tpu.memory_space<hbm>> -> memref<1x100x100xi32, #tpu.memory_space<hbm>>
      %dma_wait3A_212 = tpu.memref_squeeze %dma_wait3A_211 : memref<1x100x100xi32, #tpu.memory_space<hbm>> -> memref<100x100xi32, #tpu.memory_space<hbm>>
      %dma_wait3A_213 = arith.constant 0 : i32
      %dma_wait3A_214 = arith.constant 0 : i32
      %dma_wait3A_215 = tpu.memref_slice %arg2[%add3A, %dma_wait3A_213, %dma_wait3A_214] : memref<32x100x100xi32, #tpu.memory_space<hbm>> -> memref<1x100x100xi32, #tpu.memory_space<hbm>>
      %dma_wait3A_216 = tpu.memref_squeeze %dma_wait3A_215 : memref<1x100x100xi32, #tpu.memory_space<hbm>> -> memref<100x100xi32, #tpu.memory_space<hbm>>
      tpu.wait_dma2 semaphore(%run_scoped3A : memref<!tpu.dma_semaphore, #tpu.memory_space<semaphore_mem>>) src(%dma_wait3A_216 : memref<100x100xi32, #tpu.memory_space<hbm>>) dst(%arg8 : memref<100x100xi32, #tpu.memory_space<vmem>>)
      tpu.yield
    }) : () -> ()
    "tpu.region"() ({
      %run_scoped3A = tpu.sem_alloc : memref<!tpu.dma_semaphore, #tpu.memory_space<semaphore_mem>>
      %dma_start3A_202 = arith.constant 0 : i32
      %dma_start3A_203 = arith.constant 0 : i32
      %dma_start3A_204 = tpu.memref_slice %arg3[%add3A, %dma_start3A_202, %dma_start3A_203] : memref<32x100x100xi32, #tpu.memory_space<hbm>> -> memref<1x100x100xi32, #tpu.memory_space<hbm>>
      %dma_start3A_205 = tpu.memref_squeeze %dma_start3A_204 : memref<1x100x100xi32, #tpu.memory_space<hbm>> -> memref<100x100xi32, #tpu.memory_space<hbm>>
      %dma_start3A_206 = arith.constant 0 : i32
      %dma_start3A_207 = arith.constant 0 : i32
      %dma_start3A_208 = tpu.memref_slice %arg3[%add3A, %dma_start3A_206, %dma_start3A_207] : memref<32x100x100xi32, #tpu.memory_space<hbm>> -> memref<1x100x100xi32, #tpu.memory_space<hbm>>
      %dma_start3A_209 = tpu.memref_squeeze %dma_start3A_208 : memref<1x100x100xi32, #tpu.memory_space<hbm>> -> memref<100x100xi32, #tpu.memory_space<hbm>>
      tpu.enqueue_dma source(%dma_start3A_209 : memref<100x100xi32, #tpu.memory_space<hbm>>) target(%arg9 : memref<100x100xi32, #tpu.memory_space<vmem>>) target_semaphore(%run_scoped3A : memref<!tpu.dma_semaphore, #tpu.memory_space<semaphore_mem>>)
      %dma_wait3A = arith.constant 0 : i32
      %dma_wait3A_210 = arith.constant 0 : i32
      %dma_wait3A_211 = tpu.memref_slice %arg3[%add3A, %dma_wait3A, %dma_wait3A_210] : memref<32x100x100xi32, #tpu.memory_space<hbm>> -> memref<1x100x100xi32, #tpu.memory_space<hbm>>
      %dma_wait3A_212 = tpu.memref_squeeze %dma_wait3A_211 : memref<1x100x100xi32, #tpu.memory_space<hbm>> -> memref<100x100xi32, #tpu.memory_space<hbm>>
      %dma_wait3A_213 = arith.constant 0 : i32
      %dma_wait3A_214 = arith.constant 0 : i32
      %dma_wait3A_215 = tpu.memref_slice %arg3[%add3A, %dma_wait3A_213, %dma_wait3A_214] : memref<32x100x100xi32, #tpu.memory_space<hbm>> -> memref<1x100x100xi32, #tpu.memory_space<hbm>>
      %dma_wait3A_216 = tpu.memref_squeeze %dma_wait3A_215 : memref<1x100x100xi32, #tpu.memory_space<hbm>> -> memref<100x100xi32, #tpu.memory_space<hbm>>
      tpu.wait_dma2 semaphore(%run_scoped3A : memref<!tpu.dma_semaphore, #tpu.memory_space<semaphore_mem>>) src(%dma_wait3A_216 : memref<100x100xi32, #tpu.memory_space<hbm>>) dst(%arg9 : memref<100x100xi32, #tpu.memory_space<vmem>>)
      tpu.yield
    }) : () -> ()
    %scan3A = arith.constant 0 : i32
    %scan3A_1 = arith.constant 0 : i32
    %scan3A_2 = arith.constant 64 : i32
    %scan3A_3 = arith.addi %scan3A_1, %scan3A_2 : i32
    %scan3A_4 = arith.constant 1 : i32
    scf.for %scan3A_202 = %scan3A_1 to %scan3A_3 step %scan3A_4  : i32 {
      %broadcast_in_dim3A = arith.constant 0.000000e+00 : f32
      %broadcast_in_dim3A_203 = vector.broadcast %broadcast_in_dim3A : f32 to vector<16xf32>
      %swap3A = arith.index_cast %scan3A_202 : i32 to index
      %swap3A_204 = arith.constant 0 : index
      %swap3A_205 = tpu.vector_load %arg10[%swap3A, %swap3A_204] {strides = array<i32>} : memref<100x128xf32, #tpu.memory_space<vmem>>, vector<1x16xf32>,
      %swap3A_206 = vector.shape_cast %swap3A_205 : vector<1x16xf32> to vector<16xf32>
      %swap3A_207 = vector.shape_cast %broadcast_in_dim3A_203 : vector<16xf32> to vector<1x16xf32>
      tpu.vector_store %arg10[%swap3A, %swap3A_204], %swap3A_207 {strides = array<i32>} : memref<100x128xf32, #tpu.memory_space<vmem>>, vector<1x16xf32>,
      %broadcast_in_dim3A_208 = arith.constant 0.000000e+00 : f32
      %broadcast_in_dim3A_209 = vector.broadcast %broadcast_in_dim3A_208 : f32 to vector<16xf32>
      %swap3A_210 = arith.index_cast %scan3A_202 : i32 to index
      %swap3A_211 = arith.constant 16 : index
      %swap3A_212 = tpu.vector_load %arg10[%swap3A_210, %swap3A_211] {strides = array<i32>} : memref<100x128xf32, #tpu.memory_space<vmem>>, vector<1x16xf32>,
      %swap3A_213 = vector.shape_cast %swap3A_212 : vector<1x16xf32> to vector<16xf32>
      %swap3A_214 = vector.shape_cast %broadcast_in_dim3A_209 : vector<16xf32> to vector<1x16xf32>
      tpu.vector_store %arg10[%swap3A_210, %swap3A_211], %swap3A_214 {strides = array<i32>} : memref<100x128xf32, #tpu.memory_space<vmem>>, vector<1x16xf32>,
      %broadcast_in_dim3A_215 = arith.constant 0.000000e+00 : f32
      %broadcast_in_dim3A_216 = vector.broadcast %broadcast_in_dim3A_215 : f32 to vector<16xf32>
      %swap3A_217 = arith.index_cast %scan3A_202 : i32 to index
      %swap3A_218 = arith.constant 32 : index
      %swap3A_219 = tpu.vector_load %arg10[%swap3A_217, %swap3A_218] {strides = array<i32>} : memref<100x128xf32, #tpu.memory_space<vmem>>, vector<1x16xf32>,
      %swap3A_220 = vector.shape_cast %swap3A_219 : vector<1x16xf32> to vector<16xf32>
      %swap3A_221 = vector.shape_cast %broadcast_in_dim3A_216 : vector<16xf32> to vector<1x16xf32>
      tpu.vector_store %arg10[%swap3A_217, %swap3A_218], %swap3A_221 {strides = array<i32>} : memref<100x128xf32, #tpu.memory_space<vmem>>, vector<1x16xf32>,
      %broadcast_in_dim3A_222 = arith.constant 0.000000e+00 : f32
      %broadcast_in_dim3A_223 = vector.broadcast %broadcast_in_dim3A_222 : f32 to vector<16xf32>
      %swap3A_224 = arith.index_cast %scan3A_202 : i32 to index
      %swap3A_225 = arith.constant 48 : index
      %swap3A_226 = tpu.vector_load %arg10[%swap3A_224, %swap3A_225] {strides = array<i32>} : memref<100x128xf32, #tpu.memory_space<vmem>>, vector<1x16xf32>,
      %swap3A_227 = vector.shape_cast %swap3A_226 : vector<1x16xf32> to vector<16xf32>
      %swap3A_228 = vector.shape_cast %broadcast_in_dim3A_223 : vector<16xf32> to vector<1x16xf32>
      tpu.vector_store %arg10[%swap3A_224, %swap3A_225], %swap3A_228 {strides = array<i32>} : memref<100x128xf32, #tpu.memory_space<vmem>>, vector<1x16xf32>,
      %broadcast_in_dim3A_229 = arith.constant 0.000000e+00 : f32
      %broadcast_in_dim3A_230 = vector.broadcast %broadcast_in_dim3A_229 : f32 to vector<16xf32>
      %swap3A_231 = arith.index_cast %scan3A_202 : i32 to index
      %swap3A_232 = arith.constant 64 : index
      %swap3A_233 = tpu.vector_load %arg10[%swap3A_231, %swap3A_232] {strides = array<i32>} : memref<100x128xf32, #tpu.memory_space<vmem>>, vector<1x16xf32>,
      %swap3A_234 = vector.shape_cast %swap3A_233 : vector<1x16xf32> to vector<16xf32>
      %swap3A_235 = vector.shape_cast %broadcast_in_dim3A_230 : vector<16xf32> to vector<1x16xf32>
      tpu.vector_store %arg10[%swap3A_231, %swap3A_232], %swap3A_235 {strides = array<i32>} : memref<100x128xf32, #tpu.memory_space<vmem>>, vector<1x16xf32>,
      %broadcast_in_dim3A_236 = arith.constant 0.000000e+00 : f32
      %broadcast_in_dim3A_237 = vector.broadcast %broadcast_in_dim3A_236 : f32 to vector<16xf32>
      %swap3A_238 = arith.index_cast %scan3A_202 : i32 to index
      %swap3A_239 = arith.constant 80 : index
      %swap3A_240 = tpu.vector_load %arg10[%swap3A_238, %swap3A_239] {strides = array<i32>} : memref<100x128xf32, #tpu.memory_space<vmem>>, vector<1x16xf32>,
      %swap3A_241 = vector.shape_cast %swap3A_240 : vector<1x16xf32> to vector<16xf32>
      %swap3A_242 = vector.shape_cast %broadcast_in_dim3A_237 : vector<16xf32> to vector<1x16xf32>
      tpu.vector_store %arg10[%swap3A_238, %swap3A_239], %swap3A_242 {strides = array<i32>} : memref<100x128xf32, #tpu.memory_space<vmem>>, vector<1x16xf32>,
      %broadcast_in_dim3A_243 = arith.constant 0.000000e+00 : f32
      %broadcast_in_dim3A_244 = vector.broadcast %broadcast_in_dim3A_243 : f32 to vector<16xf32>
      %swap3A_245 = arith.index_cast %scan3A_202 : i32 to index
      %swap3A_246 = arith.constant 96 : index
      %swap3A_247 = tpu.vector_load %arg10[%swap3A_245, %swap3A_246] {strides = array<i32>} : memref<100x128xf32, #tpu.memory_space<vmem>>, vector<1x16xf32>,
      %swap3A_248 = vector.shape_cast %swap3A_247 : vector<1x16xf32> to vector<16xf32>
      %swap3A_249 = vector.shape_cast %broadcast_in_dim3A_244 : vector<16xf32> to vector<1x16xf32>
      tpu.vector_store %arg10[%swap3A_245, %swap3A_246], %swap3A_249 {strides = array<i32>} : memref<100x128xf32, #tpu.memory_space<vmem>>, vector<1x16xf32>,
      %broadcast_in_dim3A_250 = arith.constant 0.000000e+00 : f32
      %broadcast_in_dim3A_251 = vector.broadcast %broadcast_in_dim3A_250 : f32 to vector<16xf32>
      %swap3A_252 = arith.index_cast %scan3A_202 : i32 to index
      %swap3A_253 = arith.constant 112 : index
      %swap3A_254 = tpu.vector_load %arg10[%swap3A_252, %swap3A_253] {strides = array<i32>} : memref<100x128xf32, #tpu.memory_space<vmem>>, vector<1x16xf32>,
      %swap3A_255 = vector.shape_cast %swap3A_254 : vector<1x16xf32> to vector<16xf32>
      %swap3A_256 = vector.shape_cast %broadcast_in_dim3A_251 : vector<16xf32> to vector<1x16xf32>
      tpu.vector_store %arg10[%swap3A_252, %swap3A_253], %swap3A_256 {strides = array<i32>} : memref<100x128xf32, #tpu.memory_space<vmem>>, vector<1x16xf32>,
    }
    %scan3A_5 = arith.constant 64 : i32
    %mul3A_6 = arith.constant 640 : i32
    %mul3A_7 = arith.muli %arg1, %mul3A_6 : i32
    %add3A_8 = arith.constant 0 : i32
    %add3A_9 = arith.addi %mul3A_7, %add3A_8 : i32
    "tpu.region"() ({
      %run_scoped3A = tpu.sem_alloc : memref<!tpu.dma_semaphore, #tpu.memory_space<semaphore_mem>>
      %dma_start3A_202 = arith.constant 0 : i32
      %dma_start3A_203 = arith.constant 0 : i32
      %dma_start3A_204 = tpu.memref_slice %arg10[%dma_start3A_202, %dma_start3A_203] : memref<100x128xf32, #tpu.memory_space<vmem>> -> memref<64x128xf32, #tpu.memory_space<vmem>>
      %dma_start3A_205 = arith.constant 0 : i32
      %dma_start3A_206 = tpu.memref_slice %arg12[%add3A_9, %dma_start3A_205] : memref<10240x128xf32, #tpu.memory_space<vmem_shared>> -> memref<64x128xf32, #tpu.memory_space<vmem_shared>>
      %dma_start3A_207 = arith.constant 0 : i32
      %dma_start3A_208 = tpu.memref_slice %arg12[%add3A_9, %dma_start3A_207] : memref<10240x128xf32, #tpu.memory_space<vmem_shared>> -> memref<64x128xf32, #tpu.memory_space<vmem_shared>>
      %dma_start3A_209 = arith.constant 0 : i32
      %dma_start3A_210 = arith.constant 0 : i32
      %dma_start3A_211 = tpu.memref_slice %arg10[%dma_start3A_209, %dma_start3A_210] : memref<100x128xf32, #tpu.memory_space<vmem>> -> memref<64x128xf32, #tpu.memory_space<vmem>>
      tpu.enqueue_dma source(%dma_start3A_211 : memref<64x128xf32, #tpu.memory_space<vmem>>) target(%dma_start3A_208 : memref<64x128xf32, #tpu.memory_space<vmem_shared>>) target_semaphore(%run_scoped3A : memref<!tpu.dma_semaphore, #tpu.memory_space<semaphore_mem>>)
      %dma_wait3A = arith.constant 0 : i32
      %dma_wait3A_212 = arith.constant 0 : i32
      %dma_wait3A_213 = tpu.memref_slice %arg10[%dma_wait3A, %dma_wait3A_212] : memref<100x128xf32, #tpu.memory_space<vmem>> -> memref<64x128xf32, #tpu.memory_space<vmem>>
      %dma_wait3A_214 = arith.constant 0 : i32
      %dma_wait3A_215 = tpu.memref_slice %arg12[%add3A_9, %dma_wait3A_214] : memref<10240x128xf32, #tpu.memory_space<vmem_shared>> -> memref<64x128xf32, #tpu.memory_space<vmem_shared>>
      %dma_wait3A_216 = arith.constant 0 : i32
      %dma_wait3A_217 = tpu.memref_slice %arg12[%add3A_9, %dma_wait3A_216] : memref<10240x128xf32, #tpu.memory_space<vmem_shared>> -> memref<64x128xf32, #tpu.memory_space<vmem_shared>>
      %dma_wait3A_218 = arith.constant 0 : i32
      %dma_wait3A_219 = arith.constant 0 : i32
      %dma_wait3A_220 = tpu.memref_slice %arg10[%dma_wait3A_218, %dma_wait3A_219] : memref<100x128xf32, #tpu.memory_space<vmem>> -> memref<64x128xf32, #tpu.memory_space<vmem>>
      tpu.wait_dma2 semaphore(%run_scoped3A : memref<!tpu.dma_semaphore, #tpu.memory_space<semaphore_mem>>) src(%dma_wait3A_220 : memref<64x128xf32, #tpu.memory_space<vmem>>) dst(%dma_wait3A_217 : memref<64x128xf32, #tpu.memory_space<vmem_shared>>)
      tpu.yield
    }) : () -> ()
    %mul3A_10 = arith.constant 640 : i32
    %mul3A_11 = arith.muli %arg1, %mul3A_10 : i32
    %add3A_12 = arith.constant 64 : i32
    %add3A_13 = arith.addi %mul3A_11, %add3A_12 : i32
    "tpu.region"() ({
      %run_scoped3A = tpu.sem_alloc : memref<!tpu.dma_semaphore, #tpu.memory_space<semaphore_mem>>
      %dma_start3A_202 = arith.constant 0 : i32
      %dma_start3A_203 = arith.constant 0 : i32
      %dma_start3A_204 = tpu.memref_slice %arg10[%dma_start3A_202, %dma_start3A_203] : memref<100x128xf32, #tpu.memory_space<vmem>> -> memref<64x128xf32, #tpu.memory_space<vmem>>
      %dma_start3A_205 = arith.constant 0 : i32
      %dma_start3A_206 = tpu.memref_slice %arg12[%add3A_13, %dma_start3A_205] : memref<10240x128xf32, #tpu.memory_space<vmem_shared>> -> memref<64x128xf32, #tpu.memory_space<vmem_shared>>
      %dma_start3A_207 = arith.constant 0 : i32
      %dma_start3A_208 = tpu.memref_slice %arg12[%add3A_13, %dma_start3A_207] : memref<10240x128xf32, #tpu.memory_space<vmem_shared>> -> memref<64x128xf32, #tpu.memory_space<vmem_shared>>
      %dma_start3A_209 = arith.constant 0 : i32
      %dma_start3A_210 = arith.constant 0 : i32
      %dma_start3A_211 = tpu.memref_slice %arg10[%dma_start3A_209, %dma_start3A_210] : memref<100x128xf32, #tpu.memory_space<vmem>> -> memref<64x128xf32, #tpu.memory_space<vmem>>
      tpu.enqueue_dma source(%dma_start3A_211 : memref<64x128xf32, #tpu.memory_space<vmem>>) target(%dma_start3A_208 : memref<64x128xf32, #tpu.memory_space<vmem_shared>>) target_semaphore(%run_scoped3A : memref<!tpu.dma_semaphore, #tpu.memory_space<semaphore_mem>>)
      %dma_wait3A = arith.constant 0 : i32
      %dma_wait3A_212 = arith.constant 0 : i32
      %dma_wait3A_213 = tpu.memref_slice %arg10[%dma_wait3A, %dma_wait3A_212] : memref<100x128xf32, #tpu.memory_space<vmem>> -> memref<64x128xf32, #tpu.memory_space<vmem>>
      %dma_wait3A_214 = arith.constant 0 : i32
      %dma_wait3A_215 = tpu.memref_slice %arg12[%add3A_13, %dma_wait3A_214] : memref<10240x128xf32, #tpu.memory_space<vmem_shared>> -> memref<64x128xf32, #tpu.memory_space<vmem_shared>>
      %dma_wait3A_216 = arith.constant 0 : i32
      %dma_wait3A_217 = tpu.memref_slice %arg12[%add3A_13, %dma_wait3A_216] : memref<10240x128xf32, #tpu.memory_space<vmem_shared>> -> memref<64x128xf32, #tpu.memory_space<vmem_shared>>
      %dma_wait3A_218 = arith.constant 0 : i32
      %dma_wait3A_219 = arith.constant 0 : i32
      %dma_wait3A_220 = tpu.memref_slice %arg10[%dma_wait3A_218, %dma_wait3A_219] : memref<100x128xf32, #tpu.memory_space<vmem>> -> memref<64x128xf32, #tpu.memory_space<vmem>>
      tpu.wait_dma2 semaphore(%run_scoped3A : memref<!tpu.dma_semaphore, #tpu.memory_space<semaphore_mem>>) src(%dma_wait3A_220 : memref<64x128xf32, #tpu.memory_space<vmem>>) dst(%dma_wait3A_217 : memref<64x128xf32, #tpu.memory_space<vmem_shared>>)
      tpu.yield
    }) : () -> ()
    %mul3A_14 = arith.constant 640 : i32
    %mul3A_15 = arith.muli %arg1, %mul3A_14 : i32
    %add3A_16 = arith.constant 128 : i32
    %add3A_17 = arith.addi %mul3A_15, %add3A_16 : i32
    "tpu.region"() ({
      %run_scoped3A = tpu.sem_alloc : memref<!tpu.dma_semaphore, #tpu.memory_space<semaphore_mem>>
      %dma_start3A_202 = arith.constant 0 : i32
      %dma_start3A_203 = arith.constant 0 : i32
      %dma_start3A_204 = tpu.memref_slice %arg10[%dma_start3A_202, %dma_start3A_203] : memref<100x128xf32, #tpu.memory_space<vmem>> -> memref<64x128xf32, #tpu.memory_space<vmem>>
      %dma_start3A_205 = arith.constant 0 : i32
      %dma_start3A_206 = tpu.memref_slice %arg12[%add3A_17, %dma_start3A_205] : memref<10240x128xf32, #tpu.memory_space<vmem_shared>> -> memref<64x128xf32, #tpu.memory_space<vmem_shared>>
      %dma_start3A_207 = arith.constant 0 : i32
      %dma_start3A_208 = tpu.memref_slice %arg12[%add3A_17, %dma_start3A_207] : memref<10240x128xf32, #tpu.memory_space<vmem_shared>> -> memref<64x128xf32, #tpu.memory_space<vmem_shared>>
      %dma_start3A_209 = arith.constant 0 : i32
      %dma_start3A_210 = arith.constant 0 : i32
      %dma_start3A_211 = tpu.memref_slice %arg10[%dma_start3A_209, %dma_start3A_210] : memref<100x128xf32, #tpu.memory_space<vmem>> -> memref<64x128xf32, #tpu.memory_space<vmem>>
      tpu.enqueue_dma source(%dma_start3A_211 : memref<64x128xf32, #tpu.memory_space<vmem>>) target(%dma_start3A_208 : memref<64x128xf32, #tpu.memory_space<vmem_shared>>) target_semaphore(%run_scoped3A : memref<!tpu.dma_semaphore, #tpu.memory_space<semaphore_mem>>)
      %dma_wait3A = arith.constant 0 : i32
      %dma_wait3A_212 = arith.constant 0 : i32
      %dma_wait3A_213 = tpu.memref_slice %arg10[%dma_wait3A, %dma_wait3A_212] : memref<100x128xf32, #tpu.memory_space<vmem>> -> memref<64x128xf32, #tpu.memory_space<vmem>>
      %dma_wait3A_214 = arith.constant 0 : i32
      %dma_wait3A_215 = tpu.memref_slice %arg12[%add3A_17, %dma_wait3A_214] : memref<10240x128xf32, #tpu.memory_space<vmem_shared>> -> memref<64x128xf32, #tpu.memory_space<vmem_shared>>
      %dma_wait3A_216 = arith.constant 0 : i32
      %dma_wait3A_217 = tpu.memref_slice %arg12[%add3A_17, %dma_wait3A_216] : memref<10240x128xf32, #tpu.memory_space<vmem_shared>> -> memref<64x128xf32, #tpu.memory_space<vmem_shared>>
      %dma_wait3A_218 = arith.constant 0 : i32
      %dma_wait3A_219 = arith.constant 0 : i32
      %dma_wait3A_220 = tpu.memref_slice %arg10[%dma_wait3A_218, %dma_wait3A_219] : memref<100x128xf32, #tpu.memory_space<vmem>> -> memref<64x128xf32, #tpu.memory_space<vmem>>
      tpu.wait_dma2 semaphore(%run_scoped3A : memref<!tpu.dma_semaphore, #tpu.memory_space<semaphore_mem>>) src(%dma_wait3A_220 : memref<64x128xf32, #tpu.memory_space<vmem>>) dst(%dma_wait3A_217 : memref<64x128xf32, #tpu.memory_space<vmem_shared>>)
      tpu.yield
    }) : () -> ()
    %mul3A_18 = arith.constant 640 : i32
    %mul3A_19 = arith.muli %arg1, %mul3A_18 : i32
    %add3A_20 = arith.constant 192 : i32
    %add3A_21 = arith.addi %mul3A_19, %add3A_20 : i32
    "tpu.region"() ({
      %run_scoped3A = tpu.sem_alloc : memref<!tpu.dma_semaphore, #tpu.memory_space<semaphore_mem>>
      %dma_start3A_202 = arith.constant 0 : i32
      %dma_start3A_203 = arith.constant 0 : i32
      %dma_start3A_204 = tpu.memref_slice %arg10[%dma_start3A_202, %dma_start3A_203] : memref<100x128xf32, #tpu.memory_space<vmem>> -> memref<64x128xf32, #tpu.memory_space<vmem>>
      %dma_start3A_205 = arith.constant 0 : i32
      %dma_start3A_206 = tpu.memref_slice %arg12[%add3A_21, %dma_start3A_205] : memref<10240x128xf32, #tpu.memory_space<vmem_shared>> -> memref<64x128xf32, #tpu.memory_space<vmem_shared>>
      %dma_start3A_207 = arith.constant 0 : i32
      %dma_start3A_208 = tpu.memref_slice %arg12[%add3A_21, %dma_start3A_207] : memref<10240x128xf32, #tpu.memory_space<vmem_shared>> -> memref<64x128xf32, #tpu.memory_space<vmem_shared>>
      %dma_start3A_209 = arith.constant 0 : i32
      %dma_start3A_210 = arith.constant 0 : i32
      %dma_start3A_211 = tpu.memref_slice %arg10[%dma_start3A_209, %dma_start3A_210] : memref<100x128xf32, #tpu.memory_space<vmem>> -> memref<64x128xf32, #tpu.memory_space<vmem>>
      tpu.enqueue_dma source(%dma_start3A_211 : memref<64x128xf32, #tpu.memory_space<vmem>>) target(%dma_start3A_208 : memref<64x128xf32, #tpu.memory_space<vmem_shared>>) target_semaphore(%run_scoped3A : memref<!tpu.dma_semaphore, #tpu.memory_space<semaphore_mem>>)
      %dma_wait3A = arith.constant 0 : i32
      %dma_wait3A_212 = arith.constant 0 : i32
      %dma_wait3A_213 = tpu.memref_slice %arg10[%dma_wait3A, %dma_wait3A_212] : memref<100x128xf32, #tpu.memory_space<vmem>> -> memref<64x128xf32, #tpu.memory_space<vmem>>
      %dma_wait3A_214 = arith.constant 0 : i32
      %dma_wait3A_215 = tpu.memref_slice %arg12[%add3A_21, %dma_wait3A_214] : memref<10240x128xf32, #tpu.memory_space<vmem_shared>> -> memref<64x128xf32, #tpu.memory_space<vmem_shared>>
      %dma_wait3A_216 = arith.constant 0 : i32
      %dma_wait3A_217 = tpu.memref_slice %arg12[%add3A_21, %dma_wait3A_216] : memref<10240x128xf32, #tpu.memory_space<vmem_shared>> -> memref<64x128xf32, #tpu.memory_space<vmem_shared>>
      %dma_wait3A_218 = arith.constant 0 : i32
      %dma_wait3A_219 = arith.constant 0 : i32
      %dma_wait3A_220 = tpu.memref_slice %arg10[%dma_wait3A_218, %dma_wait3A_219] : memref<100x128xf32, #tpu.memory_space<vmem>> -> memref<64x128xf32, #tpu.memory_space<vmem>>
      tpu.wait_dma2 semaphore(%run_scoped3A : memref<!tpu.dma_semaphore, #tpu.memory_space<semaphore_mem>>) src(%dma_wait3A_220 : memref<64x128xf32, #tpu.memory_space<vmem>>) dst(%dma_wait3A_217 : memref<64x128xf32, #tpu.memory_space<vmem_shared>>)
      tpu.yield
    }) : () -> ()
    %mul3A_22 = arith.constant 640 : i32
    %mul3A_23 = arith.muli %arg1, %mul3A_22 : i32
    %add3A_24 = arith.constant 256 : i32
    %add3A_25 = arith.addi %mul3A_23, %add3A_24 : i32
    "tpu.region"() ({
      %run_scoped3A = tpu.sem_alloc : memref<!tpu.dma_semaphore, #tpu.memory_space<semaphore_mem>>
      %dma_start3A_202 = arith.constant 0 : i32
      %dma_start3A_203 = arith.constant 0 : i32
      %dma_start3A_204 = tpu.memref_slice %arg10[%dma_start3A_202, %dma_start3A_203] : memref<100x128xf32, #tpu.memory_space<vmem>> -> memref<64x128xf32, #tpu.memory_space<vmem>>
      %dma_start3A_205 = arith.constant 0 : i32
      %dma_start3A_206 = tpu.memref_slice %arg12[%add3A_25, %dma_start3A_205] : memref<10240x128xf32, #tpu.memory_space<vmem_shared>> -> memref<64x128xf32, #tpu.memory_space<vmem_shared>>
      %dma_start3A_207 = arith.constant 0 : i32
      %dma_start3A_208 = tpu.memref_slice %arg12[%add3A_25, %dma_start3A_207] : memref<10240x128xf32, #tpu.memory_space<vmem_shared>> -> memref<64x128xf32, #tpu.memory_space<vmem_shared>>
      %dma_start3A_209 = arith.constant 0 : i32
      %dma_start3A_210 = arith.constant 0 : i32
      %dma_start3A_211 = tpu.memref_slice %arg10[%dma_start3A_209, %dma_start3A_210] : memref<100x128xf32, #tpu.memory_space<vmem>> -> memref<64x128xf32, #tpu.memory_space<vmem>>
      tpu.enqueue_dma source(%dma_start3A_211 : memref<64x128xf32, #tpu.memory_space<vmem>>) target(%dma_start3A_208 : memref<64x128xf32, #tpu.memory_space<vmem_shared>>) target_semaphore(%run_scoped3A : memref<!tpu.dma_semaphore, #tpu.memory_space<semaphore_mem>>)
      %dma_wait3A = arith.constant 0 : i32
      %dma_wait3A_212 = arith.constant 0 : i32
      %dma_wait3A_213 = tpu.memref_slice %arg10[%dma_wait3A, %dma_wait3A_212] : memref<100x128xf32, #tpu.memory_space<vmem>> -> memref<64x128xf32, #tpu.memory_space<vmem>>
      %dma_wait3A_214 = arith.constant 0 : i32
      %dma_wait3A_215 = tpu.memref_slice %arg12[%add3A_25, %dma_wait3A_214] : memref<10240x128xf32, #tpu.memory_space<vmem_shared>> -> memref<64x128xf32, #tpu.memory_space<vmem_shared>>
      %dma_wait3A_216 = arith.constant 0 : i32
      %dma_wait3A_217 = tpu.memref_slice %arg12[%add3A_25, %dma_wait3A_216] : memref<10240x128xf32, #tpu.memory_space<vmem_shared>> -> memref<64x128xf32, #tpu.memory_space<vmem_shared>>
      %dma_wait3A_218 = arith.constant 0 : i32
      %dma_wait3A_219 = arith.constant 0 : i32
      %dma_wait3A_220 = tpu.memref_slice %arg10[%dma_wait3A_218, %dma_wait3A_219] : memref<100x128xf32, #tpu.memory_space<vmem>> -> memref<64x128xf32, #tpu.memory_space<vmem>>
      tpu.wait_dma2 semaphore(%run_scoped3A : memref<!tpu.dma_semaphore, #tpu.memory_space<semaphore_mem>>) src(%dma_wait3A_220 : memref<64x128xf32, #tpu.memory_space<vmem>>) dst(%dma_wait3A_217 : memref<64x128xf32, #tpu.memory_space<vmem_shared>>)
      tpu.yield
    }) : () -> ()
    %mul3A_26 = arith.constant 640 : i32
    %mul3A_27 = arith.muli %arg1, %mul3A_26 : i32
    %add3A_28 = arith.constant 320 : i32
    %add3A_29 = arith.addi %mul3A_27, %add3A_28 : i32
    "tpu.region"() ({
      %run_scoped3A = tpu.sem_alloc : memref<!tpu.dma_semaphore, #tpu.memory_space<semaphore_mem>>
      %dma_start3A_202 = arith.constant 0 : i32
      %dma_start3A_203 = arith.constant 0 : i32
      %dma_start3A_204 = tpu.memref_slice %arg10[%dma_start3A_202, %dma_start3A_203] : memref<100x128xf32, #tpu.memory_space<vmem>> -> memref<64x128xf32, #tpu.memory_space<vmem>>
      %dma_start3A_205 = arith.constant 0 : i32
      %dma_start3A_206 = tpu.memref_slice %arg12[%add3A_29, %dma_start3A_205] : memref<10240x128xf32, #tpu.memory_space<vmem_shared>> -> memref<64x128xf32, #tpu.memory_space<vmem_shared>>
      %dma_start3A_207 = arith.constant 0 : i32
      %dma_start3A_208 = tpu.memref_slice %arg12[%add3A_29, %dma_start3A_207] : memref<10240x128xf32, #tpu.memory_space<vmem_shared>> -> memref<64x128xf32, #tpu.memory_space<vmem_shared>>
      %dma_start3A_209 = arith.constant 0 : i32
      %dma_start3A_210 = arith.constant 0 : i32
      %dma_start3A_211 = tpu.memref_slice %arg10[%dma_start3A_209, %dma_start3A_210] : memref<100x128xf32, #tpu.memory_space<vmem>> -> memref<64x128xf32, #tpu.memory_space<vmem>>
      tpu.enqueue_dma source(%dma_start3A_211 : memref<64x128xf32, #tpu.memory_space<vmem>>) target(%dma_start3A_208 : memref<64x128xf32, #tpu.memory_space<vmem_shared>>) target_semaphore(%run_scoped3A : memref<!tpu.dma_semaphore, #tpu.memory_space<semaphore_mem>>)
      %dma_wait3A = arith.constant 0 : i32
      %dma_wait3A_212 = arith.constant 0 : i32
      %dma_wait3A_213 = tpu.memref_slice %arg10[%dma_wait3A, %dma_wait3A_212] : memref<100x128xf32, #tpu.memory_space<vmem>> -> memref<64x128xf32, #tpu.memory_space<vmem>>
      %dma_wait3A_214 = arith.constant 0 : i32
      %dma_wait3A_215 = tpu.memref_slice %arg12[%add3A_29, %dma_wait3A_214] : memref<10240x128xf32, #tpu.memory_space<vmem_shared>> -> memref<64x128xf32, #tpu.memory_space<vmem_shared>>
      %dma_wait3A_216 = arith.constant 0 : i32
      %dma_wait3A_217 = tpu.memref_slice %arg12[%add3A_29, %dma_wait3A_216] : memref<10240x128xf32, #tpu.memory_space<vmem_shared>> -> memref<64x128xf32, #tpu.memory_space<vmem_shared>>
      %dma_wait3A_218 = arith.constant 0 : i32
      %dma_wait3A_219 = arith.constant 0 : i32
      %dma_wait3A_220 = tpu.memref_slice %arg10[%dma_wait3A_218, %dma_wait3A_219] : memref<100x128xf32, #tpu.memory_space<vmem>> -> memref<64x128xf32, #tpu.memory_space<vmem>>
      tpu.wait_dma2 semaphore(%run_scoped3A : memref<!tpu.dma_semaphore, #tpu.memory_space<semaphore_mem>>) src(%dma_wait3A_220 : memref<64x128xf32, #tpu.memory_space<vmem>>) dst(%dma_wait3A_217 : memref<64x128xf32, #tpu.memory_space<vmem_shared>>)
      tpu.yield
    }) : () -> ()
    %mul3A_30 = arith.constant 640 : i32
    %mul3A_31 = arith.muli %arg1, %mul3A_30 : i32
    %add3A_32 = arith.constant 384 : i32
    %add3A_33 = arith.addi %mul3A_31, %add3A_32 : i32
    "tpu.region"() ({
      %run_scoped3A = tpu.sem_alloc : memref<!tpu.dma_semaphore, #tpu.memory_space<semaphore_mem>>
      %dma_start3A_202 = arith.constant 0 : i32
      %dma_start3A_203 = arith.constant 0 : i32
      %dma_start3A_204 = tpu.memref_slice %arg10[%dma_start3A_202, %dma_start3A_203] : memref<100x128xf32, #tpu.memory_space<vmem>> -> memref<64x128xf32, #tpu.memory_space<vmem>>
      %dma_start3A_205 = arith.constant 0 : i32
      %dma_start3A_206 = tpu.memref_slice %arg12[%add3A_33, %dma_start3A_205] : memref<10240x128xf32, #tpu.memory_space<vmem_shared>> -> memref<64x128xf32, #tpu.memory_space<vmem_shared>>
      %dma_start3A_207 = arith.constant 0 : i32
      %dma_start3A_208 = tpu.memref_slice %arg12[%add3A_33, %dma_start3A_207] : memref<10240x128xf32, #tpu.memory_space<vmem_shared>> -> memref<64x128xf32, #tpu.memory_space<vmem_shared>>
      %dma_start3A_209 = arith.constant 0 : i32
      %dma_start3A_210 = arith.constant 0 : i32
      %dma_start3A_211 = tpu.memref_slice %arg10[%dma_start3A_209, %dma_start3A_210] : memref<100x128xf32, #tpu.memory_space<vmem>> -> memref<64x128xf32, #tpu.memory_space<vmem>>
      tpu.enqueue_dma source(%dma_start3A_211 : memref<64x128xf32, #tpu.memory_space<vmem>>) target(%dma_start3A_208 : memref<64x128xf32, #tpu.memory_space<vmem_shared>>) target_semaphore(%run_scoped3A : memref<!tpu.dma_semaphore, #tpu.memory_space<semaphore_mem>>)
      %dma_wait3A = arith.constant 0 : i32
      %dma_wait3A_212 = arith.constant 0 : i32
      %dma_wait3A_213 = tpu.memref_slice %arg10[%dma_wait3A, %dma_wait3A_212] : memref<100x128xf32, #tpu.memory_space<vmem>> -> memref<64x128xf32, #tpu.memory_space<vmem>>
      %dma_wait3A_214 = arith.constant 0 : i32
      %dma_wait3A_215 = tpu.memref_slice %arg12[%add3A_33, %dma_wait3A_214] : memref<10240x128xf32, #tpu.memory_space<vmem_shared>> -> memref<64x128xf32, #tpu.memory_space<vmem_shared>>
      %dma_wait3A_216 = arith.constant 0 : i32
      %dma_wait3A_217 = tpu.memref_slice %arg12[%add3A_33, %dma_wait3A_216] : memref<10240x128xf32, #tpu.memory_space<vmem_shared>> -> memref<64x128xf32, #tpu.memory_space<vmem_shared>>
      %dma_wait3A_218 = arith.constant 0 : i32
      %dma_wait3A_219 = arith.constant 0 : i32
      %dma_wait3A_220 = tpu.memref_slice %arg10[%dma_wait3A_218, %dma_wait3A_219] : memref<100x128xf32, #tpu.memory_space<vmem>> -> memref<64x128xf32, #tpu.memory_space<vmem>>
      tpu.wait_dma2 semaphore(%run_scoped3A : memref<!tpu.dma_semaphore, #tpu.memory_space<semaphore_mem>>) src(%dma_wait3A_220 : memref<64x128xf32, #tpu.memory_space<vmem>>) dst(%dma_wait3A_217 : memref<64x128xf32, #tpu.memory_space<vmem_shared>>)
      tpu.yield
    }) : () -> ()
    %mul3A_34 = arith.constant 640 : i32
    %mul3A_35 = arith.muli %arg1, %mul3A_34 : i32
    %add3A_36 = arith.constant 448 : i32
    %add3A_37 = arith.addi %mul3A_35, %add3A_36 : i32
    "tpu.region"() ({
      %run_scoped3A = tpu.sem_alloc : memref<!tpu.dma_semaphore, #tpu.memory_space<semaphore_mem>>
      %dma_start3A_202 = arith.constant 0 : i32
      %dma_start3A_203 = arith.constant 0 : i32
      %dma_start3A_204 = tpu.memref_slice %arg10[%dma_start3A_202, %dma_start3A_203] : memref<100x128xf32, #tpu.memory_space<vmem>> -> memref<64x128xf32, #tpu.memory_space<vmem>>
      %dma_start3A_205 = arith.constant 0 : i32
      %dma_start3A_206 = tpu.memref_slice %arg12[%add3A_37, %dma_start3A_205] : memref<10240x128xf32, #tpu.memory_space<vmem_shared>> -> memref<64x128xf32, #tpu.memory_space<vmem_shared>>
      %dma_start3A_207 = arith.constant 0 : i32
      %dma_start3A_208 = tpu.memref_slice %arg12[%add3A_37, %dma_start3A_207] : memref<10240x128xf32, #tpu.memory_space<vmem_shared>> -> memref<64x128xf32, #tpu.memory_space<vmem_shared>>
      %dma_start3A_209 = arith.constant 0 : i32
      %dma_start3A_210 = arith.constant 0 : i32
      %dma_start3A_211 = tpu.memref_slice %arg10[%dma_start3A_209, %dma_start3A_210] : memref<100x128xf32, #tpu.memory_space<vmem>> -> memref<64x128xf32, #tpu.memory_space<vmem>>
      tpu.enqueue_dma source(%dma_start3A_211 : memref<64x128xf32, #tpu.memory_space<vmem>>) target(%dma_start3A_208 : memref<64x128xf32, #tpu.memory_space<vmem_shared>>) target_semaphore(%run_scoped3A : memref<!tpu.dma_semaphore, #tpu.memory_space<semaphore_mem>>)
      %dma_wait3A = arith.constant 0 : i32
      %dma_wait3A_212 = arith.constant 0 : i32
      %dma_wait3A_213 = tpu.memref_slice %arg10[%dma_wait3A, %dma_wait3A_212] : memref<100x128xf32, #tpu.memory_space<vmem>> -> memref<64x128xf32, #tpu.memory_space<vmem>>
      %dma_wait3A_214 = arith.constant 0 : i32
      %dma_wait3A_215 = tpu.memref_slice %arg12[%add3A_37, %dma_wait3A_214] : memref<10240x128xf32, #tpu.memory_space<vmem_shared>> -> memref<64x128xf32, #tpu.memory_space<vmem_shared>>
      %dma_wait3A_216 = arith.constant 0 : i32
      %dma_wait3A_217 = tpu.memref_slice %arg12[%add3A_37, %dma_wait3A_216] : memref<10240x128xf32, #tpu.memory_space<vmem_shared>> -> memref<64x128xf32, #tpu.memory_space<vmem_shared>>
      %dma_wait3A_218 = arith.constant 0 : i32
      %dma_wait3A_219 = arith.constant 0 : i32
      %dma_wait3A_220 = tpu.memref_slice %arg10[%dma_wait3A_218, %dma_wait3A_219] : memref<100x128xf32, #tpu.memory_space<vmem>> -> memref<64x128xf32, #tpu.memory_space<vmem>>
      tpu.wait_dma2 semaphore(%run_scoped3A : memref<!tpu.dma_semaphore, #tpu.memory_space<semaphore_mem>>) src(%dma_wait3A_220 : memref<64x128xf32, #tpu.memory_space<vmem>>) dst(%dma_wait3A_217 : memref<64x128xf32, #tpu.memory_space<vmem_shared>>)
      tpu.yield
    }) : () -> ()
    %mul3A_38 = arith.constant 640 : i32
    %mul3A_39 = arith.muli %arg1, %mul3A_38 : i32
    %add3A_40 = arith.constant 512 : i32
    %add3A_41 = arith.addi %mul3A_39, %add3A_40 : i32
    "tpu.region"() ({
      %run_scoped3A = tpu.sem_alloc : memref<!tpu.dma_semaphore, #tpu.memory_space<semaphore_mem>>
      %dma_start3A_202 = arith.constant 0 : i32
      %dma_start3A_203 = arith.constant 0 : i32
      %dma_start3A_204 = tpu.memref_slice %arg10[%dma_start3A_202, %dma_start3A_203] : memref<100x128xf32, #tpu.memory_space<vmem>> -> memref<64x128xf32, #tpu.memory_space<vmem>>
      %dma_start3A_205 = arith.constant 0 : i32
      %dma_start3A_206 = tpu.memref_slice %arg12[%add3A_41, %dma_start3A_205] : memref<10240x128xf32, #tpu.memory_space<vmem_shared>> -> memref<64x128xf32, #tpu.memory_space<vmem_shared>>
      %dma_start3A_207 = arith.constant 0 : i32
      %dma_start3A_208 = tpu.memref_slice %arg12[%add3A_41, %dma_start3A_207] : memref<10240x128xf32, #tpu.memory_space<vmem_shared>> -> memref<64x128xf32, #tpu.memory_space<vmem_shared>>
      %dma_start3A_209 = arith.constant 0 : i32
      %dma_start3A_210 = arith.constant 0 : i32
      %dma_start3A_211 = tpu.memref_slice %arg10[%dma_start3A_209, %dma_start3A_210] : memref<100x128xf32, #tpu.memory_space<vmem>> -> memref<64x128xf32, #tpu.memory_space<vmem>>
      tpu.enqueue_dma source(%dma_start3A_211 : memref<64x128xf32, #tpu.memory_space<vmem>>) target(%dma_start3A_208 : memref<64x128xf32, #tpu.memory_space<vmem_shared>>) target_semaphore(%run_scoped3A : memref<!tpu.dma_semaphore, #tpu.memory_space<semaphore_mem>>)
      %dma_wait3A = arith.constant 0 : i32
      %dma_wait3A_212 = arith.constant 0 : i32
      %dma_wait3A_213 = tpu.memref_slice %arg10[%dma_wait3A, %dma_wait3A_212] : memref<100x128xf32, #tpu.memory_space<vmem>> -> memref<64x128xf32, #tpu.memory_space<vmem>>
      %dma_wait3A_214 = arith.constant 0 : i32
      %dma_wait3A_215 = tpu.memref_slice %arg12[%add3A_41, %dma_wait3A_214] : memref<10240x128xf32, #tpu.memory_space<vmem_shared>> -> memref<64x128xf32, #tpu.memory_space<vmem_shared>>
      %dma_wait3A_216 = arith.constant 0 : i32
      %dma_wait3A_217 = tpu.memref_slice %arg12[%add3A_41, %dma_wait3A_216] : memref<10240x128xf32, #tpu.memory_space<vmem_shared>> -> memref<64x128xf32, #tpu.memory_space<vmem_shared>>
      %dma_wait3A_218 = arith.constant 0 : i32
      %dma_wait3A_219 = arith.constant 0 : i32
      %dma_wait3A_220 = tpu.memref_slice %arg10[%dma_wait3A_218, %dma_wait3A_219] : memref<100x128xf32, #tpu.memory_space<vmem>> -> memref<64x128xf32, #tpu.memory_space<vmem>>
      tpu.wait_dma2 semaphore(%run_scoped3A : memref<!tpu.dma_semaphore, #tpu.memory_space<semaphore_mem>>) src(%dma_wait3A_220 : memref<64x128xf32, #tpu.memory_space<vmem>>) dst(%dma_wait3A_217 : memref<64x128xf32, #tpu.memory_space<vmem_shared>>)
      tpu.yield
    }) : () -> ()
    %mul3A_42 = arith.constant 640 : i32
    %mul3A_43 = arith.muli %arg1, %mul3A_42 : i32
    %add3A_44 = arith.constant 576 : i32
    %add3A_45 = arith.addi %mul3A_43, %add3A_44 : i32
    "tpu.region"() ({
      %run_scoped3A = tpu.sem_alloc : memref<!tpu.dma_semaphore, #tpu.memory_space<semaphore_mem>>
      %dma_start3A_202 = arith.constant 0 : i32
      %dma_start3A_203 = arith.constant 0 : i32
      %dma_start3A_204 = tpu.memref_slice %arg10[%dma_start3A_202, %dma_start3A_203] : memref<100x128xf32, #tpu.memory_space<vmem>> -> memref<64x128xf32, #tpu.memory_space<vmem>>
      %dma_start3A_205 = arith.constant 0 : i32
      %dma_start3A_206 = tpu.memref_slice %arg12[%add3A_45, %dma_start3A_205] : memref<10240x128xf32, #tpu.memory_space<vmem_shared>> -> memref<64x128xf32, #tpu.memory_space<vmem_shared>>
      %dma_start3A_207 = arith.constant 0 : i32
      %dma_start3A_208 = tpu.memref_slice %arg12[%add3A_45, %dma_start3A_207] : memref<10240x128xf32, #tpu.memory_space<vmem_shared>> -> memref<64x128xf32, #tpu.memory_space<vmem_shared>>
      %dma_start3A_209 = arith.constant 0 : i32
      %dma_start3A_210 = arith.constant 0 : i32
      %dma_start3A_211 = tpu.memref_slice %arg10[%dma_start3A_209, %dma_start3A_210] : memref<100x128xf32, #tpu.memory_space<vmem>> -> memref<64x128xf32, #tpu.memory_space<vmem>>
      tpu.enqueue_dma source(%dma_start3A_211 : memref<64x128xf32, #tpu.memory_space<vmem>>) target(%dma_start3A_208 : memref<64x128xf32, #tpu.memory_space<vmem_shared>>) target_semaphore(%run_scoped3A : memref<!tpu.dma_semaphore, #tpu.memory_space<semaphore_mem>>)
      %dma_wait3A = arith.constant 0 : i32
      %dma_wait3A_212 = arith.constant 0 : i32
      %dma_wait3A_213 = tpu.memref_slice %arg10[%dma_wait3A, %dma_wait3A_212] : memref<100x128xf32, #tpu.memory_space<vmem>> -> memref<64x128xf32, #tpu.memory_space<vmem>>
      %dma_wait3A_214 = arith.constant 0 : i32
      %dma_wait3A_215 = tpu.memref_slice %arg12[%add3A_45, %dma_wait3A_214] : memref<10240x128xf32, #tpu.memory_space<vmem_shared>> -> memref<64x128xf32, #tpu.memory_space<vmem_shared>>
      %dma_wait3A_216 = arith.constant 0 : i32
      %dma_wait3A_217 = tpu.memref_slice %arg12[%add3A_45, %dma_wait3A_216] : memref<10240x128xf32, #tpu.memory_space<vmem_shared>> -> memref<64x128xf32, #tpu.memory_space<vmem_shared>>
      %dma_wait3A_218 = arith.constant 0 : i32
      %dma_wait3A_219 = arith.constant 0 : i32
      %dma_wait3A_220 = tpu.memref_slice %arg10[%dma_wait3A_218, %dma_wait3A_219] : memref<100x128xf32, #tpu.memory_space<vmem>> -> memref<64x128xf32, #tpu.memory_space<vmem>>
      tpu.wait_dma2 semaphore(%run_scoped3A : memref<!tpu.dma_semaphore, #tpu.memory_space<semaphore_mem>>) src(%dma_wait3A_220 : memref<64x128xf32, #tpu.memory_space<vmem>>) dst(%dma_wait3A_217 : memref<64x128xf32, #tpu.memory_space<vmem_shared>>)
      tpu.yield
    }) : () -> ()
    %barrier3A = arith.constant 0 : index
    tpu.barrier barrier_id(%barrier3A)
    %dma_start3A = arith.constant 0 : i32
    %dma_start3A_46 = arith.constant 0 : i32
    %dma_start3A_47 = tpu.memref_slice %arg9[%dma_start3A, %dma_start3A_46] : memref<100x100xi32, #tpu.memory_space<vmem>> -> memref<1x100xi32, #tpu.memory_space<vmem>>
    %dma_start3A_48 = tpu.memref_squeeze %dma_start3A_47 : memref<1x100xi32, #tpu.memory_space<vmem>> -> memref<100xi32, #tpu.memory_space<vmem>>
    %dma_start3A_49 = arith.constant 0 : i32
    %dma_start3A_50 = arith.constant 0 : i32
    %dma_start3A_51 = tpu.memref_slice %arg4[%dma_start3A_49, %dma_start3A_50] : memref<10000x128xf32, #tpu.memory_space<hbm>> -> memref<10000x128xf32, #tpu.memory_space<hbm>>
    tpu.enqueue_indirect_dma source(%dma_start3A_51 : memref<10000x128xf32, #tpu.memory_space<hbm>>) target(%arg10 : memref<100x128xf32, #tpu.memory_space<vmem>>) offsets(%dma_start3A_48 : memref<100xi32, #tpu.memory_space<vmem>>) semaphore(%arg13 : memref<!tpu.dma_semaphore, #tpu.memory_space<semaphore_mem>>)
    %scan3A_52 = arith.constant 0 : i32
    %scan3A_53 = arith.constant 0 : i32
    %scan3A_54 = arith.constant 50 : i32
    %scan3A_55 = arith.addi %scan3A_53, %scan3A_54 : i32
    %scan3A_56 = arith.constant 1 : i32
    scf.for %scan3A_202 = %scan3A_53 to %scan3A_55 step %scan3A_56  : i32 {
      %mul3A_203 = arith.constant 2 : i32
      %mul3A_204 = arith.muli %mul3A_203, %scan3A_202 : i32
      %add3A_205 = arith.constant 1 : i32
      %add3A_206 = arith.addi %mul3A_204, %add3A_205 : i32
      %dma_wait3A = arith.constant 0 : i32
      %dma_wait3A_207 = tpu.memref_slice %arg9[%mul3A_204, %dma_wait3A] : memref<100x100xi32, #tpu.memory_space<vmem>> -> memref<1x100xi32, #tpu.memory_space<vmem>>
      %dma_wait3A_208 = tpu.memref_squeeze %dma_wait3A_207 : memref<1x100xi32, #tpu.memory_space<vmem>> -> memref<100xi32, #tpu.memory_space<vmem>>
      %dma_wait3A_209 = arith.constant 0 : i32
      %dma_wait3A_210 = arith.constant 0 : i32
      %dma_wait3A_211 = tpu.memref_slice %arg4[%dma_wait3A_209, %dma_wait3A_210] : memref<10000x128xf32, #tpu.memory_space<hbm>> -> memref<10000x128xf32, #tpu.memory_space<hbm>>
      tpu.wait_indirect_dma semaphore(%arg13 : memref<!tpu.dma_semaphore, #tpu.memory_space<semaphore_mem>>) src(%dma_wait3A_211 : memref<10000x128xf32, #tpu.memory_space<hbm>>) dst(%arg10 : memref<100x128xf32, #tpu.memory_space<vmem>>)
      %dma_start3A_212 = arith.constant 0 : i32
      %dma_start3A_213 = tpu.memref_slice %arg9[%add3A_206, %dma_start3A_212] : memref<100x100xi32, #tpu.memory_space<vmem>> -> memref<1x100xi32, #tpu.memory_space<vmem>>
      %dma_start3A_214 = tpu.memref_squeeze %dma_start3A_213 : memref<1x100xi32, #tpu.memory_space<vmem>> -> memref<100xi32, #tpu.memory_space<vmem>>
      %dma_start3A_215 = arith.constant 0 : i32
      %dma_start3A_216 = arith.constant 0 : i32
      %dma_start3A_217 = tpu.memref_slice %arg4[%dma_start3A_215, %dma_start3A_216] : memref<10000x128xf32, #tpu.memory_space<hbm>> -> memref<10000x128xf32, #tpu.memory_space<hbm>>
      tpu.enqueue_indirect_dma source(%dma_start3A_217 : memref<10000x128xf32, #tpu.memory_space<hbm>>) target(%arg11 : memref<100x128xf32, #tpu.memory_space<vmem>>) offsets(%dma_start3A_214 : memref<100xi32, #tpu.memory_space<vmem>>) semaphore(%arg14 : memref<!tpu.dma_semaphore, #tpu.memory_space<semaphore_mem>>)
      "tpu.region"() ({
        %run_scoped3A = tpu.sem_alloc : memref<!tpu.dma_semaphore, #tpu.memory_space<semaphore_mem>>
        %dma_start3A_228 = arith.constant 0 : i32
        %dma_start3A_229 = tpu.memref_slice %arg8[%mul3A_204, %dma_start3A_228] : memref<100x100xi32, #tpu.memory_space<vmem>> -> memref<1x100xi32, #tpu.memory_space<vmem>>
        %dma_start3A_230 = tpu.memref_squeeze %dma_start3A_229 : memref<1x100xi32, #tpu.memory_space<vmem>> -> memref<100xi32, #tpu.memory_space<vmem>>
        %dma_start3A_231 = arith.constant 0 : i32
        %dma_start3A_232 = arith.constant 0 : i32
        %dma_start3A_233 = tpu.memref_slice %arg12[%dma_start3A_231, %dma_start3A_232] : memref<10240x128xf32, #tpu.memory_space<vmem_shared>> -> memref<10240x128xf32, #tpu.memory_space<vmem_shared>>
        tpu.enqueue_indirect_dma source(%arg10 : memref<100x128xf32, #tpu.memory_space<vmem>>) target(%dma_start3A_233 : memref<10240x128xf32, #tpu.memory_space<vmem_shared>>) offsets(%dma_start3A_230 : memref<100xi32, #tpu.memory_space<vmem>>) semaphore(%run_scoped3A : memref<!tpu.dma_semaphore, #tpu.memory_space<semaphore_mem>>) {add = true}
        %dma_wait3A_234 = arith.constant 0 : i32
        %dma_wait3A_235 = tpu.memref_slice %arg8[%mul3A_204, %dma_wait3A_234] : memref<100x100xi32, #tpu.memory_space<vmem>> -> memref<1x100xi32, #tpu.memory_space<vmem>>
        %dma_wait3A_236 = tpu.memref_squeeze %dma_wait3A_235 : memref<1x100xi32, #tpu.memory_space<vmem>> -> memref<100xi32, #tpu.memory_space<vmem>>
        %dma_wait3A_237 = arith.constant 0 : i32
        %dma_wait3A_238 = arith.constant 0 : i32
        %dma_wait3A_239 = tpu.memref_slice %arg12[%dma_wait3A_237, %dma_wait3A_238] : memref<10240x128xf32, #tpu.memory_space<vmem_shared>> -> memref<10240x128xf32, #tpu.memory_space<vmem_shared>>
        tpu.wait_indirect_dma semaphore(%run_scoped3A : memref<!tpu.dma_semaphore, #tpu.memory_space<semaphore_mem>>) src(%arg10 : memref<100x128xf32, #tpu.memory_space<vmem>>) dst(%dma_wait3A_239 : memref<10240x128xf32, #tpu.memory_space<vmem_shared>>)
        tpu.yield
      }) : () -> ()
      %dma_wait3A_218 = arith.constant 0 : i32
      %dma_wait3A_219 = tpu.memref_slice %arg9[%add3A_206, %dma_wait3A_218] : memref<100x100xi32, #tpu.memory_space<vmem>> -> memref<1x100xi32, #tpu.memory_space<vmem>>
      %dma_wait3A_220 = tpu.memref_squeeze %dma_wait3A_219 : memref<1x100xi32, #tpu.memory_space<vmem>> -> memref<100xi32, #tpu.memory_space<vmem>>
      %dma_wait3A_221 = arith.constant 0 : i32
      %dma_wait3A_222 = arith.constant 0 : i32
      %dma_wait3A_223 = tpu.memref_slice %arg4[%dma_wait3A_221, %dma_wait3A_222] : memref<10000x128xf32, #tpu.memory_space<hbm>> -> memref<10000x128xf32, #tpu.memory_space<hbm>>
      tpu.wait_indirect_dma semaphore(%arg14 : memref<!tpu.dma_semaphore, #tpu.memory_space<semaphore_mem>>) src(%dma_wait3A_223 : memref<10000x128xf32, #tpu.memory_space<hbm>>) dst(%arg11 : memref<100x128xf32, #tpu.memory_space<vmem>>)
      %add3A_224 = arith.constant 1 : i32
      %add3A_225 = arith.addi %add3A_206, %add3A_224 : i32
      %lt3A = arith.constant 100 : i32
      %lt3A_226 = arith.cmpi slt, %add3A_225, %lt3A : i32
      %convert_element_type3A = arith.extui %lt3A_226 : i1 to i32
      %cond3A = arith.constant 0 : i32
      %cond3A_227 = arith.cmpi ne, %convert_element_type3A, %cond3A : i32
      scf.if %cond3A_227 {
        %add3A_228 = arith.constant 1 : i32
        %add3A_229 = arith.addi %add3A_206, %add3A_228 : i32
        %dma_start3A_230 = arith.constant 0 : i32
        %dma_start3A_231 = tpu.memref_slice %arg9[%add3A_229, %dma_start3A_230] : memref<100x100xi32, #tpu.memory_space<vmem>> -> memref<1x100xi32, #tpu.memory_space<vmem>>
        %dma_start3A_232 = tpu.memref_squeeze %dma_start3A_231 : memref<1x100xi32, #tpu.memory_space<vmem>> -> memref<100xi32, #tpu.memory_space<vmem>>
        %dma_start3A_233 = arith.constant 0 : i32
        %dma_start3A_234 = arith.constant 0 : i32
        %dma_start3A_235 = tpu.memref_slice %arg4[%dma_start3A_233, %dma_start3A_234] : memref<10000x128xf32, #tpu.memory_space<hbm>> -> memref<10000x128xf32, #tpu.memory_space<hbm>>
        tpu.enqueue_indirect_dma source(%dma_start3A_235 : memref<10000x128xf32, #tpu.memory_space<hbm>>) target(%arg10 : memref<100x128xf32, #tpu.memory_space<vmem>>) offsets(%dma_start3A_232 : memref<100xi32, #tpu.memory_space<vmem>>) semaphore(%arg13 : memref<!tpu.dma_semaphore, #tpu.memory_space<semaphore_mem>>)
      } else {
      }
      "tpu.region"() ({
        %run_scoped3A = tpu.sem_alloc : memref<!tpu.dma_semaphore, #tpu.memory_space<semaphore_mem>>
        %dma_start3A_228 = arith.constant 0 : i32
        %dma_start3A_229 = tpu.memref_slice %arg8[%add3A_206, %dma_start3A_228] : memref<100x100xi32, #tpu.memory_space<vmem>> -> memref<1x100xi32, #tpu.memory_space<vmem>>
        %dma_start3A_230 = tpu.memref_squeeze %dma_start3A_229 : memref<1x100xi32, #tpu.memory_space<vmem>> -> memref<100xi32, #tpu.memory_space<vmem>>
        %dma_start3A_231 = arith.constant 0 : i32
        %dma_start3A_232 = arith.constant 0 : i32
        %dma_start3A_233 = tpu.memref_slice %arg12[%dma_start3A_231, %dma_start3A_232] : memref<10240x128xf32, #tpu.memory_space<vmem_shared>> -> memref<10240x128xf32, #tpu.memory_space<vmem_shared>>
        tpu.enqueue_indirect_dma source(%arg11 : memref<100x128xf32, #tpu.memory_space<vmem>>) target(%dma_start3A_233 : memref<10240x128xf32, #tpu.memory_space<vmem_shared>>) offsets(%dma_start3A_230 : memref<100xi32, #tpu.memory_space<vmem>>) semaphore(%run_scoped3A : memref<!tpu.dma_semaphore, #tpu.memory_space<semaphore_mem>>) {add = true}
        %dma_wait3A_234 = arith.constant 0 : i32
        %dma_wait3A_235 = tpu.memref_slice %arg8[%add3A_206, %dma_wait3A_234] : memref<100x100xi32, #tpu.memory_space<vmem>> -> memref<1x100xi32, #tpu.memory_space<vmem>>
        %dma_wait3A_236 = tpu.memref_squeeze %dma_wait3A_235 : memref<1x100xi32, #tpu.memory_space<vmem>> -> memref<100xi32, #tpu.memory_space<vmem>>
        %dma_wait3A_237 = arith.constant 0 : i32
        %dma_wait3A_238 = arith.constant 0 : i32
        %dma_wait3A_239 = tpu.memref_slice %arg12[%dma_wait3A_237, %dma_wait3A_238] : memref<10240x128xf32, #tpu.memory_space<vmem_shared>> -> memref<10240x128xf32, #tpu.memory_space<vmem_shared>>
        tpu.wait_indirect_dma semaphore(%run_scoped3A : memref<!tpu.dma_semaphore, #tpu.memory_space<semaphore_mem>>) src(%arg11 : memref<100x128xf32, #tpu.memory_space<vmem>>) dst(%dma_wait3A_239 : memref<10240x128xf32, #tpu.memory_space<vmem_shared>>)
        tpu.yield
      }) : () -> ()
    }
    %scan3A_57 = arith.constant 50 : i32
    %barrier3A_58 = arith.constant 0 : index
    tpu.barrier barrier_id(%barrier3A_58)
    %mul3A_59 = arith.constant 640 : i32
    %mul3A_60 = arith.muli %arg1, %mul3A_59 : i32
    %add3A_61 = arith.constant 0 : i32
    %add3A_62 = arith.addi %mul3A_60, %add3A_61 : i32
    "tpu.region"() ({
      %run_scoped3A = tpu.sem_alloc : memref<!tpu.dma_semaphore, #tpu.memory_space<semaphore_mem>>
      %dma_start3A_202 = arith.constant 0 : i32
      %dma_start3A_203 = arith.constant 0 : i32
      %dma_start3A_204 = tpu.memref_slice %arg11[%dma_start3A_202, %dma_start3A_203] : memref<100x128xf32, #tpu.memory_space<vmem>> -> memref<64x128xf32, #tpu.memory_space<vmem>>
      %dma_start3A_205 = arith.constant 0 : i32
      %dma_start3A_206 = tpu.memref_slice %arg12[%add3A_62, %dma_start3A_205] : memref<10240x128xf32, #tpu.memory_space<vmem_shared>> -> memref<64x128xf32, #tpu.memory_space<vmem_shared>>
      %dma_start3A_207 = arith.constant 0 : i32
      %dma_start3A_208 = arith.constant 0 : i32
      %dma_start3A_209 = tpu.memref_slice %arg11[%dma_start3A_207, %dma_start3A_208] : memref<100x128xf32, #tpu.memory_space<vmem>> -> memref<64x128xf32, #tpu.memory_space<vmem>>
      %dma_start3A_210 = arith.constant 0 : i32
      %dma_start3A_211 = tpu.memref_slice %arg12[%add3A_62, %dma_start3A_210] : memref<10240x128xf32, #tpu.memory_space<vmem_shared>> -> memref<64x128xf32, #tpu.memory_space<vmem_shared>>
      tpu.enqueue_dma source(%dma_start3A_211 : memref<64x128xf32, #tpu.memory_space<vmem_shared>>) target(%dma_start3A_209 : memref<64x128xf32, #tpu.memory_space<vmem>>) target_semaphore(%run_scoped3A : memref<!tpu.dma_semaphore, #tpu.memory_space<semaphore_mem>>)
      %dma_wait3A = arith.constant 0 : i32
      %dma_wait3A_212 = arith.constant 0 : i32
      %dma_wait3A_213 = tpu.memref_slice %arg11[%dma_wait3A, %dma_wait3A_212] : memref<100x128xf32, #tpu.memory_space<vmem>> -> memref<64x128xf32, #tpu.memory_space<vmem>>
      %dma_wait3A_214 = arith.constant 0 : i32
      %dma_wait3A_215 = tpu.memref_slice %arg12[%add3A_62, %dma_wait3A_214] : memref<10240x128xf32, #tpu.memory_space<vmem_shared>> -> memref<64x128xf32, #tpu.memory_space<vmem_shared>>
      %dma_wait3A_216 = arith.constant 0 : i32
      %dma_wait3A_217 = arith.constant 0 : i32
      %dma_wait3A_218 = tpu.memref_slice %arg11[%dma_wait3A_216, %dma_wait3A_217] : memref<100x128xf32, #tpu.memory_space<vmem>> -> memref<64x128xf32, #tpu.memory_space<vmem>>
      %dma_wait3A_219 = arith.constant 0 : i32
      %dma_wait3A_220 = tpu.memref_slice %arg12[%add3A_62, %dma_wait3A_219] : memref<10240x128xf32, #tpu.memory_space<vmem_shared>> -> memref<64x128xf32, #tpu.memory_space<vmem_shared>>
      tpu.wait_dma2 semaphore(%run_scoped3A : memref<!tpu.dma_semaphore, #tpu.memory_space<semaphore_mem>>) src(%dma_wait3A_220 : memref<64x128xf32, #tpu.memory_space<vmem_shared>>) dst(%dma_wait3A_218 : memref<64x128xf32, #tpu.memory_space<vmem>>)
      tpu.yield
    }) : () -> ()
    "tpu.region"() ({
      %run_scoped3A = tpu.sem_alloc : memref<!tpu.dma_semaphore, #tpu.memory_space<semaphore_mem>>
      %dma_start3A_202 = arith.constant 0 : i32
      %dma_start3A_203 = arith.constant 0 : i32
      %dma_start3A_204 = tpu.memref_slice %arg11[%dma_start3A_202, %dma_start3A_203] : memref<100x128xf32, #tpu.memory_space<vmem>> -> memref<64x128xf32, #tpu.memory_space<vmem>>
      %dma_start3A_205 = arith.constant 0 : i32
      %dma_start3A_206 = tpu.memref_slice %arg6[%arg0, %add3A_62, %dma_start3A_205] : memref<2x10240x128xf32, #tpu.memory_space<hbm>> -> memref<1x64x128xf32, #tpu.memory_space<hbm>>
      %dma_start3A_207 = tpu.memref_squeeze %dma_start3A_206 : memref<1x64x128xf32, #tpu.memory_space<hbm>> -> memref<64x128xf32, #tpu.memory_space<hbm>>
      %dma_start3A_208 = arith.constant 0 : i32
      %dma_start3A_209 = tpu.memref_slice %arg6[%arg0, %add3A_62, %dma_start3A_208] : memref<2x10240x128xf32, #tpu.memory_space<hbm>> -> memref<1x64x128xf32, #tpu.memory_space<hbm>>
      %dma_start3A_210 = tpu.memref_squeeze %dma_start3A_209 : memref<1x64x128xf32, #tpu.memory_space<hbm>> -> memref<64x128xf32, #tpu.memory_space<hbm>>
      %dma_start3A_211 = arith.constant 0 : i32
      %dma_start3A_212 = arith.constant 0 : i32
      %dma_start3A_213 = tpu.memref_slice %arg11[%dma_start3A_211, %dma_start3A_212] : memref<100x128xf32, #tpu.memory_space<vmem>> -> memref<64x128xf32, #tpu.memory_space<vmem>>
      tpu.enqueue_dma source(%dma_start3A_213 : memref<64x128xf32, #tpu.memory_space<vmem>>) target(%dma_start3A_210 : memref<64x128xf32, #tpu.memory_space<hbm>>) target_semaphore(%run_scoped3A : memref<!tpu.dma_semaphore, #tpu.memory_space<semaphore_mem>>)
      %dma_wait3A = arith.constant 0 : i32
      %dma_wait3A_214 = arith.constant 0 : i32
      %dma_wait3A_215 = tpu.memref_slice %arg11[%dma_wait3A, %dma_wait3A_214] : memref<100x128xf32, #tpu.memory_space<vmem>> -> memref<64x128xf32, #tpu.memory_space<vmem>>
      %dma_wait3A_216 = arith.constant 0 : i32
      %dma_wait3A_217 = tpu.memref_slice %arg6[%arg0, %add3A_62, %dma_wait3A_216] : memref<2x10240x128xf32, #tpu.memory_space<hbm>> -> memref<1x64x128xf32, #tpu.memory_space<hbm>>
      %dma_wait3A_218 = tpu.memref_squeeze %dma_wait3A_217 : memref<1x64x128xf32, #tpu.memory_space<hbm>> -> memref<64x128xf32, #tpu.memory_space<hbm>>
      %dma_wait3A_219 = arith.constant 0 : i32
      %dma_wait3A_220 = tpu.memref_slice %arg6[%arg0, %add3A_62, %dma_wait3A_219] : memref<2x10240x128xf32, #tpu.memory_space<hbm>> -> memref<1x64x128xf32, #tpu.memory_space<hbm>>
      %dma_wait3A_221 = tpu.memref_squeeze %dma_wait3A_220 : memref<1x64x128xf32, #tpu.memory_space<hbm>> -> memref<64x128xf32, #tpu.memory_space<hbm>>
      %dma_wait3A_222 = arith.constant 0 : i32
      %dma_wait3A_223 = arith.constant 0 : i32
      %dma_wait3A_224 = tpu.memref_slice %arg11[%dma_wait3A_222, %dma_wait3A_223] : memref<100x128xf32, #tpu.memory_space<vmem>> -> memref<64x128xf32, #tpu.memory_space<vmem>>
      tpu.wait_dma2 semaphore(%run_scoped3A : memref<!tpu.dma_semaphore, #tpu.memory_space<semaphore_mem>>) src(%dma_wait3A_224 : memref<64x128xf32, #tpu.memory_space<vmem>>) dst(%dma_wait3A_221 : memref<64x128xf32, #tpu.memory_space<hbm>>)
      tpu.yield
    }) : () -> ()
    %mul3A_63 = arith.constant 640 : i32
    %mul3A_64 = arith.muli %arg1, %mul3A_63 : i32
    %add3A_65 = arith.constant 64 : i32
    %add3A_66 = arith.addi %mul3A_64, %add3A_65 : i32
    "tpu.region"() ({
      %run_scoped3A = tpu.sem_alloc : memref<!tpu.dma_semaphore, #tpu.memory_space<semaphore_mem>>
      %dma_start3A_202 = arith.constant 0 : i32
      %dma_start3A_203 = arith.constant 0 : i32
      %dma_start3A_204 = tpu.memref_slice %arg11[%dma_start3A_202, %dma_start3A_203] : memref<100x128xf32, #tpu.memory_space<vmem>> -> memref<64x128xf32, #tpu.memory_space<vmem>>
      %dma_start3A_205 = arith.constant 0 : i32
      %dma_start3A_206 = tpu.memref_slice %arg12[%add3A_66, %dma_start3A_205] : memref<10240x128xf32, #tpu.memory_space<vmem_shared>> -> memref<64x128xf32, #tpu.memory_space<vmem_shared>>
      %dma_start3A_207 = arith.constant 0 : i32
      %dma_start3A_208 = arith.constant 0 : i32
      %dma_start3A_209 = tpu.memref_slice %arg11[%dma_start3A_207, %dma_start3A_208] : memref<100x128xf32, #tpu.memory_space<vmem>> -> memref<64x128xf32, #tpu.memory_space<vmem>>
      %dma_start3A_210 = arith.constant 0 : i32
      %dma_start3A_211 = tpu.memref_slice %arg12[%add3A_66, %dma_start3A_210] : memref<10240x128xf32, #tpu.memory_space<vmem_shared>> -> memref<64x128xf32, #tpu.memory_space<vmem_shared>>
      tpu.enqueue_dma source(%dma_start3A_211 : memref<64x128xf32, #tpu.memory_space<vmem_shared>>) target(%dma_start3A_209 : memref<64x128xf32, #tpu.memory_space<vmem>>) target_semaphore(%run_scoped3A : memref<!tpu.dma_semaphore, #tpu.memory_space<semaphore_mem>>)
      %dma_wait3A = arith.constant 0 : i32
      %dma_wait3A_212 = arith.constant 0 : i32
      %dma_wait3A_213 = tpu.memref_slice %arg11[%dma_wait3A, %dma_wait3A_212] : memref<100x128xf32, #tpu.memory_space<vmem>> -> memref<64x128xf32, #tpu.memory_space<vmem>>
      %dma_wait3A_214 = arith.constant 0 : i32
      %dma_wait3A_215 = tpu.memref_slice %arg12[%add3A_66, %dma_wait3A_214] : memref<10240x128xf32, #tpu.memory_space<vmem_shared>> -> memref<64x128xf32, #tpu.memory_space<vmem_shared>>
      %dma_wait3A_216 = arith.constant 0 : i32
      %dma_wait3A_217 = arith.constant 0 : i32
      %dma_wait3A_218 = tpu.memref_slice %arg11[%dma_wait3A_216, %dma_wait3A_217] : memref<100x128xf32, #tpu.memory_space<vmem>> -> memref<64x128xf32, #tpu.memory_space<vmem>>
      %dma_wait3A_219 = arith.constant 0 : i32
      %dma_wait3A_220 = tpu.memref_slice %arg12[%add3A_66, %dma_wait3A_219] : memref<10240x128xf32, #tpu.memory_space<vmem_shared>> -> memref<64x128xf32, #tpu.memory_space<vmem_shared>>
      tpu.wait_dma2 semaphore(%run_scoped3A : memref<!tpu.dma_semaphore, #tpu.memory_space<semaphore_mem>>) src(%dma_wait3A_220 : memref<64x128xf32, #tpu.memory_space<vmem_shared>>) dst(%dma_wait3A_218 : memref<64x128xf32, #tpu.memory_space<vmem>>)
      tpu.yield
    }) : () -> ()
    "tpu.region"() ({
      %run_scoped3A = tpu.sem_alloc : memref<!tpu.dma_semaphore, #tpu.memory_space<semaphore_mem>>
      %dma_start3A_202 = arith.constant 0 : i32
      %dma_start3A_203 = arith.constant 0 : i32
      %dma_start3A_204 = tpu.memref_slice %arg11[%dma_start3A_202, %dma_start3A_203] : memref<100x128xf32, #tpu.memory_space<vmem>> -> memref<64x128xf32, #tpu.memory_space<vmem>>
      %dma_start3A_205 = arith.constant 0 : i32
      %dma_start3A_206 = tpu.memref_slice %arg6[%arg0, %add3A_66, %dma_start3A_205] : memref<2x10240x128xf32, #tpu.memory_space<hbm>> -> memref<1x64x128xf32, #tpu.memory_space<hbm>>
      %dma_start3A_207 = tpu.memref_squeeze %dma_start3A_206 : memref<1x64x128xf32, #tpu.memory_space<hbm>> -> memref<64x128xf32, #tpu.memory_space<hbm>>
      %dma_start3A_208 = arith.constant 0 : i32
      %dma_start3A_209 = tpu.memref_slice %arg6[%arg0, %add3A_66, %dma_start3A_208] : memref<2x10240x128xf32, #tpu.memory_space<hbm>> -> memref<1x64x128xf32, #tpu.memory_space<hbm>>
      %dma_start3A_210 = tpu.memref_squeeze %dma_start3A_209 : memref<1x64x128xf32, #tpu.memory_space<hbm>> -> memref<64x128xf32, #tpu.memory_space<hbm>>
      %dma_start3A_211 = arith.constant 0 : i32
      %dma_start3A_212 = arith.constant 0 : i32
      %dma_start3A_213 = tpu.memref_slice %arg11[%dma_start3A_211, %dma_start3A_212] : memref<100x128xf32, #tpu.memory_space<vmem>> -> memref<64x128xf32, #tpu.memory_space<vmem>>
      tpu.enqueue_dma source(%dma_start3A_213 : memref<64x128xf32, #tpu.memory_space<vmem>>) target(%dma_start3A_210 : memref<64x128xf32, #tpu.memory_space<hbm>>) target_semaphore(%run_scoped3A : memref<!tpu.dma_semaphore, #tpu.memory_space<semaphore_mem>>)
      %dma_wait3A = arith.constant 0 : i32
      %dma_wait3A_214 = arith.constant 0 : i32
      %dma_wait3A_215 = tpu.memref_slice %arg11[%dma_wait3A, %dma_wait3A_214] : memref<100x128xf32, #tpu.memory_space<vmem>> -> memref<64x128xf32, #tpu.memory_space<vmem>>
      %dma_wait3A_216 = arith.constant 0 : i32
      %dma_wait3A_217 = tpu.memref_slice %arg6[%arg0, %add3A_66, %dma_wait3A_216] : memref<2x10240x128xf32, #tpu.memory_space<hbm>> -> memref<1x64x128xf32, #tpu.memory_space<hbm>>
      %dma_wait3A_218 = tpu.memref_squeeze %dma_wait3A_217 : memref<1x64x128xf32, #tpu.memory_space<hbm>> -> memref<64x128xf32, #tpu.memory_space<hbm>>
      %dma_wait3A_219 = arith.constant 0 : i32
      %dma_wait3A_220 = tpu.memref_slice %arg6[%arg0, %add3A_66, %dma_wait3A_219] : memref<2x10240x128xf32, #tpu.memory_space<hbm>> -> memref<1x64x128xf32, #tpu.memory_space<hbm>>
      %dma_wait3A_221 = tpu.memref_squeeze %dma_wait3A_220 : memref<1x64x128xf32, #tpu.memory_space<hbm>> -> memref<64x128xf32, #tpu.memory_space<hbm>>
      %dma_wait3A_222 = arith.constant 0 : i32
      %dma_wait3A_223 = arith.constant 0 : i32
      %dma_wait3A_224 = tpu.memref_slice %arg11[%dma_wait3A_222, %dma_wait3A_223] : memref<100x128xf32, #tpu.memory_space<vmem>> -> memref<64x128xf32, #tpu.memory_space<vmem>>
      tpu.wait_dma2 semaphore(%run_scoped3A : memref<!tpu.dma_semaphore, #tpu.memory_space<semaphore_mem>>) src(%dma_wait3A_224 : memref<64x128xf32, #tpu.memory_space<vmem>>) dst(%dma_wait3A_221 : memref<64x128xf32, #tpu.memory_space<hbm>>)
      tpu.yield
    }) : () -> ()
    %mul3A_67 = arith.constant 640 : i32
    %mul3A_68 = arith.muli %arg1, %mul3A_67 : i32
    %add3A_69 = arith.constant 128 : i32
    %add3A_70 = arith.addi %mul3A_68, %add3A_69 : i32
    "tpu.region"() ({
      %run_scoped3A = tpu.sem_alloc : memref<!tpu.dma_semaphore, #tpu.memory_space<semaphore_mem>>
      %dma_start3A_202 = arith.constant 0 : i32
      %dma_start3A_203 = arith.constant 0 : i32
      %dma_start3A_204 = tpu.memref_slice %arg11[%dma_start3A_202, %dma_start3A_203] : memref<100x128xf32, #tpu.memory_space<vmem>> -> memref<64x128xf32, #tpu.memory_space<vmem>>
      %dma_start3A_205 = arith.constant 0 : i32
      %dma_start3A_206 = tpu.memref_slice %arg12[%add3A_70, %dma_start3A_205] : memref<10240x128xf32, #tpu.memory_space<vmem_shared>> -> memref<64x128xf32, #tpu.memory_space<vmem_shared>>
      %dma_start3A_207 = arith.constant 0 : i32
      %dma_start3A_208 = arith.constant 0 : i32
      %dma_start3A_209 = tpu.memref_slice %arg11[%dma_start3A_207, %dma_start3A_208] : memref<100x128xf32, #tpu.memory_space<vmem>> -> memref<64x128xf32, #tpu.memory_space<vmem>>
      %dma_start3A_210 = arith.constant 0 : i32
      %dma_start3A_211 = tpu.memref_slice %arg12[%add3A_70, %dma_start3A_210] : memref<10240x128xf32, #tpu.memory_space<vmem_shared>> -> memref<64x128xf32, #tpu.memory_space<vmem_shared>>
      tpu.enqueue_dma source(%dma_start3A_211 : memref<64x128xf32, #tpu.memory_space<vmem_shared>>) target(%dma_start3A_209 : memref<64x128xf32, #tpu.memory_space<vmem>>) target_semaphore(%run_scoped3A : memref<!tpu.dma_semaphore, #tpu.memory_space<semaphore_mem>>)
      %dma_wait3A = arith.constant 0 : i32
      %dma_wait3A_212 = arith.constant 0 : i32
      %dma_wait3A_213 = tpu.memref_slice %arg11[%dma_wait3A, %dma_wait3A_212] : memref<100x128xf32, #tpu.memory_space<vmem>> -> memref<64x128xf32, #tpu.memory_space<vmem>>
      %dma_wait3A_214 = arith.constant 0 : i32
      %dma_wait3A_215 = tpu.memref_slice %arg12[%add3A_70, %dma_wait3A_214] : memref<10240x128xf32, #tpu.memory_space<vmem_shared>> -> memref<64x128xf32, #tpu.memory_space<vmem_shared>>
      %dma_wait3A_216 = arith.constant 0 : i32
      %dma_wait3A_217 = arith.constant 0 : i32
      %dma_wait3A_218 = tpu.memref_slice %arg11[%dma_wait3A_216, %dma_wait3A_217] : memref<100x128xf32, #tpu.memory_space<vmem>> -> memref<64x128xf32, #tpu.memory_space<vmem>>
      %dma_wait3A_219 = arith.constant 0 : i32
      %dma_wait3A_220 = tpu.memref_slice %arg12[%add3A_70, %dma_wait3A_219] : memref<10240x128xf32, #tpu.memory_space<vmem_shared>> -> memref<64x128xf32, #tpu.memory_space<vmem_shared>>
      tpu.wait_dma2 semaphore(%run_scoped3A : memref<!tpu.dma_semaphore, #tpu.memory_space<semaphore_mem>>) src(%dma_wait3A_220 : memref<64x128xf32, #tpu.memory_space<vmem_shared>>) dst(%dma_wait3A_218 : memref<64x128xf32, #tpu.memory_space<vmem>>)
      tpu.yield
    }) : () -> ()
    "tpu.region"() ({
      %run_scoped3A = tpu.sem_alloc : memref<!tpu.dma_semaphore, #tpu.memory_space<semaphore_mem>>
      %dma_start3A_202 = arith.constant 0 : i32
      %dma_start3A_203 = arith.constant 0 : i32
      %dma_start3A_204 = tpu.memref_slice %arg11[%dma_start3A_202, %dma_start3A_203] : memref<100x128xf32, #tpu.memory_space<vmem>> -> memref<64x128xf32, #tpu.memory_space<vmem>>
      %dma_start3A_205 = arith.constant 0 : i32
      %dma_start3A_206 = tpu.memref_slice %arg6[%arg0, %add3A_70, %dma_start3A_205] : memref<2x10240x128xf32, #tpu.memory_space<hbm>> -> memref<1x64x128xf32, #tpu.memory_space<hbm>>
      %dma_start3A_207 = tpu.memref_squeeze %dma_start3A_206 : memref<1x64x128xf32, #tpu.memory_space<hbm>> -> memref<64x128xf32, #tpu.memory_space<hbm>>
      %dma_start3A_208 = arith.constant 0 : i32
      %dma_start3A_209 = tpu.memref_slice %arg6[%arg0, %add3A_70, %dma_start3A_208] : memref<2x10240x128xf32, #tpu.memory_space<hbm>> -> memref<1x64x128xf32, #tpu.memory_space<hbm>>
      %dma_start3A_210 = tpu.memref_squeeze %dma_start3A_209 : memref<1x64x128xf32, #tpu.memory_space<hbm>> -> memref<64x128xf32, #tpu.memory_space<hbm>>
      %dma_start3A_211 = arith.constant 0 : i32
      %dma_start3A_212 = arith.constant 0 : i32
      %dma_start3A_213 = tpu.memref_slice %arg11[%dma_start3A_211, %dma_start3A_212] : memref<100x128xf32, #tpu.memory_space<vmem>> -> memref<64x128xf32, #tpu.memory_space<vmem>>
      tpu.enqueue_dma source(%dma_start3A_213 : memref<64x128xf32, #tpu.memory_space<vmem>>) target(%dma_start3A_210 : memref<64x128xf32, #tpu.memory_space<hbm>>) target_semaphore(%run_scoped3A : memref<!tpu.dma_semaphore, #tpu.memory_space<semaphore_mem>>)
      %dma_wait3A = arith.constant 0 : i32
      %dma_wait3A_214 = arith.constant 0 : i32
      %dma_wait3A_215 = tpu.memref_slice %arg11[%dma_wait3A, %dma_wait3A_214] : memref<100x128xf32, #tpu.memory_space<vmem>> -> memref<64x128xf32, #tpu.memory_space<vmem>>
      %dma_wait3A_216 = arith.constant 0 : i32
      %dma_wait3A_217 = tpu.memref_slice %arg6[%arg0, %add3A_70, %dma_wait3A_216] : memref<2x10240x128xf32, #tpu.memory_space<hbm>> -> memref<1x64x128xf32, #tpu.memory_space<hbm>>
      %dma_wait3A_218 = tpu.memref_squeeze %dma_wait3A_217 : memref<1x64x128xf32, #tpu.memory_space<hbm>> -> memref<64x128xf32, #tpu.memory_space<hbm>>
      %dma_wait3A_219 = arith.constant 0 : i32
      %dma_wait3A_220 = tpu.memref_slice %arg6[%arg0, %add3A_70, %dma_wait3A_219] : memref<2x10240x128xf32, #tpu.memory_space<hbm>> -> memref<1x64x128xf32, #tpu.memory_space<hbm>>
      %dma_wait3A_221 = tpu.memref_squeeze %dma_wait3A_220 : memref<1x64x128xf32, #tpu.memory_space<hbm>> -> memref<64x128xf32, #tpu.memory_space<hbm>>
      %dma_wait3A_222 = arith.constant 0 : i32
      %dma_wait3A_223 = arith.constant 0 : i32
      %dma_wait3A_224 = tpu.memref_slice %arg11[%dma_wait3A_222, %dma_wait3A_223] : memref<100x128xf32, #tpu.memory_space<vmem>> -> memref<64x128xf32, #tpu.memory_space<vmem>>
      tpu.wait_dma2 semaphore(%run_scoped3A : memref<!tpu.dma_semaphore, #tpu.memory_space<semaphore_mem>>) src(%dma_wait3A_224 : memref<64x128xf32, #tpu.memory_space<vmem>>) dst(%dma_wait3A_221 : memref<64x128xf32, #tpu.memory_space<hbm>>)
      tpu.yield
    }) : () -> ()
    %mul3A_71 = arith.constant 640 : i32
    %mul3A_72 = arith.muli %arg1, %mul3A_71 : i32
    %add3A_73 = arith.constant 192 : i32
    %add3A_74 = arith.addi %mul3A_72, %add3A_73 : i32
    "tpu.region"() ({
      %run_scoped3A = tpu.sem_alloc : memref<!tpu.dma_semaphore, #tpu.memory_space<semaphore_mem>>
      %dma_start3A_202 = arith.constant 0 : i32
      %dma_start3A_203 = arith.constant 0 : i32
      %dma_start3A_204 = tpu.memref_slice %arg11[%dma_start3A_202, %dma_start3A_203] : memref<100x128xf32, #tpu.memory_space<vmem>> -> memref<64x128xf32, #tpu.memory_space<vmem>>
      %dma_start3A_205 = arith.constant 0 : i32
      %dma_start3A_206 = tpu.memref_slice %arg12[%add3A_74, %dma_start3A_205] : memref<10240x128xf32, #tpu.memory_space<vmem_shared>> -> memref<64x128xf32, #tpu.memory_space<vmem_shared>>
      %dma_start3A_207 = arith.constant 0 : i32
      %dma_start3A_208 = arith.constant 0 : i32
      %dma_start3A_209 = tpu.memref_slice %arg11[%dma_start3A_207, %dma_start3A_208] : memref<100x128xf32, #tpu.memory_space<vmem>> -> memref<64x128xf32, #tpu.memory_space<vmem>>
      %dma_start3A_210 = arith.constant 0 : i32
      %dma_start3A_211 = tpu.memref_slice %arg12[%add3A_74, %dma_start3A_210] : memref<10240x128xf32, #tpu.memory_space<vmem_shared>> -> memref<64x128xf32, #tpu.memory_space<vmem_shared>>
      tpu.enqueue_dma source(%dma_start3A_211 : memref<64x128xf32, #tpu.memory_space<vmem_shared>>) target(%dma_start3A_209 : memref<64x128xf32, #tpu.memory_space<vmem>>) target_semaphore(%run_scoped3A : memref<!tpu.dma_semaphore, #tpu.memory_space<semaphore_mem>>)
      %dma_wait3A = arith.constant 0 : i32
      %dma_wait3A_212 = arith.constant 0 : i32
      %dma_wait3A_213 = tpu.memref_slice %arg11[%dma_wait3A, %dma_wait3A_212] : memref<100x128xf32, #tpu.memory_space<vmem>> -> memref<64x128xf32, #tpu.memory_space<vmem>>
      %dma_wait3A_214 = arith.constant 0 : i32
      %dma_wait3A_215 = tpu.memref_slice %arg12[%add3A_74, %dma_wait3A_214] : memref<10240x128xf32, #tpu.memory_space<vmem_shared>> -> memref<64x128xf32, #tpu.memory_space<vmem_shared>>
      %dma_wait3A_216 = arith.constant 0 : i32
      %dma_wait3A_217 = arith.constant 0 : i32
      %dma_wait3A_218 = tpu.memref_slice %arg11[%dma_wait3A_216, %dma_wait3A_217] : memref<100x128xf32, #tpu.memory_space<vmem>> -> memref<64x128xf32, #tpu.memory_space<vmem>>
      %dma_wait3A_219 = arith.constant 0 : i32
      %dma_wait3A_220 = tpu.memref_slice %arg12[%add3A_74, %dma_wait3A_219] : memref<10240x128xf32, #tpu.memory_space<vmem_shared>> -> memref<64x128xf32, #tpu.memory_space<vmem_shared>>
      tpu.wait_dma2 semaphore(%run_scoped3A : memref<!tpu.dma_semaphore, #tpu.memory_space<semaphore_mem>>) src(%dma_wait3A_220 : memref<64x128xf32, #tpu.memory_space<vmem_shared>>) dst(%dma_wait3A_218 : memref<64x128xf32, #tpu.memory_space<vmem>>)
      tpu.yield
    }) : () -> ()
    "tpu.region"() ({
      %run_scoped3A = tpu.sem_alloc : memref<!tpu.dma_semaphore, #tpu.memory_space<semaphore_mem>>
      %dma_start3A_202 = arith.constant 0 : i32
      %dma_start3A_203 = arith.constant 0 : i32
      %dma_start3A_204 = tpu.memref_slice %arg11[%dma_start3A_202, %dma_start3A_203] : memref<100x128xf32, #tpu.memory_space<vmem>> -> memref<64x128xf32, #tpu.memory_space<vmem>>
      %dma_start3A_205 = arith.constant 0 : i32
      %dma_start3A_206 = tpu.memref_slice %arg6[%arg0, %add3A_74, %dma_start3A_205] : memref<2x10240x128xf32, #tpu.memory_space<hbm>> -> memref<1x64x128xf32, #tpu.memory_space<hbm>>
      %dma_start3A_207 = tpu.memref_squeeze %dma_start3A_206 : memref<1x64x128xf32, #tpu.memory_space<hbm>> -> memref<64x128xf32, #tpu.memory_space<hbm>>
      %dma_start3A_208 = arith.constant 0 : i32
      %dma_start3A_209 = tpu.memref_slice %arg6[%arg0, %add3A_74, %dma_start3A_208] : memref<2x10240x128xf32, #tpu.memory_space<hbm>> -> memref<1x64x128xf32, #tpu.memory_space<hbm>>
      %dma_start3A_210 = tpu.memref_squeeze %dma_start3A_209 : memref<1x64x128xf32, #tpu.memory_space<hbm>> -> memref<64x128xf32, #tpu.memory_space<hbm>>
      %dma_start3A_211 = arith.constant 0 : i32
      %dma_start3A_212 = arith.constant 0 : i32
      %dma_start3A_213 = tpu.memref_slice %arg11[%dma_start3A_211, %dma_start3A_212] : memref<100x128xf32, #tpu.memory_space<vmem>> -> memref<64x128xf32, #tpu.memory_space<vmem>>
      tpu.enqueue_dma source(%dma_start3A_213 : memref<64x128xf32, #tpu.memory_space<vmem>>) target(%dma_start3A_210 : memref<64x128xf32, #tpu.memory_space<hbm>>) target_semaphore(%run_scoped3A : memref<!tpu.dma_semaphore, #tpu.memory_space<semaphore_mem>>)
      %dma_wait3A = arith.constant 0 : i32
      %dma_wait3A_214 = arith.constant 0 : i32
      %dma_wait3A_215 = tpu.memref_slice %arg11[%dma_wait3A, %dma_wait3A_214] : memref<100x128xf32, #tpu.memory_space<vmem>> -> memref<64x128xf32, #tpu.memory_space<vmem>>
      %dma_wait3A_216 = arith.constant 0 : i32
      %dma_wait3A_217 = tpu.memref_slice %arg6[%arg0, %add3A_74, %dma_wait3A_216] : memref<2x10240x128xf32, #tpu.memory_space<hbm>> -> memref<1x64x128xf32, #tpu.memory_space<hbm>>
      %dma_wait3A_218 = tpu.memref_squeeze %dma_wait3A_217 : memref<1x64x128xf32, #tpu.memory_space<hbm>> -> memref<64x128xf32, #tpu.memory_space<hbm>>
      %dma_wait3A_219 = arith.constant 0 : i32
      %dma_wait3A_220 = tpu.memref_slice %arg6[%arg0, %add3A_74, %dma_wait3A_219] : memref<2x10240x128xf32, #tpu.memory_space<hbm>> -> memref<1x64x128xf32, #tpu.memory_space<hbm>>
      %dma_wait3A_221 = tpu.memref_squeeze %dma_wait3A_220 : memref<1x64x128xf32, #tpu.memory_space<hbm>> -> memref<64x128xf32, #tpu.memory_space<hbm>>
      %dma_wait3A_222 = arith.constant 0 : i32
      %dma_wait3A_223 = arith.constant 0 : i32
      %dma_wait3A_224 = tpu.memref_slice %arg11[%dma_wait3A_222, %dma_wait3A_223] : memref<100x128xf32, #tpu.memory_space<vmem>> -> memref<64x128xf32, #tpu.memory_space<vmem>>
      tpu.wait_dma2 semaphore(%run_scoped3A : memref<!tpu.dma_semaphore, #tpu.memory_space<semaphore_mem>>) src(%dma_wait3A_224 : memref<64x128xf32, #tpu.memory_space<vmem>>) dst(%dma_wait3A_221 : memref<64x128xf32, #tpu.memory_space<hbm>>)
      tpu.yield
    }) : () -> ()
    %mul3A_75 = arith.constant 640 : i32
    %mul3A_76 = arith.muli %arg1, %mul3A_75 : i32
    %add3A_77 = arith.constant 256 : i32
    %add3A_78 = arith.addi %mul3A_76, %add3A_77 : i32
    "tpu.region"() ({
      %run_scoped3A = tpu.sem_alloc : memref<!tpu.dma_semaphore, #tpu.memory_space<semaphore_mem>>
      %dma_start3A_202 = arith.constant 0 : i32
      %dma_start3A_203 = arith.constant 0 : i32
      %dma_start3A_204 = tpu.memref_slice %arg11[%dma_start3A_202, %dma_start3A_203] : memref<100x128xf32, #tpu.memory_space<vmem>> -> memref<64x128xf32, #tpu.memory_space<vmem>>
      %dma_start3A_205 = arith.constant 0 : i32
      %dma_start3A_206 = tpu.memref_slice %arg12[%add3A_78, %dma_start3A_205] : memref<10240x128xf32, #tpu.memory_space<vmem_shared>> -> memref<64x128xf32, #tpu.memory_space<vmem_shared>>
      %dma_start3A_207 = arith.constant 0 : i32
      %dma_start3A_208 = arith.constant 0 : i32
      %dma_start3A_209 = tpu.memref_slice %arg11[%dma_start3A_207, %dma_start3A_208] : memref<100x128xf32, #tpu.memory_space<vmem>> -> memref<64x128xf32, #tpu.memory_space<vmem>>
      %dma_start3A_210 = arith.constant 0 : i32
      %dma_start3A_211 = tpu.memref_slice %arg12[%add3A_78, %dma_start3A_210] : memref<10240x128xf32, #tpu.memory_space<vmem_shared>> -> memref<64x128xf32, #tpu.memory_space<vmem_shared>>
      tpu.enqueue_dma source(%dma_start3A_211 : memref<64x128xf32, #tpu.memory_space<vmem_shared>>) target(%dma_start3A_209 : memref<64x128xf32, #tpu.memory_space<vmem>>) target_semaphore(%run_scoped3A : memref<!tpu.dma_semaphore, #tpu.memory_space<semaphore_mem>>)
      %dma_wait3A = arith.constant 0 : i32
      %dma_wait3A_212 = arith.constant 0 : i32
      %dma_wait3A_213 = tpu.memref_slice %arg11[%dma_wait3A, %dma_wait3A_212] : memref<100x128xf32, #tpu.memory_space<vmem>> -> memref<64x128xf32, #tpu.memory_space<vmem>>
      %dma_wait3A_214 = arith.constant 0 : i32
      %dma_wait3A_215 = tpu.memref_slice %arg12[%add3A_78, %dma_wait3A_214] : memref<10240x128xf32, #tpu.memory_space<vmem_shared>> -> memref<64x128xf32, #tpu.memory_space<vmem_shared>>
      %dma_wait3A_216 = arith.constant 0 : i32
      %dma_wait3A_217 = arith.constant 0 : i32
      %dma_wait3A_218 = tpu.memref_slice %arg11[%dma_wait3A_216, %dma_wait3A_217] : memref<100x128xf32, #tpu.memory_space<vmem>> -> memref<64x128xf32, #tpu.memory_space<vmem>>
      %dma_wait3A_219 = arith.constant 0 : i32
      %dma_wait3A_220 = tpu.memref_slice %arg12[%add3A_78, %dma_wait3A_219] : memref<10240x128xf32, #tpu.memory_space<vmem_shared>> -> memref<64x128xf32, #tpu.memory_space<vmem_shared>>
      tpu.wait_dma2 semaphore(%run_scoped3A : memref<!tpu.dma_semaphore, #tpu.memory_space<semaphore_mem>>) src(%dma_wait3A_220 : memref<64x128xf32, #tpu.memory_space<vmem_shared>>) dst(%dma_wait3A_218 : memref<64x128xf32, #tpu.memory_space<vmem>>)
      tpu.yield
    }) : () -> ()
    "tpu.region"() ({
      %run_scoped3A = tpu.sem_alloc : memref<!tpu.dma_semaphore, #tpu.memory_space<semaphore_mem>>
      %dma_start3A_202 = arith.constant 0 : i32
      %dma_start3A_203 = arith.constant 0 : i32
      %dma_start3A_204 = tpu.memref_slice %arg11[%dma_start3A_202, %dma_start3A_203] : memref<100x128xf32, #tpu.memory_space<vmem>> -> memref<64x128xf32, #tpu.memory_space<vmem>>
      %dma_start3A_205 = arith.constant 0 : i32
      %dma_start3A_206 = tpu.memref_slice %arg6[%arg0, %add3A_78, %dma_start3A_205] : memref<2x10240x128xf32, #tpu.memory_space<hbm>> -> memref<1x64x128xf32, #tpu.memory_space<hbm>>
      %dma_start3A_207 = tpu.memref_squeeze %dma_start3A_206 : memref<1x64x128xf32, #tpu.memory_space<hbm>> -> memref<64x128xf32, #tpu.memory_space<hbm>>
      %dma_start3A_208 = arith.constant 0 : i32
      %dma_start3A_209 = tpu.memref_slice %arg6[%arg0, %add3A_78, %dma_start3A_208] : memref<2x10240x128xf32, #tpu.memory_space<hbm>> -> memref<1x64x128xf32, #tpu.memory_space<hbm>>
      %dma_start3A_210 = tpu.memref_squeeze %dma_start3A_209 : memref<1x64x128xf32, #tpu.memory_space<hbm>> -> memref<64x128xf32, #tpu.memory_space<hbm>>
      %dma_start3A_211 = arith.constant 0 : i32
      %dma_start3A_212 = arith.constant 0 : i32
      %dma_start3A_213 = tpu.memref_slice %arg11[%dma_start3A_211, %dma_start3A_212] : memref<100x128xf32, #tpu.memory_space<vmem>> -> memref<64x128xf32, #tpu.memory_space<vmem>>
      tpu.enqueue_dma source(%dma_start3A_213 : memref<64x128xf32, #tpu.memory_space<vmem>>) target(%dma_start3A_210 : memref<64x128xf32, #tpu.memory_space<hbm>>) target_semaphore(%run_scoped3A : memref<!tpu.dma_semaphore, #tpu.memory_space<semaphore_mem>>)
      %dma_wait3A = arith.constant 0 : i32
      %dma_wait3A_214 = arith.constant 0 : i32
      %dma_wait3A_215 = tpu.memref_slice %arg11[%dma_wait3A, %dma_wait3A_214] : memref<100x128xf32, #tpu.memory_space<vmem>> -> memref<64x128xf32, #tpu.memory_space<vmem>>
      %dma_wait3A_216 = arith.constant 0 : i32
      %dma_wait3A_217 = tpu.memref_slice %arg6[%arg0, %add3A_78, %dma_wait3A_216] : memref<2x10240x128xf32, #tpu.memory_space<hbm>> -> memref<1x64x128xf32, #tpu.memory_space<hbm>>
      %dma_wait3A_218 = tpu.memref_squeeze %dma_wait3A_217 : memref<1x64x128xf32, #tpu.memory_space<hbm>> -> memref<64x128xf32, #tpu.memory_space<hbm>>
      %dma_wait3A_219 = arith.constant 0 : i32
      %dma_wait3A_220 = tpu.memref_slice %arg6[%arg0, %add3A_78, %dma_wait3A_219] : memref<2x10240x128xf32, #tpu.memory_space<hbm>> -> memref<1x64x128xf32, #tpu.memory_space<hbm>>
      %dma_wait3A_221 = tpu.memref_squeeze %dma_wait3A_220 : memref<1x64x128xf32, #tpu.memory_space<hbm>> -> memref<64x128xf32, #tpu.memory_space<hbm>>
      %dma_wait3A_222 = arith.constant 0 : i32
      %dma_wait3A_223 = arith.constant 0 : i32
      %dma_wait3A_224 = tpu.memref_slice %arg11[%dma_wait3A_222, %dma_wait3A_223] : memref<100x128xf32, #tpu.memory_space<vmem>> -> memref<64x128xf32, #tpu.memory_space<vmem>>
      tpu.wait_dma2 semaphore(%run_scoped3A : memref<!tpu.dma_semaphore, #tpu.memory_space<semaphore_mem>>) src(%dma_wait3A_224 : memref<64x128xf32, #tpu.memory_space<vmem>>) dst(%dma_wait3A_221 : memref<64x128xf32, #tpu.memory_space<hbm>>)
      tpu.yield
    }) : () -> ()
    %mul3A_79 = arith.constant 640 : i32
    %mul3A_80 = arith.muli %arg1, %mul3A_79 : i32
    %add3A_81 = arith.constant 320 : i32
    %add3A_82 = arith.addi %mul3A_80, %add3A_81 : i32
    "tpu.region"() ({
      %run_scoped3A = tpu.sem_alloc : memref<!tpu.dma_semaphore, #tpu.memory_space<semaphore_mem>>
      %dma_start3A_202 = arith.constant 0 : i32
      %dma_start3A_203 = arith.constant 0 : i32
      %dma_start3A_204 = tpu.memref_slice %arg11[%dma_start3A_202, %dma_start3A_203] : memref<100x128xf32, #tpu.memory_space<vmem>> -> memref<64x128xf32, #tpu.memory_space<vmem>>
      %dma_start3A_205 = arith.constant 0 : i32
      %dma_start3A_206 = tpu.memref_slice %arg12[%add3A_82, %dma_start3A_205] : memref<10240x128xf32, #tpu.memory_space<vmem_shared>> -> memref<64x128xf32, #tpu.memory_space<vmem_shared>>
      %dma_start3A_207 = arith.constant 0 : i32
      %dma_start3A_208 = arith.constant 0 : i32
      %dma_start3A_209 = tpu.memref_slice %arg11[%dma_start3A_207, %dma_start3A_208] : memref<100x128xf32, #tpu.memory_space<vmem>> -> memref<64x128xf32, #tpu.memory_space<vmem>>
      %dma_start3A_210 = arith.constant 0 : i32
      %dma_start3A_211 = tpu.memref_slice %arg12[%add3A_82, %dma_start3A_210] : memref<10240x128xf32, #tpu.memory_space<vmem_shared>> -> memref<64x128xf32, #tpu.memory_space<vmem_shared>>
      tpu.enqueue_dma source(%dma_start3A_211 : memref<64x128xf32, #tpu.memory_space<vmem_shared>>) target(%dma_start3A_209 : memref<64x128xf32, #tpu.memory_space<vmem>>) target_semaphore(%run_scoped3A : memref<!tpu.dma_semaphore, #tpu.memory_space<semaphore_mem>>)
      %dma_wait3A = arith.constant 0 : i32
      %dma_wait3A_212 = arith.constant 0 : i32
      %dma_wait3A_213 = tpu.memref_slice %arg11[%dma_wait3A, %dma_wait3A_212] : memref<100x128xf32, #tpu.memory_space<vmem>> -> memref<64x128xf32, #tpu.memory_space<vmem>>
      %dma_wait3A_214 = arith.constant 0 : i32
      %dma_wait3A_215 = tpu.memref_slice %arg12[%add3A_82, %dma_wait3A_214] : memref<10240x128xf32, #tpu.memory_space<vmem_shared>> -> memref<64x128xf32, #tpu.memory_space<vmem_shared>>
      %dma_wait3A_216 = arith.constant 0 : i32
      %dma_wait3A_217 = arith.constant 0 : i32
      %dma_wait3A_218 = tpu.memref_slice %arg11[%dma_wait3A_216, %dma_wait3A_217] : memref<100x128xf32, #tpu.memory_space<vmem>> -> memref<64x128xf32, #tpu.memory_space<vmem>>
      %dma_wait3A_219 = arith.constant 0 : i32
      %dma_wait3A_220 = tpu.memref_slice %arg12[%add3A_82, %dma_wait3A_219] : memref<10240x128xf32, #tpu.memory_space<vmem_shared>> -> memref<64x128xf32, #tpu.memory_space<vmem_shared>>
      tpu.wait_dma2 semaphore(%run_scoped3A : memref<!tpu.dma_semaphore, #tpu.memory_space<semaphore_mem>>) src(%dma_wait3A_220 : memref<64x128xf32, #tpu.memory_space<vmem_shared>>) dst(%dma_wait3A_218 : memref<64x128xf32, #tpu.memory_space<vmem>>)
      tpu.yield
    }) : () -> ()
    "tpu.region"() ({
      %run_scoped3A = tpu.sem_alloc : memref<!tpu.dma_semaphore, #tpu.memory_space<semaphore_mem>>
      %dma_start3A_202 = arith.constant 0 : i32
      %dma_start3A_203 = arith.constant 0 : i32
      %dma_start3A_204 = tpu.memref_slice %arg11[%dma_start3A_202, %dma_start3A_203] : memref<100x128xf32, #tpu.memory_space<vmem>> -> memref<64x128xf32, #tpu.memory_space<vmem>>
      %dma_start3A_205 = arith.constant 0 : i32
      %dma_start3A_206 = tpu.memref_slice %arg6[%arg0, %add3A_82, %dma_start3A_205] : memref<2x10240x128xf32, #tpu.memory_space<hbm>> -> memref<1x64x128xf32, #tpu.memory_space<hbm>>
      %dma_start3A_207 = tpu.memref_squeeze %dma_start3A_206 : memref<1x64x128xf32, #tpu.memory_space<hbm>> -> memref<64x128xf32, #tpu.memory_space<hbm>>
      %dma_start3A_208 = arith.constant 0 : i32
      %dma_start3A_209 = tpu.memref_slice %arg6[%arg0, %add3A_82, %dma_start3A_208] : memref<2x10240x128xf32, #tpu.memory_space<hbm>> -> memref<1x64x128xf32, #tpu.memory_space<hbm>>
      %dma_start3A_210 = tpu.memref_squeeze %dma_start3A_209 : memref<1x64x128xf32, #tpu.memory_space<hbm>> -> memref<64x128xf32, #tpu.memory_space<hbm>>
      %dma_start3A_211 = arith.constant 0 : i32
      %dma_start3A_212 = arith.constant 0 : i32
      %dma_start3A_213 = tpu.memref_slice %arg11[%dma_start3A_211, %dma_start3A_212] : memref<100x128xf32, #tpu.memory_space<vmem>> -> memref<64x128xf32, #tpu.memory_space<vmem>>
      tpu.enqueue_dma source(%dma_start3A_213 : memref<64x128xf32, #tpu.memory_space<vmem>>) target(%dma_start3A_210 : memref<64x128xf32, #tpu.memory_space<hbm>>) target_semaphore(%run_scoped3A : memref<!tpu.dma_semaphore, #tpu.memory_space<semaphore_mem>>)
      %dma_wait3A = arith.constant 0 : i32
      %dma_wait3A_214 = arith.constant 0 : i32
      %dma_wait3A_215 = tpu.memref_slice %arg11[%dma_wait3A, %dma_wait3A_214] : memref<100x128xf32, #tpu.memory_space<vmem>> -> memref<64x128xf32, #tpu.memory_space<vmem>>
      %dma_wait3A_216 = arith.constant 0 : i32
      %dma_wait3A_217 = tpu.memref_slice %arg6[%arg0, %add3A_82, %dma_wait3A_216] : memref<2x10240x128xf32, #tpu.memory_space<hbm>> -> memref<1x64x128xf32, #tpu.memory_space<hbm>>
      %dma_wait3A_218 = tpu.memref_squeeze %dma_wait3A_217 : memref<1x64x128xf32, #tpu.memory_space<hbm>> -> memref<64x128xf32, #tpu.memory_space<hbm>>
      %dma_wait3A_219 = arith.constant 0 : i32
      %dma_wait3A_220 = tpu.memref_slice %arg6[%arg0, %add3A_82, %dma_wait3A_219] : memref<2x10240x128xf32, #tpu.memory_space<hbm>> -> memref<1x64x128xf32, #tpu.memory_space<hbm>>
      %dma_wait3A_221 = tpu.memref_squeeze %dma_wait3A_220 : memref<1x64x128xf32, #tpu.memory_space<hbm>> -> memref<64x128xf32, #tpu.memory_space<hbm>>
      %dma_wait3A_222 = arith.constant 0 : i32
      %dma_wait3A_223 = arith.constant 0 : i32
      %dma_wait3A_224 = tpu.memref_slice %arg11[%dma_wait3A_222, %dma_wait3A_223] : memref<100x128xf32, #tpu.memory_space<vmem>> -> memref<64x128xf32, #tpu.memory_space<vmem>>
      tpu.wait_dma2 semaphore(%run_scoped3A : memref<!tpu.dma_semaphore, #tpu.memory_space<semaphore_mem>>) src(%dma_wait3A_224 : memref<64x128xf32, #tpu.memory_space<vmem>>) dst(%dma_wait3A_221 : memref<64x128xf32, #tpu.memory_space<hbm>>)
      tpu.yield
    }) : () -> ()
    %mul3A_83 = arith.constant 640 : i32
    %mul3A_84 = arith.muli %arg1, %mul3A_83 : i32
    %add3A_85 = arith.constant 384 : i32
    %add3A_86 = arith.addi %mul3A_84, %add3A_85 : i32
    "tpu.region"() ({
      %run_scoped3A = tpu.sem_alloc : memref<!tpu.dma_semaphore, #tpu.memory_space<semaphore_mem>>
      %dma_start3A_202 = arith.constant 0 : i32
      %dma_start3A_203 = arith.constant 0 : i32
      %dma_start3A_204 = tpu.memref_slice %arg11[%dma_start3A_202, %dma_start3A_203] : memref<100x128xf32, #tpu.memory_space<vmem>> -> memref<64x128xf32, #tpu.memory_space<vmem>>
      %dma_start3A_205 = arith.constant 0 : i32
      %dma_start3A_206 = tpu.memref_slice %arg12[%add3A_86, %dma_start3A_205] : memref<10240x128xf32, #tpu.memory_space<vmem_shared>> -> memref<64x128xf32, #tpu.memory_space<vmem_shared>>
      %dma_start3A_207 = arith.constant 0 : i32
      %dma_start3A_208 = arith.constant 0 : i32
      %dma_start3A_209 = tpu.memref_slice %arg11[%dma_start3A_207, %dma_start3A_208] : memref<100x128xf32, #tpu.memory_space<vmem>> -> memref<64x128xf32, #tpu.memory_space<vmem>>
      %dma_start3A_210 = arith.constant 0 : i32
      %dma_start3A_211 = tpu.memref_slice %arg12[%add3A_86, %dma_start3A_210] : memref<10240x128xf32, #tpu.memory_space<vmem_shared>> -> memref<64x128xf32, #tpu.memory_space<vmem_shared>>
      tpu.enqueue_dma source(%dma_start3A_211 : memref<64x128xf32, #tpu.memory_space<vmem_shared>>) target(%dma_start3A_209 : memref<64x128xf32, #tpu.memory_space<vmem>>) target_semaphore(%run_scoped3A : memref<!tpu.dma_semaphore, #tpu.memory_space<semaphore_mem>>)
      %dma_wait3A = arith.constant 0 : i32
      %dma_wait3A_212 = arith.constant 0 : i32
      %dma_wait3A_213 = tpu.memref_slice %arg11[%dma_wait3A, %dma_wait3A_212] : memref<100x128xf32, #tpu.memory_space<vmem>> -> memref<64x128xf32, #tpu.memory_space<vmem>>
      %dma_wait3A_214 = arith.constant 0 : i32
      %dma_wait3A_215 = tpu.memref_slice %arg12[%add3A_86, %dma_wait3A_214] : memref<10240x128xf32, #tpu.memory_space<vmem_shared>> -> memref<64x128xf32, #tpu.memory_space<vmem_shared>>
      %dma_wait3A_216 = arith.constant 0 : i32
      %dma_wait3A_217 = arith.constant 0 : i32
      %dma_wait3A_218 = tpu.memref_slice %arg11[%dma_wait3A_216, %dma_wait3A_217] : memref<100x128xf32, #tpu.memory_space<vmem>> -> memref<64x128xf32, #tpu.memory_space<vmem>>
      %dma_wait3A_219 = arith.constant 0 : i32
      %dma_wait3A_220 = tpu.memref_slice %arg12[%add3A_86, %dma_wait3A_219] : memref<10240x128xf32, #tpu.memory_space<vmem_shared>> -> memref<64x128xf32, #tpu.memory_space<vmem_shared>>
      tpu.wait_dma2 semaphore(%run_scoped3A : memref<!tpu.dma_semaphore, #tpu.memory_space<semaphore_mem>>) src(%dma_wait3A_220 : memref<64x128xf32, #tpu.memory_space<vmem_shared>>) dst(%dma_wait3A_218 : memref<64x128xf32, #tpu.memory_space<vmem>>)
      tpu.yield
    }) : () -> ()
    "tpu.region"() ({
      %run_scoped3A = tpu.sem_alloc : memref<!tpu.dma_semaphore, #tpu.memory_space<semaphore_mem>>
      %dma_start3A_202 = arith.constant 0 : i32
      %dma_start3A_203 = arith.constant 0 : i32
      %dma_start3A_204 = tpu.memref_slice %arg11[%dma_start3A_202, %dma_start3A_203] : memref<100x128xf32, #tpu.memory_space<vmem>> -> memref<64x128xf32, #tpu.memory_space<vmem>>
      %dma_start3A_205 = arith.constant 0 : i32
      %dma_start3A_206 = tpu.memref_slice %arg6[%arg0, %add3A_86, %dma_start3A_205] : memref<2x10240x128xf32, #tpu.memory_space<hbm>> -> memref<1x64x128xf32, #tpu.memory_space<hbm>>
      %dma_start3A_207 = tpu.memref_squeeze %dma_start3A_206 : memref<1x64x128xf32, #tpu.memory_space<hbm>> -> memref<64x128xf32, #tpu.memory_space<hbm>>
      %dma_start3A_208 = arith.constant 0 : i32
      %dma_start3A_209 = tpu.memref_slice %arg6[%arg0, %add3A_86, %dma_start3A_208] : memref<2x10240x128xf32, #tpu.memory_space<hbm>> -> memref<1x64x128xf32, #tpu.memory_space<hbm>>
      %dma_start3A_210 = tpu.memref_squeeze %dma_start3A_209 : memref<1x64x128xf32, #tpu.memory_space<hbm>> -> memref<64x128xf32, #tpu.memory_space<hbm>>
      %dma_start3A_211 = arith.constant 0 : i32
      %dma_start3A_212 = arith.constant 0 : i32
      %dma_start3A_213 = tpu.memref_slice %arg11[%dma_start3A_211, %dma_start3A_212] : memref<100x128xf32, #tpu.memory_space<vmem>> -> memref<64x128xf32, #tpu.memory_space<vmem>>
      tpu.enqueue_dma source(%dma_start3A_213 : memref<64x128xf32, #tpu.memory_space<vmem>>) target(%dma_start3A_210 : memref<64x128xf32, #tpu.memory_space<hbm>>) target_semaphore(%run_scoped3A : memref<!tpu.dma_semaphore, #tpu.memory_space<semaphore_mem>>)
      %dma_wait3A = arith.constant 0 : i32
      %dma_wait3A_214 = arith.constant 0 : i32
      %dma_wait3A_215 = tpu.memref_slice %arg11[%dma_wait3A, %dma_wait3A_214] : memref<100x128xf32, #tpu.memory_space<vmem>> -> memref<64x128xf32, #tpu.memory_space<vmem>>
      %dma_wait3A_216 = arith.constant 0 : i32
      %dma_wait3A_217 = tpu.memref_slice %arg6[%arg0, %add3A_86, %dma_wait3A_216] : memref<2x10240x128xf32, #tpu.memory_space<hbm>> -> memref<1x64x128xf32, #tpu.memory_space<hbm>>
      %dma_wait3A_218 = tpu.memref_squeeze %dma_wait3A_217 : memref<1x64x128xf32, #tpu.memory_space<hbm>> -> memref<64x128xf32, #tpu.memory_space<hbm>>
      %dma_wait3A_219 = arith.constant 0 : i32
      %dma_wait3A_220 = tpu.memref_slice %arg6[%arg0, %add3A_86, %dma_wait3A_219] : memref<2x10240x128xf32, #tpu.memory_space<hbm>> -> memref<1x64x128xf32, #tpu.memory_space<hbm>>
      %dma_wait3A_221 = tpu.memref_squeeze %dma_wait3A_220 : memref<1x64x128xf32, #tpu.memory_space<hbm>> -> memref<64x128xf32, #tpu.memory_space<hbm>>
      %dma_wait3A_222 = arith.constant 0 : i32
      %dma_wait3A_223 = arith.constant 0 : i32
      %dma_wait3A_224 = tpu.memref_slice %arg11[%dma_wait3A_222, %dma_wait3A_223] : memref<100x128xf32, #tpu.memory_space<vmem>> -> memref<64x128xf32, #tpu.memory_space<vmem>>
      tpu.wait_dma2 semaphore(%run_scoped3A : memref<!tpu.dma_semaphore, #tpu.memory_space<semaphore_mem>>) src(%dma_wait3A_224 : memref<64x128xf32, #tpu.memory_space<vmem>>) dst(%dma_wait3A_221 : memref<64x128xf32, #tpu.memory_space<hbm>>)
      tpu.yield
    }) : () -> ()
    %mul3A_87 = arith.constant 640 : i32
    %mul3A_88 = arith.muli %arg1, %mul3A_87 : i32
    %add3A_89 = arith.constant 448 : i32
    %add3A_90 = arith.addi %mul3A_88, %add3A_89 : i32
    "tpu.region"() ({
      %run_scoped3A = tpu.sem_alloc : memref<!tpu.dma_semaphore, #tpu.memory_space<semaphore_mem>>
      %dma_start3A_202 = arith.constant 0 : i32
      %dma_start3A_203 = arith.constant 0 : i32
      %dma_start3A_204 = tpu.memref_slice %arg11[%dma_start3A_202, %dma_start3A_203] : memref<100x128xf32, #tpu.memory_space<vmem>> -> memref<64x128xf32, #tpu.memory_space<vmem>>
      %dma_start3A_205 = arith.constant 0 : i32
      %dma_start3A_206 = tpu.memref_slice %arg12[%add3A_90, %dma_start3A_205] : memref<10240x128xf32, #tpu.memory_space<vmem_shared>> -> memref<64x128xf32, #tpu.memory_space<vmem_shared>>
      %dma_start3A_207 = arith.constant 0 : i32
      %dma_start3A_208 = arith.constant 0 : i32
      %dma_start3A_209 = tpu.memref_slice %arg11[%dma_start3A_207, %dma_start3A_208] : memref<100x128xf32, #tpu.memory_space<vmem>> -> memref<64x128xf32, #tpu.memory_space<vmem>>
      %dma_start3A_210 = arith.constant 0 : i32
      %dma_start3A_211 = tpu.memref_slice %arg12[%add3A_90, %dma_start3A_210] : memref<10240x128xf32, #tpu.memory_space<vmem_shared>> -> memref<64x128xf32, #tpu.memory_space<vmem_shared>>
      tpu.enqueue_dma source(%dma_start3A_211 : memref<64x128xf32, #tpu.memory_space<vmem_shared>>) target(%dma_start3A_209 : memref<64x128xf32, #tpu.memory_space<vmem>>) target_semaphore(%run_scoped3A : memref<!tpu.dma_semaphore, #tpu.memory_space<semaphore_mem>>)
      %dma_wait3A = arith.constant 0 : i32
      %dma_wait3A_212 = arith.constant 0 : i32
      %dma_wait3A_213 = tpu.memref_slice %arg11[%dma_wait3A, %dma_wait3A_212] : memref<100x128xf32, #tpu.memory_space<vmem>> -> memref<64x128xf32, #tpu.memory_space<vmem>>
      %dma_wait3A_214 = arith.constant 0 : i32
      %dma_wait3A_215 = tpu.memref_slice %arg12[%add3A_90, %dma_wait3A_214] : memref<10240x128xf32, #tpu.memory_space<vmem_shared>> -> memref<64x128xf32, #tpu.memory_space<vmem_shared>>
      %dma_wait3A_216 = arith.constant 0 : i32
      %dma_wait3A_217 = arith.constant 0 : i32
      %dma_wait3A_218 = tpu.memref_slice %arg11[%dma_wait3A_216, %dma_wait3A_217] : memref<100x128xf32, #tpu.memory_space<vmem>> -> memref<64x128xf32, #tpu.memory_space<vmem>>
      %dma_wait3A_219 = arith.constant 0 : i32
      %dma_wait3A_220 = tpu.memref_slice %arg12[%add3A_90, %dma_wait3A_219] : memref<10240x128xf32, #tpu.memory_space<vmem_shared>> -> memref<64x128xf32, #tpu.memory_space<vmem_shared>>
      tpu.wait_dma2 semaphore(%run_scoped3A : memref<!tpu.dma_semaphore, #tpu.memory_space<semaphore_mem>>) src(%dma_wait3A_220 : memref<64x128xf32, #tpu.memory_space<vmem_shared>>) dst(%dma_wait3A_218 : memref<64x128xf32, #tpu.memory_space<vmem>>)
      tpu.yield
    }) : () -> ()
    "tpu.region"() ({
      %run_scoped3A = tpu.sem_alloc : memref<!tpu.dma_semaphore, #tpu.memory_space<semaphore_mem>>
      %dma_start3A_202 = arith.constant 0 : i32
      %dma_start3A_203 = arith.constant 0 : i32
      %dma_start3A_204 = tpu.memref_slice %arg11[%dma_start3A_202, %dma_start3A_203] : memref<100x128xf32, #tpu.memory_space<vmem>> -> memref<64x128xf32, #tpu.memory_space<vmem>>
      %dma_start3A_205 = arith.constant 0 : i32
      %dma_start3A_206 = tpu.memref_slice %arg6[%arg0, %add3A_90, %dma_start3A_205] : memref<2x10240x128xf32, #tpu.memory_space<hbm>> -> memref<1x64x128xf32, #tpu.memory_space<hbm>>
      %dma_start3A_207 = tpu.memref_squeeze %dma_start3A_206 : memref<1x64x128xf32, #tpu.memory_space<hbm>> -> memref<64x128xf32, #tpu.memory_space<hbm>>
      %dma_start3A_208 = arith.constant 0 : i32
      %dma_start3A_209 = tpu.memref_slice %arg6[%arg0, %add3A_90, %dma_start3A_208] : memref<2x10240x128xf32, #tpu.memory_space<hbm>> -> memref<1x64x128xf32, #tpu.memory_space<hbm>>
      %dma_start3A_210 = tpu.memref_squeeze %dma_start3A_209 : memref<1x64x128xf32, #tpu.memory_space<hbm>> -> memref<64x128xf32, #tpu.memory_space<hbm>>
      %dma_start3A_211 = arith.constant 0 : i32
      %dma_start3A_212 = arith.constant 0 : i32
      %dma_start3A_213 = tpu.memref_slice %arg11[%dma_start3A_211, %dma_start3A_212] : memref<100x128xf32, #tpu.memory_space<vmem>> -> memref<64x128xf32, #tpu.memory_space<vmem>>
      tpu.enqueue_dma source(%dma_start3A_213 : memref<64x128xf32, #tpu.memory_space<vmem>>) target(%dma_start3A_210 : memref<64x128xf32, #tpu.memory_space<hbm>>) target_semaphore(%run_scoped3A : memref<!tpu.dma_semaphore, #tpu.memory_space<semaphore_mem>>)
      %dma_wait3A = arith.constant 0 : i32
      %dma_wait3A_214 = arith.constant 0 : i32
      %dma_wait3A_215 = tpu.memref_slice %arg11[%dma_wait3A, %dma_wait3A_214] : memref<100x128xf32, #tpu.memory_space<vmem>> -> memref<64x128xf32, #tpu.memory_space<vmem>>
      %dma_wait3A_216 = arith.constant 0 : i32
      %dma_wait3A_217 = tpu.memref_slice %arg6[%arg0, %add3A_90, %dma_wait3A_216] : memref<2x10240x128xf32, #tpu.memory_space<hbm>> -> memref<1x64x128xf32, #tpu.memory_space<hbm>>
      %dma_wait3A_218 = tpu.memref_squeeze %dma_wait3A_217 : memref<1x64x128xf32, #tpu.memory_space<hbm>> -> memref<64x128xf32, #tpu.memory_space<hbm>>
      %dma_wait3A_219 = arith.constant 0 : i32
      %dma_wait3A_220 = tpu.memref_slice %arg6[%arg0, %add3A_90, %dma_wait3A_219] : memref<2x10240x128xf32, #tpu.memory_space<hbm>> -> memref<1x64x128xf32, #tpu.memory_space<hbm>>
      %dma_wait3A_221 = tpu.memref_squeeze %dma_wait3A_220 : memref<1x64x128xf32, #tpu.memory_space<hbm>> -> memref<64x128xf32, #tpu.memory_space<hbm>>
      %dma_wait3A_222 = arith.constant 0 : i32
      %dma_wait3A_223 = arith.constant 0 : i32
      %dma_wait3A_224 = tpu.memref_slice %arg11[%dma_wait3A_222, %dma_wait3A_223] : memref<100x128xf32, #tpu.memory_space<vmem>> -> memref<64x128xf32, #tpu.memory_space<vmem>>
      tpu.wait_dma2 semaphore(%run_scoped3A : memref<!tpu.dma_semaphore, #tpu.memory_space<semaphore_mem>>) src(%dma_wait3A_224 : memref<64x128xf32, #tpu.memory_space<vmem>>) dst(%dma_wait3A_221 : memref<64x128xf32, #tpu.memory_space<hbm>>)
      tpu.yield
    }) : () -> ()
    %mul3A_91 = arith.constant 640 : i32
    %mul3A_92 = arith.muli %arg1, %mul3A_91 : i32
    %add3A_93 = arith.constant 512 : i32
    %add3A_94 = arith.addi %mul3A_92, %add3A_93 : i32
    "tpu.region"() ({
      %run_scoped3A = tpu.sem_alloc : memref<!tpu.dma_semaphore, #tpu.memory_space<semaphore_mem>>
      %dma_start3A_202 = arith.constant 0 : i32
      %dma_start3A_203 = arith.constant 0 : i32
      %dma_start3A_204 = tpu.memref_slice %arg11[%dma_start3A_202, %dma_start3A_203] : memref<100x128xf32, #tpu.memory_space<vmem>> -> memref<64x128xf32, #tpu.memory_space<vmem>>
      %dma_start3A_205 = arith.constant 0 : i32
      %dma_start3A_206 = tpu.memref_slice %arg12[%add3A_94, %dma_start3A_205] : memref<10240x128xf32, #tpu.memory_space<vmem_shared>> -> memref<64x128xf32, #tpu.memory_space<vmem_shared>>
      %dma_start3A_207 = arith.constant 0 : i32
      %dma_start3A_208 = arith.constant 0 : i32
      %dma_start3A_209 = tpu.memref_slice %arg11[%dma_start3A_207, %dma_start3A_208] : memref<100x128xf32, #tpu.memory_space<vmem>> -> memref<64x128xf32, #tpu.memory_space<vmem>>
      %dma_start3A_210 = arith.constant 0 : i32
      %dma_start3A_211 = tpu.memref_slice %arg12[%add3A_94, %dma_start3A_210] : memref<10240x128xf32, #tpu.memory_space<vmem_shared>> -> memref<64x128xf32, #tpu.memory_space<vmem_shared>>
      tpu.enqueue_dma source(%dma_start3A_211 : memref<64x128xf32, #tpu.memory_space<vmem_shared>>) target(%dma_start3A_209 : memref<64x128xf32, #tpu.memory_space<vmem>>) target_semaphore(%run_scoped3A : memref<!tpu.dma_semaphore, #tpu.memory_space<semaphore_mem>>)
      %dma_wait3A = arith.constant 0 : i32
      %dma_wait3A_212 = arith.constant 0 : i32
      %dma_wait3A_213 = tpu.memref_slice %arg11[%dma_wait3A, %dma_wait3A_212] : memref<100x128xf32, #tpu.memory_space<vmem>> -> memref<64x128xf32, #tpu.memory_space<vmem>>
      %dma_wait3A_214 = arith.constant 0 : i32
      %dma_wait3A_215 = tpu.memref_slice %arg12[%add3A_94, %dma_wait3A_214] : memref<10240x128xf32, #tpu.memory_space<vmem_shared>> -> memref<64x128xf32, #tpu.memory_space<vmem_shared>>
      %dma_wait3A_216 = arith.constant 0 : i32
      %dma_wait3A_217 = arith.constant 0 : i32
      %dma_wait3A_218 = tpu.memref_slice %arg11[%dma_wait3A_216, %dma_wait3A_217] : memref<100x128xf32, #tpu.memory_space<vmem>> -> memref<64x128xf32, #tpu.memory_space<vmem>>
      %dma_wait3A_219 = arith.constant 0 : i32
      %dma_wait3A_220 = tpu.memref_slice %arg12[%add3A_94, %dma_wait3A_219] : memref<10240x128xf32, #tpu.memory_space<vmem_shared>> -> memref<64x128xf32, #tpu.memory_space<vmem_shared>>
      tpu.wait_dma2 semaphore(%run_scoped3A : memref<!tpu.dma_semaphore, #tpu.memory_space<semaphore_mem>>) src(%dma_wait3A_220 : memref<64x128xf32, #tpu.memory_space<vmem_shared>>) dst(%dma_wait3A_218 : memref<64x128xf32, #tpu.memory_space<vmem>>)
      tpu.yield
    }) : () -> ()
    "tpu.region"() ({
      %run_scoped3A = tpu.sem_alloc : memref<!tpu.dma_semaphore, #tpu.memory_space<semaphore_mem>>
      %dma_start3A_202 = arith.constant 0 : i32
      %dma_start3A_203 = arith.constant 0 : i32
      %dma_start3A_204 = tpu.memref_slice %arg11[%dma_start3A_202, %dma_start3A_203] : memref<100x128xf32, #tpu.memory_space<vmem>> -> memref<64x128xf32, #tpu.memory_space<vmem>>
      %dma_start3A_205 = arith.constant 0 : i32
      %dma_start3A_206 = tpu.memref_slice %arg6[%arg0, %add3A_94, %dma_start3A_205] : memref<2x10240x128xf32, #tpu.memory_space<hbm>> -> memref<1x64x128xf32, #tpu.memory_space<hbm>>
      %dma_start3A_207 = tpu.memref_squeeze %dma_start3A_206 : memref<1x64x128xf32, #tpu.memory_space<hbm>> -> memref<64x128xf32, #tpu.memory_space<hbm>>
      %dma_start3A_208 = arith.constant 0 : i32
      %dma_start3A_209 = tpu.memref_slice %arg6[%arg0, %add3A_94, %dma_start3A_208] : memref<2x10240x128xf32, #tpu.memory_space<hbm>> -> memref<1x64x128xf32, #tpu.memory_space<hbm>>
      %dma_start3A_210 = tpu.memref_squeeze %dma_start3A_209 : memref<1x64x128xf32, #tpu.memory_space<hbm>> -> memref<64x128xf32, #tpu.memory_space<hbm>>
      %dma_start3A_211 = arith.constant 0 : i32
      %dma_start3A_212 = arith.constant 0 : i32
      %dma_start3A_213 = tpu.memref_slice %arg11[%dma_start3A_211, %dma_start3A_212] : memref<100x128xf32, #tpu.memory_space<vmem>> -> memref<64x128xf32, #tpu.memory_space<vmem>>
      tpu.enqueue_dma source(%dma_start3A_213 : memref<64x128xf32, #tpu.memory_space<vmem>>) target(%dma_start3A_210 : memref<64x128xf32, #tpu.memory_space<hbm>>) target_semaphore(%run_scoped3A : memref<!tpu.dma_semaphore, #tpu.memory_space<semaphore_mem>>)
      %dma_wait3A = arith.constant 0 : i32
      %dma_wait3A_214 = arith.constant 0 : i32
      %dma_wait3A_215 = tpu.memref_slice %arg11[%dma_wait3A, %dma_wait3A_214] : memref<100x128xf32, #tpu.memory_space<vmem>> -> memref<64x128xf32, #tpu.memory_space<vmem>>
      %dma_wait3A_216 = arith.constant 0 : i32
      %dma_wait3A_217 = tpu.memref_slice %arg6[%arg0, %add3A_94, %dma_wait3A_216] : memref<2x10240x128xf32, #tpu.memory_space<hbm>> -> memref<1x64x128xf32, #tpu.memory_space<hbm>>
      %dma_wait3A_218 = tpu.memref_squeeze %dma_wait3A_217 : memref<1x64x128xf32, #tpu.memory_space<hbm>> -> memref<64x128xf32, #tpu.memory_space<hbm>>
      %dma_wait3A_219 = arith.constant 0 : i32
      %dma_wait3A_220 = tpu.memref_slice %arg6[%arg0, %add3A_94, %dma_wait3A_219] : memref<2x10240x128xf32, #tpu.memory_space<hbm>> -> memref<1x64x128xf32, #tpu.memory_space<hbm>>
      %dma_wait3A_221 = tpu.memref_squeeze %dma_wait3A_220 : memref<1x64x128xf32, #tpu.memory_space<hbm>> -> memref<64x128xf32, #tpu.memory_space<hbm>>
      %dma_wait3A_222 = arith.constant 0 : i32
      %dma_wait3A_223 = arith.constant 0 : i32
      %dma_wait3A_224 = tpu.memref_slice %arg11[%dma_wait3A_222, %dma_wait3A_223] : memref<100x128xf32, #tpu.memory_space<vmem>> -> memref<64x128xf32, #tpu.memory_space<vmem>>
      tpu.wait_dma2 semaphore(%run_scoped3A : memref<!tpu.dma_semaphore, #tpu.memory_space<semaphore_mem>>) src(%dma_wait3A_224 : memref<64x128xf32, #tpu.memory_space<vmem>>) dst(%dma_wait3A_221 : memref<64x128xf32, #tpu.memory_space<hbm>>)
      tpu.yield
    }) : () -> ()
    %mul3A_95 = arith.constant 640 : i32
    %mul3A_96 = arith.muli %arg1, %mul3A_95 : i32
    %add3A_97 = arith.constant 576 : i32
    %add3A_98 = arith.addi %mul3A_96, %add3A_97 : i32
    "tpu.region"() ({
      %run_scoped3A = tpu.sem_alloc : memref<!tpu.dma_semaphore, #tpu.memory_space<semaphore_mem>>
      %dma_start3A_202 = arith.constant 0 : i32
      %dma_start3A_203 = arith.constant 0 : i32
      %dma_start3A_204 = tpu.memref_slice %arg11[%dma_start3A_202, %dma_start3A_203] : memref<100x128xf32, #tpu.memory_space<vmem>> -> memref<64x128xf32, #tpu.memory_space<vmem>>
      %dma_start3A_205 = arith.constant 0 : i32
      %dma_start3A_206 = tpu.memref_slice %arg12[%add3A_98, %dma_start3A_205] : memref<10240x128xf32, #tpu.memory_space<vmem_shared>> -> memref<64x128xf32, #tpu.memory_space<vmem_shared>>
      %dma_start3A_207 = arith.constant 0 : i32
      %dma_start3A_208 = arith.constant 0 : i32
      %dma_start3A_209 = tpu.memref_slice %arg11[%dma_start3A_207, %dma_start3A_208] : memref<100x128xf32, #tpu.memory_space<vmem>> -> memref<64x128xf32, #tpu.memory_space<vmem>>
      %dma_start3A_210 = arith.constant 0 : i32
      %dma_start3A_211 = tpu.memref_slice %arg12[%add3A_98, %dma_start3A_210] : memref<10240x128xf32, #tpu.memory_space<vmem_shared>> -> memref<64x128xf32, #tpu.memory_space<vmem_shared>>
      tpu.enqueue_dma source(%dma_start3A_211 : memref<64x128xf32, #tpu.memory_space<vmem_shared>>) target(%dma_start3A_209 : memref<64x128xf32, #tpu.memory_space<vmem>>) target_semaphore(%run_scoped3A : memref<!tpu.dma_semaphore, #tpu.memory_space<semaphore_mem>>)
      %dma_wait3A = arith.constant 0 : i32
      %dma_wait3A_212 = arith.constant 0 : i32
      %dma_wait3A_213 = tpu.memref_slice %arg11[%dma_wait3A, %dma_wait3A_212] : memref<100x128xf32, #tpu.memory_space<vmem>> -> memref<64x128xf32, #tpu.memory_space<vmem>>
      %dma_wait3A_214 = arith.constant 0 : i32
      %dma_wait3A_215 = tpu.memref_slice %arg12[%add3A_98, %dma_wait3A_214] : memref<10240x128xf32, #tpu.memory_space<vmem_shared>> -> memref<64x128xf32, #tpu.memory_space<vmem_shared>>
      %dma_wait3A_216 = arith.constant 0 : i32
      %dma_wait3A_217 = arith.constant 0 : i32
      %dma_wait3A_218 = tpu.memref_slice %arg11[%dma_wait3A_216, %dma_wait3A_217] : memref<100x128xf32, #tpu.memory_space<vmem>> -> memref<64x128xf32, #tpu.memory_space<vmem>>
      %dma_wait3A_219 = arith.constant 0 : i32
      %dma_wait3A_220 = tpu.memref_slice %arg12[%add3A_98, %dma_wait3A_219] : memref<10240x128xf32, #tpu.memory_space<vmem_shared>> -> memref<64x128xf32, #tpu.memory_space<vmem_shared>>
      tpu.wait_dma2 semaphore(%run_scoped3A : memref<!tpu.dma_semaphore, #tpu.memory_space<semaphore_mem>>) src(%dma_wait3A_220 : memref<64x128xf32, #tpu.memory_space<vmem_shared>>) dst(%dma_wait3A_218 : memref<64x128xf32, #tpu.memory_space<vmem>>)
      tpu.yield
    }) : () -> ()
    "tpu.region"() ({
      %run_scoped3A = tpu.sem_alloc : memref<!tpu.dma_semaphore, #tpu.memory_space<semaphore_mem>>
      %dma_start3A_202 = arith.constant 0 : i32
      %dma_start3A_203 = arith.constant 0 : i32
      %dma_start3A_204 = tpu.memref_slice %arg11[%dma_start3A_202, %dma_start3A_203] : memref<100x128xf32, #tpu.memory_space<vmem>> -> memref<64x128xf32, #tpu.memory_space<vmem>>
      %dma_start3A_205 = arith.constant 0 : i32
      %dma_start3A_206 = tpu.memref_slice %arg6[%arg0, %add3A_98, %dma_start3A_205] : memref<2x10240x128xf32, #tpu.memory_space<hbm>> -> memref<1x64x128xf32, #tpu.memory_space<hbm>>
      %dma_start3A_207 = tpu.memref_squeeze %dma_start3A_206 : memref<1x64x128xf32, #tpu.memory_space<hbm>> -> memref<64x128xf32, #tpu.memory_space<hbm>>
      %dma_start3A_208 = arith.constant 0 : i32
      %dma_start3A_209 = tpu.memref_slice %arg6[%arg0, %add3A_98, %dma_start3A_208] : memref<2x10240x128xf32, #tpu.memory_space<hbm>> -> memref<1x64x128xf32, #tpu.memory_space<hbm>>
      %dma_start3A_210 = tpu.memref_squeeze %dma_start3A_209 : memref<1x64x128xf32, #tpu.memory_space<hbm>> -> memref<64x128xf32, #tpu.memory_space<hbm>>
      %dma_start3A_211 = arith.constant 0 : i32
      %dma_start3A_212 = arith.constant 0 : i32
      %dma_start3A_213 = tpu.memref_slice %arg11[%dma_start3A_211, %dma_start3A_212] : memref<100x128xf32, #tpu.memory_space<vmem>> -> memref<64x128xf32, #tpu.memory_space<vmem>>
      tpu.enqueue_dma source(%dma_start3A_213 : memref<64x128xf32, #tpu.memory_space<vmem>>) target(%dma_start3A_210 : memref<64x128xf32, #tpu.memory_space<hbm>>) target_semaphore(%run_scoped3A : memref<!tpu.dma_semaphore, #tpu.memory_space<semaphore_mem>>)
      %dma_wait3A = arith.constant 0 : i32
      %dma_wait3A_214 = arith.constant 0 : i32
      %dma_wait3A_215 = tpu.memref_slice %arg11[%dma_wait3A, %dma_wait3A_214] : memref<100x128xf32, #tpu.memory_space<vmem>> -> memref<64x128xf32, #tpu.memory_space<vmem>>
      %dma_wait3A_216 = arith.constant 0 : i32
      %dma_wait3A_217 = tpu.memref_slice %arg6[%arg0, %add3A_98, %dma_wait3A_216] : memref<2x10240x128xf32, #tpu.memory_space<hbm>> -> memref<1x64x128xf32, #tpu.memory_space<hbm>>
      %dma_wait3A_218 = tpu.memref_squeeze %dma_wait3A_217 : memref<1x64x128xf32, #tpu.memory_space<hbm>> -> memref<64x128xf32, #tpu.memory_space<hbm>>
      %dma_wait3A_219 = arith.constant 0 : i32
      %dma_wait3A_220 = tpu.memref_slice %arg6[%arg0, %add3A_98, %dma_wait3A_219] : memref<2x10240x128xf32, #tpu.memory_space<hbm>> -> memref<1x64x128xf32, #tpu.memory_space<hbm>>
      %dma_wait3A_221 = tpu.memref_squeeze %dma_wait3A_220 : memref<1x64x128xf32, #tpu.memory_space<hbm>> -> memref<64x128xf32, #tpu.memory_space<hbm>>
      %dma_wait3A_222 = arith.constant 0 : i32
      %dma_wait3A_223 = arith.constant 0 : i32
      %dma_wait3A_224 = tpu.memref_slice %arg11[%dma_wait3A_222, %dma_wait3A_223] : memref<100x128xf32, #tpu.memory_space<vmem>> -> memref<64x128xf32, #tpu.memory_space<vmem>>
      tpu.wait_dma2 semaphore(%run_scoped3A : memref<!tpu.dma_semaphore, #tpu.memory_space<semaphore_mem>>) src(%dma_wait3A_224 : memref<64x128xf32, #tpu.memory_space<vmem>>) dst(%dma_wait3A_221 : memref<64x128xf32, #tpu.memory_space<hbm>>)
      tpu.yield
    }) : () -> ()
    %barrier3A_99 = arith.constant 0 : index
    tpu.barrier barrier_id(%barrier3A_99)
    %scan3A_100 = arith.constant 0 : i32
    %scan3A_101 = arith.constant 0 : i32
    %scan3A_102 = arith.constant 64 : i32
    %scan3A_103 = arith.addi %scan3A_101, %scan3A_102 : i32
    %scan3A_104 = arith.constant 1 : i32
    scf.for %scan3A_202 = %scan3A_101 to %scan3A_103 step %scan3A_104  : i32 {
      %broadcast_in_dim3A = arith.constant 0.000000e+00 : f32
      %broadcast_in_dim3A_203 = vector.broadcast %broadcast_in_dim3A : f32 to vector<16xf32>
      %swap3A = arith.index_cast %scan3A_202 : i32 to index
      %swap3A_204 = arith.constant 0 : index
      %swap3A_205 = tpu.vector_load %arg10[%swap3A, %swap3A_204] {strides = array<i32>} : memref<100x128xf32, #tpu.memory_space<vmem>>, vector<1x16xf32>,
      %swap3A_206 = vector.shape_cast %swap3A_205 : vector<1x16xf32> to vector<16xf32>
      %swap3A_207 = vector.shape_cast %broadcast_in_dim3A_203 : vector<16xf32> to vector<1x16xf32>
      tpu.vector_store %arg10[%swap3A, %swap3A_204], %swap3A_207 {strides = array<i32>} : memref<100x128xf32, #tpu.memory_space<vmem>>, vector<1x16xf32>,
      %broadcast_in_dim3A_208 = arith.constant 0.000000e+00 : f32
      %broadcast_in_dim3A_209 = vector.broadcast %broadcast_in_dim3A_208 : f32 to vector<16xf32>
      %swap3A_210 = arith.index_cast %scan3A_202 : i32 to index
      %swap3A_211 = arith.constant 16 : index
      %swap3A_212 = tpu.vector_load %arg10[%swap3A_210, %swap3A_211] {strides = array<i32>} : memref<100x128xf32, #tpu.memory_space<vmem>>, vector<1x16xf32>,
      %swap3A_213 = vector.shape_cast %swap3A_212 : vector<1x16xf32> to vector<16xf32>
      %swap3A_214 = vector.shape_cast %broadcast_in_dim3A_209 : vector<16xf32> to vector<1x16xf32>
      tpu.vector_store %arg10[%swap3A_210, %swap3A_211], %swap3A_214 {strides = array<i32>} : memref<100x128xf32, #tpu.memory_space<vmem>>, vector<1x16xf32>,
      %broadcast_in_dim3A_215 = arith.constant 0.000000e+00 : f32
      %broadcast_in_dim3A_216 = vector.broadcast %broadcast_in_dim3A_215 : f32 to vector<16xf32>
      %swap3A_217 = arith.index_cast %scan3A_202 : i32 to index
      %swap3A_218 = arith.constant 32 : index
      %swap3A_219 = tpu.vector_load %arg10[%swap3A_217, %swap3A_218] {strides = array<i32>} : memref<100x128xf32, #tpu.memory_space<vmem>>, vector<1x16xf32>,
      %swap3A_220 = vector.shape_cast %swap3A_219 : vector<1x16xf32> to vector<16xf32>
      %swap3A_221 = vector.shape_cast %broadcast_in_dim3A_216 : vector<16xf32> to vector<1x16xf32>
      tpu.vector_store %arg10[%swap3A_217, %swap3A_218], %swap3A_221 {strides = array<i32>} : memref<100x128xf32, #tpu.memory_space<vmem>>, vector<1x16xf32>,
      %broadcast_in_dim3A_222 = arith.constant 0.000000e+00 : f32
      %broadcast_in_dim3A_223 = vector.broadcast %broadcast_in_dim3A_222 : f32 to vector<16xf32>
      %swap3A_224 = arith.index_cast %scan3A_202 : i32 to index
      %swap3A_225 = arith.constant 48 : index
      %swap3A_226 = tpu.vector_load %arg10[%swap3A_224, %swap3A_225] {strides = array<i32>} : memref<100x128xf32, #tpu.memory_space<vmem>>, vector<1x16xf32>,
      %swap3A_227 = vector.shape_cast %swap3A_226 : vector<1x16xf32> to vector<16xf32>
      %swap3A_228 = vector.shape_cast %broadcast_in_dim3A_223 : vector<16xf32> to vector<1x16xf32>
      tpu.vector_store %arg10[%swap3A_224, %swap3A_225], %swap3A_228 {strides = array<i32>} : memref<100x128xf32, #tpu.memory_space<vmem>>, vector<1x16xf32>,
      %broadcast_in_dim3A_229 = arith.constant 0.000000e+00 : f32
      %broadcast_in_dim3A_230 = vector.broadcast %broadcast_in_dim3A_229 : f32 to vector<16xf32>
      %swap3A_231 = arith.index_cast %scan3A_202 : i32 to index
      %swap3A_232 = arith.constant 64 : index
      %swap3A_233 = tpu.vector_load %arg10[%swap3A_231, %swap3A_232] {strides = array<i32>} : memref<100x128xf32, #tpu.memory_space<vmem>>, vector<1x16xf32>,
      %swap3A_234 = vector.shape_cast %swap3A_233 : vector<1x16xf32> to vector<16xf32>
      %swap3A_235 = vector.shape_cast %broadcast_in_dim3A_230 : vector<16xf32> to vector<1x16xf32>
      tpu.vector_store %arg10[%swap3A_231, %swap3A_232], %swap3A_235 {strides = array<i32>} : memref<100x128xf32, #tpu.memory_space<vmem>>, vector<1x16xf32>,
      %broadcast_in_dim3A_236 = arith.constant 0.000000e+00 : f32
      %broadcast_in_dim3A_237 = vector.broadcast %broadcast_in_dim3A_236 : f32 to vector<16xf32>
      %swap3A_238 = arith.index_cast %scan3A_202 : i32 to index
      %swap3A_239 = arith.constant 80 : index
      %swap3A_240 = tpu.vector_load %arg10[%swap3A_238, %swap3A_239] {strides = array<i32>} : memref<100x128xf32, #tpu.memory_space<vmem>>, vector<1x16xf32>,
      %swap3A_241 = vector.shape_cast %swap3A_240 : vector<1x16xf32> to vector<16xf32>
      %swap3A_242 = vector.shape_cast %broadcast_in_dim3A_237 : vector<16xf32> to vector<1x16xf32>
      tpu.vector_store %arg10[%swap3A_238, %swap3A_239], %swap3A_242 {strides = array<i32>} : memref<100x128xf32, #tpu.memory_space<vmem>>, vector<1x16xf32>,
      %broadcast_in_dim3A_243 = arith.constant 0.000000e+00 : f32
      %broadcast_in_dim3A_244 = vector.broadcast %broadcast_in_dim3A_243 : f32 to vector<16xf32>
      %swap3A_245 = arith.index_cast %scan3A_202 : i32 to index
      %swap3A_246 = arith.constant 96 : index
      %swap3A_247 = tpu.vector_load %arg10[%swap3A_245, %swap3A_246] {strides = array<i32>} : memref<100x128xf32, #tpu.memory_space<vmem>>, vector<1x16xf32>,
      %swap3A_248 = vector.shape_cast %swap3A_247 : vector<1x16xf32> to vector<16xf32>
      %swap3A_249 = vector.shape_cast %broadcast_in_dim3A_244 : vector<16xf32> to vector<1x16xf32>
      tpu.vector_store %arg10[%swap3A_245, %swap3A_246], %swap3A_249 {strides = array<i32>} : memref<100x128xf32, #tpu.memory_space<vmem>>, vector<1x16xf32>,
      %broadcast_in_dim3A_250 = arith.constant 0.000000e+00 : f32
      %broadcast_in_dim3A_251 = vector.broadcast %broadcast_in_dim3A_250 : f32 to vector<16xf32>
      %swap3A_252 = arith.index_cast %scan3A_202 : i32 to index
      %swap3A_253 = arith.constant 112 : index
      %swap3A_254 = tpu.vector_load %arg10[%swap3A_252, %swap3A_253] {strides = array<i32>} : memref<100x128xf32, #tpu.memory_space<vmem>>, vector<1x16xf32>,
      %swap3A_255 = vector.shape_cast %swap3A_254 : vector<1x16xf32> to vector<16xf32>
      %swap3A_256 = vector.shape_cast %broadcast_in_dim3A_251 : vector<16xf32> to vector<1x16xf32>
      tpu.vector_store %arg10[%swap3A_252, %swap3A_253], %swap3A_256 {strides = array<i32>} : memref<100x128xf32, #tpu.memory_space<vmem>>, vector<1x16xf32>,
    }
    %scan3A_105 = arith.constant 64 : i32
    %mul3A_106 = arith.constant 640 : i32
    %mul3A_107 = arith.muli %arg1, %mul3A_106 : i32
    %add3A_108 = arith.constant 0 : i32
    %add3A_109 = arith.addi %mul3A_107, %add3A_108 : i32
    "tpu.region"() ({
      %run_scoped3A = tpu.sem_alloc : memref<!tpu.dma_semaphore, #tpu.memory_space<semaphore_mem>>
      %dma_start3A_202 = arith.constant 0 : i32
      %dma_start3A_203 = arith.constant 0 : i32
      %dma_start3A_204 = tpu.memref_slice %arg10[%dma_start3A_202, %dma_start3A_203] : memref<100x128xf32, #tpu.memory_space<vmem>> -> memref<64x128xf32, #tpu.memory_space<vmem>>
      %dma_start3A_205 = arith.constant 0 : i32
      %dma_start3A_206 = tpu.memref_slice %arg12[%add3A_109, %dma_start3A_205] : memref<10240x128xf32, #tpu.memory_space<vmem_shared>> -> memref<64x128xf32, #tpu.memory_space<vmem_shared>>
      %dma_start3A_207 = arith.constant 0 : i32
      %dma_start3A_208 = tpu.memref_slice %arg12[%add3A_109, %dma_start3A_207] : memref<10240x128xf32, #tpu.memory_space<vmem_shared>> -> memref<64x128xf32, #tpu.memory_space<vmem_shared>>
      %dma_start3A_209 = arith.constant 0 : i32
      %dma_start3A_210 = arith.constant 0 : i32
      %dma_start3A_211 = tpu.memref_slice %arg10[%dma_start3A_209, %dma_start3A_210] : memref<100x128xf32, #tpu.memory_space<vmem>> -> memref<64x128xf32, #tpu.memory_space<vmem>>
      tpu.enqueue_dma source(%dma_start3A_211 : memref<64x128xf32, #tpu.memory_space<vmem>>) target(%dma_start3A_208 : memref<64x128xf32, #tpu.memory_space<vmem_shared>>) target_semaphore(%run_scoped3A : memref<!tpu.dma_semaphore, #tpu.memory_space<semaphore_mem>>)
      %dma_wait3A = arith.constant 0 : i32
      %dma_wait3A_212 = arith.constant 0 : i32
      %dma_wait3A_213 = tpu.memref_slice %arg10[%dma_wait3A, %dma_wait3A_212] : memref<100x128xf32, #tpu.memory_space<vmem>> -> memref<64x128xf32, #tpu.memory_space<vmem>>
      %dma_wait3A_214 = arith.constant 0 : i32
      %dma_wait3A_215 = tpu.memref_slice %arg12[%add3A_109, %dma_wait3A_214] : memref<10240x128xf32, #tpu.memory_space<vmem_shared>> -> memref<64x128xf32, #tpu.memory_space<vmem_shared>>
      %dma_wait3A_216 = arith.constant 0 : i32
      %dma_wait3A_217 = tpu.memref_slice %arg12[%add3A_109, %dma_wait3A_216] : memref<10240x128xf32, #tpu.memory_space<vmem_shared>> -> memref<64x128xf32, #tpu.memory_space<vmem_shared>>
      %dma_wait3A_218 = arith.constant 0 : i32
      %dma_wait3A_219 = arith.constant 0 : i32
      %dma_wait3A_220 = tpu.memref_slice %arg10[%dma_wait3A_218, %dma_wait3A_219] : memref<100x128xf32, #tpu.memory_space<vmem>> -> memref<64x128xf32, #tpu.memory_space<vmem>>
      tpu.wait_dma2 semaphore(%run_scoped3A : memref<!tpu.dma_semaphore, #tpu.memory_space<semaphore_mem>>) src(%dma_wait3A_220 : memref<64x128xf32, #tpu.memory_space<vmem>>) dst(%dma_wait3A_217 : memref<64x128xf32, #tpu.memory_space<vmem_shared>>)
      tpu.yield
    }) : () -> ()
    %mul3A_110 = arith.constant 640 : i32
    %mul3A_111 = arith.muli %arg1, %mul3A_110 : i32
    %add3A_112 = arith.constant 64 : i32
    %add3A_113 = arith.addi %mul3A_111, %add3A_112 : i32
    "tpu.region"() ({
      %run_scoped3A = tpu.sem_alloc : memref<!tpu.dma_semaphore, #tpu.memory_space<semaphore_mem>>
      %dma_start3A_202 = arith.constant 0 : i32
      %dma_start3A_203 = arith.constant 0 : i32
      %dma_start3A_204 = tpu.memref_slice %arg10[%dma_start3A_202, %dma_start3A_203] : memref<100x128xf32, #tpu.memory_space<vmem>> -> memref<64x128xf32, #tpu.memory_space<vmem>>
      %dma_start3A_205 = arith.constant 0 : i32
      %dma_start3A_206 = tpu.memref_slice %arg12[%add3A_113, %dma_start3A_205] : memref<10240x128xf32, #tpu.memory_space<vmem_shared>> -> memref<64x128xf32, #tpu.memory_space<vmem_shared>>
      %dma_start3A_207 = arith.constant 0 : i32
      %dma_start3A_208 = tpu.memref_slice %arg12[%add3A_113, %dma_start3A_207] : memref<10240x128xf32, #tpu.memory_space<vmem_shared>> -> memref<64x128xf32, #tpu.memory_space<vmem_shared>>
      %dma_start3A_209 = arith.constant 0 : i32
      %dma_start3A_210 = arith.constant 0 : i32
      %dma_start3A_211 = tpu.memref_slice %arg10[%dma_start3A_209, %dma_start3A_210] : memref<100x128xf32, #tpu.memory_space<vmem>> -> memref<64x128xf32, #tpu.memory_space<vmem>>
      tpu.enqueue_dma source(%dma_start3A_211 : memref<64x128xf32, #tpu.memory_space<vmem>>) target(%dma_start3A_208 : memref<64x128xf32, #tpu.memory_space<vmem_shared>>) target_semaphore(%run_scoped3A : memref<!tpu.dma_semaphore, #tpu.memory_space<semaphore_mem>>)
      %dma_wait3A = arith.constant 0 : i32
      %dma_wait3A_212 = arith.constant 0 : i32
      %dma_wait3A_213 = tpu.memref_slice %arg10[%dma_wait3A, %dma_wait3A_212] : memref<100x128xf32, #tpu.memory_space<vmem>> -> memref<64x128xf32, #tpu.memory_space<vmem>>
      %dma_wait3A_214 = arith.constant 0 : i32
      %dma_wait3A_215 = tpu.memref_slice %arg12[%add3A_113, %dma_wait3A_214] : memref<10240x128xf32, #tpu.memory_space<vmem_shared>> -> memref<64x128xf32, #tpu.memory_space<vmem_shared>>
      %dma_wait3A_216 = arith.constant 0 : i32
      %dma_wait3A_217 = tpu.memref_slice %arg12[%add3A_113, %dma_wait3A_216] : memref<10240x128xf32, #tpu.memory_space<vmem_shared>> -> memref<64x128xf32, #tpu.memory_space<vmem_shared>>
      %dma_wait3A_218 = arith.constant 0 : i32
      %dma_wait3A_219 = arith.constant 0 : i32
      %dma_wait3A_220 = tpu.memref_slice %arg10[%dma_wait3A_218, %dma_wait3A_219] : memref<100x128xf32, #tpu.memory_space<vmem>> -> memref<64x128xf32, #tpu.memory_space<vmem>>
      tpu.wait_dma2 semaphore(%run_scoped3A : memref<!tpu.dma_semaphore, #tpu.memory_space<semaphore_mem>>) src(%dma_wait3A_220 : memref<64x128xf32, #tpu.memory_space<vmem>>) dst(%dma_wait3A_217 : memref<64x128xf32, #tpu.memory_space<vmem_shared>>)
      tpu.yield
    }) : () -> ()
    %mul3A_114 = arith.constant 640 : i32
    %mul3A_115 = arith.muli %arg1, %mul3A_114 : i32
    %add3A_116 = arith.constant 128 : i32
    %add3A_117 = arith.addi %mul3A_115, %add3A_116 : i32
    "tpu.region"() ({
      %run_scoped3A = tpu.sem_alloc : memref<!tpu.dma_semaphore, #tpu.memory_space<semaphore_mem>>
      %dma_start3A_202 = arith.constant 0 : i32
      %dma_start3A_203 = arith.constant 0 : i32
      %dma_start3A_204 = tpu.memref_slice %arg10[%dma_start3A_202, %dma_start3A_203] : memref<100x128xf32, #tpu.memory_space<vmem>> -> memref<64x128xf32, #tpu.memory_space<vmem>>
      %dma_start3A_205 = arith.constant 0 : i32
      %dma_start3A_206 = tpu.memref_slice %arg12[%add3A_117, %dma_start3A_205] : memref<10240x128xf32, #tpu.memory_space<vmem_shared>> -> memref<64x128xf32, #tpu.memory_space<vmem_shared>>
      %dma_start3A_207 = arith.constant 0 : i32
      %dma_start3A_208 = tpu.memref_slice %arg12[%add3A_117, %dma_start3A_207] : memref<10240x128xf32, #tpu.memory_space<vmem_shared>> -> memref<64x128xf32, #tpu.memory_space<vmem_shared>>
      %dma_start3A_209 = arith.constant 0 : i32
      %dma_start3A_210 = arith.constant 0 : i32
      %dma_start3A_211 = tpu.memref_slice %arg10[%dma_start3A_209, %dma_start3A_210] : memref<100x128xf32, #tpu.memory_space<vmem>> -> memref<64x128xf32, #tpu.memory_space<vmem>>
      tpu.enqueue_dma source(%dma_start3A_211 : memref<64x128xf32, #tpu.memory_space<vmem>>) target(%dma_start3A_208 : memref<64x128xf32, #tpu.memory_space<vmem_shared>>) target_semaphore(%run_scoped3A : memref<!tpu.dma_semaphore, #tpu.memory_space<semaphore_mem>>)
      %dma_wait3A = arith.constant 0 : i32
      %dma_wait3A_212 = arith.constant 0 : i32
      %dma_wait3A_213 = tpu.memref_slice %arg10[%dma_wait3A, %dma_wait3A_212] : memref<100x128xf32, #tpu.memory_space<vmem>> -> memref<64x128xf32, #tpu.memory_space<vmem>>
      %dma_wait3A_214 = arith.constant 0 : i32
      %dma_wait3A_215 = tpu.memref_slice %arg12[%add3A_117, %dma_wait3A_214] : memref<10240x128xf32, #tpu.memory_space<vmem_shared>> -> memref<64x128xf32, #tpu.memory_space<vmem_shared>>
      %dma_wait3A_216 = arith.constant 0 : i32
      %dma_wait3A_217 = tpu.memref_slice %arg12[%add3A_117, %dma_wait3A_216] : memref<10240x128xf32, #tpu.memory_space<vmem_shared>> -> memref<64x128xf32, #tpu.memory_space<vmem_shared>>
      %dma_wait3A_218 = arith.constant 0 : i32
      %dma_wait3A_219 = arith.constant 0 : i32
      %dma_wait3A_220 = tpu.memref_slice %arg10[%dma_wait3A_218, %dma_wait3A_219] : memref<100x128xf32, #tpu.memory_space<vmem>> -> memref<64x128xf32, #tpu.memory_space<vmem>>
      tpu.wait_dma2 semaphore(%run_scoped3A : memref<!tpu.dma_semaphore, #tpu.memory_space<semaphore_mem>>) src(%dma_wait3A_220 : memref<64x128xf32, #tpu.memory_space<vmem>>) dst(%dma_wait3A_217 : memref<64x128xf32, #tpu.memory_space<vmem_shared>>)
      tpu.yield
    }) : () -> ()
    %mul3A_118 = arith.constant 640 : i32
    %mul3A_119 = arith.muli %arg1, %mul3A_118 : i32
    %add3A_120 = arith.constant 192 : i32
    %add3A_121 = arith.addi %mul3A_119, %add3A_120 : i32
    "tpu.region"() ({
      %run_scoped3A = tpu.sem_alloc : memref<!tpu.dma_semaphore, #tpu.memory_space<semaphore_mem>>
      %dma_start3A_202 = arith.constant 0 : i32
      %dma_start3A_203 = arith.constant 0 : i32
      %dma_start3A_204 = tpu.memref_slice %arg10[%dma_start3A_202, %dma_start3A_203] : memref<100x128xf32, #tpu.memory_space<vmem>> -> memref<64x128xf32, #tpu.memory_space<vmem>>
      %dma_start3A_205 = arith.constant 0 : i32
      %dma_start3A_206 = tpu.memref_slice %arg12[%add3A_121, %dma_start3A_205] : memref<10240x128xf32, #tpu.memory_space<vmem_shared>> -> memref<64x128xf32, #tpu.memory_space<vmem_shared>>
      %dma_start3A_207 = arith.constant 0 : i32
      %dma_start3A_208 = tpu.memref_slice %arg12[%add3A_121, %dma_start3A_207] : memref<10240x128xf32, #tpu.memory_space<vmem_shared>> -> memref<64x128xf32, #tpu.memory_space<vmem_shared>>
      %dma_start3A_209 = arith.constant 0 : i32
      %dma_start3A_210 = arith.constant 0 : i32
      %dma_start3A_211 = tpu.memref_slice %arg10[%dma_start3A_209, %dma_start3A_210] : memref<100x128xf32, #tpu.memory_space<vmem>> -> memref<64x128xf32, #tpu.memory_space<vmem>>
      tpu.enqueue_dma source(%dma_start3A_211 : memref<64x128xf32, #tpu.memory_space<vmem>>) target(%dma_start3A_208 : memref<64x128xf32, #tpu.memory_space<vmem_shared>>) target_semaphore(%run_scoped3A : memref<!tpu.dma_semaphore, #tpu.memory_space<semaphore_mem>>)
      %dma_wait3A = arith.constant 0 : i32
      %dma_wait3A_212 = arith.constant 0 : i32
      %dma_wait3A_213 = tpu.memref_slice %arg10[%dma_wait3A, %dma_wait3A_212] : memref<100x128xf32, #tpu.memory_space<vmem>> -> memref<64x128xf32, #tpu.memory_space<vmem>>
      %dma_wait3A_214 = arith.constant 0 : i32
      %dma_wait3A_215 = tpu.memref_slice %arg12[%add3A_121, %dma_wait3A_214] : memref<10240x128xf32, #tpu.memory_space<vmem_shared>> -> memref<64x128xf32, #tpu.memory_space<vmem_shared>>
      %dma_wait3A_216 = arith.constant 0 : i32
      %dma_wait3A_217 = tpu.memref_slice %arg12[%add3A_121, %dma_wait3A_216] : memref<10240x128xf32, #tpu.memory_space<vmem_shared>> -> memref<64x128xf32, #tpu.memory_space<vmem_shared>>
      %dma_wait3A_218 = arith.constant 0 : i32
      %dma_wait3A_219 = arith.constant 0 : i32
      %dma_wait3A_220 = tpu.memref_slice %arg10[%dma_wait3A_218, %dma_wait3A_219] : memref<100x128xf32, #tpu.memory_space<vmem>> -> memref<64x128xf32, #tpu.memory_space<vmem>>
      tpu.wait_dma2 semaphore(%run_scoped3A : memref<!tpu.dma_semaphore, #tpu.memory_space<semaphore_mem>>) src(%dma_wait3A_220 : memref<64x128xf32, #tpu.memory_space<vmem>>) dst(%dma_wait3A_217 : memref<64x128xf32, #tpu.memory_space<vmem_shared>>)
      tpu.yield
    }) : () -> ()
    %mul3A_122 = arith.constant 640 : i32
    %mul3A_123 = arith.muli %arg1, %mul3A_122 : i32
    %add3A_124 = arith.constant 256 : i32
    %add3A_125 = arith.addi %mul3A_123, %add3A_124 : i32
    "tpu.region"() ({
      %run_scoped3A = tpu.sem_alloc : memref<!tpu.dma_semaphore, #tpu.memory_space<semaphore_mem>>
      %dma_start3A_202 = arith.constant 0 : i32
      %dma_start3A_203 = arith.constant 0 : i32
      %dma_start3A_204 = tpu.memref_slice %arg10[%dma_start3A_202, %dma_start3A_203] : memref<100x128xf32, #tpu.memory_space<vmem>> -> memref<64x128xf32, #tpu.memory_space<vmem>>
      %dma_start3A_205 = arith.constant 0 : i32
      %dma_start3A_206 = tpu.memref_slice %arg12[%add3A_125, %dma_start3A_205] : memref<10240x128xf32, #tpu.memory_space<vmem_shared>> -> memref<64x128xf32, #tpu.memory_space<vmem_shared>>
      %dma_start3A_207 = arith.constant 0 : i32
      %dma_start3A_208 = tpu.memref_slice %arg12[%add3A_125, %dma_start3A_207] : memref<10240x128xf32, #tpu.memory_space<vmem_shared>> -> memref<64x128xf32, #tpu.memory_space<vmem_shared>>
      %dma_start3A_209 = arith.constant 0 : i32
      %dma_start3A_210 = arith.constant 0 : i32
      %dma_start3A_211 = tpu.memref_slice %arg10[%dma_start3A_209, %dma_start3A_210] : memref<100x128xf32, #tpu.memory_space<vmem>> -> memref<64x128xf32, #tpu.memory_space<vmem>>
      tpu.enqueue_dma source(%dma_start3A_211 : memref<64x128xf32, #tpu.memory_space<vmem>>) target(%dma_start3A_208 : memref<64x128xf32, #tpu.memory_space<vmem_shared>>) target_semaphore(%run_scoped3A : memref<!tpu.dma_semaphore, #tpu.memory_space<semaphore_mem>>)
      %dma_wait3A = arith.constant 0 : i32
      %dma_wait3A_212 = arith.constant 0 : i32
      %dma_wait3A_213 = tpu.memref_slice %arg10[%dma_wait3A, %dma_wait3A_212] : memref<100x128xf32, #tpu.memory_space<vmem>> -> memref<64x128xf32, #tpu.memory_space<vmem>>
      %dma_wait3A_214 = arith.constant 0 : i32
      %dma_wait3A_215 = tpu.memref_slice %arg12[%add3A_125, %dma_wait3A_214] : memref<10240x128xf32, #tpu.memory_space<vmem_shared>> -> memref<64x128xf32, #tpu.memory_space<vmem_shared>>
      %dma_wait3A_216 = arith.constant 0 : i32
      %dma_wait3A_217 = tpu.memref_slice %arg12[%add3A_125, %dma_wait3A_216] : memref<10240x128xf32, #tpu.memory_space<vmem_shared>> -> memref<64x128xf32, #tpu.memory_space<vmem_shared>>
      %dma_wait3A_218 = arith.constant 0 : i32
      %dma_wait3A_219 = arith.constant 0 : i32
      %dma_wait3A_220 = tpu.memref_slice %arg10[%dma_wait3A_218, %dma_wait3A_219] : memref<100x128xf32, #tpu.memory_space<vmem>> -> memref<64x128xf32, #tpu.memory_space<vmem>>
      tpu.wait_dma2 semaphore(%run_scoped3A : memref<!tpu.dma_semaphore, #tpu.memory_space<semaphore_mem>>) src(%dma_wait3A_220 : memref<64x128xf32, #tpu.memory_space<vmem>>) dst(%dma_wait3A_217 : memref<64x128xf32, #tpu.memory_space<vmem_shared>>)
      tpu.yield
    }) : () -> ()
    %mul3A_126 = arith.constant 640 : i32
    %mul3A_127 = arith.muli %arg1, %mul3A_126 : i32
    %add3A_128 = arith.constant 320 : i32
    %add3A_129 = arith.addi %mul3A_127, %add3A_128 : i32
    "tpu.region"() ({
      %run_scoped3A = tpu.sem_alloc : memref<!tpu.dma_semaphore, #tpu.memory_space<semaphore_mem>>
      %dma_start3A_202 = arith.constant 0 : i32
      %dma_start3A_203 = arith.constant 0 : i32
      %dma_start3A_204 = tpu.memref_slice %arg10[%dma_start3A_202, %dma_start3A_203] : memref<100x128xf32, #tpu.memory_space<vmem>> -> memref<64x128xf32, #tpu.memory_space<vmem>>
      %dma_start3A_205 = arith.constant 0 : i32
      %dma_start3A_206 = tpu.memref_slice %arg12[%add3A_129, %dma_start3A_205] : memref<10240x128xf32, #tpu.memory_space<vmem_shared>> -> memref<64x128xf32, #tpu.memory_space<vmem_shared>>
      %dma_start3A_207 = arith.constant 0 : i32
      %dma_start3A_208 = tpu.memref_slice %arg12[%add3A_129, %dma_start3A_207] : memref<10240x128xf32, #tpu.memory_space<vmem_shared>> -> memref<64x128xf32, #tpu.memory_space<vmem_shared>>
      %dma_start3A_209 = arith.constant 0 : i32
      %dma_start3A_210 = arith.constant 0 : i32
      %dma_start3A_211 = tpu.memref_slice %arg10[%dma_start3A_209, %dma_start3A_210] : memref<100x128xf32, #tpu.memory_space<vmem>> -> memref<64x128xf32, #tpu.memory_space<vmem>>
      tpu.enqueue_dma source(%dma_start3A_211 : memref<64x128xf32, #tpu.memory_space<vmem>>) target(%dma_start3A_208 : memref<64x128xf32, #tpu.memory_space<vmem_shared>>) target_semaphore(%run_scoped3A : memref<!tpu.dma_semaphore, #tpu.memory_space<semaphore_mem>>)
      %dma_wait3A = arith.constant 0 : i32
      %dma_wait3A_212 = arith.constant 0 : i32
      %dma_wait3A_213 = tpu.memref_slice %arg10[%dma_wait3A, %dma_wait3A_212] : memref<100x128xf32, #tpu.memory_space<vmem>> -> memref<64x128xf32, #tpu.memory_space<vmem>>
      %dma_wait3A_214 = arith.constant 0 : i32
      %dma_wait3A_215 = tpu.memref_slice %arg12[%add3A_129, %dma_wait3A_214] : memref<10240x128xf32, #tpu.memory_space<vmem_shared>> -> memref<64x128xf32, #tpu.memory_space<vmem_shared>>
      %dma_wait3A_216 = arith.constant 0 : i32
      %dma_wait3A_217 = tpu.memref_slice %arg12[%add3A_129, %dma_wait3A_216] : memref<10240x128xf32, #tpu.memory_space<vmem_shared>> -> memref<64x128xf32, #tpu.memory_space<vmem_shared>>
      %dma_wait3A_218 = arith.constant 0 : i32
      %dma_wait3A_219 = arith.constant 0 : i32
      %dma_wait3A_220 = tpu.memref_slice %arg10[%dma_wait3A_218, %dma_wait3A_219] : memref<100x128xf32, #tpu.memory_space<vmem>> -> memref<64x128xf32, #tpu.memory_space<vmem>>
      tpu.wait_dma2 semaphore(%run_scoped3A : memref<!tpu.dma_semaphore, #tpu.memory_space<semaphore_mem>>) src(%dma_wait3A_220 : memref<64x128xf32, #tpu.memory_space<vmem>>) dst(%dma_wait3A_217 : memref<64x128xf32, #tpu.memory_space<vmem_shared>>)
      tpu.yield
    }) : () -> ()
    %mul3A_130 = arith.constant 640 : i32
    %mul3A_131 = arith.muli %arg1, %mul3A_130 : i32
    %add3A_132 = arith.constant 384 : i32
    %add3A_133 = arith.addi %mul3A_131, %add3A_132 : i32
    "tpu.region"() ({
      %run_scoped3A = tpu.sem_alloc : memref<!tpu.dma_semaphore, #tpu.memory_space<semaphore_mem>>
      %dma_start3A_202 = arith.constant 0 : i32
      %dma_start3A_203 = arith.constant 0 : i32
      %dma_start3A_204 = tpu.memref_slice %arg10[%dma_start3A_202, %dma_start3A_203] : memref<100x128xf32, #tpu.memory_space<vmem>> -> memref<64x128xf32, #tpu.memory_space<vmem>>
      %dma_start3A_205 = arith.constant 0 : i32
      %dma_start3A_206 = tpu.memref_slice %arg12[%add3A_133, %dma_start3A_205] : memref<10240x128xf32, #tpu.memory_space<vmem_shared>> -> memref<64x128xf32, #tpu.memory_space<vmem_shared>>
      %dma_start3A_207 = arith.constant 0 : i32
      %dma_start3A_208 = tpu.memref_slice %arg12[%add3A_133, %dma_start3A_207] : memref<10240x128xf32, #tpu.memory_space<vmem_shared>> -> memref<64x128xf32, #tpu.memory_space<vmem_shared>>
      %dma_start3A_209 = arith.constant 0 : i32
      %dma_start3A_210 = arith.constant 0 : i32
      %dma_start3A_211 = tpu.memref_slice %arg10[%dma_start3A_209, %dma_start3A_210] : memref<100x128xf32, #tpu.memory_space<vmem>> -> memref<64x128xf32, #tpu.memory_space<vmem>>
      tpu.enqueue_dma source(%dma_start3A_211 : memref<64x128xf32, #tpu.memory_space<vmem>>) target(%dma_start3A_208 : memref<64x128xf32, #tpu.memory_space<vmem_shared>>) target_semaphore(%run_scoped3A : memref<!tpu.dma_semaphore, #tpu.memory_space<semaphore_mem>>)
      %dma_wait3A = arith.constant 0 : i32
      %dma_wait3A_212 = arith.constant 0 : i32
      %dma_wait3A_213 = tpu.memref_slice %arg10[%dma_wait3A, %dma_wait3A_212] : memref<100x128xf32, #tpu.memory_space<vmem>> -> memref<64x128xf32, #tpu.memory_space<vmem>>
      %dma_wait3A_214 = arith.constant 0 : i32
      %dma_wait3A_215 = tpu.memref_slice %arg12[%add3A_133, %dma_wait3A_214] : memref<10240x128xf32, #tpu.memory_space<vmem_shared>> -> memref<64x128xf32, #tpu.memory_space<vmem_shared>>
      %dma_wait3A_216 = arith.constant 0 : i32
      %dma_wait3A_217 = tpu.memref_slice %arg12[%add3A_133, %dma_wait3A_216] : memref<10240x128xf32, #tpu.memory_space<vmem_shared>> -> memref<64x128xf32, #tpu.memory_space<vmem_shared>>
      %dma_wait3A_218 = arith.constant 0 : i32
      %dma_wait3A_219 = arith.constant 0 : i32
      %dma_wait3A_220 = tpu.memref_slice %arg10[%dma_wait3A_218, %dma_wait3A_219] : memref<100x128xf32, #tpu.memory_space<vmem>> -> memref<64x128xf32, #tpu.memory_space<vmem>>
      tpu.wait_dma2 semaphore(%run_scoped3A : memref<!tpu.dma_semaphore, #tpu.memory_space<semaphore_mem>>) src(%dma_wait3A_220 : memref<64x128xf32, #tpu.memory_space<vmem>>) dst(%dma_wait3A_217 : memref<64x128xf32, #tpu.memory_space<vmem_shared>>)
      tpu.yield
    }) : () -> ()
    %mul3A_134 = arith.constant 640 : i32
    %mul3A_135 = arith.muli %arg1, %mul3A_134 : i32
    %add3A_136 = arith.constant 448 : i32
    %add3A_137 = arith.addi %mul3A_135, %add3A_136 : i32
    "tpu.region"() ({
      %run_scoped3A = tpu.sem_alloc : memref<!tpu.dma_semaphore, #tpu.memory_space<semaphore_mem>>
      %dma_start3A_202 = arith.constant 0 : i32
      %dma_start3A_203 = arith.constant 0 : i32
      %dma_start3A_204 = tpu.memref_slice %arg10[%dma_start3A_202, %dma_start3A_203] : memref<100x128xf32, #tpu.memory_space<vmem>> -> memref<64x128xf32, #tpu.memory_space<vmem>>
      %dma_start3A_205 = arith.constant 0 : i32
      %dma_start3A_206 = tpu.memref_slice %arg12[%add3A_137, %dma_start3A_205] : memref<10240x128xf32, #tpu.memory_space<vmem_shared>> -> memref<64x128xf32, #tpu.memory_space<vmem_shared>>
      %dma_start3A_207 = arith.constant 0 : i32
      %dma_start3A_208 = tpu.memref_slice %arg12[%add3A_137, %dma_start3A_207] : memref<10240x128xf32, #tpu.memory_space<vmem_shared>> -> memref<64x128xf32, #tpu.memory_space<vmem_shared>>
      %dma_start3A_209 = arith.constant 0 : i32
      %dma_start3A_210 = arith.constant 0 : i32
      %dma_start3A_211 = tpu.memref_slice %arg10[%dma_start3A_209, %dma_start3A_210] : memref<100x128xf32, #tpu.memory_space<vmem>> -> memref<64x128xf32, #tpu.memory_space<vmem>>
      tpu.enqueue_dma source(%dma_start3A_211 : memref<64x128xf32, #tpu.memory_space<vmem>>) target(%dma_start3A_208 : memref<64x128xf32, #tpu.memory_space<vmem_shared>>) target_semaphore(%run_scoped3A : memref<!tpu.dma_semaphore, #tpu.memory_space<semaphore_mem>>)
      %dma_wait3A = arith.constant 0 : i32
      %dma_wait3A_212 = arith.constant 0 : i32
      %dma_wait3A_213 = tpu.memref_slice %arg10[%dma_wait3A, %dma_wait3A_212] : memref<100x128xf32, #tpu.memory_space<vmem>> -> memref<64x128xf32, #tpu.memory_space<vmem>>
      %dma_wait3A_214 = arith.constant 0 : i32
      %dma_wait3A_215 = tpu.memref_slice %arg12[%add3A_137, %dma_wait3A_214] : memref<10240x128xf32, #tpu.memory_space<vmem_shared>> -> memref<64x128xf32, #tpu.memory_space<vmem_shared>>
      %dma_wait3A_216 = arith.constant 0 : i32
      %dma_wait3A_217 = tpu.memref_slice %arg12[%add3A_137, %dma_wait3A_216] : memref<10240x128xf32, #tpu.memory_space<vmem_shared>> -> memref<64x128xf32, #tpu.memory_space<vmem_shared>>
      %dma_wait3A_218 = arith.constant 0 : i32
      %dma_wait3A_219 = arith.constant 0 : i32
      %dma_wait3A_220 = tpu.memref_slice %arg10[%dma_wait3A_218, %dma_wait3A_219] : memref<100x128xf32, #tpu.memory_space<vmem>> -> memref<64x128xf32, #tpu.memory_space<vmem>>
      tpu.wait_dma2 semaphore(%run_scoped3A : memref<!tpu.dma_semaphore, #tpu.memory_space<semaphore_mem>>) src(%dma_wait3A_220 : memref<64x128xf32, #tpu.memory_space<vmem>>) dst(%dma_wait3A_217 : memref<64x128xf32, #tpu.memory_space<vmem_shared>>)
      tpu.yield
    }) : () -> ()
    %mul3A_138 = arith.constant 640 : i32
    %mul3A_139 = arith.muli %arg1, %mul3A_138 : i32
    %add3A_140 = arith.constant 512 : i32
    %add3A_141 = arith.addi %mul3A_139, %add3A_140 : i32
    "tpu.region"() ({
      %run_scoped3A = tpu.sem_alloc : memref<!tpu.dma_semaphore, #tpu.memory_space<semaphore_mem>>
      %dma_start3A_202 = arith.constant 0 : i32
      %dma_start3A_203 = arith.constant 0 : i32
      %dma_start3A_204 = tpu.memref_slice %arg10[%dma_start3A_202, %dma_start3A_203] : memref<100x128xf32, #tpu.memory_space<vmem>> -> memref<64x128xf32, #tpu.memory_space<vmem>>
      %dma_start3A_205 = arith.constant 0 : i32
      %dma_start3A_206 = tpu.memref_slice %arg12[%add3A_141, %dma_start3A_205] : memref<10240x128xf32, #tpu.memory_space<vmem_shared>> -> memref<64x128xf32, #tpu.memory_space<vmem_shared>>
      %dma_start3A_207 = arith.constant 0 : i32
      %dma_start3A_208 = tpu.memref_slice %arg12[%add3A_141, %dma_start3A_207] : memref<10240x128xf32, #tpu.memory_space<vmem_shared>> -> memref<64x128xf32, #tpu.memory_space<vmem_shared>>
      %dma_start3A_209 = arith.constant 0 : i32
      %dma_start3A_210 = arith.constant 0 : i32
      %dma_start3A_211 = tpu.memref_slice %arg10[%dma_start3A_209, %dma_start3A_210] : memref<100x128xf32, #tpu.memory_space<vmem>> -> memref<64x128xf32, #tpu.memory_space<vmem>>
      tpu.enqueue_dma source(%dma_start3A_211 : memref<64x128xf32, #tpu.memory_space<vmem>>) target(%dma_start3A_208 : memref<64x128xf32, #tpu.memory_space<vmem_shared>>) target_semaphore(%run_scoped3A : memref<!tpu.dma_semaphore, #tpu.memory_space<semaphore_mem>>)
      %dma_wait3A = arith.constant 0 : i32
      %dma_wait3A_212 = arith.constant 0 : i32
      %dma_wait3A_213 = tpu.memref_slice %arg10[%dma_wait3A, %dma_wait3A_212] : memref<100x128xf32, #tpu.memory_space<vmem>> -> memref<64x128xf32, #tpu.memory_space<vmem>>
      %dma_wait3A_214 = arith.constant 0 : i32
      %dma_wait3A_215 = tpu.memref_slice %arg12[%add3A_141, %dma_wait3A_214] : memref<10240x128xf32, #tpu.memory_space<vmem_shared>> -> memref<64x128xf32, #tpu.memory_space<vmem_shared>>
      %dma_wait3A_216 = arith.constant 0 : i32
      %dma_wait3A_217 = tpu.memref_slice %arg12[%add3A_141, %dma_wait3A_216] : memref<10240x128xf32, #tpu.memory_space<vmem_shared>> -> memref<64x128xf32, #tpu.memory_space<vmem_shared>>
      %dma_wait3A_218 = arith.constant 0 : i32
      %dma_wait3A_219 = arith.constant 0 : i32
      %dma_wait3A_220 = tpu.memref_slice %arg10[%dma_wait3A_218, %dma_wait3A_219] : memref<100x128xf32, #tpu.memory_space<vmem>> -> memref<64x128xf32, #tpu.memory_space<vmem>>
      tpu.wait_dma2 semaphore(%run_scoped3A : memref<!tpu.dma_semaphore, #tpu.memory_space<semaphore_mem>>) src(%dma_wait3A_220 : memref<64x128xf32, #tpu.memory_space<vmem>>) dst(%dma_wait3A_217 : memref<64x128xf32, #tpu.memory_space<vmem_shared>>)
      tpu.yield
    }) : () -> ()
    %mul3A_142 = arith.constant 640 : i32
    %mul3A_143 = arith.muli %arg1, %mul3A_142 : i32
    %add3A_144 = arith.constant 576 : i32
    %add3A_145 = arith.addi %mul3A_143, %add3A_144 : i32
    "tpu.region"() ({
      %run_scoped3A = tpu.sem_alloc : memref<!tpu.dma_semaphore, #tpu.memory_space<semaphore_mem>>
      %dma_start3A_202 = arith.constant 0 : i32
      %dma_start3A_203 = arith.constant 0 : i32
      %dma_start3A_204 = tpu.memref_slice %arg10[%dma_start3A_202, %dma_start3A_203] : memref<100x128xf32, #tpu.memory_space<vmem>> -> memref<64x128xf32, #tpu.memory_space<vmem>>
      %dma_start3A_205 = arith.constant 0 : i32
      %dma_start3A_206 = tpu.memref_slice %arg12[%add3A_145, %dma_start3A_205] : memref<10240x128xf32, #tpu.memory_space<vmem_shared>> -> memref<64x128xf32, #tpu.memory_space<vmem_shared>>
      %dma_start3A_207 = arith.constant 0 : i32
      %dma_start3A_208 = tpu.memref_slice %arg12[%add3A_145, %dma_start3A_207] : memref<10240x128xf32, #tpu.memory_space<vmem_shared>> -> memref<64x128xf32, #tpu.memory_space<vmem_shared>>
      %dma_start3A_209 = arith.constant 0 : i32
      %dma_start3A_210 = arith.constant 0 : i32
      %dma_start3A_211 = tpu.memref_slice %arg10[%dma_start3A_209, %dma_start3A_210] : memref<100x128xf32, #tpu.memory_space<vmem>> -> memref<64x128xf32, #tpu.memory_space<vmem>>
      tpu.enqueue_dma source(%dma_start3A_211 : memref<64x128xf32, #tpu.memory_space<vmem>>) target(%dma_start3A_208 : memref<64x128xf32, #tpu.memory_space<vmem_shared>>) target_semaphore(%run_scoped3A : memref<!tpu.dma_semaphore, #tpu.memory_space<semaphore_mem>>)
      %dma_wait3A = arith.constant 0 : i32
      %dma_wait3A_212 = arith.constant 0 : i32
      %dma_wait3A_213 = tpu.memref_slice %arg10[%dma_wait3A, %dma_wait3A_212] : memref<100x128xf32, #tpu.memory_space<vmem>> -> memref<64x128xf32, #tpu.memory_space<vmem>>
      %dma_wait3A_214 = arith.constant 0 : i32
      %dma_wait3A_215 = tpu.memref_slice %arg12[%add3A_145, %dma_wait3A_214] : memref<10240x128xf32, #tpu.memory_space<vmem_shared>> -> memref<64x128xf32, #tpu.memory_space<vmem_shared>>
      %dma_wait3A_216 = arith.constant 0 : i32
      %dma_wait3A_217 = tpu.memref_slice %arg12[%add3A_145, %dma_wait3A_216] : memref<10240x128xf32, #tpu.memory_space<vmem_shared>> -> memref<64x128xf32, #tpu.memory_space<vmem_shared>>
      %dma_wait3A_218 = arith.constant 0 : i32
      %dma_wait3A_219 = arith.constant 0 : i32
      %dma_wait3A_220 = tpu.memref_slice %arg10[%dma_wait3A_218, %dma_wait3A_219] : memref<100x128xf32, #tpu.memory_space<vmem>> -> memref<64x128xf32, #tpu.memory_space<vmem>>
      tpu.wait_dma2 semaphore(%run_scoped3A : memref<!tpu.dma_semaphore, #tpu.memory_space<semaphore_mem>>) src(%dma_wait3A_220 : memref<64x128xf32, #tpu.memory_space<vmem>>) dst(%dma_wait3A_217 : memref<64x128xf32, #tpu.memory_space<vmem_shared>>)
      tpu.yield
    }) : () -> ()
    %barrier3A_146 = arith.constant 0 : index
    tpu.barrier barrier_id(%barrier3A_146)
    %dma_start3A_147 = arith.constant 0 : i32
    %dma_start3A_148 = arith.constant 0 : i32
    %dma_start3A_149 = tpu.memref_slice %arg9[%dma_start3A_147, %dma_start3A_148] : memref<100x100xi32, #tpu.memory_space<vmem>> -> memref<1x100xi32, #tpu.memory_space<vmem>>
    %dma_start3A_150 = tpu.memref_squeeze %dma_start3A_149 : memref<1x100xi32, #tpu.memory_space<vmem>> -> memref<100xi32, #tpu.memory_space<vmem>>
    %dma_start3A_151 = arith.constant 0 : i32
    %dma_start3A_152 = arith.constant 0 : i32
    %dma_start3A_153 = tpu.memref_slice %arg5[%dma_start3A_151, %dma_start3A_152] : memref<10000x128xf32, #tpu.memory_space<hbm>> -> memref<10000x128xf32, #tpu.memory_space<hbm>>
    tpu.enqueue_indirect_dma source(%dma_start3A_153 : memref<10000x128xf32, #tpu.memory_space<hbm>>) target(%arg10 : memref<100x128xf32, #tpu.memory_space<vmem>>) offsets(%dma_start3A_150 : memref<100xi32, #tpu.memory_space<vmem>>) semaphore(%arg13 : memref<!tpu.dma_semaphore, #tpu.memory_space<semaphore_mem>>)
    %scan3A_154 = arith.constant 0 : i32
    %scan3A_155 = arith.constant 0 : i32
    %scan3A_156 = arith.constant 50 : i32
    %scan3A_157 = arith.addi %scan3A_155, %scan3A_156 : i32
    %scan3A_158 = arith.constant 1 : i32
    scf.for %scan3A_202 = %scan3A_155 to %scan3A_157 step %scan3A_158  : i32 {
      %mul3A_203 = arith.constant 2 : i32
      %mul3A_204 = arith.muli %mul3A_203, %scan3A_202 : i32
      %add3A_205 = arith.constant 1 : i32
      %add3A_206 = arith.addi %mul3A_204, %add3A_205 : i32
      %dma_wait3A = arith.constant 0 : i32
      %dma_wait3A_207 = tpu.memref_slice %arg9[%mul3A_204, %dma_wait3A] : memref<100x100xi32, #tpu.memory_space<vmem>> -> memref<1x100xi32, #tpu.memory_space<vmem>>
      %dma_wait3A_208 = tpu.memref_squeeze %dma_wait3A_207 : memref<1x100xi32, #tpu.memory_space<vmem>> -> memref<100xi32, #tpu.memory_space<vmem>>
      %dma_wait3A_209 = arith.constant 0 : i32
      %dma_wait3A_210 = arith.constant 0 : i32
      %dma_wait3A_211 = tpu.memref_slice %arg5[%dma_wait3A_209, %dma_wait3A_210] : memref<10000x128xf32, #tpu.memory_space<hbm>> -> memref<10000x128xf32, #tpu.memory_space<hbm>>
      tpu.wait_indirect_dma semaphore(%arg13 : memref<!tpu.dma_semaphore, #tpu.memory_space<semaphore_mem>>) src(%dma_wait3A_211 : memref<10000x128xf32, #tpu.memory_space<hbm>>) dst(%arg10 : memref<100x128xf32, #tpu.memory_space<vmem>>)
      %dma_start3A_212 = arith.constant 0 : i32
      %dma_start3A_213 = tpu.memref_slice %arg9[%add3A_206, %dma_start3A_212] : memref<100x100xi32, #tpu.memory_space<vmem>> -> memref<1x100xi32, #tpu.memory_space<vmem>>
      %dma_start3A_214 = tpu.memref_squeeze %dma_start3A_213 : memref<1x100xi32, #tpu.memory_space<vmem>> -> memref<100xi32, #tpu.memory_space<vmem>>
      %dma_start3A_215 = arith.constant 0 : i32
      %dma_start3A_216 = arith.constant 0 : i32
      %dma_start3A_217 = tpu.memref_slice %arg5[%dma_start3A_215, %dma_start3A_216] : memref<10000x128xf32, #tpu.memory_space<hbm>> -> memref<10000x128xf32, #tpu.memory_space<hbm>>
      tpu.enqueue_indirect_dma source(%dma_start3A_217 : memref<10000x128xf32, #tpu.memory_space<hbm>>) target(%arg11 : memref<100x128xf32, #tpu.memory_space<vmem>>) offsets(%dma_start3A_214 : memref<100xi32, #tpu.memory_space<vmem>>) semaphore(%arg14 : memref<!tpu.dma_semaphore, #tpu.memory_space<semaphore_mem>>)
      "tpu.region"() ({
        %run_scoped3A = tpu.sem_alloc : memref<!tpu.dma_semaphore, #tpu.memory_space<semaphore_mem>>
        %dma_start3A_228 = arith.constant 0 : i32
        %dma_start3A_229 = tpu.memref_slice %arg8[%mul3A_204, %dma_start3A_228] : memref<100x100xi32, #tpu.memory_space<vmem>> -> memref<1x100xi32, #tpu.memory_space<vmem>>
        %dma_start3A_230 = tpu.memref_squeeze %dma_start3A_229 : memref<1x100xi32, #tpu.memory_space<vmem>> -> memref<100xi32, #tpu.memory_space<vmem>>
        %dma_start3A_231 = arith.constant 0 : i32
        %dma_start3A_232 = arith.constant 0 : i32
        %dma_start3A_233 = tpu.memref_slice %arg12[%dma_start3A_231, %dma_start3A_232] : memref<10240x128xf32, #tpu.memory_space<vmem_shared>> -> memref<10240x128xf32, #tpu.memory_space<vmem_shared>>
        tpu.enqueue_indirect_dma source(%arg10 : memref<100x128xf32, #tpu.memory_space<vmem>>) target(%dma_start3A_233 : memref<10240x128xf32, #tpu.memory_space<vmem_shared>>) offsets(%dma_start3A_230 : memref<100xi32, #tpu.memory_space<vmem>>) semaphore(%run_scoped3A : memref<!tpu.dma_semaphore, #tpu.memory_space<semaphore_mem>>) {add = true}
        %dma_wait3A_234 = arith.constant 0 : i32
        %dma_wait3A_235 = tpu.memref_slice %arg8[%mul3A_204, %dma_wait3A_234] : memref<100x100xi32, #tpu.memory_space<vmem>> -> memref<1x100xi32, #tpu.memory_space<vmem>>
        %dma_wait3A_236 = tpu.memref_squeeze %dma_wait3A_235 : memref<1x100xi32, #tpu.memory_space<vmem>> -> memref<100xi32, #tpu.memory_space<vmem>>
        %dma_wait3A_237 = arith.constant 0 : i32
        %dma_wait3A_238 = arith.constant 0 : i32
        %dma_wait3A_239 = tpu.memref_slice %arg12[%dma_wait3A_237, %dma_wait3A_238] : memref<10240x128xf32, #tpu.memory_space<vmem_shared>> -> memref<10240x128xf32, #tpu.memory_space<vmem_shared>>
        tpu.wait_indirect_dma semaphore(%run_scoped3A : memref<!tpu.dma_semaphore, #tpu.memory_space<semaphore_mem>>) src(%arg10 : memref<100x128xf32, #tpu.memory_space<vmem>>) dst(%dma_wait3A_239 : memref<10240x128xf32, #tpu.memory_space<vmem_shared>>)
        tpu.yield
      }) : () -> ()
      %dma_wait3A_218 = arith.constant 0 : i32
      %dma_wait3A_219 = tpu.memref_slice %arg9[%add3A_206, %dma_wait3A_218] : memref<100x100xi32, #tpu.memory_space<vmem>> -> memref<1x100xi32, #tpu.memory_space<vmem>>
      %dma_wait3A_220 = tpu.memref_squeeze %dma_wait3A_219 : memref<1x100xi32, #tpu.memory_space<vmem>> -> memref<100xi32, #tpu.memory_space<vmem>>
      %dma_wait3A_221 = arith.constant 0 : i32
      %dma_wait3A_222 = arith.constant 0 : i32
      %dma_wait3A_223 = tpu.memref_slice %arg5[%dma_wait3A_221, %dma_wait3A_222] : memref<10000x128xf32, #tpu.memory_space<hbm>> -> memref<10000x128xf32, #tpu.memory_space<hbm>>
      tpu.wait_indirect_dma semaphore(%arg14 : memref<!tpu.dma_semaphore, #tpu.memory_space<semaphore_mem>>) src(%dma_wait3A_223 : memref<10000x128xf32, #tpu.memory_space<hbm>>) dst(%arg11 : memref<100x128xf32, #tpu.memory_space<vmem>>)
      %add3A_224 = arith.constant 1 : i32
      %add3A_225 = arith.addi %add3A_206, %add3A_224 : i32
      %lt3A = arith.constant 100 : i32
      %lt3A_226 = arith.cmpi slt, %add3A_225, %lt3A : i32
      %convert_element_type3A = arith.extui %lt3A_226 : i1 to i32
      %cond3A = arith.constant 0 : i32
      %cond3A_227 = arith.cmpi ne, %convert_element_type3A, %cond3A : i32
      scf.if %cond3A_227 {
        %add3A_228 = arith.constant 1 : i32
        %add3A_229 = arith.addi %add3A_206, %add3A_228 : i32
        %dma_start3A_230 = arith.constant 0 : i32
        %dma_start3A_231 = tpu.memref_slice %arg9[%add3A_229, %dma_start3A_230] : memref<100x100xi32, #tpu.memory_space<vmem>> -> memref<1x100xi32, #tpu.memory_space<vmem>>
        %dma_start3A_232 = tpu.memref_squeeze %dma_start3A_231 : memref<1x100xi32, #tpu.memory_space<vmem>> -> memref<100xi32, #tpu.memory_space<vmem>>
        %dma_start3A_233 = arith.constant 0 : i32
        %dma_start3A_234 = arith.constant 0 : i32
        %dma_start3A_235 = tpu.memref_slice %arg5[%dma_start3A_233, %dma_start3A_234] : memref<10000x128xf32, #tpu.memory_space<hbm>> -> memref<10000x128xf32, #tpu.memory_space<hbm>>
        tpu.enqueue_indirect_dma source(%dma_start3A_235 : memref<10000x128xf32, #tpu.memory_space<hbm>>) target(%arg10 : memref<100x128xf32, #tpu.memory_space<vmem>>) offsets(%dma_start3A_232 : memref<100xi32, #tpu.memory_space<vmem>>) semaphore(%arg13 : memref<!tpu.dma_semaphore, #tpu.memory_space<semaphore_mem>>)
      } else {
      }
      "tpu.region"() ({
        %run_scoped3A = tpu.sem_alloc : memref<!tpu.dma_semaphore, #tpu.memory_space<semaphore_mem>>
        %dma_start3A_228 = arith.constant 0 : i32
        %dma_start3A_229 = tpu.memref_slice %arg8[%add3A_206, %dma_start3A_228] : memref<100x100xi32, #tpu.memory_space<vmem>> -> memref<1x100xi32, #tpu.memory_space<vmem>>
        %dma_start3A_230 = tpu.memref_squeeze %dma_start3A_229 : memref<1x100xi32, #tpu.memory_space<vmem>> -> memref<100xi32, #tpu.memory_space<vmem>>
        %dma_start3A_231 = arith.constant 0 : i32
        %dma_start3A_232 = arith.constant 0 : i32
        %dma_start3A_233 = tpu.memref_slice %arg12[%dma_start3A_231, %dma_start3A_232] : memref<10240x128xf32, #tpu.memory_space<vmem_shared>> -> memref<10240x128xf32, #tpu.memory_space<vmem_shared>>
        tpu.enqueue_indirect_dma source(%arg11 : memref<100x128xf32, #tpu.memory_space<vmem>>) target(%dma_start3A_233 : memref<10240x128xf32, #tpu.memory_space<vmem_shared>>) offsets(%dma_start3A_230 : memref<100xi32, #tpu.memory_space<vmem>>) semaphore(%run_scoped3A : memref<!tpu.dma_semaphore, #tpu.memory_space<semaphore_mem>>) {add = true}
        %dma_wait3A_234 = arith.constant 0 : i32
        %dma_wait3A_235 = tpu.memref_slice %arg8[%add3A_206, %dma_wait3A_234] : memref<100x100xi32, #tpu.memory_space<vmem>> -> memref<1x100xi32, #tpu.memory_space<vmem>>
        %dma_wait3A_236 = tpu.memref_squeeze %dma_wait3A_235 : memref<1x100xi32, #tpu.memory_space<vmem>> -> memref<100xi32, #tpu.memory_space<vmem>>
        %dma_wait3A_237 = arith.constant 0 : i32
        %dma_wait3A_238 = arith.constant 0 : i32
        %dma_wait3A_239 = tpu.memref_slice %arg12[%dma_wait3A_237, %dma_wait3A_238] : memref<10240x128xf32, #tpu.memory_space<vmem_shared>> -> memref<10240x128xf32, #tpu.memory_space<vmem_shared>>
        tpu.wait_indirect_dma semaphore(%run_scoped3A : memref<!tpu.dma_semaphore, #tpu.memory_space<semaphore_mem>>) src(%arg11 : memref<100x128xf32, #tpu.memory_space<vmem>>) dst(%dma_wait3A_239 : memref<10240x128xf32, #tpu.memory_space<vmem_shared>>)
        tpu.yield
      }) : () -> ()
    }
    %scan3A_159 = arith.constant 50 : i32
    %barrier3A_160 = arith.constant 0 : index
    tpu.barrier barrier_id(%barrier3A_160)
    %mul3A_161 = arith.constant 640 : i32
    %mul3A_162 = arith.muli %arg1, %mul3A_161 : i32
    %add3A_163 = arith.constant 0 : i32
    %add3A_164 = arith.addi %mul3A_162, %add3A_163 : i32
    "tpu.region"() ({
      %run_scoped3A = tpu.sem_alloc : memref<!tpu.dma_semaphore, #tpu.memory_space<semaphore_mem>>
      %dma_start3A_202 = arith.constant 0 : i32
      %dma_start3A_203 = arith.constant 0 : i32
      %dma_start3A_204 = tpu.memref_slice %arg11[%dma_start3A_202, %dma_start3A_203] : memref<100x128xf32, #tpu.memory_space<vmem>> -> memref<64x128xf32, #tpu.memory_space<vmem>>
      %dma_start3A_205 = arith.constant 0 : i32
      %dma_start3A_206 = tpu.memref_slice %arg12[%add3A_164, %dma_start3A_205] : memref<10240x128xf32, #tpu.memory_space<vmem_shared>> -> memref<64x128xf32, #tpu.memory_space<vmem_shared>>
      %dma_start3A_207 = arith.constant 0 : i32
      %dma_start3A_208 = arith.constant 0 : i32
      %dma_start3A_209 = tpu.memref_slice %arg11[%dma_start3A_207, %dma_start3A_208] : memref<100x128xf32, #tpu.memory_space<vmem>> -> memref<64x128xf32, #tpu.memory_space<vmem>>
      %dma_start3A_210 = arith.constant 0 : i32
      %dma_start3A_211 = tpu.memref_slice %arg12[%add3A_164, %dma_start3A_210] : memref<10240x128xf32, #tpu.memory_space<vmem_shared>> -> memref<64x128xf32, #tpu.memory_space<vmem_shared>>
      tpu.enqueue_dma source(%dma_start3A_211 : memref<64x128xf32, #tpu.memory_space<vmem_shared>>) target(%dma_start3A_209 : memref<64x128xf32, #tpu.memory_space<vmem>>) target_semaphore(%run_scoped3A : memref<!tpu.dma_semaphore, #tpu.memory_space<semaphore_mem>>)
      %dma_wait3A = arith.constant 0 : i32
      %dma_wait3A_212 = arith.constant 0 : i32
      %dma_wait3A_213 = tpu.memref_slice %arg11[%dma_wait3A, %dma_wait3A_212] : memref<100x128xf32, #tpu.memory_space<vmem>> -> memref<64x128xf32, #tpu.memory_space<vmem>>
      %dma_wait3A_214 = arith.constant 0 : i32
      %dma_wait3A_215 = tpu.memref_slice %arg12[%add3A_164, %dma_wait3A_214] : memref<10240x128xf32, #tpu.memory_space<vmem_shared>> -> memref<64x128xf32, #tpu.memory_space<vmem_shared>>
      %dma_wait3A_216 = arith.constant 0 : i32
      %dma_wait3A_217 = arith.constant 0 : i32
      %dma_wait3A_218 = tpu.memref_slice %arg11[%dma_wait3A_216, %dma_wait3A_217] : memref<100x128xf32, #tpu.memory_space<vmem>> -> memref<64x128xf32, #tpu.memory_space<vmem>>
      %dma_wait3A_219 = arith.constant 0 : i32
      %dma_wait3A_220 = tpu.memref_slice %arg12[%add3A_164, %dma_wait3A_219] : memref<10240x128xf32, #tpu.memory_space<vmem_shared>> -> memref<64x128xf32, #tpu.memory_space<vmem_shared>>
      tpu.wait_dma2 semaphore(%run_scoped3A : memref<!tpu.dma_semaphore, #tpu.memory_space<semaphore_mem>>) src(%dma_wait3A_220 : memref<64x128xf32, #tpu.memory_space<vmem_shared>>) dst(%dma_wait3A_218 : memref<64x128xf32, #tpu.memory_space<vmem>>)
      tpu.yield
    }) : () -> ()
    "tpu.region"() ({
      %run_scoped3A = tpu.sem_alloc : memref<!tpu.dma_semaphore, #tpu.memory_space<semaphore_mem>>
      %dma_start3A_202 = arith.constant 0 : i32
      %dma_start3A_203 = arith.constant 0 : i32
      %dma_start3A_204 = tpu.memref_slice %arg11[%dma_start3A_202, %dma_start3A_203] : memref<100x128xf32, #tpu.memory_space<vmem>> -> memref<64x128xf32, #tpu.memory_space<vmem>>
      %dma_start3A_205 = arith.constant 0 : i32
      %dma_start3A_206 = tpu.memref_slice %arg7[%arg0, %add3A_164, %dma_start3A_205] : memref<2x10240x128xf32, #tpu.memory_space<hbm>> -> memref<1x64x128xf32, #tpu.memory_space<hbm>>
      %dma_start3A_207 = tpu.memref_squeeze %dma_start3A_206 : memref<1x64x128xf32, #tpu.memory_space<hbm>> -> memref<64x128xf32, #tpu.memory_space<hbm>>
      %dma_start3A_208 = arith.constant 0 : i32
      %dma_start3A_209 = tpu.memref_slice %arg7[%arg0, %add3A_164, %dma_start3A_208] : memref<2x10240x128xf32, #tpu.memory_space<hbm>> -> memref<1x64x128xf32, #tpu.memory_space<hbm>>
      %dma_start3A_210 = tpu.memref_squeeze %dma_start3A_209 : memref<1x64x128xf32, #tpu.memory_space<hbm>> -> memref<64x128xf32, #tpu.memory_space<hbm>>
      %dma_start3A_211 = arith.constant 0 : i32
      %dma_start3A_212 = arith.constant 0 : i32
      %dma_start3A_213 = tpu.memref_slice %arg11[%dma_start3A_211, %dma_start3A_212] : memref<100x128xf32, #tpu.memory_space<vmem>> -> memref<64x128xf32, #tpu.memory_space<vmem>>
      tpu.enqueue_dma source(%dma_start3A_213 : memref<64x128xf32, #tpu.memory_space<vmem>>) target(%dma_start3A_210 : memref<64x128xf32, #tpu.memory_space<hbm>>) target_semaphore(%run_scoped3A : memref<!tpu.dma_semaphore, #tpu.memory_space<semaphore_mem>>)
      %dma_wait3A = arith.constant 0 : i32
      %dma_wait3A_214 = arith.constant 0 : i32
      %dma_wait3A_215 = tpu.memref_slice %arg11[%dma_wait3A, %dma_wait3A_214] : memref<100x128xf32, #tpu.memory_space<vmem>> -> memref<64x128xf32, #tpu.memory_space<vmem>>
      %dma_wait3A_216 = arith.constant 0 : i32
      %dma_wait3A_217 = tpu.memref_slice %arg7[%arg0, %add3A_164, %dma_wait3A_216] : memref<2x10240x128xf32, #tpu.memory_space<hbm>> -> memref<1x64x128xf32, #tpu.memory_space<hbm>>
      %dma_wait3A_218 = tpu.memref_squeeze %dma_wait3A_217 : memref<1x64x128xf32, #tpu.memory_space<hbm>> -> memref<64x128xf32, #tpu.memory_space<hbm>>
      %dma_wait3A_219 = arith.constant 0 : i32
      %dma_wait3A_220 = tpu.memref_slice %arg7[%arg0, %add3A_164, %dma_wait3A_219] : memref<2x10240x128xf32, #tpu.memory_space<hbm>> -> memref<1x64x128xf32, #tpu.memory_space<hbm>>
      %dma_wait3A_221 = tpu.memref_squeeze %dma_wait3A_220 : memref<1x64x128xf32, #tpu.memory_space<hbm>> -> memref<64x128xf32, #tpu.memory_space<hbm>>
      %dma_wait3A_222 = arith.constant 0 : i32
      %dma_wait3A_223 = arith.constant 0 : i32
      %dma_wait3A_224 = tpu.memref_slice %arg11[%dma_wait3A_222, %dma_wait3A_223] : memref<100x128xf32, #tpu.memory_space<vmem>> -> memref<64x128xf32, #tpu.memory_space<vmem>>
      tpu.wait_dma2 semaphore(%run_scoped3A : memref<!tpu.dma_semaphore, #tpu.memory_space<semaphore_mem>>) src(%dma_wait3A_224 : memref<64x128xf32, #tpu.memory_space<vmem>>) dst(%dma_wait3A_221 : memref<64x128xf32, #tpu.memory_space<hbm>>)
      tpu.yield
    }) : () -> ()
    %mul3A_165 = arith.constant 640 : i32
    %mul3A_166 = arith.muli %arg1, %mul3A_165 : i32
    %add3A_167 = arith.constant 64 : i32
    %add3A_168 = arith.addi %mul3A_166, %add3A_167 : i32
    "tpu.region"() ({
      %run_scoped3A = tpu.sem_alloc : memref<!tpu.dma_semaphore, #tpu.memory_space<semaphore_mem>>
      %dma_start3A_202 = arith.constant 0 : i32
      %dma_start3A_203 = arith.constant 0 : i32
      %dma_start3A_204 = tpu.memref_slice %arg11[%dma_start3A_202, %dma_start3A_203] : memref<100x128xf32, #tpu.memory_space<vmem>> -> memref<64x128xf32, #tpu.memory_space<vmem>>
      %dma_start3A_205 = arith.constant 0 : i32
      %dma_start3A_206 = tpu.memref_slice %arg12[%add3A_168, %dma_start3A_205] : memref<10240x128xf32, #tpu.memory_space<vmem_shared>> -> memref<64x128xf32, #tpu.memory_space<vmem_shared>>
      %dma_start3A_207 = arith.constant 0 : i32
      %dma_start3A_208 = arith.constant 0 : i32
      %dma_start3A_209 = tpu.memref_slice %arg11[%dma_start3A_207, %dma_start3A_208] : memref<100x128xf32, #tpu.memory_space<vmem>> -> memref<64x128xf32, #tpu.memory_space<vmem>>
      %dma_start3A_210 = arith.constant 0 : i32
      %dma_start3A_211 = tpu.memref_slice %arg12[%add3A_168, %dma_start3A_210] : memref<10240x128xf32, #tpu.memory_space<vmem_shared>> -> memref<64x128xf32, #tpu.memory_space<vmem_shared>>
      tpu.enqueue_dma source(%dma_start3A_211 : memref<64x128xf32, #tpu.memory_space<vmem_shared>>) target(%dma_start3A_209 : memref<64x128xf32, #tpu.memory_space<vmem>>) target_semaphore(%run_scoped3A : memref<!tpu.dma_semaphore, #tpu.memory_space<semaphore_mem>>)
      %dma_wait3A = arith.constant 0 : i32
      %dma_wait3A_212 = arith.constant 0 : i32
      %dma_wait3A_213 = tpu.memref_slice %arg11[%dma_wait3A, %dma_wait3A_212] : memref<100x128xf32, #tpu.memory_space<vmem>> -> memref<64x128xf32, #tpu.memory_space<vmem>>
      %dma_wait3A_214 = arith.constant 0 : i32
      %dma_wait3A_215 = tpu.memref_slice %arg12[%add3A_168, %dma_wait3A_214] : memref<10240x128xf32, #tpu.memory_space<vmem_shared>> -> memref<64x128xf32, #tpu.memory_space<vmem_shared>>
      %dma_wait3A_216 = arith.constant 0 : i32
      %dma_wait3A_217 = arith.constant 0 : i32
      %dma_wait3A_218 = tpu.memref_slice %arg11[%dma_wait3A_216, %dma_wait3A_217] : memref<100x128xf32, #tpu.memory_space<vmem>> -> memref<64x128xf32, #tpu.memory_space<vmem>>
      %dma_wait3A_219 = arith.constant 0 : i32
      %dma_wait3A_220 = tpu.memref_slice %arg12[%add3A_168, %dma_wait3A_219] : memref<10240x128xf32, #tpu.memory_space<vmem_shared>> -> memref<64x128xf32, #tpu.memory_space<vmem_shared>>
      tpu.wait_dma2 semaphore(%run_scoped3A : memref<!tpu.dma_semaphore, #tpu.memory_space<semaphore_mem>>) src(%dma_wait3A_220 : memref<64x128xf32, #tpu.memory_space<vmem_shared>>) dst(%dma_wait3A_218 : memref<64x128xf32, #tpu.memory_space<vmem>>)
      tpu.yield
    }) : () -> ()
    "tpu.region"() ({
      %run_scoped3A = tpu.sem_alloc : memref<!tpu.dma_semaphore, #tpu.memory_space<semaphore_mem>>
      %dma_start3A_202 = arith.constant 0 : i32
      %dma_start3A_203 = arith.constant 0 : i32
      %dma_start3A_204 = tpu.memref_slice %arg11[%dma_start3A_202, %dma_start3A_203] : memref<100x128xf32, #tpu.memory_space<vmem>> -> memref<64x128xf32, #tpu.memory_space<vmem>>
      %dma_start3A_205 = arith.constant 0 : i32
      %dma_start3A_206 = tpu.memref_slice %arg7[%arg0, %add3A_168, %dma_start3A_205] : memref<2x10240x128xf32, #tpu.memory_space<hbm>> -> memref<1x64x128xf32, #tpu.memory_space<hbm>>
      %dma_start3A_207 = tpu.memref_squeeze %dma_start3A_206 : memref<1x64x128xf32, #tpu.memory_space<hbm>> -> memref<64x128xf32, #tpu.memory_space<hbm>>
      %dma_start3A_208 = arith.constant 0 : i32
      %dma_start3A_209 = tpu.memref_slice %arg7[%arg0, %add3A_168, %dma_start3A_208] : memref<2x10240x128xf32, #tpu.memory_space<hbm>> -> memref<1x64x128xf32, #tpu.memory_space<hbm>>
      %dma_start3A_210 = tpu.memref_squeeze %dma_start3A_209 : memref<1x64x128xf32, #tpu.memory_space<hbm>> -> memref<64x128xf32, #tpu.memory_space<hbm>>
      %dma_start3A_211 = arith.constant 0 : i32
      %dma_start3A_212 = arith.constant 0 : i32
      %dma_start3A_213 = tpu.memref_slice %arg11[%dma_start3A_211, %dma_start3A_212] : memref<100x128xf32, #tpu.memory_space<vmem>> -> memref<64x128xf32, #tpu.memory_space<vmem>>
      tpu.enqueue_dma source(%dma_start3A_213 : memref<64x128xf32, #tpu.memory_space<vmem>>) target(%dma_start3A_210 : memref<64x128xf32, #tpu.memory_space<hbm>>) target_semaphore(%run_scoped3A : memref<!tpu.dma_semaphore, #tpu.memory_space<semaphore_mem>>)
      %dma_wait3A = arith.constant 0 : i32
      %dma_wait3A_214 = arith.constant 0 : i32
      %dma_wait3A_215 = tpu.memref_slice %arg11[%dma_wait3A, %dma_wait3A_214] : memref<100x128xf32, #tpu.memory_space<vmem>> -> memref<64x128xf32, #tpu.memory_space<vmem>>
      %dma_wait3A_216 = arith.constant 0 : i32
      %dma_wait3A_217 = tpu.memref_slice %arg7[%arg0, %add3A_168, %dma_wait3A_216] : memref<2x10240x128xf32, #tpu.memory_space<hbm>> -> memref<1x64x128xf32, #tpu.memory_space<hbm>>
      %dma_wait3A_218 = tpu.memref_squeeze %dma_wait3A_217 : memref<1x64x128xf32, #tpu.memory_space<hbm>> -> memref<64x128xf32, #tpu.memory_space<hbm>>
      %dma_wait3A_219 = arith.constant 0 : i32
      %dma_wait3A_220 = tpu.memref_slice %arg7[%arg0, %add3A_168, %dma_wait3A_219] : memref<2x10240x128xf32, #tpu.memory_space<hbm>> -> memref<1x64x128xf32, #tpu.memory_space<hbm>>
      %dma_wait3A_221 = tpu.memref_squeeze %dma_wait3A_220 : memref<1x64x128xf32, #tpu.memory_space<hbm>> -> memref<64x128xf32, #tpu.memory_space<hbm>>
      %dma_wait3A_222 = arith.constant 0 : i32
      %dma_wait3A_223 = arith.constant 0 : i32
      %dma_wait3A_224 = tpu.memref_slice %arg11[%dma_wait3A_222, %dma_wait3A_223] : memref<100x128xf32, #tpu.memory_space<vmem>> -> memref<64x128xf32, #tpu.memory_space<vmem>>
      tpu.wait_dma2 semaphore(%run_scoped3A : memref<!tpu.dma_semaphore, #tpu.memory_space<semaphore_mem>>) src(%dma_wait3A_224 : memref<64x128xf32, #tpu.memory_space<vmem>>) dst(%dma_wait3A_221 : memref<64x128xf32, #tpu.memory_space<hbm>>)
      tpu.yield
    }) : () -> ()
    %mul3A_169 = arith.constant 640 : i32
    %mul3A_170 = arith.muli %arg1, %mul3A_169 : i32
    %add3A_171 = arith.constant 128 : i32
    %add3A_172 = arith.addi %mul3A_170, %add3A_171 : i32
    "tpu.region"() ({
      %run_scoped3A = tpu.sem_alloc : memref<!tpu.dma_semaphore, #tpu.memory_space<semaphore_mem>>
      %dma_start3A_202 = arith.constant 0 : i32
      %dma_start3A_203 = arith.constant 0 : i32
      %dma_start3A_204 = tpu.memref_slice %arg11[%dma_start3A_202, %dma_start3A_203] : memref<100x128xf32, #tpu.memory_space<vmem>> -> memref<64x128xf32, #tpu.memory_space<vmem>>
      %dma_start3A_205 = arith.constant 0 : i32
      %dma_start3A_206 = tpu.memref_slice %arg12[%add3A_172, %dma_start3A_205] : memref<10240x128xf32, #tpu.memory_space<vmem_shared>> -> memref<64x128xf32, #tpu.memory_space<vmem_shared>>
      %dma_start3A_207 = arith.constant 0 : i32
      %dma_start3A_208 = arith.constant 0 : i32
      %dma_start3A_209 = tpu.memref_slice %arg11[%dma_start3A_207, %dma_start3A_208] : memref<100x128xf32, #tpu.memory_space<vmem>> -> memref<64x128xf32, #tpu.memory_space<vmem>>
      %dma_start3A_210 = arith.constant 0 : i32
      %dma_start3A_211 = tpu.memref_slice %arg12[%add3A_172, %dma_start3A_210] : memref<10240x128xf32, #tpu.memory_space<vmem_shared>> -> memref<64x128xf32, #tpu.memory_space<vmem_shared>>
      tpu.enqueue_dma source(%dma_start3A_211 : memref<64x128xf32, #tpu.memory_space<vmem_shared>>) target(%dma_start3A_209 : memref<64x128xf32, #tpu.memory_space<vmem>>) target_semaphore(%run_scoped3A : memref<!tpu.dma_semaphore, #tpu.memory_space<semaphore_mem>>)
      %dma_wait3A = arith.constant 0 : i32
      %dma_wait3A_212 = arith.constant 0 : i32
      %dma_wait3A_213 = tpu.memref_slice %arg11[%dma_wait3A, %dma_wait3A_212] : memref<100x128xf32, #tpu.memory_space<vmem>> -> memref<64x128xf32, #tpu.memory_space<vmem>>
      %dma_wait3A_214 = arith.constant 0 : i32
      %dma_wait3A_215 = tpu.memref_slice %arg12[%add3A_172, %dma_wait3A_214] : memref<10240x128xf32, #tpu.memory_space<vmem_shared>> -> memref<64x128xf32, #tpu.memory_space<vmem_shared>>
      %dma_wait3A_216 = arith.constant 0 : i32
      %dma_wait3A_217 = arith.constant 0 : i32
      %dma_wait3A_218 = tpu.memref_slice %arg11[%dma_wait3A_216, %dma_wait3A_217] : memref<100x128xf32, #tpu.memory_space<vmem>> -> memref<64x128xf32, #tpu.memory_space<vmem>>
      %dma_wait3A_219 = arith.constant 0 : i32
      %dma_wait3A_220 = tpu.memref_slice %arg12[%add3A_172, %dma_wait3A_219] : memref<10240x128xf32, #tpu.memory_space<vmem_shared>> -> memref<64x128xf32, #tpu.memory_space<vmem_shared>>
      tpu.wait_dma2 semaphore(%run_scoped3A : memref<!tpu.dma_semaphore, #tpu.memory_space<semaphore_mem>>) src(%dma_wait3A_220 : memref<64x128xf32, #tpu.memory_space<vmem_shared>>) dst(%dma_wait3A_218 : memref<64x128xf32, #tpu.memory_space<vmem>>)
      tpu.yield
    }) : () -> ()
    "tpu.region"() ({
      %run_scoped3A = tpu.sem_alloc : memref<!tpu.dma_semaphore, #tpu.memory_space<semaphore_mem>>
      %dma_start3A_202 = arith.constant 0 : i32
      %dma_start3A_203 = arith.constant 0 : i32
      %dma_start3A_204 = tpu.memref_slice %arg11[%dma_start3A_202, %dma_start3A_203] : memref<100x128xf32, #tpu.memory_space<vmem>> -> memref<64x128xf32, #tpu.memory_space<vmem>>
      %dma_start3A_205 = arith.constant 0 : i32
      %dma_start3A_206 = tpu.memref_slice %arg7[%arg0, %add3A_172, %dma_start3A_205] : memref<2x10240x128xf32, #tpu.memory_space<hbm>> -> memref<1x64x128xf32, #tpu.memory_space<hbm>>
      %dma_start3A_207 = tpu.memref_squeeze %dma_start3A_206 : memref<1x64x128xf32, #tpu.memory_space<hbm>> -> memref<64x128xf32, #tpu.memory_space<hbm>>
      %dma_start3A_208 = arith.constant 0 : i32
      %dma_start3A_209 = tpu.memref_slice %arg7[%arg0, %add3A_172, %dma_start3A_208] : memref<2x10240x128xf32, #tpu.memory_space<hbm>> -> memref<1x64x128xf32, #tpu.memory_space<hbm>>
      %dma_start3A_210 = tpu.memref_squeeze %dma_start3A_209 : memref<1x64x128xf32, #tpu.memory_space<hbm>> -> memref<64x128xf32, #tpu.memory_space<hbm>>
      %dma_start3A_211 = arith.constant 0 : i32
      %dma_start3A_212 = arith.constant 0 : i32
      %dma_start3A_213 = tpu.memref_slice %arg11[%dma_start3A_211, %dma_start3A_212] : memref<100x128xf32, #tpu.memory_space<vmem>> -> memref<64x128xf32, #tpu.memory_space<vmem>>
      tpu.enqueue_dma source(%dma_start3A_213 : memref<64x128xf32, #tpu.memory_space<vmem>>) target(%dma_start3A_210 : memref<64x128xf32, #tpu.memory_space<hbm>>) target_semaphore(%run_scoped3A : memref<!tpu.dma_semaphore, #tpu.memory_space<semaphore_mem>>)
      %dma_wait3A = arith.constant 0 : i32
      %dma_wait3A_214 = arith.constant 0 : i32
      %dma_wait3A_215 = tpu.memref_slice %arg11[%dma_wait3A, %dma_wait3A_214] : memref<100x128xf32, #tpu.memory_space<vmem>> -> memref<64x128xf32, #tpu.memory_space<vmem>>
      %dma_wait3A_216 = arith.constant 0 : i32
      %dma_wait3A_217 = tpu.memref_slice %arg7[%arg0, %add3A_172, %dma_wait3A_216] : memref<2x10240x128xf32, #tpu.memory_space<hbm>> -> memref<1x64x128xf32, #tpu.memory_space<hbm>>
      %dma_wait3A_218 = tpu.memref_squeeze %dma_wait3A_217 : memref<1x64x128xf32, #tpu.memory_space<hbm>> -> memref<64x128xf32, #tpu.memory_space<hbm>>
      %dma_wait3A_219 = arith.constant 0 : i32
      %dma_wait3A_220 = tpu.memref_slice %arg7[%arg0, %add3A_172, %dma_wait3A_219] : memref<2x10240x128xf32, #tpu.memory_space<hbm>> -> memref<1x64x128xf32, #tpu.memory_space<hbm>>
      %dma_wait3A_221 = tpu.memref_squeeze %dma_wait3A_220 : memref<1x64x128xf32, #tpu.memory_space<hbm>> -> memref<64x128xf32, #tpu.memory_space<hbm>>
      %dma_wait3A_222 = arith.constant 0 : i32
      %dma_wait3A_223 = arith.constant 0 : i32
      %dma_wait3A_224 = tpu.memref_slice %arg11[%dma_wait3A_222, %dma_wait3A_223] : memref<100x128xf32, #tpu.memory_space<vmem>> -> memref<64x128xf32, #tpu.memory_space<vmem>>
      tpu.wait_dma2 semaphore(%run_scoped3A : memref<!tpu.dma_semaphore, #tpu.memory_space<semaphore_mem>>) src(%dma_wait3A_224 : memref<64x128xf32, #tpu.memory_space<vmem>>) dst(%dma_wait3A_221 : memref<64x128xf32, #tpu.memory_space<hbm>>)
      tpu.yield
    }) : () -> ()
    %mul3A_173 = arith.constant 640 : i32
    %mul3A_174 = arith.muli %arg1, %mul3A_173 : i32
    %add3A_175 = arith.constant 192 : i32
    %add3A_176 = arith.addi %mul3A_174, %add3A_175 : i32
    "tpu.region"() ({
      %run_scoped3A = tpu.sem_alloc : memref<!tpu.dma_semaphore, #tpu.memory_space<semaphore_mem>>
      %dma_start3A_202 = arith.constant 0 : i32
      %dma_start3A_203 = arith.constant 0 : i32
      %dma_start3A_204 = tpu.memref_slice %arg11[%dma_start3A_202, %dma_start3A_203] : memref<100x128xf32, #tpu.memory_space<vmem>> -> memref<64x128xf32, #tpu.memory_space<vmem>>
      %dma_start3A_205 = arith.constant 0 : i32
      %dma_start3A_206 = tpu.memref_slice %arg12[%add3A_176, %dma_start3A_205] : memref<10240x128xf32, #tpu.memory_space<vmem_shared>> -> memref<64x128xf32, #tpu.memory_space<vmem_shared>>
      %dma_start3A_207 = arith.constant 0 : i32
      %dma_start3A_208 = arith.constant 0 : i32
      %dma_start3A_209 = tpu.memref_slice %arg11[%dma_start3A_207, %dma_start3A_208] : memref<100x128xf32, #tpu.memory_space<vmem>> -> memref<64x128xf32, #tpu.memory_space<vmem>>
      %dma_start3A_210 = arith.constant 0 : i32
      %dma_start3A_211 = tpu.memref_slice %arg12[%add3A_176, %dma_start3A_210] : memref<10240x128xf32, #tpu.memory_space<vmem_shared>> -> memref<64x128xf32, #tpu.memory_space<vmem_shared>>
      tpu.enqueue_dma source(%dma_start3A_211 : memref<64x128xf32, #tpu.memory_space<vmem_shared>>) target(%dma_start3A_209 : memref<64x128xf32, #tpu.memory_space<vmem>>) target_semaphore(%run_scoped3A : memref<!tpu.dma_semaphore, #tpu.memory_space<semaphore_mem>>)
      %dma_wait3A = arith.constant 0 : i32
      %dma_wait3A_212 = arith.constant 0 : i32
      %dma_wait3A_213 = tpu.memref_slice %arg11[%dma_wait3A, %dma_wait3A_212] : memref<100x128xf32, #tpu.memory_space<vmem>> -> memref<64x128xf32, #tpu.memory_space<vmem>>
      %dma_wait3A_214 = arith.constant 0 : i32
      %dma_wait3A_215 = tpu.memref_slice %arg12[%add3A_176, %dma_wait3A_214] : memref<10240x128xf32, #tpu.memory_space<vmem_shared>> -> memref<64x128xf32, #tpu.memory_space<vmem_shared>>
      %dma_wait3A_216 = arith.constant 0 : i32
      %dma_wait3A_217 = arith.constant 0 : i32
      %dma_wait3A_218 = tpu.memref_slice %arg11[%dma_wait3A_216, %dma_wait3A_217] : memref<100x128xf32, #tpu.memory_space<vmem>> -> memref<64x128xf32, #tpu.memory_space<vmem>>
      %dma_wait3A_219 = arith.constant 0 : i32
      %dma_wait3A_220 = tpu.memref_slice %arg12[%add3A_176, %dma_wait3A_219] : memref<10240x128xf32, #tpu.memory_space<vmem_shared>> -> memref<64x128xf32, #tpu.memory_space<vmem_shared>>
      tpu.wait_dma2 semaphore(%run_scoped3A : memref<!tpu.dma_semaphore, #tpu.memory_space<semaphore_mem>>) src(%dma_wait3A_220 : memref<64x128xf32, #tpu.memory_space<vmem_shared>>) dst(%dma_wait3A_218 : memref<64x128xf32, #tpu.memory_space<vmem>>)
      tpu.yield
    }) : () -> ()
    "tpu.region"() ({
      %run_scoped3A = tpu.sem_alloc : memref<!tpu.dma_semaphore, #tpu.memory_space<semaphore_mem>>
      %dma_start3A_202 = arith.constant 0 : i32
      %dma_start3A_203 = arith.constant 0 : i32
      %dma_start3A_204 = tpu.memref_slice %arg11[%dma_start3A_202, %dma_start3A_203] : memref<100x128xf32, #tpu.memory_space<vmem>> -> memref<64x128xf32, #tpu.memory_space<vmem>>
      %dma_start3A_205 = arith.constant 0 : i32
      %dma_start3A_206 = tpu.memref_slice %arg7[%arg0, %add3A_176, %dma_start3A_205] : memref<2x10240x128xf32, #tpu.memory_space<hbm>> -> memref<1x64x128xf32, #tpu.memory_space<hbm>>
      %dma_start3A_207 = tpu.memref_squeeze %dma_start3A_206 : memref<1x64x128xf32, #tpu.memory_space<hbm>> -> memref<64x128xf32, #tpu.memory_space<hbm>>
      %dma_start3A_208 = arith.constant 0 : i32
      %dma_start3A_209 = tpu.memref_slice %arg7[%arg0, %add3A_176, %dma_start3A_208] : memref<2x10240x128xf32, #tpu.memory_space<hbm>> -> memref<1x64x128xf32, #tpu.memory_space<hbm>>
      %dma_start3A_210 = tpu.memref_squeeze %dma_start3A_209 : memref<1x64x128xf32, #tpu.memory_space<hbm>> -> memref<64x128xf32, #tpu.memory_space<hbm>>
      %dma_start3A_211 = arith.constant 0 : i32
      %dma_start3A_212 = arith.constant 0 : i32
      %dma_start3A_213 = tpu.memref_slice %arg11[%dma_start3A_211, %dma_start3A_212] : memref<100x128xf32, #tpu.memory_space<vmem>> -> memref<64x128xf32, #tpu.memory_space<vmem>>
      tpu.enqueue_dma source(%dma_start3A_213 : memref<64x128xf32, #tpu.memory_space<vmem>>) target(%dma_start3A_210 : memref<64x128xf32, #tpu.memory_space<hbm>>) target_semaphore(%run_scoped3A : memref<!tpu.dma_semaphore, #tpu.memory_space<semaphore_mem>>)
      %dma_wait3A = arith.constant 0 : i32
      %dma_wait3A_214 = arith.constant 0 : i32
      %dma_wait3A_215 = tpu.memref_slice %arg11[%dma_wait3A, %dma_wait3A_214] : memref<100x128xf32, #tpu.memory_space<vmem>> -> memref<64x128xf32, #tpu.memory_space<vmem>>
      %dma_wait3A_216 = arith.constant 0 : i32
      %dma_wait3A_217 = tpu.memref_slice %arg7[%arg0, %add3A_176, %dma_wait3A_216] : memref<2x10240x128xf32, #tpu.memory_space<hbm>> -> memref<1x64x128xf32, #tpu.memory_space<hbm>>
      %dma_wait3A_218 = tpu.memref_squeeze %dma_wait3A_217 : memref<1x64x128xf32, #tpu.memory_space<hbm>> -> memref<64x128xf32, #tpu.memory_space<hbm>>
      %dma_wait3A_219 = arith.constant 0 : i32
      %dma_wait3A_220 = tpu.memref_slice %arg7[%arg0, %add3A_176, %dma_wait3A_219] : memref<2x10240x128xf32, #tpu.memory_space<hbm>> -> memref<1x64x128xf32, #tpu.memory_space<hbm>>
      %dma_wait3A_221 = tpu.memref_squeeze %dma_wait3A_220 : memref<1x64x128xf32, #tpu.memory_space<hbm>> -> memref<64x128xf32, #tpu.memory_space<hbm>>
      %dma_wait3A_222 = arith.constant 0 : i32
      %dma_wait3A_223 = arith.constant 0 : i32
      %dma_wait3A_224 = tpu.memref_slice %arg11[%dma_wait3A_222, %dma_wait3A_223] : memref<100x128xf32, #tpu.memory_space<vmem>> -> memref<64x128xf32, #tpu.memory_space<vmem>>
      tpu.wait_dma2 semaphore(%run_scoped3A : memref<!tpu.dma_semaphore, #tpu.memory_space<semaphore_mem>>) src(%dma_wait3A_224 : memref<64x128xf32, #tpu.memory_space<vmem>>) dst(%dma_wait3A_221 : memref<64x128xf32, #tpu.memory_space<hbm>>)
      tpu.yield
    }) : () -> ()
    %mul3A_177 = arith.constant 640 : i32
    %mul3A_178 = arith.muli %arg1, %mul3A_177 : i32
    %add3A_179 = arith.constant 256 : i32
    %add3A_180 = arith.addi %mul3A_178, %add3A_179 : i32
    "tpu.region"() ({
      %run_scoped3A = tpu.sem_alloc : memref<!tpu.dma_semaphore, #tpu.memory_space<semaphore_mem>>
      %dma_start3A_202 = arith.constant 0 : i32
      %dma_start3A_203 = arith.constant 0 : i32
      %dma_start3A_204 = tpu.memref_slice %arg11[%dma_start3A_202, %dma_start3A_203] : memref<100x128xf32, #tpu.memory_space<vmem>> -> memref<64x128xf32, #tpu.memory_space<vmem>>
      %dma_start3A_205 = arith.constant 0 : i32
      %dma_start3A_206 = tpu.memref_slice %arg12[%add3A_180, %dma_start3A_205] : memref<10240x128xf32, #tpu.memory_space<vmem_shared>> -> memref<64x128xf32, #tpu.memory_space<vmem_shared>>
      %dma_start3A_207 = arith.constant 0 : i32
      %dma_start3A_208 = arith.constant 0 : i32
      %dma_start3A_209 = tpu.memref_slice %arg11[%dma_start3A_207, %dma_start3A_208] : memref<100x128xf32, #tpu.memory_space<vmem>> -> memref<64x128xf32, #tpu.memory_space<vmem>>
      %dma_start3A_210 = arith.constant 0 : i32
      %dma_start3A_211 = tpu.memref_slice %arg12[%add3A_180, %dma_start3A_210] : memref<10240x128xf32, #tpu.memory_space<vmem_shared>> -> memref<64x128xf32, #tpu.memory_space<vmem_shared>>
      tpu.enqueue_dma source(%dma_start3A_211 : memref<64x128xf32, #tpu.memory_space<vmem_shared>>) target(%dma_start3A_209 : memref<64x128xf32, #tpu.memory_space<vmem>>) target_semaphore(%run_scoped3A : memref<!tpu.dma_semaphore, #tpu.memory_space<semaphore_mem>>)
      %dma_wait3A = arith.constant 0 : i32
      %dma_wait3A_212 = arith.constant 0 : i32
      %dma_wait3A_213 = tpu.memref_slice %arg11[%dma_wait3A, %dma_wait3A_212] : memref<100x128xf32, #tpu.memory_space<vmem>> -> memref<64x128xf32, #tpu.memory_space<vmem>>
      %dma_wait3A_214 = arith.constant 0 : i32
      %dma_wait3A_215 = tpu.memref_slice %arg12[%add3A_180, %dma_wait3A_214] : memref<10240x128xf32, #tpu.memory_space<vmem_shared>> -> memref<64x128xf32, #tpu.memory_space<vmem_shared>>
      %dma_wait3A_216 = arith.constant 0 : i32
      %dma_wait3A_217 = arith.constant 0 : i32
      %dma_wait3A_218 = tpu.memref_slice %arg11[%dma_wait3A_216, %dma_wait3A_217] : memref<100x128xf32, #tpu.memory_space<vmem>> -> memref<64x128xf32, #tpu.memory_space<vmem>>
      %dma_wait3A_219 = arith.constant 0 : i32
      %dma_wait3A_220 = tpu.memref_slice %arg12[%add3A_180, %dma_wait3A_219] : memref<10240x128xf32, #tpu.memory_space<vmem_shared>> -> memref<64x128xf32, #tpu.memory_space<vmem_shared>>
      tpu.wait_dma2 semaphore(%run_scoped3A : memref<!tpu.dma_semaphore, #tpu.memory_space<semaphore_mem>>) src(%dma_wait3A_220 : memref<64x128xf32, #tpu.memory_space<vmem_shared>>) dst(%dma_wait3A_218 : memref<64x128xf32, #tpu.memory_space<vmem>>)
      tpu.yield
    }) : () -> ()
    "tpu.region"() ({
      %run_scoped3A = tpu.sem_alloc : memref<!tpu.dma_semaphore, #tpu.memory_space<semaphore_mem>>
      %dma_start3A_202 = arith.constant 0 : i32
      %dma_start3A_203 = arith.constant 0 : i32
      %dma_start3A_204 = tpu.memref_slice %arg11[%dma_start3A_202, %dma_start3A_203] : memref<100x128xf32, #tpu.memory_space<vmem>> -> memref<64x128xf32, #tpu.memory_space<vmem>>
      %dma_start3A_205 = arith.constant 0 : i32
      %dma_start3A_206 = tpu.memref_slice %arg7[%arg0, %add3A_180, %dma_start3A_205] : memref<2x10240x128xf32, #tpu.memory_space<hbm>> -> memref<1x64x128xf32, #tpu.memory_space<hbm>>
      %dma_start3A_207 = tpu.memref_squeeze %dma_start3A_206 : memref<1x64x128xf32, #tpu.memory_space<hbm>> -> memref<64x128xf32, #tpu.memory_space<hbm>>
      %dma_start3A_208 = arith.constant 0 : i32
      %dma_start3A_209 = tpu.memref_slice %arg7[%arg0, %add3A_180, %dma_start3A_208] : memref<2x10240x128xf32, #tpu.memory_space<hbm>> -> memref<1x64x128xf32, #tpu.memory_space<hbm>>
      %dma_start3A_210 = tpu.memref_squeeze %dma_start3A_209 : memref<1x64x128xf32, #tpu.memory_space<hbm>> -> memref<64x128xf32, #tpu.memory_space<hbm>>
      %dma_start3A_211 = arith.constant 0 : i32
      %dma_start3A_212 = arith.constant 0 : i32
      %dma_start3A_213 = tpu.memref_slice %arg11[%dma_start3A_211, %dma_start3A_212] : memref<100x128xf32, #tpu.memory_space<vmem>> -> memref<64x128xf32, #tpu.memory_space<vmem>>
      tpu.enqueue_dma source(%dma_start3A_213 : memref<64x128xf32, #tpu.memory_space<vmem>>) target(%dma_start3A_210 : memref<64x128xf32, #tpu.memory_space<hbm>>) target_semaphore(%run_scoped3A : memref<!tpu.dma_semaphore, #tpu.memory_space<semaphore_mem>>)
      %dma_wait3A = arith.constant 0 : i32
      %dma_wait3A_214 = arith.constant 0 : i32
      %dma_wait3A_215 = tpu.memref_slice %arg11[%dma_wait3A, %dma_wait3A_214] : memref<100x128xf32, #tpu.memory_space<vmem>> -> memref<64x128xf32, #tpu.memory_space<vmem>>
      %dma_wait3A_216 = arith.constant 0 : i32
      %dma_wait3A_217 = tpu.memref_slice %arg7[%arg0, %add3A_180, %dma_wait3A_216] : memref<2x10240x128xf32, #tpu.memory_space<hbm>> -> memref<1x64x128xf32, #tpu.memory_space<hbm>>
      %dma_wait3A_218 = tpu.memref_squeeze %dma_wait3A_217 : memref<1x64x128xf32, #tpu.memory_space<hbm>> -> memref<64x128xf32, #tpu.memory_space<hbm>>
      %dma_wait3A_219 = arith.constant 0 : i32
      %dma_wait3A_220 = tpu.memref_slice %arg7[%arg0, %add3A_180, %dma_wait3A_219] : memref<2x10240x128xf32, #tpu.memory_space<hbm>> -> memref<1x64x128xf32, #tpu.memory_space<hbm>>
      %dma_wait3A_221 = tpu.memref_squeeze %dma_wait3A_220 : memref<1x64x128xf32, #tpu.memory_space<hbm>> -> memref<64x128xf32, #tpu.memory_space<hbm>>
      %dma_wait3A_222 = arith.constant 0 : i32
      %dma_wait3A_223 = arith.constant 0 : i32
      %dma_wait3A_224 = tpu.memref_slice %arg11[%dma_wait3A_222, %dma_wait3A_223] : memref<100x128xf32, #tpu.memory_space<vmem>> -> memref<64x128xf32, #tpu.memory_space<vmem>>
      tpu.wait_dma2 semaphore(%run_scoped3A : memref<!tpu.dma_semaphore, #tpu.memory_space<semaphore_mem>>) src(%dma_wait3A_224 : memref<64x128xf32, #tpu.memory_space<vmem>>) dst(%dma_wait3A_221 : memref<64x128xf32, #tpu.memory_space<hbm>>)
      tpu.yield
    }) : () -> ()
    %mul3A_181 = arith.constant 640 : i32
    %mul3A_182 = arith.muli %arg1, %mul3A_181 : i32
    %add3A_183 = arith.constant 320 : i32
    %add3A_184 = arith.addi %mul3A_182, %add3A_183 : i32
    "tpu.region"() ({
      %run_scoped3A = tpu.sem_alloc : memref<!tpu.dma_semaphore, #tpu.memory_space<semaphore_mem>>
      %dma_start3A_202 = arith.constant 0 : i32
      %dma_start3A_203 = arith.constant 0 : i32
      %dma_start3A_204 = tpu.memref_slice %arg11[%dma_start3A_202, %dma_start3A_203] : memref<100x128xf32, #tpu.memory_space<vmem>> -> memref<64x128xf32, #tpu.memory_space<vmem>>
      %dma_start3A_205 = arith.constant 0 : i32
      %dma_start3A_206 = tpu.memref_slice %arg12[%add3A_184, %dma_start3A_205] : memref<10240x128xf32, #tpu.memory_space<vmem_shared>> -> memref<64x128xf32, #tpu.memory_space<vmem_shared>>
      %dma_start3A_207 = arith.constant 0 : i32
      %dma_start3A_208 = arith.constant 0 : i32
      %dma_start3A_209 = tpu.memref_slice %arg11[%dma_start3A_207, %dma_start3A_208] : memref<100x128xf32, #tpu.memory_space<vmem>> -> memref<64x128xf32, #tpu.memory_space<vmem>>
      %dma_start3A_210 = arith.constant 0 : i32
      %dma_start3A_211 = tpu.memref_slice %arg12[%add3A_184, %dma_start3A_210] : memref<10240x128xf32, #tpu.memory_space<vmem_shared>> -> memref<64x128xf32, #tpu.memory_space<vmem_shared>>
      tpu.enqueue_dma source(%dma_start3A_211 : memref<64x128xf32, #tpu.memory_space<vmem_shared>>) target(%dma_start3A_209 : memref<64x128xf32, #tpu.memory_space<vmem>>) target_semaphore(%run_scoped3A : memref<!tpu.dma_semaphore, #tpu.memory_space<semaphore_mem>>)
      %dma_wait3A = arith.constant 0 : i32
      %dma_wait3A_212 = arith.constant 0 : i32
      %dma_wait3A_213 = tpu.memref_slice %arg11[%dma_wait3A, %dma_wait3A_212] : memref<100x128xf32, #tpu.memory_space<vmem>> -> memref<64x128xf32, #tpu.memory_space<vmem>>
      %dma_wait3A_214 = arith.constant 0 : i32
      %dma_wait3A_215 = tpu.memref_slice %arg12[%add3A_184, %dma_wait3A_214] : memref<10240x128xf32, #tpu.memory_space<vmem_shared>> -> memref<64x128xf32, #tpu.memory_space<vmem_shared>>
      %dma_wait3A_216 = arith.constant 0 : i32
      %dma_wait3A_217 = arith.constant 0 : i32
      %dma_wait3A_218 = tpu.memref_slice %arg11[%dma_wait3A_216, %dma_wait3A_217] : memref<100x128xf32, #tpu.memory_space<vmem>> -> memref<64x128xf32, #tpu.memory_space<vmem>>
      %dma_wait3A_219 = arith.constant 0 : i32
      %dma_wait3A_220 = tpu.memref_slice %arg12[%add3A_184, %dma_wait3A_219] : memref<10240x128xf32, #tpu.memory_space<vmem_shared>> -> memref<64x128xf32, #tpu.memory_space<vmem_shared>>
      tpu.wait_dma2 semaphore(%run_scoped3A : memref<!tpu.dma_semaphore, #tpu.memory_space<semaphore_mem>>) src(%dma_wait3A_220 : memref<64x128xf32, #tpu.memory_space<vmem_shared>>) dst(%dma_wait3A_218 : memref<64x128xf32, #tpu.memory_space<vmem>>)
      tpu.yield
    }) : () -> ()
    "tpu.region"() ({
      %run_scoped3A = tpu.sem_alloc : memref<!tpu.dma_semaphore, #tpu.memory_space<semaphore_mem>>
      %dma_start3A_202 = arith.constant 0 : i32
      %dma_start3A_203 = arith.constant 0 : i32
      %dma_start3A_204 = tpu.memref_slice %arg11[%dma_start3A_202, %dma_start3A_203] : memref<100x128xf32, #tpu.memory_space<vmem>> -> memref<64x128xf32, #tpu.memory_space<vmem>>
      %dma_start3A_205 = arith.constant 0 : i32
      %dma_start3A_206 = tpu.memref_slice %arg7[%arg0, %add3A_184, %dma_start3A_205] : memref<2x10240x128xf32, #tpu.memory_space<hbm>> -> memref<1x64x128xf32, #tpu.memory_space<hbm>>
      %dma_start3A_207 = tpu.memref_squeeze %dma_start3A_206 : memref<1x64x128xf32, #tpu.memory_space<hbm>> -> memref<64x128xf32, #tpu.memory_space<hbm>>
      %dma_start3A_208 = arith.constant 0 : i32
      %dma_start3A_209 = tpu.memref_slice %arg7[%arg0, %add3A_184, %dma_start3A_208] : memref<2x10240x128xf32, #tpu.memory_space<hbm>> -> memref<1x64x128xf32, #tpu.memory_space<hbm>>
      %dma_start3A_210 = tpu.memref_squeeze %dma_start3A_209 : memref<1x64x128xf32, #tpu.memory_space<hbm>> -> memref<64x128xf32, #tpu.memory_space<hbm>>
      %dma_start3A_211 = arith.constant 0 : i32
      %dma_start3A_212 = arith.constant 0 : i32
      %dma_start3A_213 = tpu.memref_slice %arg11[%dma_start3A_211, %dma_start3A_212] : memref<100x128xf32, #tpu.memory_space<vmem>> -> memref<64x128xf32, #tpu.memory_space<vmem>>
      tpu.enqueue_dma source(%dma_start3A_213 : memref<64x128xf32, #tpu.memory_space<vmem>>) target(%dma_start3A_210 : memref<64x128xf32, #tpu.memory_space<hbm>>) target_semaphore(%run_scoped3A : memref<!tpu.dma_semaphore, #tpu.memory_space<semaphore_mem>>)
      %dma_wait3A = arith.constant 0 : i32
      %dma_wait3A_214 = arith.constant 0 : i32
      %dma_wait3A_215 = tpu.memref_slice %arg11[%dma_wait3A, %dma_wait3A_214] : memref<100x128xf32, #tpu.memory_space<vmem>> -> memref<64x128xf32, #tpu.memory_space<vmem>>
      %dma_wait3A_216 = arith.constant 0 : i32
      %dma_wait3A_217 = tpu.memref_slice %arg7[%arg0, %add3A_184, %dma_wait3A_216] : memref<2x10240x128xf32, #tpu.memory_space<hbm>> -> memref<1x64x128xf32, #tpu.memory_space<hbm>>
      %dma_wait3A_218 = tpu.memref_squeeze %dma_wait3A_217 : memref<1x64x128xf32, #tpu.memory_space<hbm>> -> memref<64x128xf32, #tpu.memory_space<hbm>>
      %dma_wait3A_219 = arith.constant 0 : i32
      %dma_wait3A_220 = tpu.memref_slice %arg7[%arg0, %add3A_184, %dma_wait3A_219] : memref<2x10240x128xf32, #tpu.memory_space<hbm>> -> memref<1x64x128xf32, #tpu.memory_space<hbm>>
      %dma_wait3A_221 = tpu.memref_squeeze %dma_wait3A_220 : memref<1x64x128xf32, #tpu.memory_space<hbm>> -> memref<64x128xf32, #tpu.memory_space<hbm>>
      %dma_wait3A_222 = arith.constant 0 : i32
      %dma_wait3A_223 = arith.constant 0 : i32
      %dma_wait3A_224 = tpu.memref_slice %arg11[%dma_wait3A_222, %dma_wait3A_223] : memref<100x128xf32, #tpu.memory_space<vmem>> -> memref<64x128xf32, #tpu.memory_space<vmem>>
      tpu.wait_dma2 semaphore(%run_scoped3A : memref<!tpu.dma_semaphore, #tpu.memory_space<semaphore_mem>>) src(%dma_wait3A_224 : memref<64x128xf32, #tpu.memory_space<vmem>>) dst(%dma_wait3A_221 : memref<64x128xf32, #tpu.memory_space<hbm>>)
      tpu.yield
    }) : () -> ()
    %mul3A_185 = arith.constant 640 : i32
    %mul3A_186 = arith.muli %arg1, %mul3A_185 : i32
    %add3A_187 = arith.constant 384 : i32
    %add3A_188 = arith.addi %mul3A_186, %add3A_187 : i32
    "tpu.region"() ({
      %run_scoped3A = tpu.sem_alloc : memref<!tpu.dma_semaphore, #tpu.memory_space<semaphore_mem>>
      %dma_start3A_202 = arith.constant 0 : i32
      %dma_start3A_203 = arith.constant 0 : i32
      %dma_start3A_204 = tpu.memref_slice %arg11[%dma_start3A_202, %dma_start3A_203] : memref<100x128xf32, #tpu.memory_space<vmem>> -> memref<64x128xf32, #tpu.memory_space<vmem>>
      %dma_start3A_205 = arith.constant 0 : i32
      %dma_start3A_206 = tpu.memref_slice %arg12[%add3A_188, %dma_start3A_205] : memref<10240x128xf32, #tpu.memory_space<vmem_shared>> -> memref<64x128xf32, #tpu.memory_space<vmem_shared>>
      %dma_start3A_207 = arith.constant 0 : i32
      %dma_start3A_208 = arith.constant 0 : i32
      %dma_start3A_209 = tpu.memref_slice %arg11[%dma_start3A_207, %dma_start3A_208] : memref<100x128xf32, #tpu.memory_space<vmem>> -> memref<64x128xf32, #tpu.memory_space<vmem>>
      %dma_start3A_210 = arith.constant 0 : i32
      %dma_start3A_211 = tpu.memref_slice %arg12[%add3A_188, %dma_start3A_210] : memref<10240x128xf32, #tpu.memory_space<vmem_shared>> -> memref<64x128xf32, #tpu.memory_space<vmem_shared>>
      tpu.enqueue_dma source(%dma_start3A_211 : memref<64x128xf32, #tpu.memory_space<vmem_shared>>) target(%dma_start3A_209 : memref<64x128xf32, #tpu.memory_space<vmem>>) target_semaphore(%run_scoped3A : memref<!tpu.dma_semaphore, #tpu.memory_space<semaphore_mem>>)
      %dma_wait3A = arith.constant 0 : i32
      %dma_wait3A_212 = arith.constant 0 : i32
      %dma_wait3A_213 = tpu.memref_slice %arg11[%dma_wait3A, %dma_wait3A_212] : memref<100x128xf32, #tpu.memory_space<vmem>> -> memref<64x128xf32, #tpu.memory_space<vmem>>
      %dma_wait3A_214 = arith.constant 0 : i32
      %dma_wait3A_215 = tpu.memref_slice %arg12[%add3A_188, %dma_wait3A_214] : memref<10240x128xf32, #tpu.memory_space<vmem_shared>> -> memref<64x128xf32, #tpu.memory_space<vmem_shared>>
      %dma_wait3A_216 = arith.constant 0 : i32
      %dma_wait3A_217 = arith.constant 0 : i32
      %dma_wait3A_218 = tpu.memref_slice %arg11[%dma_wait3A_216, %dma_wait3A_217] : memref<100x128xf32, #tpu.memory_space<vmem>> -> memref<64x128xf32, #tpu.memory_space<vmem>>
      %dma_wait3A_219 = arith.constant 0 : i32
      %dma_wait3A_220 = tpu.memref_slice %arg12[%add3A_188, %dma_wait3A_219] : memref<10240x128xf32, #tpu.memory_space<vmem_shared>> -> memref<64x128xf32, #tpu.memory_space<vmem_shared>>
      tpu.wait_dma2 semaphore(%run_scoped3A : memref<!tpu.dma_semaphore, #tpu.memory_space<semaphore_mem>>) src(%dma_wait3A_220 : memref<64x128xf32, #tpu.memory_space<vmem_shared>>) dst(%dma_wait3A_218 : memref<64x128xf32, #tpu.memory_space<vmem>>)
      tpu.yield
    }) : () -> ()
    "tpu.region"() ({
      %run_scoped3A = tpu.sem_alloc : memref<!tpu.dma_semaphore, #tpu.memory_space<semaphore_mem>>
      %dma_start3A_202 = arith.constant 0 : i32
      %dma_start3A_203 = arith.constant 0 : i32
      %dma_start3A_204 = tpu.memref_slice %arg11[%dma_start3A_202, %dma_start3A_203] : memref<100x128xf32, #tpu.memory_space<vmem>> -> memref<64x128xf32, #tpu.memory_space<vmem>>
      %dma_start3A_205 = arith.constant 0 : i32
      %dma_start3A_206 = tpu.memref_slice %arg7[%arg0, %add3A_188, %dma_start3A_205] : memref<2x10240x128xf32, #tpu.memory_space<hbm>> -> memref<1x64x128xf32, #tpu.memory_space<hbm>>
      %dma_start3A_207 = tpu.memref_squeeze %dma_start3A_206 : memref<1x64x128xf32, #tpu.memory_space<hbm>> -> memref<64x128xf32, #tpu.memory_space<hbm>>
      %dma_start3A_208 = arith.constant 0 : i32
      %dma_start3A_209 = tpu.memref_slice %arg7[%arg0, %add3A_188, %dma_start3A_208] : memref<2x10240x128xf32, #tpu.memory_space<hbm>> -> memref<1x64x128xf32, #tpu.memory_space<hbm>>
      %dma_start3A_210 = tpu.memref_squeeze %dma_start3A_209 : memref<1x64x128xf32, #tpu.memory_space<hbm>> -> memref<64x128xf32, #tpu.memory_space<hbm>>
      %dma_start3A_211 = arith.constant 0 : i32
      %dma_start3A_212 = arith.constant 0 : i32
      %dma_start3A_213 = tpu.memref_slice %arg11[%dma_start3A_211, %dma_start3A_212] : memref<100x128xf32, #tpu.memory_space<vmem>> -> memref<64x128xf32, #tpu.memory_space<vmem>>
      tpu.enqueue_dma source(%dma_start3A_213 : memref<64x128xf32, #tpu.memory_space<vmem>>) target(%dma_start3A_210 : memref<64x128xf32, #tpu.memory_space<hbm>>) target_semaphore(%run_scoped3A : memref<!tpu.dma_semaphore, #tpu.memory_space<semaphore_mem>>)
      %dma_wait3A = arith.constant 0 : i32
      %dma_wait3A_214 = arith.constant 0 : i32
      %dma_wait3A_215 = tpu.memref_slice %arg11[%dma_wait3A, %dma_wait3A_214] : memref<100x128xf32, #tpu.memory_space<vmem>> -> memref<64x128xf32, #tpu.memory_space<vmem>>
      %dma_wait3A_216 = arith.constant 0 : i32
      %dma_wait3A_217 = tpu.memref_slice %arg7[%arg0, %add3A_188, %dma_wait3A_216] : memref<2x10240x128xf32, #tpu.memory_space<hbm>> -> memref<1x64x128xf32, #tpu.memory_space<hbm>>
      %dma_wait3A_218 = tpu.memref_squeeze %dma_wait3A_217 : memref<1x64x128xf32, #tpu.memory_space<hbm>> -> memref<64x128xf32, #tpu.memory_space<hbm>>
      %dma_wait3A_219 = arith.constant 0 : i32
      %dma_wait3A_220 = tpu.memref_slice %arg7[%arg0, %add3A_188, %dma_wait3A_219] : memref<2x10240x128xf32, #tpu.memory_space<hbm>> -> memref<1x64x128xf32, #tpu.memory_space<hbm>>
      %dma_wait3A_221 = tpu.memref_squeeze %dma_wait3A_220 : memref<1x64x128xf32, #tpu.memory_space<hbm>> -> memref<64x128xf32, #tpu.memory_space<hbm>>
      %dma_wait3A_222 = arith.constant 0 : i32
      %dma_wait3A_223 = arith.constant 0 : i32
      %dma_wait3A_224 = tpu.memref_slice %arg11[%dma_wait3A_222, %dma_wait3A_223] : memref<100x128xf32, #tpu.memory_space<vmem>> -> memref<64x128xf32, #tpu.memory_space<vmem>>
      tpu.wait_dma2 semaphore(%run_scoped3A : memref<!tpu.dma_semaphore, #tpu.memory_space<semaphore_mem>>) src(%dma_wait3A_224 : memref<64x128xf32, #tpu.memory_space<vmem>>) dst(%dma_wait3A_221 : memref<64x128xf32, #tpu.memory_space<hbm>>)
      tpu.yield
    }) : () -> ()
    %mul3A_189 = arith.constant 640 : i32
    %mul3A_190 = arith.muli %arg1, %mul3A_189 : i32
    %add3A_191 = arith.constant 448 : i32
    %add3A_192 = arith.addi %mul3A_190, %add3A_191 : i32
    "tpu.region"() ({
      %run_scoped3A = tpu.sem_alloc : memref<!tpu.dma_semaphore, #tpu.memory_space<semaphore_mem>>
      %dma_start3A_202 = arith.constant 0 : i32
      %dma_start3A_203 = arith.constant 0 : i32
      %dma_start3A_204 = tpu.memref_slice %arg11[%dma_start3A_202, %dma_start3A_203] : memref<100x128xf32, #tpu.memory_space<vmem>> -> memref<64x128xf32, #tpu.memory_space<vmem>>
      %dma_start3A_205 = arith.constant 0 : i32
      %dma_start3A_206 = tpu.memref_slice %arg12[%add3A_192, %dma_start3A_205] : memref<10240x128xf32, #tpu.memory_space<vmem_shared>> -> memref<64x128xf32, #tpu.memory_space<vmem_shared>>
      %dma_start3A_207 = arith.constant 0 : i32
      %dma_start3A_208 = arith.constant 0 : i32
      %dma_start3A_209 = tpu.memref_slice %arg11[%dma_start3A_207, %dma_start3A_208] : memref<100x128xf32, #tpu.memory_space<vmem>> -> memref<64x128xf32, #tpu.memory_space<vmem>>
      %dma_start3A_210 = arith.constant 0 : i32
      %dma_start3A_211 = tpu.memref_slice %arg12[%add3A_192, %dma_start3A_210] : memref<10240x128xf32, #tpu.memory_space<vmem_shared>> -> memref<64x128xf32, #tpu.memory_space<vmem_shared>>
      tpu.enqueue_dma source(%dma_start3A_211 : memref<64x128xf32, #tpu.memory_space<vmem_shared>>) target(%dma_start3A_209 : memref<64x128xf32, #tpu.memory_space<vmem>>) target_semaphore(%run_scoped3A : memref<!tpu.dma_semaphore, #tpu.memory_space<semaphore_mem>>)
      %dma_wait3A = arith.constant 0 : i32
      %dma_wait3A_212 = arith.constant 0 : i32
      %dma_wait3A_213 = tpu.memref_slice %arg11[%dma_wait3A, %dma_wait3A_212] : memref<100x128xf32, #tpu.memory_space<vmem>> -> memref<64x128xf32, #tpu.memory_space<vmem>>
      %dma_wait3A_214 = arith.constant 0 : i32
      %dma_wait3A_215 = tpu.memref_slice %arg12[%add3A_192, %dma_wait3A_214] : memref<10240x128xf32, #tpu.memory_space<vmem_shared>> -> memref<64x128xf32, #tpu.memory_space<vmem_shared>>
      %dma_wait3A_216 = arith.constant 0 : i32
      %dma_wait3A_217 = arith.constant 0 : i32
      %dma_wait3A_218 = tpu.memref_slice %arg11[%dma_wait3A_216, %dma_wait3A_217] : memref<100x128xf32, #tpu.memory_space<vmem>> -> memref<64x128xf32, #tpu.memory_space<vmem>>
      %dma_wait3A_219 = arith.constant 0 : i32
      %dma_wait3A_220 = tpu.memref_slice %arg12[%add3A_192, %dma_wait3A_219] : memref<10240x128xf32, #tpu.memory_space<vmem_shared>> -> memref<64x128xf32, #tpu.memory_space<vmem_shared>>
      tpu.wait_dma2 semaphore(%run_scoped3A : memref<!tpu.dma_semaphore, #tpu.memory_space<semaphore_mem>>) src(%dma_wait3A_220 : memref<64x128xf32, #tpu.memory_space<vmem_shared>>) dst(%dma_wait3A_218 : memref<64x128xf32, #tpu.memory_space<vmem>>)
      tpu.yield
    }) : () -> ()
    "tpu.region"() ({
      %run_scoped3A = tpu.sem_alloc : memref<!tpu.dma_semaphore, #tpu.memory_space<semaphore_mem>>
      %dma_start3A_202 = arith.constant 0 : i32
      %dma_start3A_203 = arith.constant 0 : i32
      %dma_start3A_204 = tpu.memref_slice %arg11[%dma_start3A_202, %dma_start3A_203] : memref<100x128xf32, #tpu.memory_space<vmem>> -> memref<64x128xf32, #tpu.memory_space<vmem>>
      %dma_start3A_205 = arith.constant 0 : i32
      %dma_start3A_206 = tpu.memref_slice %arg7[%arg0, %add3A_192, %dma_start3A_205] : memref<2x10240x128xf32, #tpu.memory_space<hbm>> -> memref<1x64x128xf32, #tpu.memory_space<hbm>>
      %dma_start3A_207 = tpu.memref_squeeze %dma_start3A_206 : memref<1x64x128xf32, #tpu.memory_space<hbm>> -> memref<64x128xf32, #tpu.memory_space<hbm>>
      %dma_start3A_208 = arith.constant 0 : i32
      %dma_start3A_209 = tpu.memref_slice %arg7[%arg0, %add3A_192, %dma_start3A_208] : memref<2x10240x128xf32, #tpu.memory_space<hbm>> -> memref<1x64x128xf32, #tpu.memory_space<hbm>>
      %dma_start3A_210 = tpu.memref_squeeze %dma_start3A_209 : memref<1x64x128xf32, #tpu.memory_space<hbm>> -> memref<64x128xf32, #tpu.memory_space<hbm>>
      %dma_start3A_211 = arith.constant 0 : i32
      %dma_start3A_212 = arith.constant 0 : i32
      %dma_start3A_213 = tpu.memref_slice %arg11[%dma_start3A_211, %dma_start3A_212] : memref<100x128xf32, #tpu.memory_space<vmem>> -> memref<64x128xf32, #tpu.memory_space<vmem>>
      tpu.enqueue_dma source(%dma_start3A_213 : memref<64x128xf32, #tpu.memory_space<vmem>>) target(%dma_start3A_210 : memref<64x128xf32, #tpu.memory_space<hbm>>) target_semaphore(%run_scoped3A : memref<!tpu.dma_semaphore, #tpu.memory_space<semaphore_mem>>)
      %dma_wait3A = arith.constant 0 : i32
      %dma_wait3A_214 = arith.constant 0 : i32
      %dma_wait3A_215 = tpu.memref_slice %arg11[%dma_wait3A, %dma_wait3A_214] : memref<100x128xf32, #tpu.memory_space<vmem>> -> memref<64x128xf32, #tpu.memory_space<vmem>>
      %dma_wait3A_216 = arith.constant 0 : i32
      %dma_wait3A_217 = tpu.memref_slice %arg7[%arg0, %add3A_192, %dma_wait3A_216] : memref<2x10240x128xf32, #tpu.memory_space<hbm>> -> memref<1x64x128xf32, #tpu.memory_space<hbm>>
      %dma_wait3A_218 = tpu.memref_squeeze %dma_wait3A_217 : memref<1x64x128xf32, #tpu.memory_space<hbm>> -> memref<64x128xf32, #tpu.memory_space<hbm>>
      %dma_wait3A_219 = arith.constant 0 : i32
      %dma_wait3A_220 = tpu.memref_slice %arg7[%arg0, %add3A_192, %dma_wait3A_219] : memref<2x10240x128xf32, #tpu.memory_space<hbm>> -> memref<1x64x128xf32, #tpu.memory_space<hbm>>
      %dma_wait3A_221 = tpu.memref_squeeze %dma_wait3A_220 : memref<1x64x128xf32, #tpu.memory_space<hbm>> -> memref<64x128xf32, #tpu.memory_space<hbm>>
      %dma_wait3A_222 = arith.constant 0 : i32
      %dma_wait3A_223 = arith.constant 0 : i32
      %dma_wait3A_224 = tpu.memref_slice %arg11[%dma_wait3A_222, %dma_wait3A_223] : memref<100x128xf32, #tpu.memory_space<vmem>> -> memref<64x128xf32, #tpu.memory_space<vmem>>
      tpu.wait_dma2 semaphore(%run_scoped3A : memref<!tpu.dma_semaphore, #tpu.memory_space<semaphore_mem>>) src(%dma_wait3A_224 : memref<64x128xf32, #tpu.memory_space<vmem>>) dst(%dma_wait3A_221 : memref<64x128xf32, #tpu.memory_space<hbm>>)
      tpu.yield
    }) : () -> ()
    %mul3A_193 = arith.constant 640 : i32
    %mul3A_194 = arith.muli %arg1, %mul3A_193 : i32
    %add3A_195 = arith.constant 512 : i32
    %add3A_196 = arith.addi %mul3A_194, %add3A_195 : i32
    "tpu.region"() ({
      %run_scoped3A = tpu.sem_alloc : memref<!tpu.dma_semaphore, #tpu.memory_space<semaphore_mem>>
      %dma_start3A_202 = arith.constant 0 : i32
      %dma_start3A_203 = arith.constant 0 : i32
      %dma_start3A_204 = tpu.memref_slice %arg11[%dma_start3A_202, %dma_start3A_203] : memref<100x128xf32, #tpu.memory_space<vmem>> -> memref<64x128xf32, #tpu.memory_space<vmem>>
      %dma_start3A_205 = arith.constant 0 : i32
      %dma_start3A_206 = tpu.memref_slice %arg12[%add3A_196, %dma_start3A_205] : memref<10240x128xf32, #tpu.memory_space<vmem_shared>> -> memref<64x128xf32, #tpu.memory_space<vmem_shared>>
      %dma_start3A_207 = arith.constant 0 : i32
      %dma_start3A_208 = arith.constant 0 : i32
      %dma_start3A_209 = tpu.memref_slice %arg11[%dma_start3A_207, %dma_start3A_208] : memref<100x128xf32, #tpu.memory_space<vmem>> -> memref<64x128xf32, #tpu.memory_space<vmem>>
      %dma_start3A_210 = arith.constant 0 : i32
      %dma_start3A_211 = tpu.memref_slice %arg12[%add3A_196, %dma_start3A_210] : memref<10240x128xf32, #tpu.memory_space<vmem_shared>> -> memref<64x128xf32, #tpu.memory_space<vmem_shared>>
      tpu.enqueue_dma source(%dma_start3A_211 : memref<64x128xf32, #tpu.memory_space<vmem_shared>>) target(%dma_start3A_209 : memref<64x128xf32, #tpu.memory_space<vmem>>) target_semaphore(%run_scoped3A : memref<!tpu.dma_semaphore, #tpu.memory_space<semaphore_mem>>)
      %dma_wait3A = arith.constant 0 : i32
      %dma_wait3A_212 = arith.constant 0 : i32
      %dma_wait3A_213 = tpu.memref_slice %arg11[%dma_wait3A, %dma_wait3A_212] : memref<100x128xf32, #tpu.memory_space<vmem>> -> memref<64x128xf32, #tpu.memory_space<vmem>>
      %dma_wait3A_214 = arith.constant 0 : i32
      %dma_wait3A_215 = tpu.memref_slice %arg12[%add3A_196, %dma_wait3A_214] : memref<10240x128xf32, #tpu.memory_space<vmem_shared>> -> memref<64x128xf32, #tpu.memory_space<vmem_shared>>
      %dma_wait3A_216 = arith.constant 0 : i32
      %dma_wait3A_217 = arith.constant 0 : i32
      %dma_wait3A_218 = tpu.memref_slice %arg11[%dma_wait3A_216, %dma_wait3A_217] : memref<100x128xf32, #tpu.memory_space<vmem>> -> memref<64x128xf32, #tpu.memory_space<vmem>>
      %dma_wait3A_219 = arith.constant 0 : i32
      %dma_wait3A_220 = tpu.memref_slice %arg12[%add3A_196, %dma_wait3A_219] : memref<10240x128xf32, #tpu.memory_space<vmem_shared>> -> memref<64x128xf32, #tpu.memory_space<vmem_shared>>
      tpu.wait_dma2 semaphore(%run_scoped3A : memref<!tpu.dma_semaphore, #tpu.memory_space<semaphore_mem>>) src(%dma_wait3A_220 : memref<64x128xf32, #tpu.memory_space<vmem_shared>>) dst(%dma_wait3A_218 : memref<64x128xf32, #tpu.memory_space<vmem>>)
      tpu.yield
    }) : () -> ()
    "tpu.region"() ({
      %run_scoped3A = tpu.sem_alloc : memref<!tpu.dma_semaphore, #tpu.memory_space<semaphore_mem>>
      %dma_start3A_202 = arith.constant 0 : i32
      %dma_start3A_203 = arith.constant 0 : i32
      %dma_start3A_204 = tpu.memref_slice %arg11[%dma_start3A_202, %dma_start3A_203] : memref<100x128xf32, #tpu.memory_space<vmem>> -> memref<64x128xf32, #tpu.memory_space<vmem>>
      %dma_start3A_205 = arith.constant 0 : i32
      %dma_start3A_206 = tpu.memref_slice %arg7[%arg0, %add3A_196, %dma_start3A_205] : memref<2x10240x128xf32, #tpu.memory_space<hbm>> -> memref<1x64x128xf32, #tpu.memory_space<hbm>>
      %dma_start3A_207 = tpu.memref_squeeze %dma_start3A_206 : memref<1x64x128xf32, #tpu.memory_space<hbm>> -> memref<64x128xf32, #tpu.memory_space<hbm>>
      %dma_start3A_208 = arith.constant 0 : i32
      %dma_start3A_209 = tpu.memref_slice %arg7[%arg0, %add3A_196, %dma_start3A_208] : memref<2x10240x128xf32, #tpu.memory_space<hbm>> -> memref<1x64x128xf32, #tpu.memory_space<hbm>>
      %dma_start3A_210 = tpu.memref_squeeze %dma_start3A_209 : memref<1x64x128xf32, #tpu.memory_space<hbm>> -> memref<64x128xf32, #tpu.memory_space<hbm>>
      %dma_start3A_211 = arith.constant 0 : i32
      %dma_start3A_212 = arith.constant 0 : i32
      %dma_start3A_213 = tpu.memref_slice %arg11[%dma_start3A_211, %dma_start3A_212] : memref<100x128xf32, #tpu.memory_space<vmem>> -> memref<64x128xf32, #tpu.memory_space<vmem>>
      tpu.enqueue_dma source(%dma_start3A_213 : memref<64x128xf32, #tpu.memory_space<vmem>>) target(%dma_start3A_210 : memref<64x128xf32, #tpu.memory_space<hbm>>) target_semaphore(%run_scoped3A : memref<!tpu.dma_semaphore, #tpu.memory_space<semaphore_mem>>)
      %dma_wait3A = arith.constant 0 : i32
      %dma_wait3A_214 = arith.constant 0 : i32
      %dma_wait3A_215 = tpu.memref_slice %arg11[%dma_wait3A, %dma_wait3A_214] : memref<100x128xf32, #tpu.memory_space<vmem>> -> memref<64x128xf32, #tpu.memory_space<vmem>>
      %dma_wait3A_216 = arith.constant 0 : i32
      %dma_wait3A_217 = tpu.memref_slice %arg7[%arg0, %add3A_196, %dma_wait3A_216] : memref<2x10240x128xf32, #tpu.memory_space<hbm>> -> memref<1x64x128xf32, #tpu.memory_space<hbm>>
      %dma_wait3A_218 = tpu.memref_squeeze %dma_wait3A_217 : memref<1x64x128xf32, #tpu.memory_space<hbm>> -> memref<64x128xf32, #tpu.memory_space<hbm>>
      %dma_wait3A_219 = arith.constant 0 : i32
      %dma_wait3A_220 = tpu.memref_slice %arg7[%arg0, %add3A_196, %dma_wait3A_219] : memref<2x10240x128xf32, #tpu.memory_space<hbm>> -> memref<1x64x128xf32, #tpu.memory_space<hbm>>
      %dma_wait3A_221 = tpu.memref_squeeze %dma_wait3A_220 : memref<1x64x128xf32, #tpu.memory_space<hbm>> -> memref<64x128xf32, #tpu.memory_space<hbm>>
      %dma_wait3A_222 = arith.constant 0 : i32
      %dma_wait3A_223 = arith.constant 0 : i32
      %dma_wait3A_224 = tpu.memref_slice %arg11[%dma_wait3A_222, %dma_wait3A_223] : memref<100x128xf32, #tpu.memory_space<vmem>> -> memref<64x128xf32, #tpu.memory_space<vmem>>
      tpu.wait_dma2 semaphore(%run_scoped3A : memref<!tpu.dma_semaphore, #tpu.memory_space<semaphore_mem>>) src(%dma_wait3A_224 : memref<64x128xf32, #tpu.memory_space<vmem>>) dst(%dma_wait3A_221 : memref<64x128xf32, #tpu.memory_space<hbm>>)
      tpu.yield
    }) : () -> ()
    %mul3A_197 = arith.constant 640 : i32
    %mul3A_198 = arith.muli %arg1, %mul3A_197 : i32
    %add3A_199 = arith.constant 576 : i32
    %add3A_200 = arith.addi %mul3A_198, %add3A_199 : i32
    "tpu.region"() ({
      %run_scoped3A = tpu.sem_alloc : memref<!tpu.dma_semaphore, #tpu.memory_space<semaphore_mem>>
      %dma_start3A_202 = arith.constant 0 : i32
      %dma_start3A_203 = arith.constant 0 : i32
      %dma_start3A_204 = tpu.memref_slice %arg11[%dma_start3A_202, %dma_start3A_203] : memref<100x128xf32, #tpu.memory_space<vmem>> -> memref<64x128xf32, #tpu.memory_space<vmem>>
      %dma_start3A_205 = arith.constant 0 : i32
      %dma_start3A_206 = tpu.memref_slice %arg12[%add3A_200, %dma_start3A_205] : memref<10240x128xf32, #tpu.memory_space<vmem_shared>> -> memref<64x128xf32, #tpu.memory_space<vmem_shared>>
      %dma_start3A_207 = arith.constant 0 : i32
      %dma_start3A_208 = arith.constant 0 : i32
      %dma_start3A_209 = tpu.memref_slice %arg11[%dma_start3A_207, %dma_start3A_208] : memref<100x128xf32, #tpu.memory_space<vmem>> -> memref<64x128xf32, #tpu.memory_space<vmem>>
      %dma_start3A_210 = arith.constant 0 : i32
      %dma_start3A_211 = tpu.memref_slice %arg12[%add3A_200, %dma_start3A_210] : memref<10240x128xf32, #tpu.memory_space<vmem_shared>> -> memref<64x128xf32, #tpu.memory_space<vmem_shared>>
      tpu.enqueue_dma source(%dma_start3A_211 : memref<64x128xf32, #tpu.memory_space<vmem_shared>>) target(%dma_start3A_209 : memref<64x128xf32, #tpu.memory_space<vmem>>) target_semaphore(%run_scoped3A : memref<!tpu.dma_semaphore, #tpu.memory_space<semaphore_mem>>)
      %dma_wait3A = arith.constant 0 : i32
      %dma_wait3A_212 = arith.constant 0 : i32
      %dma_wait3A_213 = tpu.memref_slice %arg11[%dma_wait3A, %dma_wait3A_212] : memref<100x128xf32, #tpu.memory_space<vmem>> -> memref<64x128xf32, #tpu.memory_space<vmem>>
      %dma_wait3A_214 = arith.constant 0 : i32
      %dma_wait3A_215 = tpu.memref_slice %arg12[%add3A_200, %dma_wait3A_214] : memref<10240x128xf32, #tpu.memory_space<vmem_shared>> -> memref<64x128xf32, #tpu.memory_space<vmem_shared>>
      %dma_wait3A_216 = arith.constant 0 : i32
      %dma_wait3A_217 = arith.constant 0 : i32
      %dma_wait3A_218 = tpu.memref_slice %arg11[%dma_wait3A_216, %dma_wait3A_217] : memref<100x128xf32, #tpu.memory_space<vmem>> -> memref<64x128xf32, #tpu.memory_space<vmem>>
      %dma_wait3A_219 = arith.constant 0 : i32
      %dma_wait3A_220 = tpu.memref_slice %arg12[%add3A_200, %dma_wait3A_219] : memref<10240x128xf32, #tpu.memory_space<vmem_shared>> -> memref<64x128xf32, #tpu.memory_space<vmem_shared>>
      tpu.wait_dma2 semaphore(%run_scoped3A : memref<!tpu.dma_semaphore, #tpu.memory_space<semaphore_mem>>) src(%dma_wait3A_220 : memref<64x128xf32, #tpu.memory_space<vmem_shared>>) dst(%dma_wait3A_218 : memref<64x128xf32, #tpu.memory_space<vmem>>)
      tpu.yield
    }) : () -> ()
    "tpu.region"() ({
      %run_scoped3A = tpu.sem_alloc : memref<!tpu.dma_semaphore, #tpu.memory_space<semaphore_mem>>
      %dma_start3A_202 = arith.constant 0 : i32
      %dma_start3A_203 = arith.constant 0 : i32
      %dma_start3A_204 = tpu.memref_slice %arg11[%dma_start3A_202, %dma_start3A_203] : memref<100x128xf32, #tpu.memory_space<vmem>> -> memref<64x128xf32, #tpu.memory_space<vmem>>
      %dma_start3A_205 = arith.constant 0 : i32
      %dma_start3A_206 = tpu.memref_slice %arg7[%arg0, %add3A_200, %dma_start3A_205] : memref<2x10240x128xf32, #tpu.memory_space<hbm>> -> memref<1x64x128xf32, #tpu.memory_space<hbm>>
      %dma_start3A_207 = tpu.memref_squeeze %dma_start3A_206 : memref<1x64x128xf32, #tpu.memory_space<hbm>> -> memref<64x128xf32, #tpu.memory_space<hbm>>
      %dma_start3A_208 = arith.constant 0 : i32
      %dma_start3A_209 = tpu.memref_slice %arg7[%arg0, %add3A_200, %dma_start3A_208] : memref<2x10240x128xf32, #tpu.memory_space<hbm>> -> memref<1x64x128xf32, #tpu.memory_space<hbm>>
      %dma_start3A_210 = tpu.memref_squeeze %dma_start3A_209 : memref<1x64x128xf32, #tpu.memory_space<hbm>> -> memref<64x128xf32, #tpu.memory_space<hbm>>
      %dma_start3A_211 = arith.constant 0 : i32
      %dma_start3A_212 = arith.constant 0 : i32
      %dma_start3A_213 = tpu.memref_slice %arg11[%dma_start3A_211, %dma_start3A_212] : memref<100x128xf32, #tpu.memory_space<vmem>> -> memref<64x128xf32, #tpu.memory_space<vmem>>
      tpu.enqueue_dma source(%dma_start3A_213 : memref<64x128xf32, #tpu.memory_space<vmem>>) target(%dma_start3A_210 : memref<64x128xf32, #tpu.memory_space<hbm>>) target_semaphore(%run_scoped3A : memref<!tpu.dma_semaphore, #tpu.memory_space<semaphore_mem>>)
      %dma_wait3A = arith.constant 0 : i32
      %dma_wait3A_214 = arith.constant 0 : i32
      %dma_wait3A_215 = tpu.memref_slice %arg11[%dma_wait3A, %dma_wait3A_214] : memref<100x128xf32, #tpu.memory_space<vmem>> -> memref<64x128xf32, #tpu.memory_space<vmem>>
      %dma_wait3A_216 = arith.constant 0 : i32
      %dma_wait3A_217 = tpu.memref_slice %arg7[%arg0, %add3A_200, %dma_wait3A_216] : memref<2x10240x128xf32, #tpu.memory_space<hbm>> -> memref<1x64x128xf32, #tpu.memory_space<hbm>>
      %dma_wait3A_218 = tpu.memref_squeeze %dma_wait3A_217 : memref<1x64x128xf32, #tpu.memory_space<hbm>> -> memref<64x128xf32, #tpu.memory_space<hbm>>
      %dma_wait3A_219 = arith.constant 0 : i32
      %dma_wait3A_220 = tpu.memref_slice %arg7[%arg0, %add3A_200, %dma_wait3A_219] : memref<2x10240x128xf32, #tpu.memory_space<hbm>> -> memref<1x64x128xf32, #tpu.memory_space<hbm>>
      %dma_wait3A_221 = tpu.memref_squeeze %dma_wait3A_220 : memref<1x64x128xf32, #tpu.memory_space<hbm>> -> memref<64x128xf32, #tpu.memory_space<hbm>>
      %dma_wait3A_222 = arith.constant 0 : i32
      %dma_wait3A_223 = arith.constant 0 : i32
      %dma_wait3A_224 = tpu.memref_slice %arg11[%dma_wait3A_222, %dma_wait3A_223] : memref<100x128xf32, #tpu.memory_space<vmem>> -> memref<64x128xf32, #tpu.memory_space<vmem>>
      tpu.wait_dma2 semaphore(%run_scoped3A : memref<!tpu.dma_semaphore, #tpu.memory_space<semaphore_mem>>) src(%dma_wait3A_224 : memref<64x128xf32, #tpu.memory_space<vmem>>) dst(%dma_wait3A_221 : memref<64x128xf32, #tpu.memory_space<hbm>>)
      tpu.yield
    }) : () -> ()
    %barrier3A_201 = arith.constant 0 : index
    tpu.barrier barrier_id(%barrier3A_201)
    return
  }
}

#map = affine_map<(d0, d1) -> (0, 0, 0)>
#map1 = affine_map<(d0, d1) -> (0)>
module attributes {stable_mosaic.version = 14 : i64} {
  func.func @deg_kernel(%arg0: i32, %arg1: i32, %arg2: memref<32x100x100xi32, #tpu.memory_space<hbm>>, %arg3: memref<10240xf32, #tpu.memory_space<hbm>>, %arg4: memref<10240xf32, #tpu.memory_space<hbm>>, %arg5: memref<100x100xi32, #tpu.memory_space<vmem>>, %arg6: memref<128xf32, #tpu.memory_space<vmem>>, %arg7: memref<2048xf32, #tpu.memory_space<vmem>>, %arg8: memref<10240xf32, #tpu.memory_space<vmem_shared>>) attributes {dimension_semantics = [#tpu.dimension_semantics<core_parallel>, #tpu.dimension_semantics<subcore_parallel>], iteration_bounds = array<i64: 2, 16>, scalar_prefetch = 0 : i64, scratch_operands = 4 : i64, tpu.core_type = #tpu.core_type<sc_vector_subcore>, window_params = [{transform_indices = #map}, {transform_indices = #map1}, {transform_indices = #map1}]} {
    %mul3A = arith.constant 16 : i32
    %mul3A_0 = arith.muli %arg0, %mul3A : i32
    %add3A = arith.addi %mul3A_0, %arg1 : i32
    %scan3A = arith.constant 0 : i32
    %scan3A_1 = arith.constant 0 : i32
    %scan3A_2 = arith.constant 128 : i32
    %scan3A_3 = arith.addi %scan3A_1, %scan3A_2 : i32
    %scan3A_4 = arith.constant 1 : i32
    scf.for %scan3A_66 = %scan3A_1 to %scan3A_3 step %scan3A_4  : i32 {
      %broadcast_in_dim3A_67 = arith.constant 0.000000e+00 : f32
      %broadcast_in_dim3A_68 = vector.broadcast %broadcast_in_dim3A_67 : f32 to vector<16xf32>
      %mul3A_69 = arith.constant 16 : i32
      %mul3A_70 = arith.muli %scan3A_66, %mul3A_69 : i32
      %swap3A_71 = arith.index_cast %mul3A_70 : i32 to index
      %swap3A_72 = tpu.vector_load %arg7[%swap3A_71] {strides = array<i32>} : memref<2048xf32, #tpu.memory_space<vmem>>, vector<16xf32>,
      %swap3A_73 = vector.shape_cast %swap3A_72 : vector<16xf32> to vector<16xf32>
      %swap3A_74 = vector.shape_cast %broadcast_in_dim3A_68 : vector<16xf32> to vector<16xf32>
      tpu.vector_store %arg7[%swap3A_71], %swap3A_74 {strides = array<i32>} : memref<2048xf32, #tpu.memory_space<vmem>>, vector<16xf32>,
    }
    %scan3A_5 = arith.constant 128 : i32
    %lt3A = arith.constant 5 : i32
    %lt3A_6 = arith.cmpi slt, %arg1, %lt3A : i32
    %convert_element_type3A = arith.extui %lt3A_6 : i1 to i32
    %cond3A = arith.constant 0 : i32
    %cond3A_7 = arith.cmpi ne, %convert_element_type3A, %cond3A : i32
    scf.if %cond3A_7 {
      %mul3A_66 = arith.constant 2048 : i32
      %mul3A_67 = arith.muli %arg1, %mul3A_66 : i32
      "tpu.region"() ({
        %run_scoped3A = tpu.sem_alloc : memref<!tpu.dma_semaphore, #tpu.memory_space<semaphore_mem>>
        %dma_start3A = tpu.memref_slice %arg8[%mul3A_67] : memref<10240xf32, #tpu.memory_space<vmem_shared>> -> memref<2048xf32, #tpu.memory_space<vmem_shared>>
        %dma_start3A_68 = tpu.memref_slice %arg8[%mul3A_67] : memref<10240xf32, #tpu.memory_space<vmem_shared>> -> memref<2048xf32, #tpu.memory_space<vmem_shared>>
        tpu.enqueue_dma source(%arg7 : memref<2048xf32, #tpu.memory_space<vmem>>) target(%dma_start3A_68 : memref<2048xf32, #tpu.memory_space<vmem_shared>>) target_semaphore(%run_scoped3A : memref<!tpu.dma_semaphore, #tpu.memory_space<semaphore_mem>>)
        %dma_wait3A = tpu.memref_slice %arg8[%mul3A_67] : memref<10240xf32, #tpu.memory_space<vmem_shared>> -> memref<2048xf32, #tpu.memory_space<vmem_shared>>
        %dma_wait3A_69 = tpu.memref_slice %arg8[%mul3A_67] : memref<10240xf32, #tpu.memory_space<vmem_shared>> -> memref<2048xf32, #tpu.memory_space<vmem_shared>>
        tpu.wait_dma2 semaphore(%run_scoped3A : memref<!tpu.dma_semaphore, #tpu.memory_space<semaphore_mem>>) src(%arg7 : memref<2048xf32, #tpu.memory_space<vmem>>) dst(%dma_wait3A_69 : memref<2048xf32, #tpu.memory_space<vmem_shared>>)
        tpu.yield
      }) : () -> ()
    } else {
    }
    %broadcast_in_dim3A = arith.constant 1.000000e+00 : f32
    %broadcast_in_dim3A_8 = vector.broadcast %broadcast_in_dim3A : f32 to vector<16xf32>
    %swap3A = arith.constant 0 : index
    %swap3A_9 = tpu.vector_load %arg6[%swap3A] {strides = array<i32>} : memref<128xf32, #tpu.memory_space<vmem>>, vector<16xf32>,
    %swap3A_10 = vector.shape_cast %swap3A_9 : vector<16xf32> to vector<16xf32>
    %swap3A_11 = vector.shape_cast %broadcast_in_dim3A_8 : vector<16xf32> to vector<16xf32>
    tpu.vector_store %arg6[%swap3A], %swap3A_11 {strides = array<i32>} : memref<128xf32, #tpu.memory_space<vmem>>, vector<16xf32>,
    %broadcast_in_dim3A_12 = arith.constant 1.000000e+00 : f32
    %broadcast_in_dim3A_13 = vector.broadcast %broadcast_in_dim3A_12 : f32 to vector<16xf32>
    %swap3A_14 = arith.constant 16 : index
    %swap3A_15 = tpu.vector_load %arg6[%swap3A_14] {strides = array<i32>} : memref<128xf32, #tpu.memory_space<vmem>>, vector<16xf32>,
    %swap3A_16 = vector.shape_cast %swap3A_15 : vector<16xf32> to vector<16xf32>
    %swap3A_17 = vector.shape_cast %broadcast_in_dim3A_13 : vector<16xf32> to vector<16xf32>
    tpu.vector_store %arg6[%swap3A_14], %swap3A_17 {strides = array<i32>} : memref<128xf32, #tpu.memory_space<vmem>>, vector<16xf32>,
    %broadcast_in_dim3A_18 = arith.constant 1.000000e+00 : f32
    %broadcast_in_dim3A_19 = vector.broadcast %broadcast_in_dim3A_18 : f32 to vector<16xf32>
    %swap3A_20 = arith.constant 32 : index
    %swap3A_21 = tpu.vector_load %arg6[%swap3A_20] {strides = array<i32>} : memref<128xf32, #tpu.memory_space<vmem>>, vector<16xf32>,
    %swap3A_22 = vector.shape_cast %swap3A_21 : vector<16xf32> to vector<16xf32>
    %swap3A_23 = vector.shape_cast %broadcast_in_dim3A_19 : vector<16xf32> to vector<16xf32>
    tpu.vector_store %arg6[%swap3A_20], %swap3A_23 {strides = array<i32>} : memref<128xf32, #tpu.memory_space<vmem>>, vector<16xf32>,
    %broadcast_in_dim3A_24 = arith.constant 1.000000e+00 : f32
    %broadcast_in_dim3A_25 = vector.broadcast %broadcast_in_dim3A_24 : f32 to vector<16xf32>
    %swap3A_26 = arith.constant 48 : index
    %swap3A_27 = tpu.vector_load %arg6[%swap3A_26] {strides = array<i32>} : memref<128xf32, #tpu.memory_space<vmem>>, vector<16xf32>,
    %swap3A_28 = vector.shape_cast %swap3A_27 : vector<16xf32> to vector<16xf32>
    %swap3A_29 = vector.shape_cast %broadcast_in_dim3A_25 : vector<16xf32> to vector<16xf32>
    tpu.vector_store %arg6[%swap3A_26], %swap3A_29 {strides = array<i32>} : memref<128xf32, #tpu.memory_space<vmem>>, vector<16xf32>,
    %broadcast_in_dim3A_30 = arith.constant 1.000000e+00 : f32
    %broadcast_in_dim3A_31 = vector.broadcast %broadcast_in_dim3A_30 : f32 to vector<16xf32>
    %swap3A_32 = arith.constant 64 : index
    %swap3A_33 = tpu.vector_load %arg6[%swap3A_32] {strides = array<i32>} : memref<128xf32, #tpu.memory_space<vmem>>, vector<16xf32>,
    %swap3A_34 = vector.shape_cast %swap3A_33 : vector<16xf32> to vector<16xf32>
    %swap3A_35 = vector.shape_cast %broadcast_in_dim3A_31 : vector<16xf32> to vector<16xf32>
    tpu.vector_store %arg6[%swap3A_32], %swap3A_35 {strides = array<i32>} : memref<128xf32, #tpu.memory_space<vmem>>, vector<16xf32>,
    %broadcast_in_dim3A_36 = arith.constant 1.000000e+00 : f32
    %broadcast_in_dim3A_37 = vector.broadcast %broadcast_in_dim3A_36 : f32 to vector<16xf32>
    %swap3A_38 = arith.constant 80 : index
    %swap3A_39 = tpu.vector_load %arg6[%swap3A_38] {strides = array<i32>} : memref<128xf32, #tpu.memory_space<vmem>>, vector<16xf32>,
    %swap3A_40 = vector.shape_cast %swap3A_39 : vector<16xf32> to vector<16xf32>
    %swap3A_41 = vector.shape_cast %broadcast_in_dim3A_37 : vector<16xf32> to vector<16xf32>
    tpu.vector_store %arg6[%swap3A_38], %swap3A_41 {strides = array<i32>} : memref<128xf32, #tpu.memory_space<vmem>>, vector<16xf32>,
    %broadcast_in_dim3A_42 = arith.constant 1.000000e+00 : f32
    %broadcast_in_dim3A_43 = vector.broadcast %broadcast_in_dim3A_42 : f32 to vector<16xf32>
    %swap3A_44 = arith.constant 96 : index
    %swap3A_45 = tpu.vector_load %arg6[%swap3A_44] {strides = array<i32>} : memref<128xf32, #tpu.memory_space<vmem>>, vector<16xf32>,
    %swap3A_46 = vector.shape_cast %swap3A_45 : vector<16xf32> to vector<16xf32>
    %swap3A_47 = vector.shape_cast %broadcast_in_dim3A_43 : vector<16xf32> to vector<16xf32>
    tpu.vector_store %arg6[%swap3A_44], %swap3A_47 {strides = array<i32>} : memref<128xf32, #tpu.memory_space<vmem>>, vector<16xf32>,
    %broadcast_in_dim3A_48 = arith.constant 1.000000e+00 : f32
    %broadcast_in_dim3A_49 = vector.broadcast %broadcast_in_dim3A_48 : f32 to vector<16xf32>
    %swap3A_50 = arith.constant 112 : index
    %swap3A_51 = tpu.vector_load %arg6[%swap3A_50] {strides = array<i32>} : memref<128xf32, #tpu.memory_space<vmem>>, vector<16xf32>,
    %swap3A_52 = vector.shape_cast %swap3A_51 : vector<16xf32> to vector<16xf32>
    %swap3A_53 = vector.shape_cast %broadcast_in_dim3A_49 : vector<16xf32> to vector<16xf32>
    tpu.vector_store %arg6[%swap3A_50], %swap3A_53 {strides = array<i32>} : memref<128xf32, #tpu.memory_space<vmem>>, vector<16xf32>,
    "tpu.region"() ({
      %run_scoped3A = tpu.sem_alloc : memref<!tpu.dma_semaphore, #tpu.memory_space<semaphore_mem>>
      %dma_start3A = arith.constant 0 : i32
      %dma_start3A_66 = arith.constant 0 : i32
      %dma_start3A_67 = tpu.memref_slice %arg2[%add3A, %dma_start3A, %dma_start3A_66] : memref<32x100x100xi32, #tpu.memory_space<hbm>> -> memref<1x100x100xi32, #tpu.memory_space<hbm>>
      %dma_start3A_68 = tpu.memref_squeeze %dma_start3A_67 : memref<1x100x100xi32, #tpu.memory_space<hbm>> -> memref<100x100xi32, #tpu.memory_space<hbm>>
      %dma_start3A_69 = arith.constant 0 : i32
      %dma_start3A_70 = arith.constant 0 : i32
      %dma_start3A_71 = tpu.memref_slice %arg2[%add3A, %dma_start3A_69, %dma_start3A_70] : memref<32x100x100xi32, #tpu.memory_space<hbm>> -> memref<1x100x100xi32, #tpu.memory_space<hbm>>
      %dma_start3A_72 = tpu.memref_squeeze %dma_start3A_71 : memref<1x100x100xi32, #tpu.memory_space<hbm>> -> memref<100x100xi32, #tpu.memory_space<hbm>>
      tpu.enqueue_dma source(%dma_start3A_72 : memref<100x100xi32, #tpu.memory_space<hbm>>) target(%arg5 : memref<100x100xi32, #tpu.memory_space<vmem>>) target_semaphore(%run_scoped3A : memref<!tpu.dma_semaphore, #tpu.memory_space<semaphore_mem>>)
      %dma_wait3A = arith.constant 0 : i32
      %dma_wait3A_73 = arith.constant 0 : i32
      %dma_wait3A_74 = tpu.memref_slice %arg2[%add3A, %dma_wait3A, %dma_wait3A_73] : memref<32x100x100xi32, #tpu.memory_space<hbm>> -> memref<1x100x100xi32, #tpu.memory_space<hbm>>
      %dma_wait3A_75 = tpu.memref_squeeze %dma_wait3A_74 : memref<1x100x100xi32, #tpu.memory_space<hbm>> -> memref<100x100xi32, #tpu.memory_space<hbm>>
      %dma_wait3A_76 = arith.constant 0 : i32
      %dma_wait3A_77 = arith.constant 0 : i32
      %dma_wait3A_78 = tpu.memref_slice %arg2[%add3A, %dma_wait3A_76, %dma_wait3A_77] : memref<32x100x100xi32, #tpu.memory_space<hbm>> -> memref<1x100x100xi32, #tpu.memory_space<hbm>>
      %dma_wait3A_79 = tpu.memref_squeeze %dma_wait3A_78 : memref<1x100x100xi32, #tpu.memory_space<hbm>> -> memref<100x100xi32, #tpu.memory_space<hbm>>
      tpu.wait_dma2 semaphore(%run_scoped3A : memref<!tpu.dma_semaphore, #tpu.memory_space<semaphore_mem>>) src(%dma_wait3A_79 : memref<100x100xi32, #tpu.memory_space<hbm>>) dst(%arg5 : memref<100x100xi32, #tpu.memory_space<vmem>>)
      tpu.yield
    }) : () -> ()
    %barrier3A = arith.constant 0 : index
    tpu.barrier barrier_id(%barrier3A)
    %scan3A_54 = arith.constant 0 : i32
    %scan3A_55 = arith.constant 0 : i32
    %scan3A_56 = arith.constant 100 : i32
    %scan3A_57 = arith.addi %scan3A_55, %scan3A_56 : i32
    %scan3A_58 = arith.constant 1 : i32
    scf.for %scan3A_66 = %scan3A_55 to %scan3A_57 step %scan3A_58  : i32 {
      "tpu.region"() ({
        %run_scoped3A = tpu.sem_alloc : memref<!tpu.dma_semaphore, #tpu.memory_space<semaphore_mem>>
        %dma_start3A = arith.constant 0 : i32
        %dma_start3A_67 = tpu.memref_slice %arg6[%dma_start3A] : memref<128xf32, #tpu.memory_space<vmem>> -> memref<100xf32, #tpu.memory_space<vmem>>
        %dma_start3A_68 = arith.constant 0 : i32
        %dma_start3A_69 = tpu.memref_slice %arg5[%scan3A_66, %dma_start3A_68] : memref<100x100xi32, #tpu.memory_space<vmem>> -> memref<1x100xi32, #tpu.memory_space<vmem>>
        %dma_start3A_70 = tpu.memref_squeeze %dma_start3A_69 : memref<1x100xi32, #tpu.memory_space<vmem>> -> memref<100xi32, #tpu.memory_space<vmem>>
        %dma_start3A_71 = arith.constant 0 : i32
        %dma_start3A_72 = tpu.memref_slice %arg8[%dma_start3A_71] : memref<10240xf32, #tpu.memory_space<vmem_shared>> -> memref<10240xf32, #tpu.memory_space<vmem_shared>>
        tpu.enqueue_indirect_dma source(%dma_start3A_67 : memref<100xf32, #tpu.memory_space<vmem>>) target(%dma_start3A_72 : memref<10240xf32, #tpu.memory_space<vmem_shared>>) offsets(%dma_start3A_70 : memref<100xi32, #tpu.memory_space<vmem>>) semaphore(%run_scoped3A : memref<!tpu.dma_semaphore, #tpu.memory_space<semaphore_mem>>) {add = true}
        %dma_wait3A = arith.constant 0 : i32
        %dma_wait3A_73 = tpu.memref_slice %arg6[%dma_wait3A] : memref<128xf32, #tpu.memory_space<vmem>> -> memref<100xf32, #tpu.memory_space<vmem>>
        %dma_wait3A_74 = arith.constant 0 : i32
        %dma_wait3A_75 = tpu.memref_slice %arg5[%scan3A_66, %dma_wait3A_74] : memref<100x100xi32, #tpu.memory_space<vmem>> -> memref<1x100xi32, #tpu.memory_space<vmem>>
        %dma_wait3A_76 = tpu.memref_squeeze %dma_wait3A_75 : memref<1x100xi32, #tpu.memory_space<vmem>> -> memref<100xi32, #tpu.memory_space<vmem>>
        %dma_wait3A_77 = arith.constant 0 : i32
        %dma_wait3A_78 = tpu.memref_slice %arg8[%dma_wait3A_77] : memref<10240xf32, #tpu.memory_space<vmem_shared>> -> memref<10240xf32, #tpu.memory_space<vmem_shared>>
        tpu.wait_indirect_dma semaphore(%run_scoped3A : memref<!tpu.dma_semaphore, #tpu.memory_space<semaphore_mem>>) src(%dma_wait3A_73 : memref<100xf32, #tpu.memory_space<vmem>>) dst(%dma_wait3A_78 : memref<10240xf32, #tpu.memory_space<vmem_shared>>)
        tpu.yield
      }) : () -> ()
    }
    %scan3A_59 = arith.constant 100 : i32
    %barrier3A_60 = arith.constant 0 : index
    tpu.barrier barrier_id(%barrier3A_60)
    %lt3A_61 = arith.constant 5 : i32
    %lt3A_62 = arith.cmpi slt, %arg1, %lt3A_61 : i32
    %convert_element_type3A_63 = arith.extui %lt3A_62 : i1 to i32
    %cond3A_64 = arith.constant 0 : i32
    %cond3A_65 = arith.cmpi ne, %convert_element_type3A_63, %cond3A_64 : i32
    scf.if %cond3A_65 {
      %mul3A_66 = arith.constant 2048 : i32
      %mul3A_67 = arith.muli %arg1, %mul3A_66 : i32
      "tpu.region"() ({
        %run_scoped3A = tpu.sem_alloc : memref<!tpu.dma_semaphore, #tpu.memory_space<semaphore_mem>>
        %dma_start3A = tpu.memref_slice %arg8[%mul3A_67] : memref<10240xf32, #tpu.memory_space<vmem_shared>> -> memref<2048xf32, #tpu.memory_space<vmem_shared>>
        %dma_start3A_77 = tpu.memref_slice %arg8[%mul3A_67] : memref<10240xf32, #tpu.memory_space<vmem_shared>> -> memref<2048xf32, #tpu.memory_space<vmem_shared>>
        tpu.enqueue_dma source(%dma_start3A_77 : memref<2048xf32, #tpu.memory_space<vmem_shared>>) target(%arg7 : memref<2048xf32, #tpu.memory_space<vmem>>) target_semaphore(%run_scoped3A : memref<!tpu.dma_semaphore, #tpu.memory_space<semaphore_mem>>)
        %dma_wait3A = tpu.memref_slice %arg8[%mul3A_67] : memref<10240xf32, #tpu.memory_space<vmem_shared>> -> memref<2048xf32, #tpu.memory_space<vmem_shared>>
        %dma_wait3A_78 = tpu.memref_slice %arg8[%mul3A_67] : memref<10240xf32, #tpu.memory_space<vmem_shared>> -> memref<2048xf32, #tpu.memory_space<vmem_shared>>
        tpu.wait_dma2 semaphore(%run_scoped3A : memref<!tpu.dma_semaphore, #tpu.memory_space<semaphore_mem>>) src(%dma_wait3A_78 : memref<2048xf32, #tpu.memory_space<vmem_shared>>) dst(%arg7 : memref<2048xf32, #tpu.memory_space<vmem>>)
        tpu.yield
      }) : () -> ()
      %eq3A = arith.constant 0 : i32
      %eq3A_68 = arith.cmpi eq, %arg0, %eq3A : i32
      %convert_element_type3A_69 = arith.extui %eq3A_68 : i1 to i32
      %cond3A_70 = arith.constant 0 : i32
      %cond3A_71 = arith.cmpi ne, %convert_element_type3A_69, %cond3A_70 : i32
      scf.if %cond3A_71 {
        "tpu.region"() ({
          %run_scoped3A = tpu.sem_alloc : memref<!tpu.dma_semaphore, #tpu.memory_space<semaphore_mem>>
          %dma_start3A = tpu.memref_slice %arg3[%mul3A_67] : memref<10240xf32, #tpu.memory_space<hbm>> -> memref<2048xf32, #tpu.memory_space<hbm>>
          %dma_start3A_77 = tpu.memref_slice %arg3[%mul3A_67] : memref<10240xf32, #tpu.memory_space<hbm>> -> memref<2048xf32, #tpu.memory_space<hbm>>
          tpu.enqueue_dma source(%arg7 : memref<2048xf32, #tpu.memory_space<vmem>>) target(%dma_start3A_77 : memref<2048xf32, #tpu.memory_space<hbm>>) target_semaphore(%run_scoped3A : memref<!tpu.dma_semaphore, #tpu.memory_space<semaphore_mem>>)
          %dma_wait3A = tpu.memref_slice %arg3[%mul3A_67] : memref<10240xf32, #tpu.memory_space<hbm>> -> memref<2048xf32, #tpu.memory_space<hbm>>
          %dma_wait3A_78 = tpu.memref_slice %arg3[%mul3A_67] : memref<10240xf32, #tpu.memory_space<hbm>> -> memref<2048xf32, #tpu.memory_space<hbm>>
          tpu.wait_dma2 semaphore(%run_scoped3A : memref<!tpu.dma_semaphore, #tpu.memory_space<semaphore_mem>>) src(%arg7 : memref<2048xf32, #tpu.memory_space<vmem>>) dst(%dma_wait3A_78 : memref<2048xf32, #tpu.memory_space<hbm>>)
          tpu.yield
        }) : () -> ()
      } else {
      }
      %eq3A_72 = arith.constant 1 : i32
      %eq3A_73 = arith.cmpi eq, %arg0, %eq3A_72 : i32
      %convert_element_type3A_74 = arith.extui %eq3A_73 : i1 to i32
      %cond3A_75 = arith.constant 0 : i32
      %cond3A_76 = arith.cmpi ne, %convert_element_type3A_74, %cond3A_75 : i32
      scf.if %cond3A_76 {
        "tpu.region"() ({
          %run_scoped3A = tpu.sem_alloc : memref<!tpu.dma_semaphore, #tpu.memory_space<semaphore_mem>>
          %dma_start3A = tpu.memref_slice %arg4[%mul3A_67] : memref<10240xf32, #tpu.memory_space<hbm>> -> memref<2048xf32, #tpu.memory_space<hbm>>
          %dma_start3A_77 = tpu.memref_slice %arg4[%mul3A_67] : memref<10240xf32, #tpu.memory_space<hbm>> -> memref<2048xf32, #tpu.memory_space<hbm>>
          tpu.enqueue_dma source(%arg7 : memref<2048xf32, #tpu.memory_space<vmem>>) target(%dma_start3A_77 : memref<2048xf32, #tpu.memory_space<hbm>>) target_semaphore(%run_scoped3A : memref<!tpu.dma_semaphore, #tpu.memory_space<semaphore_mem>>)
          %dma_wait3A = tpu.memref_slice %arg4[%mul3A_67] : memref<10240xf32, #tpu.memory_space<hbm>> -> memref<2048xf32, #tpu.memory_space<hbm>>
          %dma_wait3A_78 = tpu.memref_slice %arg4[%mul3A_67] : memref<10240xf32, #tpu.memory_space<hbm>> -> memref<2048xf32, #tpu.memory_space<hbm>>
          tpu.wait_dma2 semaphore(%run_scoped3A : memref<!tpu.dma_semaphore, #tpu.memory_space<semaphore_mem>>) src(%arg7 : memref<2048xf32, #tpu.memory_space<vmem>>) dst(%dma_wait3A_78 : memref<2048xf32, #tpu.memory_space<hbm>>)
          tpu.yield
        }) : () -> ()
      } else {
      }
    } else {
    }
    return
  }
}

module attributes {stable_mosaic.version = 14 : i64} {
  func.func @_tc1_body(%arg0: i32, %arg1: memref<2000x128xf32, #tpu.memory_space<vmem>>, %arg2: memref<128x128xf32, #tpu.memory_space<vmem>>, %arg3: memref<1x128xf32, #tpu.memory_space<vmem>>, %arg4: memref<128x128xf32, #tpu.memory_space<vmem>>, %arg5: memref<1x128xf32, #tpu.memory_space<vmem>>, %arg6: memref<128x128xf32, #tpu.memory_space<vmem>>, %arg7: memref<1x128xf32, #tpu.memory_space<vmem>>, %arg8: memref<128x128xf32, #tpu.memory_space<vmem>>, %arg9: memref<1x128xf32, #tpu.memory_space<vmem>>, %arg10: memref<2000x1xf32, #tpu.memory_space<vmem>>, %arg11: memref<2000x1xf32, #tpu.memory_space<vmem>>, %arg12: memref<2000x128xf32, #tpu.memory_space<vmem>>, %arg13: memref<2000x128xf32, #tpu.memory_space<vmem>>, %arg14: memref<2000x1xf32, #tpu.memory_space<vmem>>, %arg15: memref<2000x1xf32, #tpu.memory_space<vmem>>) attributes {dimension_semantics = [#tpu.dimension_semantics<arbitrary>], iteration_bounds = array<i64: 5>, scalar_prefetch = 0 : i64, scratch_operands = 0 : i64, tpu.core_type = #tpu.core_type<tc>, window_params = [{transform_indices = @transform_0, window_bounds = array<i64: 2000, 128>}, {pipeline_mode = #tpu.pipeline_mode<synchronous>, transform_indices = @transform_1, window_bounds = array<i64: 128, 128>}, {pipeline_mode = #tpu.pipeline_mode<synchronous>, transform_indices = @transform_2, window_bounds = array<i64: 1, 128>}, {pipeline_mode = #tpu.pipeline_mode<synchronous>, transform_indices = @transform_3, window_bounds = array<i64: 128, 128>}, {pipeline_mode = #tpu.pipeline_mode<synchronous>, transform_indices = @transform_4, window_bounds = array<i64: 1, 128>}, {pipeline_mode = #tpu.pipeline_mode<synchronous>, transform_indices = @transform_5, window_bounds = array<i64: 128, 128>}, {pipeline_mode = #tpu.pipeline_mode<synchronous>, transform_indices = @transform_6, window_bounds = array<i64: 1, 128>}, {pipeline_mode = #tpu.pipeline_mode<synchronous>, transform_indices = @transform_7, window_bounds = array<i64: 128, 128>}, {pipeline_mode = #tpu.pipeline_mode<synchronous>, transform_indices = @transform_8, window_bounds = array<i64: 1, 128>}, {transform_indices = @transform_9, window_bounds = array<i64: 2000, 1>}, {transform_indices = @transform_10, window_bounds = array<i64: 2000, 1>}, {transform_indices = @transform_11, window_bounds = array<i64: 2000, 128>}, {transform_indices = @transform_12, window_bounds = array<i64: 2000, 128>}, {transform_indices = @transform_13, window_bounds = array<i64: 2000, 1>}, {transform_indices = @transform_14, window_bounds = array<i64: 2000, 1>}]} {
    %get3A = arith.constant 0 : index
    %get3A_0 = arith.constant 0 : index
    %get3A_1 = vector.load %arg1[%get3A, %get3A_0] : memref<2000x128xf32, #tpu.memory_space<vmem>>, vector<2000x128xf32>
    %get3A_2 = arith.constant 0 : index
    %get3A_3 = arith.constant 0 : index
    %get3A_4 = vector.load %arg2[%get3A_2, %get3A_3] : memref<128x128xf32, #tpu.memory_space<vmem>>, vector<128x128xf32>
    %dot_general3A = arith.constant dense<0.000000e+00> : vector<2000x128xf32>
    %dot_general3A_5 = tpu.matmul %get3A_1, %get3A_4, %dot_general3A {dimension_numbers = #tpu.dot_dimension_numbers<[1], [0], [0], [1], [0, 0, 1, 1], [], []>, transpose_lhs_hint = false} : vector<2000x128xf32>, vector<128x128xf32>, vector<2000x128xf32> -> vector<2000x128xf32>
    %get3A_6 = arith.constant 0 : index
    %get3A_7 = arith.constant 0 : index
    %get3A_8 = vector.load %arg3[%get3A_6, %get3A_7] : memref<1x128xf32, #tpu.memory_space<vmem>>, vector<1x128xf32>
    %add3A = vector.broadcast %get3A_8 : vector<1x128xf32> to vector<2000x128xf32>
    %add3A_9 = arith.addf %dot_general3A_5, %add3A : vector<2000x128xf32>
    %gt3A = arith.constant 0.000000e+00 : f32
    %gt3A_10 = vector.broadcast %gt3A : f32 to vector<2000x128xf32>
    %gt3A_11 = arith.cmpf ogt, %add3A_9, %gt3A_10 : vector<2000x128xf32>
    %exp3A = math.exp %add3A_9 : vector<2000x128xf32>
    %sub3A = arith.constant 1.000000e+00 : f32
    %sub3A_12 = vector.broadcast %sub3A : f32 to vector<2000x128xf32>
    %sub3A_13 = arith.subf %exp3A, %sub3A_12 : vector<2000x128xf32>
    %select_n3A = arith.select %gt3A_11, %add3A_9, %sub3A_13 : vector<2000x128xi1>, vector<2000x128xf32>
    %get3A_14 = arith.constant 0 : index
    %get3A_15 = arith.constant 0 : index
    %get3A_16 = vector.load %arg6[%get3A_14, %get3A_15] : memref<128x128xf32, #tpu.memory_space<vmem>>, vector<128x128xf32>
    %dot_general3A_17 = arith.constant dense<0.000000e+00> : vector<2000x128xf32>
    %dot_general3A_18 = tpu.matmul %select_n3A, %get3A_16, %dot_general3A_17 {dimension_numbers = #tpu.dot_dimension_numbers<[1], [0], [0], [1], [0, 0, 1, 1], [], []>, transpose_lhs_hint = false} : vector<2000x128xf32>, vector<128x128xf32>, vector<2000x128xf32> -> vector<2000x128xf32>
    %get3A_19 = arith.constant 0 : index
    %get3A_20 = arith.constant 0 : index
    %get3A_21 = vector.load %arg7[%get3A_19, %get3A_20] : memref<1x128xf32, #tpu.memory_space<vmem>>, vector<1x128xf32>
    %add3A_22 = vector.broadcast %get3A_21 : vector<1x128xf32> to vector<2000x128xf32>
    %add3A_23 = arith.addf %dot_general3A_18, %add3A_22 : vector<2000x128xf32>
    %gt3A_24 = arith.constant 0.000000e+00 : f32
    %gt3A_25 = vector.broadcast %gt3A_24 : f32 to vector<2000x128xf32>
    %gt3A_26 = arith.cmpf ogt, %add3A_23, %gt3A_25 : vector<2000x128xf32>
    %exp3A_27 = math.exp %add3A_23 : vector<2000x128xf32>
    %sub3A_28 = arith.constant 1.000000e+00 : f32
    %sub3A_29 = vector.broadcast %sub3A_28 : f32 to vector<2000x128xf32>
    %sub3A_30 = arith.subf %exp3A_27, %sub3A_29 : vector<2000x128xf32>
    %select_n3A_31 = arith.select %gt3A_26, %add3A_23, %sub3A_30 : vector<2000x128xi1>, vector<2000x128xf32>
    %get3A_32 = arith.constant 0 : index
    %get3A_33 = arith.constant 0 : index
    %get3A_34 = vector.load %arg4[%get3A_32, %get3A_33] : memref<128x128xf32, #tpu.memory_space<vmem>>, vector<128x128xf32>
    %dot_general3A_35 = arith.constant dense<0.000000e+00> : vector<2000x128xf32>
    %dot_general3A_36 = tpu.matmul %get3A_1, %get3A_34, %dot_general3A_35 {dimension_numbers = #tpu.dot_dimension_numbers<[1], [0], [0], [1], [0, 0, 1, 1], [], []>, transpose_lhs_hint = false} : vector<2000x128xf32>, vector<128x128xf32>, vector<2000x128xf32> -> vector<2000x128xf32>
    %get3A_37 = arith.constant 0 : index
    %get3A_38 = arith.constant 0 : index
    %get3A_39 = vector.load %arg5[%get3A_37, %get3A_38] : memref<1x128xf32, #tpu.memory_space<vmem>>, vector<1x128xf32>
    %add3A_40 = vector.broadcast %get3A_39 : vector<1x128xf32> to vector<2000x128xf32>
    %add3A_41 = arith.addf %dot_general3A_36, %add3A_40 : vector<2000x128xf32>
    %max3A = arith.constant 0.000000e+00 : f32
    %max3A_42 = vector.broadcast %max3A : f32 to vector<2000x128xf32>
    %max3A_43 = arith.maximumf %add3A_41, %max3A_42 : vector<2000x128xf32>
    %get3A_44 = arith.constant 0 : index
    %get3A_45 = arith.constant 0 : index
    %get3A_46 = vector.load %arg8[%get3A_44, %get3A_45] : memref<128x128xf32, #tpu.memory_space<vmem>>, vector<128x128xf32>
    %dot_general3A_47 = arith.constant dense<0.000000e+00> : vector<2000x128xf32>
    %dot_general3A_48 = tpu.matmul %max3A_43, %get3A_46, %dot_general3A_47 {dimension_numbers = #tpu.dot_dimension_numbers<[1], [0], [0], [1], [0, 0, 1, 1], [], []>, transpose_lhs_hint = false} : vector<2000x128xf32>, vector<128x128xf32>, vector<2000x128xf32> -> vector<2000x128xf32>
    %get3A_49 = arith.constant 0 : index
    %get3A_50 = arith.constant 0 : index
    %get3A_51 = vector.load %arg9[%get3A_49, %get3A_50] : memref<1x128xf32, #tpu.memory_space<vmem>>, vector<1x128xf32>
    %add3A_52 = vector.broadcast %get3A_51 : vector<1x128xf32> to vector<2000x128xf32>
    %add3A_53 = arith.addf %dot_general3A_48, %add3A_52 : vector<2000x128xf32>
    %max3A_54 = arith.constant 0.000000e+00 : f32
    %max3A_55 = vector.broadcast %max3A_54 : f32 to vector<2000x128xf32>
    %max3A_56 = arith.maximumf %add3A_53, %max3A_55 : vector<2000x128xf32>
    %add3A_57 = arith.constant 9.99999997E-7 : f32
    %add3A_58 = vector.broadcast %add3A_57 : f32 to vector<2000x128xf32>
    %add3A_59 = arith.addf %max3A_56, %add3A_58 : vector<2000x128xf32>
    %neg3A = arith.constant 0.000000e+00 : f32
    %neg3A_60 = vector.broadcast %neg3A : f32 to vector<2000x128xf32>
    %neg3A_61 = arith.subf %neg3A_60, %add3A_59 : vector<2000x128xf32>
    %exp3A_62 = math.exp %neg3A_61 : vector<2000x128xf32>
    %mul3A = arith.mulf %select_n3A_31, %exp3A_62 : vector<2000x128xf32>
    %mul3A_63 = arith.mulf %exp3A_62, %exp3A_62 : vector<2000x128xf32>
    %mul3A_64 = arith.mulf %add3A_59, %mul3A_63 : vector<2000x128xf32>
    %get3A_65 = arith.constant 0 : index
    %get3A_66 = arith.constant 0 : index
    %get3A_67 = vector.load %arg10[%get3A_65, %get3A_66] : memref<2000x1xf32, #tpu.memory_space<vmem>>, vector<2000x1xf32>
    %add3A_68 = arith.constant 1.000000e+00 : f32
    %add3A_69 = vector.broadcast %add3A_68 : f32 to vector<2000x1xf32>
    %add3A_70 = arith.addf %add3A_69, %get3A_67 : vector<2000x1xf32>
    %get3A_71 = arith.constant 0 : index
    %get3A_72 = arith.constant 0 : index
    %get3A_73 = vector.load %arg11[%get3A_71, %get3A_72] : memref<2000x1xf32, #tpu.memory_space<vmem>>, vector<2000x1xf32>
    %add3A_74 = arith.addf %add3A_70, %get3A_73 : vector<2000x1xf32>
    %rsqrt3A = math.rsqrt %add3A_74 : vector<2000x1xf32>
    %div3A = arith.constant 1.000000e+00 : f32
    %div3A_75 = vector.broadcast %div3A : f32 to vector<2000x1xf32>
    %div3A_76 = arith.divf %div3A_75, %add3A_74 : vector<2000x1xf32>
    %mul3A_77 = vector.broadcast %rsqrt3A : vector<2000x1xf32> to vector<2000x128xf32>
    %mul3A_78 = arith.mulf %mul3A_77, %mul3A : vector<2000x128xf32>
    %swap3A = arith.constant 0 : index
    %swap3A_79 = arith.constant 0 : index
    %swap3A_80 = vector.load %arg12[%swap3A, %swap3A_79] : memref<2000x128xf32, #tpu.memory_space<vmem>>, vector<2000x128xf32>
    tpu.vector_store %arg12[%swap3A, %swap3A_79], %mul3A_78 {strides = array<i32>} : memref<2000x128xf32, #tpu.memory_space<vmem>>, vector<2000x128xf32>,
    %mul3A_81 = vector.broadcast %div3A_76 : vector<2000x1xf32> to vector<2000x128xf32>
    %mul3A_82 = arith.mulf %mul3A_81, %mul3A_64 : vector<2000x128xf32>
    %swap3A_83 = arith.constant 0 : index
    %swap3A_84 = arith.constant 0 : index
    %swap3A_85 = vector.load %arg13[%swap3A_83, %swap3A_84] : memref<2000x128xf32, #tpu.memory_space<vmem>>, vector<2000x128xf32>
    tpu.vector_store %arg13[%swap3A_83, %swap3A_84], %mul3A_82 {strides = array<i32>} : memref<2000x128xf32, #tpu.memory_space<vmem>>, vector<2000x128xf32>,
    %swap3A_86 = arith.constant 0 : index
    %swap3A_87 = arith.constant 0 : index
    %swap3A_88 = vector.load %arg14[%swap3A_86, %swap3A_87] : memref<2000x1xf32, #tpu.memory_space<vmem>>, vector<2000x1xf32>
    tpu.vector_store %arg14[%swap3A_86, %swap3A_87], %rsqrt3A {strides = array<i32>} : memref<2000x1xf32, #tpu.memory_space<vmem>>, vector<2000x1xf32>,
    %swap3A_89 = arith.constant 0 : index
    %swap3A_90 = arith.constant 0 : index
    %swap3A_91 = vector.load %arg15[%swap3A_89, %swap3A_90] : memref<2000x1xf32, #tpu.memory_space<vmem>>, vector<2000x1xf32>
    tpu.vector_store %arg15[%swap3A_89, %swap3A_90], %div3A_76 {strides = array<i32>} : memref<2000x1xf32, #tpu.memory_space<vmem>>, vector<2000x1xf32>,
    return
  }
  func.func @transform_0(%arg0: i32) -> (i32, i32) {
    %c0_i32 = arith.constant 0 : i32
    %c0_i32_0 = arith.constant 0 : i32
    return %arg0, %c0_i32 : i32, i32
  }
  func.func @transform_1(%arg0: i32) -> (i32, i32) {
    %c0_i32 = arith.constant 0 : i32
    %c0_i32_0 = arith.constant 0 : i32
    %c0_i32_1 = arith.constant 0 : i32
    return %c0_i32, %c0_i32_0 : i32, i32
  }
  func.func @transform_2(%arg0: i32) -> (i32, i32) {
    %c0_i32 = arith.constant 0 : i32
    %c0_i32_0 = arith.constant 0 : i32
    %c0_i32_1 = arith.constant 0 : i32
    return %c0_i32, %c0_i32_0 : i32, i32
  }
  func.func @transform_3(%arg0: i32) -> (i32, i32) {
    %c0_i32 = arith.constant 0 : i32
    %c0_i32_0 = arith.constant 0 : i32
    %c0_i32_1 = arith.constant 0 : i32
    return %c0_i32, %c0_i32_0 : i32, i32
  }
  func.func @transform_4(%arg0: i32) -> (i32, i32) {
    %c0_i32 = arith.constant 0 : i32
    %c0_i32_0 = arith.constant 0 : i32
    %c0_i32_1 = arith.constant 0 : i32
    return %c0_i32, %c0_i32_0 : i32, i32
  }
  func.func @transform_5(%arg0: i32) -> (i32, i32) {
    %c0_i32 = arith.constant 0 : i32
    %c0_i32_0 = arith.constant 0 : i32
    %c0_i32_1 = arith.constant 0 : i32
    return %c0_i32, %c0_i32_0 : i32, i32
  }
  func.func @transform_6(%arg0: i32) -> (i32, i32) {
    %c0_i32 = arith.constant 0 : i32
    %c0_i32_0 = arith.constant 0 : i32
    %c0_i32_1 = arith.constant 0 : i32
    return %c0_i32, %c0_i32_0 : i32, i32
  }
  func.func @transform_7(%arg0: i32) -> (i32, i32) {
    %c0_i32 = arith.constant 0 : i32
    %c0_i32_0 = arith.constant 0 : i32
    %c0_i32_1 = arith.constant 0 : i32
    return %c0_i32, %c0_i32_0 : i32, i32
  }
  func.func @transform_8(%arg0: i32) -> (i32, i32) {
    %c0_i32 = arith.constant 0 : i32
    %c0_i32_0 = arith.constant 0 : i32
    %c0_i32_1 = arith.constant 0 : i32
    return %c0_i32, %c0_i32_0 : i32, i32
  }
  func.func @transform_9(%arg0: i32) -> (i32, i32) {
    %c0_i32 = arith.constant 0 : i32
    %c0_i32_0 = arith.constant 0 : i32
    return %arg0, %c0_i32 : i32, i32
  }
  func.func @transform_10(%arg0: i32) -> (i32, i32) {
    %c0_i32 = arith.constant 0 : i32
    %c0_i32_0 = arith.constant 0 : i32
    return %arg0, %c0_i32 : i32, i32
  }
  func.func @transform_11(%arg0: i32) -> (i32, i32) {
    %c0_i32 = arith.constant 0 : i32
    %c0_i32_0 = arith.constant 0 : i32
    return %arg0, %c0_i32 : i32, i32
  }
  func.func @transform_12(%arg0: i32) -> (i32, i32) {
    %c0_i32 = arith.constant 0 : i32
    %c0_i32_0 = arith.constant 0 : i32
    return %arg0, %c0_i32 : i32, i32
  }
  func.func @transform_13(%arg0: i32) -> (i32, i32) {
    %c0_i32 = arith.constant 0 : i32
    %c0_i32_0 = arith.constant 0 : i32
    return %arg0, %c0_i32 : i32, i32
  }
  func.func @transform_14(%arg0: i32) -> (i32, i32) {
    %c0_i32 = arith.constant 0 : i32
    %c0_i32_0 = arith.constant 0 : i32
    return %arg0, %c0_i32 : i32, i32
  }
}

module attributes {stable_mosaic.version = 14 : i64} {
  func.func @_tc2_body(%arg0: i32, %arg1: memref<2000x128xf32, #tpu.memory_space<vmem>>, %arg2: memref<2000x128xf32, #tpu.memory_space<vmem>>, %arg3: memref<2000x128xf32, #tpu.memory_space<vmem>>, %arg4: memref<2000x128xf32, #tpu.memory_space<vmem>>, %arg5: memref<2000x128xf32, #tpu.memory_space<vmem>>, %arg6: memref<2000x128xf32, #tpu.memory_space<vmem>>, %arg7: memref<2000x1xf32, #tpu.memory_space<vmem>>, %arg8: memref<2000x1xf32, #tpu.memory_space<vmem>>, %arg9: memref<2000x128xf32, #tpu.memory_space<vmem>>, %arg10: memref<2000x128xf32, #tpu.memory_space<vmem>>) attributes {dimension_semantics = [#tpu.dimension_semantics<arbitrary>], iteration_bounds = array<i64: 5>, scalar_prefetch = 0 : i64, scratch_operands = 0 : i64, tpu.core_type = #tpu.core_type<tc>, window_params = [{transform_indices = @transform_0, window_bounds = array<i64: 2000, 128>}, {transform_indices = @transform_1, window_bounds = array<i64: 2000, 128>}, {transform_indices = @transform_2, window_bounds = array<i64: 2000, 128>}, {transform_indices = @transform_3, window_bounds = array<i64: 2000, 128>}, {transform_indices = @transform_4, window_bounds = array<i64: 2000, 128>}, {transform_indices = @transform_5, window_bounds = array<i64: 2000, 128>}, {transform_indices = @transform_6, window_bounds = array<i64: 2000, 1>}, {transform_indices = @transform_7, window_bounds = array<i64: 2000, 1>}, {transform_indices = @transform_8, window_bounds = array<i64: 2000, 128>}, {transform_indices = @transform_9, window_bounds = array<i64: 2000, 128>}]} {
    %get3A = arith.constant 0 : index
    %get3A_0 = arith.constant 0 : index
    %get3A_1 = vector.load %arg7[%get3A, %get3A_0] : memref<2000x1xf32, #tpu.memory_space<vmem>>, vector<2000x1xf32>
    %get3A_2 = arith.constant 0 : index
    %get3A_3 = arith.constant 0 : index
    %get3A_4 = vector.load %arg1[%get3A_2, %get3A_3] : memref<2000x128xf32, #tpu.memory_space<vmem>>, vector<2000x128xf32>
    %get3A_5 = arith.constant 0 : index
    %get3A_6 = arith.constant 0 : index
    %get3A_7 = vector.load %arg2[%get3A_5, %get3A_6] : memref<2000x128xf32, #tpu.memory_space<vmem>>, vector<2000x128xf32>
    %add3A = arith.addf %get3A_4, %get3A_7 : vector<2000x128xf32>
    %get3A_8 = arith.constant 0 : index
    %get3A_9 = arith.constant 0 : index
    %get3A_10 = vector.load %arg5[%get3A_8, %get3A_9] : memref<2000x128xf32, #tpu.memory_space<vmem>>, vector<2000x128xf32>
    %add3A_11 = arith.addf %add3A, %get3A_10 : vector<2000x128xf32>
    %mul3A = vector.broadcast %get3A_1 : vector<2000x1xf32> to vector<2000x128xf32>
    %mul3A_12 = arith.mulf %mul3A, %add3A_11 : vector<2000x128xf32>
    %get3A_13 = arith.constant 0 : index
    %get3A_14 = arith.constant 0 : index
    %get3A_15 = vector.load %arg8[%get3A_13, %get3A_14] : memref<2000x1xf32, #tpu.memory_space<vmem>>, vector<2000x1xf32>
    %get3A_16 = arith.constant 0 : index
    %get3A_17 = arith.constant 0 : index
    %get3A_18 = vector.load %arg3[%get3A_16, %get3A_17] : memref<2000x128xf32, #tpu.memory_space<vmem>>, vector<2000x128xf32>
    %get3A_19 = arith.constant 0 : index
    %get3A_20 = arith.constant 0 : index
    %get3A_21 = vector.load %arg4[%get3A_19, %get3A_20] : memref<2000x128xf32, #tpu.memory_space<vmem>>, vector<2000x128xf32>
    %add3A_22 = arith.addf %get3A_18, %get3A_21 : vector<2000x128xf32>
    %get3A_23 = arith.constant 0 : index
    %get3A_24 = arith.constant 0 : index
    %get3A_25 = vector.load %arg6[%get3A_23, %get3A_24] : memref<2000x128xf32, #tpu.memory_space<vmem>>, vector<2000x128xf32>
    %add3A_26 = arith.addf %add3A_22, %get3A_25 : vector<2000x128xf32>
    %mul3A_27 = vector.broadcast %get3A_15 : vector<2000x1xf32> to vector<2000x128xf32>
    %mul3A_28 = arith.mulf %mul3A_27, %add3A_26 : vector<2000x128xf32>
    %get3A_29 = arith.constant 0 : index
    %get3A_30 = arith.constant 0 : index
    %get3A_31 = vector.load %arg9[%get3A_29, %get3A_30] : memref<2000x128xf32, #tpu.memory_space<vmem>>, vector<2000x128xf32>
    %sqrt3A = math.sqrt %mul3A_28 : vector<2000x128xf32>
    %mul3A_32 = arith.mulf %get3A_31, %sqrt3A : vector<2000x128xf32>
    %add3A_33 = arith.addf %mul3A_12, %mul3A_32 : vector<2000x128xf32>
    %reduce_max3A = arith.constant dense<0xFF800000> : vector<2000xf32>
    %reduce_max3A_34 = vector.multi_reduction <maximumf>, %add3A_33, %reduce_max3A [1] : vector<2000x128xf32> to vector<2000xf32>
    %broadcast_in_dim3A = vector.shape_cast %reduce_max3A_34 : vector<2000xf32> to vector<2000x1xf32>
    %sub3A = vector.broadcast %broadcast_in_dim3A : vector<2000x1xf32> to vector<2000x128xf32>
    %sub3A_35 = arith.subf %add3A_33, %sub3A : vector<2000x128xf32>
    %exp3A = math.exp %sub3A_35 : vector<2000x128xf32>
    %reduce_sum3A = arith.constant dense<0.000000e+00> : vector<2000xf32>
    %reduce_sum3A_36 = vector.multi_reduction <add>, %exp3A, %reduce_sum3A [1] : vector<2000x128xf32> to vector<2000xf32>
    %broadcast_in_dim3A_37 = vector.shape_cast %reduce_sum3A_36 : vector<2000xf32> to vector<2000x1xf32>
    %log3A = math.log %broadcast_in_dim3A_37 : vector<2000x1xf32>
    %sub3A_38 = vector.broadcast %log3A : vector<2000x1xf32> to vector<2000x128xf32>
    %sub3A_39 = arith.subf %sub3A_35, %sub3A_38 : vector<2000x128xf32>
    %swap3A = arith.constant 0 : index
    %swap3A_40 = arith.constant 0 : index
    %swap3A_41 = vector.load %arg10[%swap3A, %swap3A_40] : memref<2000x128xf32, #tpu.memory_space<vmem>>, vector<2000x128xf32>
    tpu.vector_store %arg10[%swap3A, %swap3A_40], %sub3A_39 {strides = array<i32>} : memref<2000x128xf32, #tpu.memory_space<vmem>>, vector<2000x128xf32>,
    return
  }
  func.func @transform_0(%arg0: i32) -> (i32, i32) {
    %c0_i32 = arith.constant 0 : i32
    %c0_i32_0 = arith.constant 0 : i32
    return %arg0, %c0_i32 : i32, i32
  }
  func.func @transform_1(%arg0: i32) -> (i32, i32) {
    %c0_i32 = arith.constant 0 : i32
    %c0_i32_0 = arith.constant 0 : i32
    return %arg0, %c0_i32 : i32, i32
  }
  func.func @transform_2(%arg0: i32) -> (i32, i32) {
    %c0_i32 = arith.constant 0 : i32
    %c0_i32_0 = arith.constant 0 : i32
    return %arg0, %c0_i32 : i32, i32
  }
  func.func @transform_3(%arg0: i32) -> (i32, i32) {
    %c0_i32 = arith.constant 0 : i32
    %c0_i32_0 = arith.constant 0 : i32
    return %arg0, %c0_i32 : i32, i32
  }
  func.func @transform_4(%arg0: i32) -> (i32, i32) {
    %c0_i32 = arith.constant 0 : i32
    %c0_i32_0 = arith.constant 0 : i32
    return %arg0, %c0_i32 : i32, i32
  }
  func.func @transform_5(%arg0: i32) -> (i32, i32) {
    %c0_i32 = arith.constant 0 : i32
    %c0_i32_0 = arith.constant 0 : i32
    return %arg0, %c0_i32 : i32, i32
  }
  func.func @transform_6(%arg0: i32) -> (i32, i32) {
    %c0_i32 = arith.constant 0 : i32
    %c0_i32_0 = arith.constant 0 : i32
    return %arg0, %c0_i32 : i32, i32
  }
  func.func @transform_7(%arg0: i32) -> (i32, i32) {
    %c0_i32 = arith.constant 0 : i32
    %c0_i32_0 = arith.constant 0 : i32
    return %arg0, %c0_i32 : i32, i32
  }
  func.func @transform_8(%arg0: i32) -> (i32, i32) {
    %c0_i32 = arith.constant 0 : i32
    %c0_i32_0 = arith.constant 0 : i32
    return %arg0, %c0_i32 : i32, i32
  }
  func.func @transform_9(%arg0: i32) -> (i32, i32) {
    %c0_i32 = arith.constant 0 : i32
    %c0_i32_0 = arith.constant 0 : i32
    return %arg0, %c0_i32 : i32, i32
  }
}

</mosaic_0001>

<sc_bundles>
// kernel: kernel.6.cloned.1.call-start
scs
__scs_entry_jumppad:
0x0: {  	(pc) =	sbr.rel $0x88, $3  }
0x1: {  	(tag) =	ssettag $0x0;
	lr =	simm.s32 $0x1  }
0x2: {  	[smem:$0x3F97] =	sst lr;
	_ =	strace $0xD0000000  }
0x3: {  	_ = 	snop  }
0x4: {  	_ = 	snop  }
0x5: {  	_ = 	snop  }
0x6: {  	_ = 	snop  }
0x7: {  	_ = 	snop  }
__scs_overlays_trampoline_lowered:
0x8: {  	[smem:$0x3FA6] =	sst s0  }
0x9: {  	[smem:$0x3FA7] =	sst s1  }
0xa: {  	[smem:$0x3FA8] =	sst s2  }
0xb: {  	[smem:$0x3FA9] =	sst s3  }
0xc: {  	[smem:$0x3FAA] =	sst s4  }
0xd: {  	[smem:$0x3FAB] =	sst s5  }
0xe: {  	[smem:$0x3FAC] =	sst s6  }
0xf: {  	[smem:$0x3FAD] =	sst s7  }
0x10: {  	[smem:$0x3FAE] =	sst s8  }
0x11: {  	[smem:$0x3FAF] =	sst s9;
	s0 =	simm.s32 @!p0 $0x0  }
0x12: {  	s1 =	sld [smem:$0x3F95];
	s0 =	simm.s32 @p0 $0x1  }
0x13: {  	[smem:$0x3FB0] =	sst s0;
	s0 =	simm.s32 @!p1 $0x0  }
0x14: {  	s2 =	sld [smem:$0x3F94];
	s0 =	simm.s32 @p1 $0x1  }
0x15: {  	[smem:$0x3FB1] =	sst s0;
	s0 =	simm.s32 @!p2 $0x0  }
0x16: {  	s3 =	sld [smem:$0x3FDB];
	s0 =	simm.s32 @p2 $0x1  }
0x17: {  	s4 =	simm.s32 $0x1BF5;
	[smem:$0x3FB3] =	sst s0  }
0x18: {  	s0 =	sld [smem:$0x3F96];
	_ =	swait.ge [sflag:s4], $0x0  }
0x19: {  	s7 =	sld [smem:$0x3F97]  }
0x1a: {  	s8 =	sadd.s32 $0xFFFFE003, lr  }
0x1b: {  	s9 =	sadd.s32 $0xFFFFFEF7, lr;
	s5 =	simm.s32 $0xFFFFFFFF;
	p2 =	slt.u32 s8, $0xFFFFF086  }
0x1c: {  	p1 =	slt.u32 s9, $0xF7A;
	s5 =	simm.s32 @!p2 $0x0  }
0x1d: {  	s5 =	simm.s32 @p1 $0x1;
	p0 =	seq.s32 s7, s2  }
0x1e: {  	s7 =	smul.u32 @!p0 $0xF7A, s2;
	p2 =	seq.s32 @!p0 s5, $0x0  }
0x1f: {  	s9 =	smul.u32 $0xF7A, s1;
	s8 =	simm.s32 @!p0 $0x1BF5;
	p2 =	por !p2, p0  }
0x20: {  	[sflag:s8] =	ssyncset.s32 @!p0 $0xFFFFF086;
	s6 =	sadd.s32 @!p0 s3, s7;
	s7 =	simm.s32 @!p0 $0x108  }
0x21: {  	s3 =	sadd.s32 s3, s9;
	s6 =	sadd.s32 @!p0 $0x88, s6;
	s7 =	simm.s32 @p2 $0x1082  }
0x22: {  	[simem:s7], [sflag:s8] =	dma.local @!p0 [hbm:s6], $0xF7A  }
0x23: {  	s9 =	sor.u32 $0xD0000000, s2;
	s6 =	simm.s32 $0x108;
	_ =	swait.ge @!p0 [sflag:s8], $0x0  }
0x24: {  	s3 =	sadd.s32 $0x88, s3;
	s6 =	simm.s32 @!p1 $0x1082;
	[sflag:s4] =	ssyncset.s32 $0xFFFFF086  }
0x25: {  	[simem:s6], [sflag:s4] =	dma.local [hbm:s3], $0xF7A  }
0x26: {  	[smem:$0x3F97] =	sst s1;
	(tag) =	ssettag s2;
	_ =	strace s9  }
0x27: {  	s1 =	sld [smem:$0x3FA7]  }
0x28: {  	s2 =	sld [smem:$0x3FA8]  }
0x29: {  	s4 =	sld [smem:$0x3FAA]  }
0x2a: {  	p0 =	seq.s32 s5, $0x0;
	s5 =	sld [smem:$0x3FAB]  }
0x2b: {  	s6 =	sld [smem:$0x3FAC]  }
0x2c: {  	s7 =	sld [smem:$0x3FAD]  }
0x2d: {  	s3 =	simm.s32 $0x108;
	s8 =	sld [smem:$0x3FAE]  }
0x2e: {  	s3 =	simm.s32 @!p0 $0x1082;
	s9 =	sld [smem:$0x3FAF]  }
0x2f: {  	lr =	sadd.s32 s0, s3;
	s0 =	sld [smem:$0x3FA6]  }
0x30: {  	s3 =	sld [smem:$0x3FA9]  }
0x31: {  	[smem:$0x3FB2] =	sst s10  }
0x32: {  	s10 =	sld [smem:$0x3FB0];
	_ =	sdelay $0x3  }
0x33: {  	p0 =	seq.s32 s10, $0x1;
	s10 =	sld [smem:$0x3FB2];
	_ =	sdelay $0x3  }
0x34: {  	[smem:$0x3FB2] =	sst s10  }
0x35: {  	s10 =	sld [smem:$0x3FB1];
	_ =	sdelay $0x3  }
0x36: {  	p1 =	seq.s32 s10, $0x1;
	s10 =	sld [smem:$0x3FB2];
	_ =	sdelay $0x3  }
0x37: {  	[smem:$0x3FB2] =	sst s10  }
0x38: {  	s10 =	sld [smem:$0x3FB3]  }
0x39: {  	_ = 	snop;
	(pc) =	sbr.ind lr, $3  }
0x3a: {  	_ = 	snop  }
0x3b: {  	_ = 	snop  }
0x3c: {  	p2 =	seq.s32 s10, $0x1;
	s10 =	sld [smem:$0x3FB2]  }
0x3d: {  	_ =	shalt  }
0x3e: {  	_ =	shalt  }
0x3f: {  	_ =	shalt  }
0x40: {  	_ =	shalt  }
0x41: {  	_ =	shalt  }
0x42: {  	_ =	shalt  }
0x43: {  	_ =	shalt  }
0x44: {  	_ =	shalt  }
0x45: {  	_ =	shalt  }
0x46: {  	_ =	shalt  }
0x47: {  	_ =	shalt  }
0x48: {  	_ =	shalt  }
0x49: {  	_ =	shalt  }
0x4a: {  	_ =	shalt  }
0x4b: {  	_ =	shalt  }
0x4c: {  	_ =	shalt  }
0x4d: {  	_ =	shalt  }
0x4e: {  	_ =	shalt  }
0x4f: {  	_ =	shalt  }
0x50: {  	_ =	shalt  }
0x51: {  	_ =	shalt  }
0x52: {  	_ =	shalt  }
0x53: {  	_ =	shalt  }
0x54: {  	_ =	shalt  }
0x55: {  	_ =	shalt  }
0x56: {  	_ =	shalt  }
0x57: {  	_ =	shalt  }
0x58: {  	_ =	shalt  }
0x59: {  	_ =	shalt  }
0x5a: {  	_ =	shalt  }
0x5b: {  	_ =	shalt  }
0x5c: {  	_ =	shalt  }
0x5d: {  	_ =	shalt  }
0x5e: {  	_ =	shalt  }
0x5f: {  	_ =	shalt  }
0x60: {  	_ =	shalt  }
0x61: {  	_ =	shalt  }
0x62: {  	_ =	shalt  }
0x63: {  	_ =	shalt  }
0x64: {  	_ =	shalt  }
0x65: {  	_ =	shalt  }
0x66: {  	_ =	shalt  }
0x67: {  	_ =	shalt  }
0x68: {  	_ =	shalt  }
0x69: {  	_ =	shalt  }
0x6a: {  	_ =	shalt  }
0x6b: {  	_ =	shalt  }
0x6c: {  	_ =	shalt  }
0x6d: {  	_ =	shalt  }
0x6e: {  	_ =	shalt  }
0x6f: {  	_ =	shalt  }
0x70: {  	_ =	shalt  }
0x71: {  	_ =	shalt  }
0x72: {  	_ =	shalt  }
0x73: {  	_ =	shalt  }
0x74: {  	_ =	shalt  }
0x75: {  	_ =	shalt  }
0x76: {  	_ =	shalt  }
0x77: {  	_ =	shalt  }
0x78: {  	_ =	shalt  }
0x79: {  	_ =	shalt  }
0x7a: {  	_ =	shalt  }
0x7b: {  	_ =	shalt  }
0x7c: {  	_ =	shalt  }
0x7d: {  	_ =	shalt  }
0x7e: {  	_ =	shalt  }
0x7f: {  	_ =	shalt  }
0x80: {  	_ =	shalt  }
0x81: {  	_ =	shalt  }
0x82: {  	_ =	shalt  }
0x83: {  	_ =	shalt  }
0x84: {  	_ =	shalt  }
0x85: {  	_ =	shalt  }
0x86: {  	_ =	shalt  }
0x87: {  	_ =	shalt  }
.Lfunc_end0:
.L_simem_size_0:
called_computation_lowered:
.L_overlay_start_0:
0x88: {  	s2 =	sld [smem:$0x3FD9]  }
0x89: {  	s3 =	sld [smem:$0x3FFE];
	_ =	sdelay $0x1  }
0x8a: {  	s1 =	srdreg.scid  }
0x8b: {  	s0 =	sand.u32 $0x1, s1  }
0x8c: {  	s17 =	sshll.u32 s0, $0xA;
	s2 =	sadd.s32 s3, s2  }
0x8d: {  	s2 =	sadd.s32 s2, s17  }
0x8e: {  	[smem:$0x3FBE] =	sst s2  }
0x8f: {  	_ = 	snop  }
0x90: {  	s2 =	sld [smem:$0x3FD0];
	(tm) =	ssettm $0x1  }
0x91: {  	s18 =	sld [smem:$0x3FFB];
	_ =	sdelay $0x3  }
0x92: {  	_ =	strace s18  }
0x93: {  	s3 =	sld [smem:$0x3FFC];
	_ =	sdelay $0x3  }
0x94: {  	_ =	strace s3  }
0x95: {  	s3 =	sld [smem:$0x3FFD];
	_ =	sdelay $0x3  }
0x96: {  	_ =	strace s3  }
0x97: {  	_ =	strace $0x8FFFFFFF  }
0x98: {  	s19 =	sld [smem:$0x3FDB];
	_ =	sdelay $0x1  }
0x99: {  	s4 =	simm.s32 $_scs_section_size  }
0x9a: {  	s5 =	simm.s32 $_size__tile_overlayer_lowered;
	s6 =	simm.s32 $_tile_overlayer_lowered  }
0x9b: {  	s22 =	simm.s32 $0x1BFF;
	s21 =	sshll.u32 s6, $0x1;
	s3 =	sadd.s32 s4, s19  }
0x9c: {  	s7 =	simm.s32 $0x0;
	s20 =	sshll.u32 s5, $0x1;
	s5 =	sadd.s32 s21, s3  }
0x9d: {  	[timem:s7], [sflag:s22] =	dma.local [hbm:s5], s20  }
0x9e: {  	_ =	swait.ge [sflag:s22], s20  }
0x9f: {  	s4 =	ssub.s32 $0x0, s20;
	[sflag:s22] =	ssyncset.done $0x0  }
0xa0: {  	[sflag:s22] =	ssyncadd.s32 s4;
	_ =	sdelay $0x1  }
0xa1: {  	s23 =	simm.s32 $0x1B8B  }
0xa2: {  	_ =	swait.ge [sflag:s23], $0x1  }
0xa3: {  	[sflag:s23] =	ssyncset.done $0x0  }
0xa4: {  	s25 =	simm.s32 $0x1B8E;
	s24 =	sld [smem:$0x3FFE];
	[sflag:s23] =	ssyncadd.s32 $0xFFFFFFFF  }
0xa5: {  	s26 =	simm.s32 $execute0_lowered;
	[smem:$0x3FD2] =	sst s25  }
0xa6: {  	s5 =	sshll.u32 s26, $0x1;
	_ =	strace $0x80000046;
	[dreg:$0x1] =	wrdreg $0xFFFFFFFF  }
0xa7: {  	s28 =	simm.s32 $_size_execute0_lowered;
	s3 =	sadd.s32 s3, s5;
	[dreg:$0x0] =	wrdreg $0x0  }
0xa8: {  	s5 =	sshll.u32 s28, $0x1;
	[dreg:$0x2] =	wrdreg s3  }
0xa9: {  	[dreg:$0x3] =	wrdreg s5  }
0xaa: {  	[dreg:$0x4] =	wrdreg $0xC0  }
0xab: {  	_ =	task [dreg:s7], $0x5FFFF  }
0xac: {  	[dreg:$0x1] =	wrdreg $0xFFFFFFFF  }
0xad: {  	[dreg:$0x0] =	wrdreg $0x60  }
0xae: {  	[dreg:$0x2] =	wrdreg s2  }
0xaf: {  	[dreg:$0x3] =	wrdreg s24  }
0xb0: {  	[dreg:$0x4] =	wrdreg $0x3C800  }
0xb1: {  	[dreg:$0x5] =	wrdreg $0x9  }
0xb2: {  	_ =	task.clear_ibuf [dreg:s7], $0x6FFFF;
	_ =	strace $0x90000046  }
0xb3: {  	s29 =	simm.s32 $0x9;
	_ =	strace $0x80000048  }
0xb4: {  	_ =	swait.ge [sflag:s29], $0x1  }
0xb5: {  	[sflag:s29] =	ssyncadd.s32 $0xFFFFFFFF  }
0xb6: {  	_ =	strace $0x90000048  }
0xb7: {  	_ =	sfence  }
0xb8: {  	s30 =	sld [smem:$0x0];
	_ =	sdelay $0x2  }
0xb9: {  	s31 =	sshll.u32 s1, $0xD;
	s1 =	sshrl.u32 s1, $0x2  }
0xba: {  	s3 =	sand.u32 $0x4000, s31;
	s1 =	sadd.s32 s1, s30  }
0xbb: {  	s0 =	sor.u32 s3, s0;
	s1 =	sshll.u32 s1, $0x11  }
0xbc: {  	s0 =	sor.u32 s1, s0  }
0xbd: {  	s0 =	sadd.s32 $0x8F2B, s0  }
0xbe: {  	[sflag:s0] =	ssyncadd.remote.s32 $0x1  }
0xbf: {  	_ =	sfence.sel $0xFFFF  }
0xc0: {  	[dreg:$0x0] =	wrdreg $0xFFFFFFFF;
	(pc) =	sbr.abs _section_cstart, $3  }
0xc1: {  	[dreg:$0x1] =	wrdreg $0xFFFFFFFF  }
0xc2: {  	_ =	task.clear_ibuf [dreg:s7], $0x2FFFF;
	_ =	strace $0x9FFFFFFF  }
0xc3: {  	(tm) =	ssettm $0x7FFFFFFF  }
tec
execute0_lowered:
.L_overlay_start_1:
0x0: {  	(tag) =	ssettag $0x1  }
0x1: {  	s5 =	rddreg [dreg:$0x0]  }
0x2: {  	s6 =	rddreg [dreg:$0x1]  }
0x3: {  	s1 =	rddreg [dreg:$0x2]  }
0x4: {  	s0 =	rddreg [dreg:$0x3];
	s2 =	simm.s32 $0x0;
	s3 =	srdreg.scid  }
0x5: {  	s11 =	simm.s32 $0x3000;
	[smem:$0x7FF] =	sst s2;
	s4 =	sand.u32 $0x1, s3  }
0x6: {  	s3 =	stileid.u32;
	_ =	strace $0x80000047;
	s7 =	ssub.s32 $0x2, s4  }
0x7: {  	s8 =	sshll.u32 s4, $0x4;
	s10 =	sshll.u32 s3, $0xB;
	p0 =	seq.s32 s4, $0x1  }
0x8: {  	s30 =	sshll.u32 s3, $0x8;
	s9 =	sshrl.u32 s7, $0x1;
	s8 =	sor.u32 s3, s8  }
0x9: {  	s4 =	sadd.s32 s10, s1;
	s11 =	simm.s32 @!p0 $0x2A00;
	p0 =	sgt.u32 s3, $0x4  }
0xa: {  	s10 =	simm.s32 $0x3400;
	s8 =	smul.u32 $0x680, s8;
	s7 =	ssub.s32 s7, s9  }
0xb: {  	s31 =	sadd.s32 s11, s6;
	s9 =	simm.s32 $0x64;
	s6 =	smax.u32 s7, $0x1  }
0xc: {  	v0 =	vimm.f32 $0.0e+00;
	v1 =	vimm.f32 $1.000000000e+00;
	s7 =	sadd.s32 s31, s30;
	s5 =	sadd.s32 s5, s8;
	s8 =	simm.s32 $0x1  }
.LBB2_1:
0xd: {  	s11 =	simm.s32 $0x40;
	s12 =	simm.s32 $0x0  }
.LBB2_2:
0xe: {  	p1 =	sne.s32 s11, $0x1FC0;
	[tilespmem:s12+$0x3480] =	vst v0;
	s12 =	smov.u32 s11;
	s11 =	sadd.s32 $0x40, s11  }
.Ltmp0:
0xf: {  	(pc) =	sbr.rel @p1 .LBB2_2-.Ltmp0, $2  }
0x10: {  	_ =	sdelay $0x2  }
0x11: {  	s12 =	sshra.s32 s12, $0x2  }
0x12: {  	[tilespmem:s12+$0x3480] =	vst v0;
	s11 =	simm.s32 @!p0 $0x3480  }
0x13: {  	[spmem:s4] =	stream.linear.scatter @!p0 [tilespmem:s11], [sflag:$0x1], $0x800, $0x38;
	[tilespmem:$0x3F00] =	vst v63  }
0x14: {  	s11 =	simm.s32 @!p0 $0x1  }
0x15: {  	_ =	swait.ge @!p0 [sflag:s11], $0x800  }
0x16: {  	[sflag:s11] =	ssyncset.done @!p0 $0x0  }
0x17: {  	[sflag:s11] =	ssyncadd.s32 @!p0 $0xFFFFF800  }
0x18: {  	[tilespmem:$0x3400] =	vst v1  }
0x19: {  	[tilespmem:$0x3410] =	vst v1  }
0x1a: {  	[tilespmem:$0x3420] =	vst v1  }
0x1b: {  	[tilespmem:$0x3430] =	vst v1  }
0x1c: {  	[tilespmem:$0x3440] =	vst v1  }
0x1d: {  	[tilespmem:$0x3450] =	vst v1  }
0x1e: {  	[tilespmem:$0x3460] =	vst v1  }
0x1f: {  	s30 =	simm.s32 $0x0;
	[tilespmem:$0x3470] =	vst v1  }
0x20: {  	[tilespmem:s30], [sflag:$0x1] =	stream.linear.gather [hbm4b:s5+s30], $0x3200, $0x38;
	[tilespmem:$0x3F00] =	vst v63  }
0x21: {  	_ =	swait.ge [sflag:s8], $0x3200  }
0x22: {  	[sflag:s8] =	ssyncset.done $0x0  }
0x23: {  	[sflag:s8] =	ssyncadd.s32 $0xFFFFCE00  }
0x24: {  	s31 =	simm.s32 $0x0;
	[bflag:$0x0] =	sbarrier.arrive $0xFFFF  }
0x25: {  	[spmem:s1] =	stream.indirect.scatter.add.f32 [tilespmem:s10], [sflag:$0x1], $0x1, s31, s9, $0xb8;
	[tilespmem:$0x3F00] =	vst v63  }
0x26: {  	_ =	swait.ge [sflag:s8], $0x64  }
0x27: {  	s11 =	simm.s32 $0x200;
	[sflag:s8] =	ssyncset.done $0x0  }
.LBB2_4:
0x28: {  	s12 =	sshra.s32 s11, $0x2;
	[sflag:s8] =	ssyncadd.s32 $0xFFFFFF9C;
	p1 =	sne.s32 s11, $0xC600  }
0x29: {  	[spmem:s1] =	stream.indirect.scatter.add.f32 [tilespmem:s10], [sflag:$0x1], $0x1, s12, s9, $0xb8;
	[tilespmem:$0x3F00] =	vst v63  }
.Ltmp1:
0x2a: {  	_ = 	snop;
	(pc) =	sbr.rel @p1 .LBB2_4-.Ltmp1, $4  }
0x2b: {  	_ = 	snop  }
0x2c: {  	s11 =	sadd.s32 $0x200, s11  }
0x2d: {  	_ =	swait.ge [sflag:s8], $0x64  }
0x2e: {  	[sflag:s8] =	ssyncset.done $0x0  }
0x2f: {  	[sflag:s8] =	ssyncadd.s32 $0xFFFFFF9C  }
0x30: {  	s11 =	simm.s32 @!p0 $0x3480;
	s12 =	simm.s32 @!p0 $0x1;
	[bflag:$0x0] =	sbarrier.arrive $0xFFFF  }
0x31: {  	[tilespmem:s11], [sflag:$0x1] =	stream.linear.gather @!p0 [spmem:s4], $0x800, $0x38;
	[tilespmem:$0x3F00] =	vst v63  }
0x32: {  	s2 =	sadd.s32 $0x1, s2;
	_ =	swait.ge @!p0 [sflag:s12], $0x800  }
0x33: {  	p1 =	sne.s32 s2, s6;
	[sflag:s12] =	ssyncset.done @!p0 $0x0  }
.Ltmp2:
0x34: {  	s13 =	simm.s32 @!p0 $0x0;
	[sflag:s12] =	ssyncadd.s32 @!p0 $0xFFFFF800;
	(pc) =	sbr.rel @p1 .LBB2_1-.Ltmp2, $4  }
0x35: {  	[hbm4b:s7+s13] =	stream.linear.scatter @!p0 [tilespmem:s11], [sflag:$0x1], $0x800, $0x38;
	[tilespmem:$0x3F00] =	vst v63  }
0x36: {  	_ =	swait.ge @!p0 [sflag:s12], $0x800  }
0x37: {  	[sflag:s12] =	ssyncset.done @!p0 $0x0  }
0x38: {  	[sflag:s12] =	ssyncadd.s32 @!p0 $0xFFFFF800  }
0x39: {  	_ =	sfence.sel $0x180000  }
0x3a: {  	[bflag:$0x0] =	sbarrier.arrive $0xFFFF  }
0x3b: {  	p0 =	sne.s32 s3, $0x0;
	_ =	strace $0x90000047  }
0x3c: {  	s0 =	sadd.s32 @!p0 $0x100000, s0;
	[bflag:$0x2] =	sbarrier.arrive $0xFFFF  }
0x3d: {  	[sflag:s0] =	ssyncadd.tile.s32 @!p0 $0x1;
	_ =	shalt  }
.Lfunc_end2:
_tile_overlayer_lowered:
.L_overlay_start_2:
0x3e: {  	(tag) =	ssettag $0x2  }
0x3f: {  	s0 =	rddreg [dreg:$0x0];
	s2 =	stileid.u32  }
0x40: {  	s1 =	rddreg [dreg:$0x1];
	p0 =	sne.s32 s2, $0x0  }
0x41: {  	s3 =	rddreg [dreg:$0x2];
	[bflag:$0x3] =	sbarrier.arrive $0xFFFF;
	s2 =	simm.s32 @!p0 $0x1C01  }
0x42: {  	[timem:s3], [sflag:s2] =	dma.local @!p0 [hbm:s0], s1  }
0x43: {  	s0 =	simm.s32 @!p0 $0x1  }
0x44: {  	_ =	swait.ge @!p0 [sflag:s0], s1  }
0x45: {  	s1 =	ssub.s32 @!p0 $0x0, s1;
	[sflag:s0] =	ssyncset.done @!p0 $0x0  }
0x46: {  	[sflag:s0] =	ssyncadd.s32 @!p0 s1  }
0x47: {  	[bflag:$0x3] =	sbarrier.arrive $0xFFFF  }
0x48: {  	_ =	shalt  }

// kernel: kernel.9.cloned.1.call-start
scs
__scs_entry_jumppad:
0x0: {  	(pc) =	sbr.rel $0x88, $3  }
0x1: {  	(tag) =	ssettag $0x0;
	lr =	simm.s32 $0x1  }
0x2: {  	[smem:$0x3F97] =	sst lr;
	_ =	strace $0xD0000000  }
0x3: {  	_ = 	snop  }
0x4: {  	_ = 	snop  }
0x5: {  	_ = 	snop  }
0x6: {  	_ = 	snop  }
0x7: {  	_ = 	snop  }
__scs_overlays_trampoline_lowered:
0x8: {  	[smem:$0x3FA6] =	sst s0  }
0x9: {  	[smem:$0x3FA7] =	sst s1  }
0xa: {  	[smem:$0x3FA8] =	sst s2  }
0xb: {  	[smem:$0x3FA9] =	sst s3  }
0xc: {  	[smem:$0x3FAA] =	sst s4  }
0xd: {  	[smem:$0x3FAB] =	sst s5  }
0xe: {  	[smem:$0x3FAC] =	sst s6  }
0xf: {  	[smem:$0x3FAD] =	sst s7  }
0x10: {  	[smem:$0x3FAE] =	sst s8  }
0x11: {  	[smem:$0x3FAF] =	sst s9;
	s0 =	simm.s32 @!p0 $0x0  }
0x12: {  	s1 =	sld [smem:$0x3F95];
	s0 =	simm.s32 @p0 $0x1  }
0x13: {  	[smem:$0x3FB0] =	sst s0;
	s0 =	simm.s32 @!p1 $0x0  }
0x14: {  	s2 =	sld [smem:$0x3F94];
	s0 =	simm.s32 @p1 $0x1  }
0x15: {  	[smem:$0x3FB1] =	sst s0;
	s0 =	simm.s32 @!p2 $0x0  }
0x16: {  	s3 =	sld [smem:$0x3FDB];
	s0 =	simm.s32 @p2 $0x1  }
0x17: {  	s4 =	simm.s32 $0x1BF5;
	[smem:$0x3FB3] =	sst s0  }
0x18: {  	s0 =	sld [smem:$0x3F96];
	_ =	swait.ge [sflag:s4], $0x0  }
0x19: {  	s7 =	sld [smem:$0x3F97]  }
0x1a: {  	s8 =	sadd.s32 $0xFFFFE003, lr  }
0x1b: {  	s9 =	sadd.s32 $0xFFFFFEF7, lr;
	s5 =	simm.s32 $0xFFFFFFFF;
	p2 =	slt.u32 s8, $0xFFFFF086  }
0x1c: {  	p1 =	slt.u32 s9, $0xF7A;
	s5 =	simm.s32 @!p2 $0x0  }
0x1d: {  	s5 =	simm.s32 @p1 $0x1;
	p0 =	seq.s32 s7, s2  }
0x1e: {  	s7 =	smul.u32 @!p0 $0xF7A, s2;
	p2 =	seq.s32 @!p0 s5, $0x0  }
0x1f: {  	s9 =	smul.u32 $0xF7A, s1;
	s8 =	simm.s32 @!p0 $0x1BF5;
	p2 =	por !p2, p0  }
0x20: {  	[sflag:s8] =	ssyncset.s32 @!p0 $0xFFFFF086;
	s6 =	sadd.s32 @!p0 s3, s7;
	s7 =	simm.s32 @!p0 $0x108  }
0x21: {  	s3 =	sadd.s32 s3, s9;
	s6 =	sadd.s32 @!p0 $0x88, s6;
	s7 =	simm.s32 @p2 $0x1082  }
0x22: {  	[simem:s7], [sflag:s8] =	dma.local @!p0 [hbm:s6], $0xF7A  }
0x23: {  	s9 =	sor.u32 $0xD0000000, s2;
	s6 =	simm.s32 $0x108;
	_ =	swait.ge @!p0 [sflag:s8], $0x0  }
0x24: {  	s3 =	sadd.s32 $0x88, s3;
	s6 =	simm.s32 @!p1 $0x1082;
	[sflag:s4] =	ssyncset.s32 $0xFFFFF086  }
0x25: {  	[simem:s6], [sflag:s4] =	dma.local [hbm:s3], $0xF7A  }
0x26: {  	[smem:$0x3F97] =	sst s1;
	(tag) =	ssettag s2;
	_ =	strace s9  }
0x27: {  	s1 =	sld [smem:$0x3FA7]  }
0x28: {  	s2 =	sld [smem:$0x3FA8]  }
0x29: {  	s4 =	sld [smem:$0x3FAA]  }
0x2a: {  	p0 =	seq.s32 s5, $0x0;
	s5 =	sld [smem:$0x3FAB]  }
0x2b: {  	s6 =	sld [smem:$0x3FAC]  }
0x2c: {  	s7 =	sld [smem:$0x3FAD]  }
0x2d: {  	s3 =	simm.s32 $0x108;
	s8 =	sld [smem:$0x3FAE]  }
0x2e: {  	s3 =	simm.s32 @!p0 $0x1082;
	s9 =	sld [smem:$0x3FAF]  }
0x2f: {  	lr =	sadd.s32 s0, s3;
	s0 =	sld [smem:$0x3FA6]  }
0x30: {  	s3 =	sld [smem:$0x3FA9]  }
0x31: {  	[smem:$0x3FB2] =	sst s10  }
0x32: {  	s10 =	sld [smem:$0x3FB0];
	_ =	sdelay $0x3  }
0x33: {  	p0 =	seq.s32 s10, $0x1;
	s10 =	sld [smem:$0x3FB2];
	_ =	sdelay $0x3  }
0x34: {  	[smem:$0x3FB2] =	sst s10  }
0x35: {  	s10 =	sld [smem:$0x3FB1];
	_ =	sdelay $0x3  }
0x36: {  	p1 =	seq.s32 s10, $0x1;
	s10 =	sld [smem:$0x3FB2];
	_ =	sdelay $0x3  }
0x37: {  	[smem:$0x3FB2] =	sst s10  }
0x38: {  	s10 =	sld [smem:$0x3FB3]  }
0x39: {  	_ = 	snop;
	(pc) =	sbr.ind lr, $3  }
0x3a: {  	_ = 	snop  }
0x3b: {  	_ = 	snop  }
0x3c: {  	p2 =	seq.s32 s10, $0x1;
	s10 =	sld [smem:$0x3FB2]  }
0x3d: {  	_ =	shalt  }
0x3e: {  	_ =	shalt  }
0x3f: {  	_ =	shalt  }
0x40: {  	_ =	shalt  }
0x41: {  	_ =	shalt  }
0x42: {  	_ =	shalt  }
0x43: {  	_ =	shalt  }
0x44: {  	_ =	shalt  }
0x45: {  	_ =	shalt  }
0x46: {  	_ =	shalt  }
0x47: {  	_ =	shalt  }
0x48: {  	_ =	shalt  }
0x49: {  	_ =	shalt  }
0x4a: {  	_ =	shalt  }
0x4b: {  	_ =	shalt  }
0x4c: {  	_ =	shalt  }
0x4d: {  	_ =	shalt  }
0x4e: {  	_ =	shalt  }
0x4f: {  	_ =	shalt  }
0x50: {  	_ =	shalt  }
0x51: {  	_ =	shalt  }
0x52: {  	_ =	shalt  }
0x53: {  	_ =	shalt  }
0x54: {  	_ =	shalt  }
0x55: {  	_ =	shalt  }
0x56: {  	_ =	shalt  }
0x57: {  	_ =	shalt  }
0x58: {  	_ =	shalt  }
0x59: {  	_ =	shalt  }
0x5a: {  	_ =	shalt  }
0x5b: {  	_ =	shalt  }
0x5c: {  	_ =	shalt  }
0x5d: {  	_ =	shalt  }
0x5e: {  	_ =	shalt  }
0x5f: {  	_ =	shalt  }
0x60: {  	_ =	shalt  }
0x61: {  	_ =	shalt  }
0x62: {  	_ =	shalt  }
0x63: {  	_ =	shalt  }
0x64: {  	_ =	shalt  }
0x65: {  	_ =	shalt  }
0x66: {  	_ =	shalt  }
0x67: {  	_ =	shalt  }
0x68: {  	_ =	shalt  }
0x69: {  	_ =	shalt  }
0x6a: {  	_ =	shalt  }
0x6b: {  	_ =	shalt  }
0x6c: {  	_ =	shalt  }
0x6d: {  	_ =	shalt  }
0x6e: {  	_ =	shalt  }
0x6f: {  	_ =	shalt  }
0x70: {  	_ =	shalt  }
0x71: {  	_ =	shalt  }
0x72: {  	_ =	shalt  }
0x73: {  	_ =	shalt  }
0x74: {  	_ =	shalt  }
0x75: {  	_ =	shalt  }
0x76: {  	_ =	shalt  }
0x77: {  	_ =	shalt  }
0x78: {  	_ =	shalt  }
0x79: {  	_ =	shalt  }
0x7a: {  	_ =	shalt  }
0x7b: {  	_ =	shalt  }
0x7c: {  	_ =	shalt  }
0x7d: {  	_ =	shalt  }
0x7e: {  	_ =	shalt  }
0x7f: {  	_ =	shalt  }
0x80: {  	_ =	shalt  }
0x81: {  	_ =	shalt  }
0x82: {  	_ =	shalt  }
0x83: {  	_ =	shalt  }
0x84: {  	_ =	shalt  }
0x85: {  	_ =	shalt  }
0x86: {  	_ =	shalt  }
0x87: {  	_ =	shalt  }
.Lfunc_end0:
.L_simem_size_0:
called_computation.1_lowered:
.L_overlay_start_0:
0x88: {  	s2 =	sld [smem:$0x3FD9]  }
0x89: {  	s3 =	sld [smem:$0x3FFE];
	_ =	sdelay $0x1  }
0x8a: {  	s1 =	srdreg.scid  }
0x8b: {  	s0 =	sand.u32 $0x1, s1  }
0x8c: {  	s16 =	sshll.u32 s0, $0xA;
	s2 =	sadd.s32 s3, s2  }
0x8d: {  	s2 =	sadd.s32 s2, s16  }
0x8e: {  	[smem:$0x3FBE] =	sst s2  }
0x8f: {  	_ = 	snop  }
0x90: {  	(tm) =	ssettm $0x1  }
0x91: {  	s17 =	sld [smem:$0x3FFB];
	_ =	sdelay $0x3  }
0x92: {  	_ =	strace s17  }
0x93: {  	s2 =	sld [smem:$0x3FFC];
	_ =	sdelay $0x3  }
0x94: {  	_ =	strace s2  }
0x95: {  	s2 =	sld [smem:$0x3FFD];
	_ =	sdelay $0x3  }
0x96: {  	_ =	strace s2  }
0x97: {  	_ =	strace $0x8FFFFFFF  }
0x98: {  	s18 =	sld [smem:$0x3FDB];
	_ =	sdelay $0x1  }
0x99: {  	s19 =	simm.s32 $_scs_section_size  }
0x9a: {  	s4 =	simm.s32 $_size__tile_overlayer_lowered;
	s5 =	simm.s32 $_tile_overlayer_lowered  }
0x9b: {  	s22 =	simm.s32 $0x1BFF;
	s21 =	sshll.u32 s5, $0x1;
	s2 =	sadd.s32 s19, s18  }
0x9c: {  	s6 =	simm.s32 $0x0;
	s20 =	sshll.u32 s4, $0x1;
	s4 =	sadd.s32 s21, s2  }
0x9d: {  	[timem:s6], [sflag:s22] =	dma.local [hbm:s4], s20  }
0x9e: {  	_ =	swait.ge [sflag:s22], s20  }
0x9f: {  	s3 =	ssub.s32 $0x0, s20;
	[sflag:s22] =	ssyncset.done $0x0  }
0xa0: {  	[sflag:s22] =	ssyncadd.s32 s3;
	_ =	sdelay $0x1  }
0xa1: {  	s23 =	simm.s32 $0x1B8B  }
0xa2: {  	_ =	swait.ge [sflag:s23], $0x1  }
0xa3: {  	[sflag:s23] =	ssyncset.done $0x0  }
0xa4: {  	s25 =	simm.s32 $0x1B8E;
	s24 =	sld [smem:$0x3FFE];
	[sflag:s23] =	ssyncadd.s32 $0xFFFFFFFF  }
0xa5: {  	s26 =	simm.s32 $execute0_lowered;
	[smem:$0x3FD2] =	sst s25  }
0xa6: {  	s4 =	sshll.u32 s26, $0x1;
	_ =	strace $0x80000049;
	[dreg:$0x1] =	wrdreg $0xFFFFFFFF  }
0xa7: {  	s28 =	simm.s32 $_size_execute0_lowered;
	s2 =	sadd.s32 s2, s4;
	[dreg:$0x0] =	wrdreg $0x0  }
0xa8: {  	s4 =	sshll.u32 s28, $0x1;
	[dreg:$0x2] =	wrdreg s2  }
0xa9: {  	[dreg:$0x3] =	wrdreg s4  }
0xaa: {  	[dreg:$0x4] =	wrdreg $0xC0  }
0xab: {  	_ =	task [dreg:s6], $0x5FFFF  }
0xac: {  	[dreg:$0x1] =	wrdreg $0xFFFFFFFF  }
0xad: {  	[dreg:$0x0] =	wrdreg $0x60  }
0xae: {  	[dreg:$0x2] =	wrdreg s24  }
0xaf: {  	[dreg:$0x3] =	wrdreg $0xB5400  }
0xb0: {  	[dreg:$0x4] =	wrdreg $0x9  }
0xb1: {  	_ =	task.clear_ibuf [dreg:s6], $0x5FFFF;
	_ =	strace $0x90000049  }
0xb2: {  	s29 =	simm.s32 $0x9;
	_ =	strace $0x8000004B  }
0xb3: {  	_ =	swait.ge [sflag:s29], $0x1  }
0xb4: {  	[sflag:s29] =	ssyncadd.s32 $0xFFFFFFFF  }
0xb5: {  	_ =	strace $0x9000004B  }
0xb6: {  	_ =	sfence  }
0xb7: {  	s30 =	sld [smem:$0x0];
	_ =	sdelay $0x2  }
0xb8: {  	s31 =	sshll.u32 s1, $0xD;
	s1 =	sshrl.u32 s1, $0x2  }
0xb9: {  	s3 =	sand.u32 $0x4000, s31;
	s1 =	sadd.s32 s1, s30  }
0xba: {  	s0 =	sor.u32 s3, s0;
	s1 =	sshll.u32 s1, $0x11  }
0xbb: {  	s0 =	sor.u32 s1, s0  }
0xbc: {  	s0 =	sadd.s32 $0x8F2B, s0  }
0xbd: {  	[sflag:s0] =	ssyncadd.remote.s32 $0x1  }
0xbe: {  	_ =	sfence.sel $0xFFFF  }
0xbf: {  	[dreg:$0x0] =	wrdreg $0xFFFFFFFF;
	(pc) =	sbr.abs _section_cstart, $3  }
0xc0: {  	[dreg:$0x1] =	wrdreg $0xFFFFFFFF  }
0xc1: {  	_ =	task.clear_ibuf [dreg:s6], $0x2FFFF;
	_ =	strace $0x9FFFFFFF  }
0xc2: {  	(tm) =	ssettm $0x7FFFFFFF  }
0xc3: {  	_ =	shalt  }
tec
execute0_lowered:
.L_overlay_start_1:
0x0: {  	(tag) =	ssettag $0x1  }
0x1: {  	s0 =	rddreg [dreg:$0x0];
	s1 =	simm.s32 $0x0;
	s2 =	srdreg.scid  }
0x2: {  	s7 =	stileid.u32;
	[smem:$0x7FF] =	sst s1;
	s3 =	sand.u32 $0x1, s2  }
0x3: {  	s2 =	sshll.u32 s3, $0x4;
	s4 =	ssub.s32 $0x2, s3;
	s3 =	smul.u32 $0x140000, s3  }
0x4: {  	s8 =	sadd.s32 $0xB4600, s0;
	s5 =	sor.u32 s7, s2;
	s2 =	smul.u32 $0x14000, s7  }
0x5: {  	s25 =	sadd.s32 $0x104600, s0;
	s6 =	sshrl.u32 s4, $0x1;
	s5 =	smul.u32 $0x514, s5  }
0x6: {  	s7 =	ssub.s32 s4, s6;
	s4 =	sor.u32 $0x2000, s2;
	s6 =	sadd.s32 $0x4000, s2  }
0x7: {  	s9 =	sadd.s32 $0x6000, s2;
	s10 =	sadd.s32 $0x8000, s2;
	s11 =	sadd.s32 $0xA000, s2  }
0x8: {  	s12 =	sadd.s32 $0xC000, s2;
	s13 =	sadd.s32 $0xE000, s2;
	s14 =	sadd.s32 s2, s3  }
0x9: {  	s16 =	sadd.s32 $0x10000, s2;
	s17 =	sadd.s32 $0x12000, s2;
	s14 =	sshrl.u32 s14, $0x3  }
0xa: {  	s15 =	sadd.s32 s3, s4;
	s18 =	sadd.s32 s3, s6;
	s19 =	sadd.s32 s3, s9  }
0xb: {  	s20 =	sadd.s32 s3, s10;
	s21 =	sadd.s32 s3, s11;
	s26 =	sadd.s32 s8, s14  }
0xc: {  	s15 =	sshrl.u32 s15, $0x3;
	s14 =	sadd.s32 s25, s14;
	[dreg:$0x3] =	wrdreg s26  }
0xd: {  	s18 =	sshrl.u32 s18, $0x3;
	s26 =	sadd.s32 s8, s15;
	[dreg:$0xd] =	wrdreg s14  }
0xe: {  	s22 =	sadd.s32 s3, s12;
	s14 =	sadd.s32 s25, s18;
	[dreg:$0x4] =	wrdreg s26  }
0xf: {  	s20 =	sshrl.u32 s20, $0x3;
	s26 =	sadd.s32 s8, s18;
	[dreg:$0xf] =	wrdreg s14  }
0x10: {  	s19 =	sshrl.u32 s19, $0x3;
	s18 =	sadd.s32 s25, s20;
	[dreg:$0x5] =	wrdreg s26  }
0x11: {  	s23 =	sadd.s32 s3, s13;
	s26 =	sadd.s32 s8, s19;
	[dreg:$0x11] =	wrdreg s18  }
0x12: {  	s22 =	sshrl.u32 s22, $0x3;
	[dreg:$0x6] =	wrdreg s26;
	s26 =	sadd.s32 s8, s20  }
0x13: {  	s21 =	sshrl.u32 s21, $0x3;
	s20 =	sadd.s32 s25, s22;
	[dreg:$0x7] =	wrdreg s26  }
0x14: {  	s24 =	sadd.s32 s3, s16;
	s26 =	sadd.s32 s8, s21;
	[dreg:$0x13] =	wrdreg s20  }
0x15: {  	s24 =	sshrl.u32 s24, $0x3;
	[dreg:$0x8] =	wrdreg s26;
	s26 =	sadd.s32 s8, s22  }
0x16: {  	s23 =	sshrl.u32 s23, $0x3;
	s22 =	sadd.s32 s25, s24;
	[dreg:$0x9] =	wrdreg s26  }
0x17: {  	s3 =	sadd.s32 s3, s17;
	s26 =	sadd.s32 s8, s23;
	[dreg:$0x15] =	wrdreg s22  }
0x18: {  	s3 =	sshrl.u32 s3, $0x3;
	[dreg:$0xa] =	wrdreg s26;
	s26 =	sadd.s32 s8, s24  }
0x19: {  	s7 =	smax.u32 s7, $0x1;
	s8 =	sadd.s32 s8, s3;
	[dreg:$0xb] =	wrdreg s26  }
0x1a: {  	s14 =	simm.s32 $0x2;
	s3 =	sadd.s32 s25, s3;
	[dreg:$0xc] =	wrdreg s8  }
0x1b: {  	s18 =	simm.s32 $0x2838;
	s26 =	sadd.s32 s25, s15;
	[dreg:$0x16] =	wrdreg s3  }
0x1c: {  	s20 =	simm.s32 $0x0;
	s15 =	sadd.s32 s25, s19;
	[dreg:$0xe] =	wrdreg s26  }
0x1d: {  	s24 =	sadd.s32 $0x17E00, s0;
	s19 =	sadd.s32 s25, s21;
	[dreg:$0x10] =	wrdreg s15  }
0x1e: {  	s21 =	sadd.s32 s25, s23;
	s23 =	sadd.s32 s5, s0;
	[dreg:$0x12] =	wrdreg s19  }
0x1f: {  	s25 =	sadd.s32 $0x3F000, s0;
	s8 =	simm.s32 $0x3;
	s19 =	rddreg [dreg:$0x1]  }
0x20: {  	[dreg:$0x14] =	wrdreg s21;
	s26 =	sadd.s32 $0x3600, s23;
	s28 =	sadd.s32 $0xDA00, s23  }
0x21: {  	_ =	strace $0x8000004A;
	s29 =	sadd.s32 s2, s19;
	s30 =	sadd.s32 s4, s19  }
0x22: {  	s31 =	sadd.s32 s6, s19;
	s15 =	sadd.s32 s9, s19;
	s0 =	sadd.s32 s10, s19  }
0x23: {  	s2 =	sadd.s32 s11, s19;
	s3 =	sadd.s32 s12, s19;
	s4 =	sadd.s32 s13, s19  }
0x24: {  	s5 =	sadd.s32 s16, s19;
	s6 =	sadd.s32 s17, s19;
	s9 =	simm.s32 $0x28A0  }
0x25: {  	s10 =	simm.s32 $0x5140;
	s11 =	simm.s32 $0x64;
	s12 =	simm.s32 $0x1  }
0x26: {  	v0 =	vimm.f32 $0.0e+00;
	s13 =	simm.s32 $0x8340;
	s16 =	simm.s32 $0x50D8;
	s17 =	simm.s32 $0x27D0  }
.LBB2_1:
0x27: {  	[tilespmem:s1], [sflag:$0x3] =	stream.linear.gather [hbm4b:s26+s1], $0x28A0, $0x38;
	[tilespmem:$0x1F540] =	vst v63  }
0x28: {  	_ =	swait.ge [sflag:s8], $0x28A0  }
0x29: {  	[sflag:s8] =	ssyncset.done $0x0  }
0x2a: {  	[sflag:s8] =	ssyncadd.s32 $0xFFFFD760  }
0x2b: {  	[tilespmem:s9], [sflag:$0x3] =	stream.linear.gather [hbm4b:s28+s1], $0x28A0, $0x38;
	[tilespmem:$0x1F540] =	vst v63  }
0x2c: {  	_ =	swait.ge [sflag:s8], $0x28A0  }
0x2d: {  	[sflag:s8] =	ssyncset.done $0x0  }
0x2e: {  	s21 =	simm.s32 $0x0;
	s22 =	simm.s32 $0x200;
	[sflag:s8] =	ssyncadd.s32 $0xFFFFD760  }
.LBB2_2:
0x2f: {  	p0 =	sne.s32 s22, $0x7E00;
	[tilespmem:s21+$0x51B0] =	vst v0  }
0x30: {  	[tilespmem:s21+$0x5140] =	vst v0  }
0x31: {  	[tilespmem:s21+$0x5150] =	vst v0  }
.Ltmp0:
0x32: {  	[tilespmem:s21+$0x5160] =	vst v0;
	(pc) =	sbr.rel @p0 .LBB2_2-.Ltmp0, $4  }
0x33: {  	[tilespmem:s21+$0x5170] =	vst v0  }
0x34: {  	[tilespmem:s21+$0x5180] =	vst v0  }
0x35: {  	[tilespmem:s21+$0x5190] =	vst v0  }
0x36: {  	[tilespmem:s21+$0x51A0] =	vst v0;
	s21 =	sshra.s32 s22, $0x2;
	s22 =	sadd.s32 $0x200, s22  }
0x37: {  	[tilespmem:s21+$0x51B0] =	vst v0  }
0x38: {  	[tilespmem:s21+$0x5140] =	vst v0  }
0x39: {  	[tilespmem:s21+$0x5150] =	vst v0  }
0x3a: {  	[tilespmem:s21+$0x5160] =	vst v0  }
0x3b: {  	[tilespmem:s21+$0x5170] =	vst v0  }
0x3c: {  	[tilespmem:s21+$0x5180] =	vst v0  }
0x3d: {  	[tilespmem:s21+$0x5190] =	vst v0  }
0x3e: {  	[tilespmem:s21+$0x51A0] =	vst v0  }
0x3f: {  	[spmem:s29] =	stream.linear.scatter [tilespmem:s10], [sflag:$0x3], $0x2000, $0x38;
	[tilespmem:$0x1F540] =	vst v63  }
0x40: {  	_ =	swait.ge [sflag:s8], $0x2000  }
0x41: {  	[sflag:s8] =	ssyncset.done $0x0  }
0x42: {  	[sflag:s8] =	ssyncadd.s32 $0xFFFFE000  }
0x43: {  	[spmem:s30] =	stream.linear.scatter [tilespmem:s10], [sflag:$0x3], $0x2000, $0x38;
	[tilespmem:$0x1F540] =	vst v63  }
0x44: {  	_ =	swait.ge [sflag:s8], $0x2000  }
0x45: {  	[sflag:s8] =	ssyncset.done $0x0  }
0x46: {  	[sflag:s8] =	ssyncadd.s32 $0xFFFFE000  }
0x47: {  	[spmem:s31] =	stream.linear.scatter [tilespmem:s10], [sflag:$0x3], $0x2000, $0x38;
	[tilespmem:$0x1F540] =	vst v63  }
0x48: {  	_ =	swait.ge [sflag:s8], $0x2000  }
0x49: {  	[sflag:s8] =	ssyncset.done $0x0  }
0x4a: {  	[sflag:s8] =	ssyncadd.s32 $0xFFFFE000  }
0x4b: {  	[spmem:s15] =	stream.linear.scatter [tilespmem:s10], [sflag:$0x3], $0x2000, $0x38;
	[tilespmem:$0x1F540] =	vst v63  }
0x4c: {  	_ =	swait.ge [sflag:s8], $0x2000  }
0x4d: {  	[sflag:s8] =	ssyncset.done $0x0  }
0x4e: {  	[sflag:s8] =	ssyncadd.s32 $0xFFFFE000  }
0x4f: {  	[spmem:s0] =	stream.linear.scatter [tilespmem:s10], [sflag:$0x3], $0x2000, $0x38;
	[tilespmem:$0x1F540] =	vst v63  }
0x50: {  	_ =	swait.ge [sflag:s8], $0x2000  }
0x51: {  	[sflag:s8] =	ssyncset.done $0x0  }
0x52: {  	[sflag:s8] =	ssyncadd.s32 $0xFFFFE000  }
0x53: {  	[spmem:s2] =	stream.linear.scatter [tilespmem:s10], [sflag:$0x3], $0x2000, $0x38;
	[tilespmem:$0x1F540] =	vst v63  }
0x54: {  	_ =	swait.ge [sflag:s8], $0x2000  }
0x55: {  	[sflag:s8] =	ssyncset.done $0x0  }
0x56: {  	[sflag:s8] =	ssyncadd.s32 $0xFFFFE000  }
0x57: {  	[spmem:s3] =	stream.linear.scatter [tilespmem:s10], [sflag:$0x3], $0x2000, $0x38;
	[tilespmem:$0x1F540] =	vst v63  }
0x58: {  	_ =	swait.ge [sflag:s8], $0x2000  }
0x59: {  	[sflag:s8] =	ssyncset.done $0x0  }
0x5a: {  	[sflag:s8] =	ssyncadd.s32 $0xFFFFE000  }
0x5b: {  	[spmem:s4] =	stream.linear.scatter [tilespmem:s10], [sflag:$0x3], $0x2000, $0x38;
	[tilespmem:$0x1F540] =	vst v63  }
0x5c: {  	_ =	swait.ge [sflag:s8], $0x2000  }
0x5d: {  	[sflag:s8] =	ssyncset.done $0x0  }
0x5e: {  	[sflag:s8] =	ssyncadd.s32 $0xFFFFE000  }
0x5f: {  	[spmem:s5] =	stream.linear.scatter [tilespmem:s10], [sflag:$0x3], $0x2000, $0x38;
	[tilespmem:$0x1F540] =	vst v63  }
0x60: {  	_ =	swait.ge [sflag:s8], $0x2000  }
0x61: {  	[sflag:s8] =	ssyncset.done $0x0  }
0x62: {  	[sflag:s8] =	ssyncadd.s32 $0xFFFFE000  }
0x63: {  	[spmem:s6] =	stream.linear.scatter [tilespmem:s10], [sflag:$0x3], $0x2000, $0x38;
	[tilespmem:$0x1F540] =	vst v63  }
0x64: {  	_ =	swait.ge [sflag:s8], $0x2000  }
0x65: {  	[sflag:s8] =	ssyncset.done $0x0  }
0x66: {  	[sflag:s8] =	ssyncadd.s32 $0xFFFFE000  }
0x67: {  	[bflag:$0x0] =	sbarrier.arrive $0xFFFF  }
0x68: {  	[tilespmem:s10], [sflag:$0x1] =	stream.indirect.gather [hbm4b:s24+s11], $0x80, s9, s11, $0xb8;
	[tilespmem:$0x1F540] =	vst v63  }
0x69: {  	_ =	swait.ge [sflag:s12], $0x3200  }
0x6a: {  	[sflag:s12] =	ssyncset.done $0x0  }
0x6b: {  	s22 =	simm.s32 $0x2908;
	[sflag:s12] =	ssyncadd.s32 $0xFFFFCE00  }
0x6c: {  	[tilespmem:s13], [sflag:$0x2] =	stream.indirect.gather [hbm4b:s24+s11], $0x80, s22, s11, $0xb8;
	[tilespmem:$0x1F540] =	vst v63  }
0x6d: {  	s23 =	simm.s32 $0x0  }
0x6e: {  	[spmem:s19] =	stream.indirect.scatter.add.f32 [tilespmem:s10], [sflag:$0x3], $0x80, s23, s11, $0xb8;
	[tilespmem:$0x1F540] =	vst v63  }
0x6f: {  	_ =	swait.ge [sflag:s8], $0x3200  }
0x70: {  	[sflag:s8] =	ssyncset.done $0x0  }
0x71: {  	[sflag:s8] =	ssyncadd.s32 $0xFFFFCE00  }
0x72: {  	_ =	swait.ge [sflag:s14], $0x3200  }
0x73: {  	[sflag:s14] =	ssyncset.done $0x0  }
0x74: {  	s22 =	simm.s32 $0x2970;
	[sflag:s14] =	ssyncadd.s32 $0xFFFFCE00  }
0x75: {  	[tilespmem:s10], [sflag:$0x1] =	stream.indirect.gather [hbm4b:s24+s11], $0x80, s22, s11, $0xb8;
	[tilespmem:$0x1F540] =	vst v63  }
0x76: {  	s23 =	simm.s32 $0x68  }
0x77: {  	[spmem:s19] =	stream.indirect.scatter.add.f32 [tilespmem:s13], [sflag:$0x3], $0x80, s23, s11, $0xb8;
	[tilespmem:$0x1F540] =	vst v63  }
0x78: {  	_ =	swait.ge [sflag:s8], $0x3200  }
0x79: {  	s21 =	simm.s32 $0x340;
	[sflag:s8] =	ssyncset.done $0x0  }
.LBB2_4:
0x7a: {  	p0 =	sne.s32 s21, $0x9C00  }
0x7b: {  	[sflag:s8] =	ssyncadd.s32 $0xFFFFCE00;
	s22 =	smov.u32 s21;
	s21 =	sadd.s32 $0x340, s21  }
0x7c: {  	_ = 	snop  }
0x7d: {  	_ =	swait.ge [sflag:s12], $0x3200  }
0x7e: {  	s22 =	sshra.s32 s22, $0x2;
	[sflag:s12] =	ssyncset.done $0x0  }
0x7f: {  	s23 =	sadd.s32 $0x2908, s22;
	[sflag:s12] =	ssyncadd.s32 $0xFFFFCE00  }
0x80: {  	[tilespmem:s13], [sflag:$0x2] =	stream.indirect.gather [hbm4b:s24+s11], $0x80, s23, s11, $0xb8;
	[tilespmem:$0x1F540] =	vst v63  }
0x81: {  	_ = 	snop  }
0x82: {  	[spmem:s19] =	stream.indirect.scatter.add.f32 [tilespmem:s10], [sflag:$0x3], $0x80, s22, s11, $0xb8;
	[tilespmem:$0x1F540] =	vst v63  }
0x83: {  	_ =	swait.ge [sflag:s8], $0x3200  }
0x84: {  	[sflag:s8] =	ssyncset.done $0x0  }
0x85: {  	[sflag:s8] =	ssyncadd.s32 $0xFFFFCE00  }
0x86: {  	_ =	swait.ge [sflag:s14], $0x3200  }
0x87: {  	[sflag:s14] =	ssyncset.done $0x0  }
0x88: {  	s23 =	sadd.s32 $0x2970, s22;
	[sflag:s14] =	ssyncadd.s32 $0xFFFFCE00  }
0x89: {  	[tilespmem:s10], [sflag:$0x1] =	stream.indirect.gather [hbm4b:s24+s11], $0x80, s23, s11, $0xb8;
	[tilespmem:$0x1F540] =	vst v63  }
.Ltmp1:
0x8a: {  	_ = 	snop;
	(pc) =	sbr.rel @p0 .LBB2_4-.Ltmp1, $4  }
0x8b: {  	s22 =	sadd.s32 $0x68, s22  }
0x8c: {  	[spmem:s19] =	stream.indirect.scatter.add.f32 [tilespmem:s13], [sflag:$0x3], $0x80, s22, s11, $0xb8;
	[tilespmem:$0x1F540] =	vst v63  }
0x8d: {  	_ =	swait.ge [sflag:s8], $0x3200  }
0x8e: {  	[sflag:s8] =	ssyncset.done $0x0  }
0x8f: {  	[sflag:s8] =	ssyncadd.s32 $0xFFFFCE00  }
0x90: {  	_ =	swait.ge [sflag:s12], $0x3200  }
0x91: {  	[sflag:s12] =	ssyncset.done $0x0  }
0x92: {  	[sflag:s12] =	ssyncadd.s32 $0xFFFFCE00  }
0x93: {  	[tilespmem:s13], [sflag:$0x2] =	stream.indirect.gather [hbm4b:s24+s11], $0x80, s16, s11, $0xb8;
	[tilespmem:$0x1F540] =	vst v63  }
0x94: {  	_ = 	snop  }
0x95: {  	[spmem:s19] =	stream.indirect.scatter.add.f32 [tilespmem:s10], [sflag:$0x3], $0x80, s17, s11, $0xb8;
	[tilespmem:$0x1F540] =	vst v63  }
0x96: {  	_ =	swait.ge [sflag:s8], $0x3200  }
0x97: {  	[sflag:s8] =	ssyncset.done $0x0  }
0x98: {  	[sflag:s8] =	ssyncadd.s32 $0xFFFFCE00  }
0x99: {  	_ =	swait.ge [sflag:s14], $0x3200  }
0x9a: {  	[sflag:s14] =	ssyncset.done $0x0  }
0x9b: {  	[sflag:s14] =	ssyncadd.s32 $0xFFFFCE00  }
0x9c: {  	[spmem:s19] =	stream.indirect.scatter.add.f32 [tilespmem:s13], [sflag:$0x3], $0x80, s18, s11, $0xb8;
	[tilespmem:$0x1F540] =	vst v63  }
0x9d: {  	_ =	swait.ge [sflag:s8], $0x3200  }
0x9e: {  	[sflag:s8] =	ssyncset.done $0x0  }
0x9f: {  	[sflag:s8] =	ssyncadd.s32 $0xFFFFCE00  }
0xa0: {  	[bflag:$0x0] =	sbarrier.arrive $0xFFFF  }
0xa1: {  	[tilespmem:s13], [sflag:$0x3] =	stream.linear.gather [spmem:s29], $0x2000, $0x38;
	[tilespmem:$0x1F540] =	vst v63  }
0xa2: {  	_ =	swait.ge [sflag:s8], $0x2000  }
0xa3: {  	[sflag:s8] =	ssyncset.done $0x0  }
0xa4: {  	s21 =	simm.s32 $0x0;
	s22 =	rddreg [dreg:$0x3];
	[sflag:s8] =	ssyncadd.s32 $0xFFFFE000  }
0xa5: {  	[hbm4b:s22+s21] =	stream.linear.scatter [tilespmem:s13], [sflag:$0x3], $0x2000, $0x38;
	[tilespmem:$0x1F540] =	vst v63  }
0xa6: {  	_ =	swait.ge [sflag:s8], $0x2000  }
0xa7: {  	[sflag:s8] =	ssyncset.done $0x0  }
0xa8: {  	[sflag:s8] =	ssyncadd.s32 $0xFFFFE000  }
0xa9: {  	[tilespmem:s13], [sflag:$0x3] =	stream.linear.gather [spmem:s30], $0x2000, $0x38;
	[tilespmem:$0x1F540] =	vst v63  }
0xaa: {  	_ =	swait.ge [sflag:s8], $0x2000  }
0xab: {  	[sflag:s8] =	ssyncset.done $0x0  }
0xac: {  	s23 =	rddreg [dreg:$0x4];
	[sflag:s8] =	ssyncadd.s32 $0xFFFFE000  }
0xad: {  	[hbm4b:s23+s21] =	stream.linear.scatter [tilespmem:s13], [sflag:$0x3], $0x2000, $0x38;
	[tilespmem:$0x1F540] =	vst v63  }
0xae: {  	_ =	swait.ge [sflag:s8], $0x2000  }
0xaf: {  	[sflag:s8] =	ssyncset.done $0x0  }
0xb0: {  	[sflag:s8] =	ssyncadd.s32 $0xFFFFE000  }
0xb1: {  	[tilespmem:s13], [sflag:$0x3] =	stream.linear.gather [spmem:s31], $0x2000, $0x38;
	[tilespmem:$0x1F540] =	vst v63  }
0xb2: {  	_ =	swait.ge [sflag:s8], $0x2000  }
0xb3: {  	[sflag:s8] =	ssyncset.done $0x0  }
0xb4: {  	s23 =	rddreg [dreg:$0x5];
	[sflag:s8] =	ssyncadd.s32 $0xFFFFE000  }
0xb5: {  	[hbm4b:s23+s21] =	stream.linear.scatter [tilespmem:s13], [sflag:$0x3], $0x2000, $0x38;
	[tilespmem:$0x1F540] =	vst v63  }
0xb6: {  	_ =	swait.ge [sflag:s8], $0x2000  }
0xb7: {  	[sflag:s8] =	ssyncset.done $0x0  }
0xb8: {  	[sflag:s8] =	ssyncadd.s32 $0xFFFFE000  }
0xb9: {  	[tilespmem:s13], [sflag:$0x3] =	stream.linear.gather [spmem:s15], $0x2000, $0x38;
	[tilespmem:$0x1F540] =	vst v63  }
0xba: {  	_ =	swait.ge [sflag:s8], $0x2000  }
0xbb: {  	[sflag:s8] =	ssyncset.done $0x0  }
0xbc: {  	s23 =	rddreg [dreg:$0x6];
	[sflag:s8] =	ssyncadd.s32 $0xFFFFE000  }
0xbd: {  	[hbm4b:s23+s21] =	stream.linear.scatter [tilespmem:s13], [sflag:$0x3], $0x2000, $0x38;
	[tilespmem:$0x1F540] =	vst v63  }
0xbe: {  	_ =	swait.ge [sflag:s8], $0x2000  }
0xbf: {  	[sflag:s8] =	ssyncset.done $0x0  }
0xc0: {  	[sflag:s8] =	ssyncadd.s32 $0xFFFFE000  }
0xc1: {  	[tilespmem:s13], [sflag:$0x3] =	stream.linear.gather [spmem:s0], $0x2000, $0x38;
	[tilespmem:$0x1F540] =	vst v63  }
0xc2: {  	_ =	swait.ge [sflag:s8], $0x2000  }
0xc3: {  	[sflag:s8] =	ssyncset.done $0x0  }
0xc4: {  	s23 =	rddreg [dreg:$0x7];
	[sflag:s8] =	ssyncadd.s32 $0xFFFFE000  }
0xc5: {  	[hbm4b:s23+s21] =	stream.linear.scatter [tilespmem:s13], [sflag:$0x3], $0x2000, $0x38;
	[tilespmem:$0x1F540] =	vst v63  }
0xc6: {  	_ =	swait.ge [sflag:s8], $0x2000  }
0xc7: {  	[sflag:s8] =	ssyncset.done $0x0  }
0xc8: {  	[sflag:s8] =	ssyncadd.s32 $0xFFFFE000  }
0xc9: {  	[tilespmem:s13], [sflag:$0x3] =	stream.linear.gather [spmem:s2], $0x2000, $0x38;
	[tilespmem:$0x1F540] =	vst v63  }
0xca: {  	_ =	swait.ge [sflag:s8], $0x2000  }
0xcb: {  	[sflag:s8] =	ssyncset.done $0x0  }
0xcc: {  	s23 =	rddreg [dreg:$0x8];
	[sflag:s8] =	ssyncadd.s32 $0xFFFFE000  }
0xcd: {  	[hbm4b:s23+s21] =	stream.linear.scatter [tilespmem:s13], [sflag:$0x3], $0x2000, $0x38;
	[tilespmem:$0x1F540] =	vst v63  }
0xce: {  	_ =	swait.ge [sflag:s8], $0x2000  }
0xcf: {  	[sflag:s8] =	ssyncset.done $0x0  }
0xd0: {  	[sflag:s8] =	ssyncadd.s32 $0xFFFFE000  }
0xd1: {  	[tilespmem:s13], [sflag:$0x3] =	stream.linear.gather [spmem:s3], $0x2000, $0x38;
	[tilespmem:$0x1F540] =	vst v63  }
0xd2: {  	_ =	swait.ge [sflag:s8], $0x2000  }
0xd3: {  	[sflag:s8] =	ssyncset.done $0x0  }
0xd4: {  	s23 =	rddreg [dreg:$0x9];
	[sflag:s8] =	ssyncadd.s32 $0xFFFFE000  }
0xd5: {  	[hbm4b:s23+s21] =	stream.linear.scatter [tilespmem:s13], [sflag:$0x3], $0x2000, $0x38;
	[tilespmem:$0x1F540] =	vst v63  }
0xd6: {  	_ =	swait.ge [sflag:s8], $0x2000  }
0xd7: {  	[sflag:s8] =	ssyncset.done $0x0  }
0xd8: {  	[sflag:s8] =	ssyncadd.s32 $0xFFFFE000  }
0xd9: {  	[tilespmem:s13], [sflag:$0x3] =	stream.linear.gather [spmem:s4], $0x2000, $0x38;
	[tilespmem:$0x1F540] =	vst v63  }
0xda: {  	_ =	swait.ge [sflag:s8], $0x2000  }
0xdb: {  	[sflag:s8] =	ssyncset.done $0x0  }
0xdc: {  	s23 =	rddreg [dreg:$0xa];
	[sflag:s8] =	ssyncadd.s32 $0xFFFFE000  }
0xdd: {  	[hbm4b:s23+s21] =	stream.linear.scatter [tilespmem:s13], [sflag:$0x3], $0x2000, $0x38;
	[tilespmem:$0x1F540] =	vst v63  }
0xde: {  	_ =	swait.ge [sflag:s8], $0x2000  }
0xdf: {  	[sflag:s8] =	ssyncset.done $0x0  }
0xe0: {  	[sflag:s8] =	ssyncadd.s32 $0xFFFFE000  }
0xe1: {  	[tilespmem:s13], [sflag:$0x3] =	stream.linear.gather [spmem:s5], $0x2000, $0x38;
	[tilespmem:$0x1F540] =	vst v63  }
0xe2: {  	_ =	swait.ge [sflag:s8], $0x2000  }
0xe3: {  	[sflag:s8] =	ssyncset.done $0x0  }
0xe4: {  	s23 =	rddreg [dreg:$0xb];
	[sflag:s8] =	ssyncadd.s32 $0xFFFFE000  }
0xe5: {  	[hbm4b:s23+s21] =	stream.linear.scatter [tilespmem:s13], [sflag:$0x3], $0x2000, $0x38;
	[tilespmem:$0x1F540] =	vst v63  }
0xe6: {  	_ =	swait.ge [sflag:s8], $0x2000  }
0xe7: {  	[sflag:s8] =	ssyncset.done $0x0  }
0xe8: {  	[sflag:s8] =	ssyncadd.s32 $0xFFFFE000  }
0xe9: {  	[tilespmem:s13], [sflag:$0x3] =	stream.linear.gather [spmem:s6], $0x2000, $0x38;
	[tilespmem:$0x1F540] =	vst v63  }
0xea: {  	_ =	swait.ge [sflag:s8], $0x2000  }
0xeb: {  	[sflag:s8] =	ssyncset.done $0x0  }
0xec: {  	s23 =	rddreg [dreg:$0xc];
	[sflag:s8] =	ssyncadd.s32 $0xFFFFE000  }
0xed: {  	[hbm4b:s23+s21] =	stream.linear.scatter [tilespmem:s13], [sflag:$0x3], $0x2000, $0x38;
	[tilespmem:$0x1F540] =	vst v63  }
0xee: {  	_ =	swait.ge [sflag:s8], $0x2000  }
0xef: {  	[sflag:s8] =	ssyncset.done $0x0  }
0xf0: {  	[sflag:s8] =	ssyncadd.s32 $0xFFFFE000  }
0xf1: {  	s22 =	simm.s32 $0x200;
	s21 =	simm.s32 $0x0;
	[bflag:$0x0] =	sbarrier.arrive $0xFFFF  }
.LBB2_6:
0xf2: {  	p0 =	sne.s32 s22, $0x7E00;
	[tilespmem:s21+$0x51B0] =	vst v0  }
0xf3: {  	[tilespmem:s21+$0x5140] =	vst v0  }
0xf4: {  	[tilespmem:s21+$0x5150] =	vst v0  }
.Ltmp2:
0xf5: {  	[tilespmem:s21+$0x5160] =	vst v0;
	(pc) =	sbr.rel @p0 .LBB2_6-.Ltmp2, $4  }
0xf6: {  	[tilespmem:s21+$0x5170] =	vst v0  }
0xf7: {  	[tilespmem:s21+$0x5180] =	vst v0  }
0xf8: {  	[tilespmem:s21+$0x5190] =	vst v0  }
0xf9: {  	[tilespmem:s21+$0x51A0] =	vst v0;
	s21 =	sshra.s32 s22, $0x2;
	s22 =	sadd.s32 $0x200, s22  }
0xfa: {  	[tilespmem:s21+$0x51B0] =	vst v0  }
0xfb: {  	[tilespmem:s21+$0x5140] =	vst v0  }
0xfc: {  	[tilespmem:s21+$0x5150] =	vst v0  }
0xfd: {  	[tilespmem:s21+$0x5160] =	vst v0  }
0xfe: {  	[tilespmem:s21+$0x5170] =	vst v0  }
0xff: {  	[tilespmem:s21+$0x5180] =	vst v0  }
0x100: {  	[tilespmem:s21+$0x5190] =	vst v0  }
0x101: {  	[tilespmem:s21+$0x51A0] =	vst v0  }
0x102: {  	[spmem:s29] =	stream.linear.scatter [tilespmem:s10], [sflag:$0x3], $0x2000, $0x38;
	[tilespmem:$0x1F540] =	vst v63  }
0x103: {  	_ =	swait.ge [sflag:s8], $0x2000  }
0x104: {  	[sflag:s8] =	ssyncset.done $0x0  }
0x105: {  	[sflag:s8] =	ssyncadd.s32 $0xFFFFE000  }
0x106: {  	[spmem:s30] =	stream.linear.scatter [tilespmem:s10], [sflag:$0x3], $0x2000, $0x38;
	[tilespmem:$0x1F540] =	vst v63  }
0x107: {  	_ =	swait.ge [sflag:s8], $0x2000  }
0x108: {  	[sflag:s8] =	ssyncset.done $0x0  }
0x109: {  	[sflag:s8] =	ssyncadd.s32 $0xFFFFE000  }
0x10a: {  	[spmem:s31] =	stream.linear.scatter [tilespmem:s10], [sflag:$0x3], $0x2000, $0x38;
	[tilespmem:$0x1F540] =	vst v63  }
0x10b: {  	_ =	swait.ge [sflag:s8], $0x2000  }
0x10c: {  	[sflag:s8] =	ssyncset.done $0x0  }
0x10d: {  	[sflag:s8] =	ssyncadd.s32 $0xFFFFE000  }
0x10e: {  	[spmem:s15] =	stream.linear.scatter [tilespmem:s10], [sflag:$0x3], $0x2000, $0x38;
	[tilespmem:$0x1F540] =	vst v63  }
0x10f: {  	_ =	swait.ge [sflag:s8], $0x2000  }
0x110: {  	[sflag:s8] =	ssyncset.done $0x0  }
0x111: {  	[sflag:s8] =	ssyncadd.s32 $0xFFFFE000  }
0x112: {  	[spmem:s0] =	stream.linear.scatter [tilespmem:s10], [sflag:$0x3], $0x2000, $0x38;
	[tilespmem:$0x1F540] =	vst v63  }
0x113: {  	_ =	swait.ge [sflag:s8], $0x2000  }
0x114: {  	[sflag:s8] =	ssyncset.done $0x0  }
0x115: {  	[sflag:s8] =	ssyncadd.s32 $0xFFFFE000  }
0x116: {  	[spmem:s2] =	stream.linear.scatter [tilespmem:s10], [sflag:$0x3], $0x2000, $0x38;
	[tilespmem:$0x1F540] =	vst v63  }
0x117: {  	_ =	swait.ge [sflag:s8], $0x2000  }
0x118: {  	[sflag:s8] =	ssyncset.done $0x0  }
0x119: {  	[sflag:s8] =	ssyncadd.s32 $0xFFFFE000  }
0x11a: {  	[spmem:s3] =	stream.linear.scatter [tilespmem:s10], [sflag:$0x3], $0x2000, $0x38;
	[tilespmem:$0x1F540] =	vst v63  }
0x11b: {  	_ =	swait.ge [sflag:s8], $0x2000  }
0x11c: {  	[sflag:s8] =	ssyncset.done $0x0  }
0x11d: {  	[sflag:s8] =	ssyncadd.s32 $0xFFFFE000  }
0x11e: {  	[spmem:s4] =	stream.linear.scatter [tilespmem:s10], [sflag:$0x3], $0x2000, $0x38;
	[tilespmem:$0x1F540] =	vst v63  }
0x11f: {  	_ =	swait.ge [sflag:s8], $0x2000  }
0x120: {  	[sflag:s8] =	ssyncset.done $0x0  }
0x121: {  	[sflag:s8] =	ssyncadd.s32 $0xFFFFE000  }
0x122: {  	[spmem:s5] =	stream.linear.scatter [tilespmem:s10], [sflag:$0x3], $0x2000, $0x38;
	[tilespmem:$0x1F540] =	vst v63  }
0x123: {  	_ =	swait.ge [sflag:s8], $0x2000  }
0x124: {  	[sflag:s8] =	ssyncset.done $0x0  }
0x125: {  	[sflag:s8] =	ssyncadd.s32 $0xFFFFE000  }
0x126: {  	[spmem:s6] =	stream.linear.scatter [tilespmem:s10], [sflag:$0x3], $0x2000, $0x38;
	[tilespmem:$0x1F540] =	vst v63  }
0x127: {  	_ =	swait.ge [sflag:s8], $0x2000  }
0x128: {  	[sflag:s8] =	ssyncset.done $0x0  }
0x129: {  	[sflag:s8] =	ssyncadd.s32 $0xFFFFE000  }
0x12a: {  	[bflag:$0x0] =	sbarrier.arrive $0xFFFF  }
0x12b: {  	[tilespmem:s10], [sflag:$0x1] =	stream.indirect.gather [hbm4b:s25+s11], $0x80, s9, s11, $0xb8;
	[tilespmem:$0x1F540] =	vst v63  }
0x12c: {  	_ =	swait.ge [sflag:s12], $0x3200  }
0x12d: {  	[sflag:s12] =	ssyncset.done $0x0  }
0x12e: {  	s22 =	simm.s32 $0x2908;
	[sflag:s12] =	ssyncadd.s32 $0xFFFFCE00  }
0x12f: {  	[tilespmem:s13], [sflag:$0x2] =	stream.indirect.gather [hbm4b:s25+s11], $0x80, s22, s11, $0xb8;
	[tilespmem:$0x1F540] =	vst v63  }
0x130: {  	s23 =	simm.s32 $0x0  }
0x131: {  	[spmem:s19] =	stream.indirect.scatter.add.f32 [tilespmem:s10], [sflag:$0x3], $0x80, s23, s11, $0xb8;
	[tilespmem:$0x1F540] =	vst v63  }
0x132: {  	_ =	swait.ge [sflag:s8], $0x3200  }
0x133: {  	[sflag:s8] =	ssyncset.done $0x0  }
0x134: {  	[sflag:s8] =	ssyncadd.s32 $0xFFFFCE00  }
0x135: {  	_ =	swait.ge [sflag:s14], $0x3200  }
0x136: {  	[sflag:s14] =	ssyncset.done $0x0  }
0x137: {  	s22 =	simm.s32 $0x2970;
	[sflag:s14] =	ssyncadd.s32 $0xFFFFCE00  }
0x138: {  	[tilespmem:s10], [sflag:$0x1] =	stream.indirect.gather [hbm4b:s25+s11], $0x80, s22, s11, $0xb8;
	[tilespmem:$0x1F540] =	vst v63  }
0x139: {  	s23 =	simm.s32 $0x68  }
0x13a: {  	[spmem:s19] =	stream.indirect.scatter.add.f32 [tilespmem:s13], [sflag:$0x3], $0x80, s23, s11, $0xb8;
	[tilespmem:$0x1F540] =	vst v63  }
0x13b: {  	_ =	swait.ge [sflag:s8], $0x3200  }
0x13c: {  	s21 =	simm.s32 $0x340;
	[sflag:s8] =	ssyncset.done $0x0  }
.LBB2_8:
0x13d: {  	p0 =	sne.s32 s21, $0x9C00  }
0x13e: {  	[sflag:s8] =	ssyncadd.s32 $0xFFFFCE00;
	s22 =	smov.u32 s21;
	s21 =	sadd.s32 $0x340, s21  }
0x13f: {  	_ = 	snop  }
0x140: {  	_ =	swait.ge [sflag:s12], $0x3200  }
0x141: {  	s22 =	sshra.s32 s22, $0x2;
	[sflag:s12] =	ssyncset.done $0x0  }
0x142: {  	s23 =	sadd.s32 $0x2908, s22;
	[sflag:s12] =	ssyncadd.s32 $0xFFFFCE00  }
0x143: {  	[tilespmem:s13], [sflag:$0x2] =	stream.indirect.gather [hbm4b:s25+s11], $0x80, s23, s11, $0xb8;
	[tilespmem:$0x1F540] =	vst v63  }
0x144: {  	_ = 	snop  }
0x145: {  	[spmem:s19] =	stream.indirect.scatter.add.f32 [tilespmem:s10], [sflag:$0x3], $0x80, s22, s11, $0xb8;
	[tilespmem:$0x1F540] =	vst v63  }
0x146: {  	_ =	swait.ge [sflag:s8], $0x3200  }
0x147: {  	[sflag:s8] =	ssyncset.done $0x0  }
0x148: {  	[sflag:s8] =	ssyncadd.s32 $0xFFFFCE00  }
0x149: {  	_ =	swait.ge [sflag:s14], $0x3200  }
0x14a: {  	[sflag:s14] =	ssyncset.done $0x0  }
0x14b: {  	s23 =	sadd.s32 $0x2970, s22;
	[sflag:s14] =	ssyncadd.s32 $0xFFFFCE00  }
0x14c: {  	[tilespmem:s10], [sflag:$0x1] =	stream.indirect.gather [hbm4b:s25+s11], $0x80, s23, s11, $0xb8;
	[tilespmem:$0x1F540] =	vst v63  }
.Ltmp3:
0x14d: {  	_ = 	snop;
	(pc) =	sbr.rel @p0 .LBB2_8-.Ltmp3, $4  }
0x14e: {  	s22 =	sadd.s32 $0x68, s22  }
0x14f: {  	[spmem:s19] =	stream.indirect.scatter.add.f32 [tilespmem:s13], [sflag:$0x3], $0x80, s22, s11, $0xb8;
	[tilespmem:$0x1F540] =	vst v63  }
0x150: {  	_ =	swait.ge [sflag:s8], $0x3200  }
0x151: {  	[sflag:s8] =	ssyncset.done $0x0  }
0x152: {  	[sflag:s8] =	ssyncadd.s32 $0xFFFFCE00  }
0x153: {  	_ =	swait.ge [sflag:s12], $0x3200  }
0x154: {  	[sflag:s12] =	ssyncset.done $0x0  }
0x155: {  	[sflag:s12] =	ssyncadd.s32 $0xFFFFCE00  }
0x156: {  	[tilespmem:s13], [sflag:$0x2] =	stream.indirect.gather [hbm4b:s25+s11], $0x80, s16, s11, $0xb8;
	[tilespmem:$0x1F540] =	vst v63  }
0x157: {  	_ = 	snop  }
0x158: {  	[spmem:s19] =	stream.indirect.scatter.add.f32 [tilespmem:s10], [sflag:$0x3], $0x80, s17, s11, $0xb8;
	[tilespmem:$0x1F540] =	vst v63  }
0x159: {  	_ =	swait.ge [sflag:s8], $0x3200  }
0x15a: {  	[sflag:s8] =	ssyncset.done $0x0  }
0x15b: {  	[sflag:s8] =	ssyncadd.s32 $0xFFFFCE00  }
0x15c: {  	_ =	swait.ge [sflag:s14], $0x3200  }
0x15d: {  	[sflag:s14] =	ssyncset.done $0x0  }
0x15e: {  	[sflag:s14] =	ssyncadd.s32 $0xFFFFCE00  }
0x15f: {  	[spmem:s19] =	stream.indirect.scatter.add.f32 [tilespmem:s13], [sflag:$0x3], $0x80, s18, s11, $0xb8;
	[tilespmem:$0x1F540] =	vst v63  }
0x160: {  	_ =	swait.ge [sflag:s8], $0x3200  }
0x161: {  	[sflag:s8] =	ssyncset.done $0x0  }
0x162: {  	[sflag:s8] =	ssyncadd.s32 $0xFFFFCE00  }
0x163: {  	[bflag:$0x0] =	sbarrier.arrive $0xFFFF  }
0x164: {  	[tilespmem:s13], [sflag:$0x3] =	stream.linear.gather [spmem:s29], $0x2000, $0x38;
	[tilespmem:$0x1F540] =	vst v63  }
0x165: {  	_ =	swait.ge [sflag:s8], $0x2000  }
0x166: {  	[sflag:s8] =	ssyncset.done $0x0  }
0x167: {  	s21 =	rddreg [dreg:$0xd];
	[sflag:s8] =	ssyncadd.s32 $0xFFFFE000  }
0x168: {  	[hbm4b:s21+s1] =	stream.linear.scatter [tilespmem:s13], [sflag:$0x3], $0x2000, $0x38;
	[tilespmem:$0x1F540] =	vst v63  }
0x169: {  	_ =	swait.ge [sflag:s8], $0x2000  }
0x16a: {  	[sflag:s8] =	ssyncset.done $0x0  }
0x16b: {  	[sflag:s8] =	ssyncadd.s32 $0xFFFFE000  }
0x16c: {  	[tilespmem:s13], [sflag:$0x3] =	stream.linear.gather [spmem:s30], $0x2000, $0x38;
	[tilespmem:$0x1F540] =	vst v63  }
0x16d: {  	_ =	swait.ge [sflag:s8], $0x2000  }
0x16e: {  	[sflag:s8] =	ssyncset.done $0x0  }
0x16f: {  	s23 =	rddreg [dreg:$0xe];
	[sflag:s8] =	ssyncadd.s32 $0xFFFFE000  }
0x170: {  	[hbm4b:s23+s1] =	stream.linear.scatter [tilespmem:s13], [sflag:$0x3], $0x2000, $0x38;
	[tilespmem:$0x1F540] =	vst v63  }
0x171: {  	_ =	swait.ge [sflag:s8], $0x2000  }
0x172: {  	[sflag:s8] =	ssyncset.done $0x0  }
0x173: {  	[sflag:s8] =	ssyncadd.s32 $0xFFFFE000  }
0x174: {  	[tilespmem:s13], [sflag:$0x3] =	stream.linear.gather [spmem:s31], $0x2000, $0x38;
	[tilespmem:$0x1F540] =	vst v63  }
0x175: {  	_ =	swait.ge [sflag:s8], $0x2000  }
0x176: {  	[sflag:s8] =	ssyncset.done $0x0  }
0x177: {  	s22 =	rddreg [dreg:$0xf];
	[sflag:s8] =	ssyncadd.s32 $0xFFFFE000  }
0x178: {  	[hbm4b:s22+s1] =	stream.linear.scatter [tilespmem:s13], [sflag:$0x3], $0x2000, $0x38;
	[tilespmem:$0x1F540] =	vst v63  }
0x179: {  	_ =	swait.ge [sflag:s8], $0x2000  }
0x17a: {  	[sflag:s8] =	ssyncset.done $0x0  }
0x17b: {  	[sflag:s8] =	ssyncadd.s32 $0xFFFFE000  }
0x17c: {  	[tilespmem:s13], [sflag:$0x3] =	stream.linear.gather [spmem:s15], $0x2000, $0x38;
	[tilespmem:$0x1F540] =	vst v63  }
0x17d: {  	_ =	swait.ge [sflag:s8], $0x2000  }
0x17e: {  	[sflag:s8] =	ssyncset.done $0x0  }
0x17f: {  	s23 =	rddreg [dreg:$0x10];
	[sflag:s8] =	ssyncadd.s32 $0xFFFFE000  }
0x180: {  	[hbm4b:s23+s1] =	stream.linear.scatter [tilespmem:s13], [sflag:$0x3], $0x2000, $0x38;
	[tilespmem:$0x1F540] =	vst v63  }
0x181: {  	_ =	swait.ge [sflag:s8], $0x2000  }
0x182: {  	[sflag:s8] =	ssyncset.done $0x0  }
0x183: {  	[sflag:s8] =	ssyncadd.s32 $0xFFFFE000  }
0x184: {  	[tilespmem:s13], [sflag:$0x3] =	stream.linear.gather [spmem:s0], $0x2000, $0x38;
	[tilespmem:$0x1F540] =	vst v63  }
0x185: {  	_ =	swait.ge [sflag:s8], $0x2000  }
0x186: {  	[sflag:s8] =	ssyncset.done $0x0  }
0x187: {  	s22 =	rddreg [dreg:$0x11];
	[sflag:s8] =	ssyncadd.s32 $0xFFFFE000  }
0x188: {  	[hbm4b:s22+s1] =	stream.linear.scatter [tilespmem:s13], [sflag:$0x3], $0x2000, $0x38;
	[tilespmem:$0x1F540] =	vst v63  }
0x189: {  	_ =	swait.ge [sflag:s8], $0x2000  }
0x18a: {  	[sflag:s8] =	ssyncset.done $0x0  }
0x18b: {  	[sflag:s8] =	ssyncadd.s32 $0xFFFFE000  }
0x18c: {  	[tilespmem:s13], [sflag:$0x3] =	stream.linear.gather [spmem:s2], $0x2000, $0x38;
	[tilespmem:$0x1F540] =	vst v63  }
0x18d: {  	_ =	swait.ge [sflag:s8], $0x2000  }
0x18e: {  	[sflag:s8] =	ssyncset.done $0x0  }
0x18f: {  	s23 =	rddreg [dreg:$0x12];
	[sflag:s8] =	ssyncadd.s32 $0xFFFFE000  }
0x190: {  	[hbm4b:s23+s1] =	stream.linear.scatter [tilespmem:s13], [sflag:$0x3], $0x2000, $0x38;
	[tilespmem:$0x1F540] =	vst v63  }
0x191: {  	_ =	swait.ge [sflag:s8], $0x2000  }
0x192: {  	[sflag:s8] =	ssyncset.done $0x0  }
0x193: {  	[sflag:s8] =	ssyncadd.s32 $0xFFFFE000  }
0x194: {  	[tilespmem:s13], [sflag:$0x3] =	stream.linear.gather [spmem:s3], $0x2000, $0x38;
	[tilespmem:$0x1F540] =	vst v63  }
0x195: {  	_ =	swait.ge [sflag:s8], $0x2000  }
0x196: {  	[sflag:s8] =	ssyncset.done $0x0  }
0x197: {  	s22 =	rddreg [dreg:$0x13];
	[sflag:s8] =	ssyncadd.s32 $0xFFFFE000  }
0x198: {  	[hbm4b:s22+s1] =	stream.linear.scatter [tilespmem:s13], [sflag:$0x3], $0x2000, $0x38;
	[tilespmem:$0x1F540] =	vst v63  }
0x199: {  	_ =	swait.ge [sflag:s8], $0x2000  }
0x19a: {  	[sflag:s8] =	ssyncset.done $0x0  }
0x19b: {  	[sflag:s8] =	ssyncadd.s32 $0xFFFFE000  }
0x19c: {  	[tilespmem:s13], [sflag:$0x3] =	stream.linear.gather [spmem:s4], $0x2000, $0x38;
	[tilespmem:$0x1F540] =	vst v63  }
0x19d: {  	_ =	swait.ge [sflag:s8], $0x2000  }
0x19e: {  	[sflag:s8] =	ssyncset.done $0x0  }
0x19f: {  	s23 =	rddreg [dreg:$0x14];
	[sflag:s8] =	ssyncadd.s32 $0xFFFFE000  }
0x1a0: {  	[hbm4b:s23+s1] =	stream.linear.scatter [tilespmem:s13], [sflag:$0x3], $0x2000, $0x38;
	[tilespmem:$0x1F540] =	vst v63  }
0x1a1: {  	_ =	swait.ge [sflag:s8], $0x2000  }
0x1a2: {  	[sflag:s8] =	ssyncset.done $0x0  }
0x1a3: {  	[sflag:s8] =	ssyncadd.s32 $0xFFFFE000  }
0x1a4: {  	[tilespmem:s13], [sflag:$0x3] =	stream.linear.gather [spmem:s5], $0x2000, $0x38;
	[tilespmem:$0x1F540] =	vst v63  }
0x1a5: {  	_ =	swait.ge [sflag:s8], $0x2000  }
0x1a6: {  	[sflag:s8] =	ssyncset.done $0x0  }
0x1a7: {  	s22 =	rddreg [dreg:$0x15];
	[sflag:s8] =	ssyncadd.s32 $0xFFFFE000  }
0x1a8: {  	[hbm4b:s22+s1] =	stream.linear.scatter [tilespmem:s13], [sflag:$0x3], $0x2000, $0x38;
	[tilespmem:$0x1F540] =	vst v63  }
0x1a9: {  	_ =	swait.ge [sflag:s8], $0x2000  }
0x1aa: {  	[sflag:s8] =	ssyncset.done $0x0  }
0x1ab: {  	[sflag:s8] =	ssyncadd.s32 $0xFFFFE000  }
0x1ac: {  	[tilespmem:s13], [sflag:$0x3] =	stream.linear.gather [spmem:s6], $0x2000, $0x38;
	[tilespmem:$0x1F540] =	vst v63  }
0x1ad: {  	_ =	swait.ge [sflag:s8], $0x2000  }
0x1ae: {  	s20 =	sadd.s32 $0x1, s20;
	[sflag:s8] =	ssyncset.done $0x0  }
0x1af: {  	p0 =	sne.s32 s20, s7;
	s23 =	rddreg [dreg:$0x16];
	[sflag:s8] =	ssyncadd.s32 $0xFFFFE000  }
0x1b0: {  	[hbm4b:s23+s1] =	stream.linear.scatter [tilespmem:s13], [sflag:$0x3], $0x2000, $0x38;
	[tilespmem:$0x1F540] =	vst v63  }
.Ltmp4:
0x1b1: {  	_ =	swait.ge [sflag:s8], $0x2000;
	(pc) =	sbr.rel @p0 .LBB2_1-.Ltmp4, $3  }
0x1b2: {  	[sflag:s8] =	ssyncset.done $0x0  }
0x1b3: {  	[sflag:s8] =	ssyncadd.s32 $0xFFFFE000  }
0x1b4: {  	[bflag:$0x0] =	sbarrier.arrive $0xFFFF;
	_ =	sdelay $0x1  }
0x1b5: {  	_ =	sfence.sel $0x180000  }
0x1b6: {  	[bflag:$0x0] =	sbarrier.arrive $0xFFFF  }
0x1b7: {  	_ =	strace $0x9000004A  }
0x1b8: {  	s0 =	stileid.u32;
	[bflag:$0x2] =	sbarrier.arrive $0xFFFF  }
0x1b9: {  	p0 =	sne.s32 s0, $0x0;
	s0 =	rddreg [dreg:$0x2]  }
0x1ba: {  	s0 =	sadd.s32 @!p0 $0x100000, s0  }
0x1bb: {  	[sflag:s0] =	ssyncadd.tile.s32 @!p0 $0x1;
	_ =	shalt  }
.Lfunc_end2:
_tile_overlayer_lowered:
.L_overlay_start_2:
0x1bc: {  	(tag) =	ssettag $0x2  }
0x1bd: {  	s0 =	rddreg [dreg:$0x0];
	s2 =	stileid.u32  }
0x1be: {  	s1 =	rddreg [dreg:$0x1];
	p0 =	sne.s32 s2, $0x0  }
0x1bf: {  	s3 =	rddreg [dreg:$0x2];
	[bflag:$0x3] =	sbarrier.arrive $0xFFFF;
	s2 =	simm.s32 @!p0 $0x1C03  }
0x1c0: {  	[timem:s3], [sflag:s2] =	dma.local @!p0 [hbm:s0], s1  }
0x1c1: {  	s0 =	simm.s32 @!p0 $0x3  }
0x1c2: {  	_ =	swait.ge @!p0 [sflag:s0], s1  }
0x1c3: {  	s1 =	ssub.s32 @!p0 $0x0, s1;
	[sflag:s0] =	ssyncset.done @!p0 $0x0  }
0x1c4: {  	[sflag:s0] =	ssyncadd.s32 @!p0 s1  }
0x1c5: {  	[bflag:$0x3] =	sbarrier.arrive $0xFFFF  }
0x1c6: {  	_ =	shalt  }

</sc_bundles>
